<compile_context>
chip_gen: v7x
topology: tpu7x:2x2x1
jax: 0.10.2.dev20260603
libtpu: 0.0.44.dev20260713+nightly
codegen_flags: <defaults>
</compile_context>

<pallas_src>
import jax
import jax.numpy as jnp
from jax import lax
from jax.experimental import pallas as pl
from jax.experimental.pallas import tpu as pltpu
from jax.experimental.pallas import tpu_sc as plsc

V = 50000
F = 128
NUM_E = 2048
Q = 64
NCHUNK = 4
CHUNK = 12544
NPAD = NCHUNK * CHUNK
DUMMY = NPAD - 1
NSUB = 16
NWORK = 32
TPT = (NUM_E * Q) // NSUB
IBLK = 2048
EPB = NUM_E // NWORK
BATCH = 64
NBUF = 2
STRIPE = CHUNK // NSUB
CBUF = TPT + NBUF * BATCH
LOC_PAD = CHUNK
LOC_MASK = (1 << 14) - 1


def _dedup_body(he_ref, out_ref):
    he = he_ref[...]
    blk = he.shape[0]
    q_iota = lax.broadcasted_iota(jnp.int32, (blk, Q), 1)
    dup = jnp.zeros((blk, Q), jnp.bool_)
    for d in range(1, Q):
        shifted = lax.pad(he[:, :Q - d], jnp.int32(-1),
                          ((0, 0, 0), (d, 0, 0)))
        dup = dup | ((he == shifted) & (q_iota >= d))
    out_ref[...] = jnp.where(dup, DUMMY, he)


def _gather_mean_body(he_hbm, x_hbm, idxm_hbm, agg_hbm, deg_hbm,
                      idx_v, rows_a, rows_b, blk_v, hist_v, sem_a, sem_b):
    wid = lax.axis_index("s") * 2 + lax.axis_index("c")
    e0 = wid * EPB
    pltpu.sync_copy(he_hbm.at[pl.ds(e0 * Q, EPB * Q)], idx_v)

    def start(e, rows, sem):
        pltpu.async_copy(x_hbm.at[idx_v.at[pl.ds(e * Q, Q)]], rows, sem)

    def wait(rows, sem):
        pltpu.make_async_copy(x_hbm.at[pl.ds(0, Q)], rows, sem).wait()

    def reduce_to(rows, e):
        def rbody(r, acc):
            return tuple(acc[j] + rows[r, pl.ds(j * 16, 16)]
                         for j in range(8))

        acc = lax.fori_loop(
            0, Q, rbody,
            tuple(jnp.zeros((16,), jnp.float32) for _ in range(8)))
        for j in range(8):
            blk_v[e, pl.ds(j * 16, 16)] = acc[j] * (1.0 / Q)

    start(0, rows_a, sem_a)

    @pl.loop(0, EPB, step=2)
    def _(e):
        start(e + 1, rows_b, sem_b)
        wait(rows_a, sem_a)
        reduce_to(rows_a, e)

        @pl.when(e + 2 < EPB)
        def _():
            start(e + 2, rows_a, sem_a)

        wait(rows_b, sem_b)
        reduce_to(rows_b, e + 1)

    pltpu.sync_copy(blk_v, agg_hbm.at[pl.ds(e0, EPB)])

    @pl.loop(0, NPAD // 16)
    def _(v):
        hist_v[pl.ds(v * 16, 16)] = jnp.zeros((16,), jnp.float32)

    pltpu.sync_copy(idxm_hbm.at[pl.ds(e0 * Q, EPB * Q)], idx_v)
    ones16 = jnp.ones((16,), jnp.float32)

    @pl.loop(0, (EPB * Q) // 16)
    def _(v):
        iv = idx_v[pl.ds(v * 16, 16)]
        plsc.addupdate_scatter(hist_v, [iv], ones16)

    pltpu.sync_copy(hist_v, deg_hbm.at[wid])


def _scatter_body(idx_hbm, agg_hbm, zero_hbm, y0_hbm,
                  idx_v, pk_v, loc_st, eid_st, rows_v, acc_sh,
                  gsem, ssem):
    cid = lax.axis_index("c")
    t = lax.axis_index("s")
    lane = lax.iota(jnp.int32, 16)

    for ci in range(NCHUNK // 2):
        base = ((NCHUNK // 2) * cid + ci) * CHUNK
        pltpu.sync_copy(zero_hbm, acc_sh.at[pl.ds(t * STRIPE, STRIPE)])

        @pl.loop(0, CBUF // 16)
        def _(v):
            pk_v[pl.ds(v * 16, 16)] = jnp.full((16,), LOC_PAD, jnp.int32)

        plsc.subcore_barrier()

        def blk_scan(bi, off):
            pltpu.sync_copy(idx_hbm.at[pl.ds(t * TPT + bi * IBLK, IBLK)],
                            idx_v)

            def sbody(v, off):
                iv = idx_v[pl.ds(v * 16, 16)]
                loc = iv - base
                m = (loc >= 0) & (loc < CHUNK)
                g = t * TPT + bi * IBLK + v * 16 + lane
                eid = g // Q
                packed = loc | (eid << 14)
                plsc.store_compressed(pk_v.at[pl.ds(off, 16)], packed,
                                      mask=m)
                return off + jnp.max(plsc.all_reduce_population_count(m))

            return lax.fori_loop(0, IBLK // 16, sbody, off)

        n = lax.fori_loop(0, TPT // IBLK, blk_scan, jnp.int32(0))
        nb = (n + (BATCH - 1)) // BATCH
        nq = (nb + (NBUF - 1)) // NBUF

        def unpack(i, k):
            for j in range(BATCH // 16):
                p = pk_v[pl.ds(i * BATCH + j * 16, 16)]
                loc_st[k, pl.ds(j * 16, 16)] = p & LOC_MASK
                eid_st[k, pl.ds(j * 16, 16)] = lax.shift_right_logical(
                    p, 14)

        def qbody(qi, carry):
            for k in range(NBUF):
                @pl.when(qi > 0)
                def _():
                    pltpu.make_async_copy(
                        rows_v.at[k], acc_sh.at[pl.ds(0, BATCH)],
                        ssem.at[k]).wait()
                unpack(qi * NBUF + k, k)
                pltpu.async_copy(agg_hbm.at[eid_st.at[k]], rows_v.at[k],
                                 gsem.at[k])
            for k in range(NBUF):
                pltpu.make_async_copy(
                    agg_hbm.at[pl.ds(0, BATCH)], rows_v.at[k],
                    gsem.at[k]).wait()
                pltpu.async_copy(rows_v.at[k], acc_sh.at[loc_st.at[k]],
                                 ssem.at[k], add=True)
            return carry

        lax.fori_loop(0, nq, qbody, jnp.int32(0))
        for k in range(NBUF):
            @pl.when(nq > 0)
            def _():
                pltpu.make_async_copy(
                    rows_v.at[k], acc_sh.at[pl.ds(0, BATCH)],
                    ssem.at[k]).wait()

        plsc.subcore_barrier()
        pltpu.sync_copy(acc_sh.at[pl.ds(t * STRIPE, STRIPE)],
                        y0_hbm.at[pl.ds(base + t * STRIPE, STRIPE)])
        plsc.subcore_barrier()


def _norm_body(y_ref, d_ref, w_ref, b_ref, out_ref):
    y = y_ref[...]
    deg = jnp.sum(d_ref[...], axis=1, keepdims=True)
    deg = jnp.maximum(deg, 1.0)
    xn = (y / deg).astype(jnp.bfloat16)
    out = lax.dot_general(xn, w_ref[...].astype(jnp.bfloat16),
                          dimension_numbers=(((1,), (1,)), ((), ())),
                          preferred_element_type=jnp.float32)
    out_ref[...] = (out + b_ref[...])[None]


def kernel(X, hyperedges, W, b):
    x2 = X.reshape(V, F)
    he_flat = hyperedges.reshape(-1)

    idxm = pl.pallas_call(
        _dedup_body,
        grid=(8,),
        in_specs=[pl.BlockSpec((NUM_E // 8, Q), lambda i: (i, 0))],
        out_specs=pl.BlockSpec((NUM_E // 8, Q), lambda i: (i, 0)),
        out_shape=jax.ShapeDtypeStruct((NUM_E, Q), jnp.int32),
    )(hyperedges)
    idxm_flat = idxm.reshape(-1)

    agg, deg_part = pl.kernel(
        _gather_mean_body,
        out_type=[jax.ShapeDtypeStruct((NUM_E, F), jnp.float32),
                  jax.ShapeDtypeStruct((NWORK, NPAD), jnp.float32)],
        mesh=plsc.VectorSubcoreMesh(core_axis_name="c", subcore_axis_name="s"),
        compiler_params=pltpu.CompilerParams(needs_layout_passes=False),
        scratch_types=[pltpu.VMEM((EPB * Q,), jnp.int32),
                       pltpu.VMEM((Q, F), jnp.float32),
                       pltpu.VMEM((Q, F), jnp.float32),
                       pltpu.VMEM((EPB, F), jnp.float32),
                       pltpu.VMEM((NPAD,), jnp.float32),
                       pltpu.SemaphoreType.DMA,
                       pltpu.SemaphoreType.DMA],
    )(he_flat, x2, idxm_flat)

    y0 = pl.kernel(
        _scatter_body,
        out_type=jax.ShapeDtypeStruct((NPAD, F), jnp.float32),
        mesh=plsc.VectorSubcoreMesh(core_axis_name="c", subcore_axis_name="s"),
        compiler_params=pltpu.CompilerParams(needs_layout_passes=False),
        scratch_types=[pltpu.VMEM((IBLK,), jnp.int32),
                       pltpu.VMEM((CBUF,), jnp.int32),
                       pltpu.VMEM((NBUF, BATCH), jnp.int32),
                       pltpu.VMEM((NBUF, BATCH), jnp.int32),
                       pltpu.VMEM((NBUF, BATCH, F), jnp.float32),
                       pltpu.VMEM_SHARED((CHUNK + 1, F), jnp.float32),
                       pltpu.SemaphoreType.DMA((NBUF,)),
                       pltpu.SemaphoreType.DMA((NBUF,))],
    )(idxm_flat, agg, jnp.zeros((STRIPE, F), jnp.float32))

    out = pl.pallas_call(
        _norm_body,
        grid=(NPAD // 1024,),
        in_specs=[pl.BlockSpec((1024, F), lambda i: (i, 0)),
                  pl.BlockSpec((1024, NWORK), lambda i: (i, 0)),
                  pl.BlockSpec((F, F), lambda i: (0, 0)),
                  pl.BlockSpec((1, F), lambda i: (0, 0))],
        out_specs=pl.BlockSpec((1, 1024, F), lambda i: (0, i, 0)),
        out_shape=jax.ShapeDtypeStruct((1, V, F), jnp.float32),
    )(y0, deg_part.T, W, b.reshape(1, F))
    return out

# --- scband reference (transcript-rebuilt; emitter-appended) ---
"""Pipeline reference for scband-hyper-sage-layer-69672959476357 (READ-ONLY COPY).

The authoritative reference and input builder live on the scoring server;
editing this copy changes nothing except your own understanding.
"""

import jax, jax.numpy as jnp
import numpy as np

B, V, F = 1, 50000, 128
NUM_E, Q = 2048, 64
OUT_DIM = 128


def setup_inputs(seed: int = 0) -> dict:
    key = jax.random.key(seed)
    k1, k2, k3, k4 = jax.random.split(key, 4)
    X = jax.random.normal(k1, (B, V, F), dtype=jnp.float32)
    hyperedges = jax.random.randint(k2, (NUM_E, Q), 0, V, dtype=jnp.int32)
    # nn.Linear(in_dim, out_dim) params
    bound = 1.0 / np.sqrt(F)
    W = jax.random.uniform(k3, (OUT_DIM, F), dtype=jnp.float32, minval=-bound, maxval=bound)
    b = jax.random.uniform(k4, (OUT_DIM,), dtype=jnp.float32, minval=-bound, maxval=bound)
    return {"X": X, "hyperedges": hyperedges, "W": W, "b": b}


def reference(X, hyperedges, W, b):
    # Each hyperedge has exactly Q nodes, so _sample_hyperedge is a no-op
    # (len(e) <= Q). Torch's `X_out[:, e, :] += agg` and `deg[e] += 1` use
    # NON-accumulating index_put: duplicate indices within an edge are written
    # once. We replicate that with gather + .set (written values are identical
    # for duplicates, so .set is well-defined).
    def body(carry, e):
        X_out, deg = carry
        gathered = X[:, e, :]                      # (B, Q, F)
        agg = gathered.mean(axis=1)                # (B, F)
        old = X_out[:, e, :]                       # (B, Q, F)
        X_out = X_out.at[:, e, :].set(old + agg[:, None, :])
        deg = deg.at[e].set(deg[e] + 1.0)
        return (X_out, deg), None

    X_out0 = jnp.zeros_like(X)
    deg0 = jnp.zeros((X.shape[1],), dtype=X.dtype)
    (X_out, deg), _ = jax.lax.scan(body, (X_out0, deg0), hyperedges)
    deg = jnp.maximum(deg, 1.0)
    X_out = X_out / deg[None, :, None]
    return X_out @ W.T + b


if False:  # reference __main__ guard neutralized (emitter)
    out = reference(**setup_inputs())
    print(out.shape)

if __name__ == "__main__":
    import jax
    _d = setup_inputs()
    print(jax.jit(kernel)(*tuple(_d.values())))

</pallas_src>

<mosaic_0001>
#map = affine_map<(d0, d1) -> (0)>
#map1 = affine_map<(d0, d1) -> (0, 0)>
module attributes {stable_mosaic.version = 14 : i64} {
  func.func @_scatter_body(%arg0: i32, %arg1: i32, %arg2: memref<131072xi32, #tpu.memory_space<hbm>>, %arg3: memref<2048x128xf32, #tpu.memory_space<hbm>>, %arg4: memref<784x128xf32, #tpu.memory_space<hbm>>, %arg5: memref<50176x128xf32, #tpu.memory_space<hbm>>, %arg6: memref<2048xi32, #tpu.memory_space<vmem>>, %arg7: memref<8320xi32, #tpu.memory_space<vmem>>, %arg8: memref<2x64xi32, #tpu.memory_space<vmem>>, %arg9: memref<2x64xi32, #tpu.memory_space<vmem>>, %arg10: memref<2x64x128xf32, #tpu.memory_space<vmem>>, %arg11: memref<12545x128xf32, #tpu.memory_space<vmem_shared>>, %arg12: memref<2x!tpu.dma_semaphore, #tpu.memory_space<semaphore_mem>>, %arg13: memref<2x!tpu.dma_semaphore, #tpu.memory_space<semaphore_mem>>) attributes {dimension_semantics = [#tpu.dimension_semantics<core_parallel>, #tpu.dimension_semantics<subcore_parallel>], iteration_bounds = array<i64: 2, 16>, scalar_prefetch = 0 : i64, scratch_operands = 8 : i64, tpu.core_type = #tpu.core_type<sc_vector_subcore>, window_params = [{transform_indices = #map}, {transform_indices = #map1}, {transform_indices = #map1}, {transform_indices = #map1}]} {
    %iota3A = tpu.iota {dimensions = array<i32: 0>} : vector<16xi32>
    %mul3A = arith.constant 2 : i32
    %mul3A_0 = arith.muli %mul3A, %arg0 : i32
    %add3A = arith.constant 0 : i32
    %add3A_1 = arith.addi %mul3A_0, %add3A : i32
    %mul3A_2 = arith.constant 12544 : i32
    %mul3A_3 = arith.muli %add3A_1, %mul3A_2 : i32
    %mul3A_4 = arith.constant 784 : i32
    %mul3A_5 = arith.muli %arg1, %mul3A_4 : i32
    "tpu.region"() ({
      %run_scoped3A = tpu.sem_alloc : memref<!tpu.dma_semaphore, #tpu.memory_space<semaphore_mem>>
      %dma_start3A = arith.constant 0 : i32
      %dma_start3A_184 = tpu.memref_slice %arg11[%mul3A_5, %dma_start3A] : memref<12545x128xf32, #tpu.memory_space<vmem_shared>> -> memref<784x128xf32, #tpu.memory_space<vmem_shared>>
      tpu.enqueue_dma source(%arg4 : memref<784x128xf32, #tpu.memory_space<hbm>>) target(%dma_start3A_184 : memref<784x128xf32, #tpu.memory_space<vmem_shared>>) target_semaphore(%run_scoped3A : memref<!tpu.dma_semaphore, #tpu.memory_space<semaphore_mem>>)
      %dma_wait3A = arith.constant 0 : i32
      %dma_wait3A_185 = tpu.memref_slice %arg11[%mul3A_5, %dma_wait3A] : memref<12545x128xf32, #tpu.memory_space<vmem_shared>> -> memref<784x128xf32, #tpu.memory_space<vmem_shared>>
      tpu.wait_dma2 semaphore(%run_scoped3A : memref<!tpu.dma_semaphore, #tpu.memory_space<semaphore_mem>>) src(%arg4 : memref<784x128xf32, #tpu.memory_space<hbm>>) dst(%dma_wait3A_185 : memref<784x128xf32, #tpu.memory_space<vmem_shared>>)
      tpu.yield
    }) : () -> ()
    %scan3A = arith.constant 0 : i32
    %scan3A_6 = arith.constant 520 : i32
    %scan3A_7 = arith.addi %scan3A, %scan3A_6 : i32
    %scan3A_8 = arith.constant 1 : i32
    scf.for %scan3A_184 = %scan3A to %scan3A_7 step %scan3A_8  : i32 {
      %mul3A_185 = arith.constant 1 : i32
      %mul3A_186 = arith.muli %scan3A_184, %mul3A_185 : i32
      %add3A_187 = arith.constant 0 : i32
      %add3A_188 = arith.addi %add3A_187, %mul3A_186 : i32
      %broadcast_in_dim3A = arith.constant 12544 : i32
      %broadcast_in_dim3A_189 = vector.broadcast %broadcast_in_dim3A : i32 to vector<16xi32>
      %mul3A_190 = arith.constant 16 : i32
      %mul3A_191 = arith.muli %add3A_188, %mul3A_190 : i32
      %swap3A = arith.index_cast %mul3A_191 : i32 to index
      %swap3A_192 = tpu.vector_load %arg7[%swap3A] {strides = array<i32>} : memref<8320xi32, #tpu.memory_space<vmem>>, vector<16xi32>,
      tpu.vector_store %arg7[%swap3A], %broadcast_in_dim3A_189 {strides = array<i32>} : memref<8320xi32, #tpu.memory_space<vmem>>, vector<16xi32>,
    }
    %scan3A_9 = arith.constant 520 : i32
    %barrier3A = arith.constant 0 : index
    tpu.barrier barrier_id(%barrier3A)
    %scan3A_10 = arith.constant 0 : i32
    %scan3A_11 = arith.constant 0 : i32
    %scan3A_12 = arith.constant 4 : i32
    %scan3A_13 = arith.addi %scan3A_11, %scan3A_12 : i32
    %scan3A_14 = arith.constant 1 : i32
    %scan3A_15 = scf.for %scan3A_184 = %scan3A_11 to %scan3A_13 step %scan3A_14 iter_args(%scan3A_185 = %scan3A_10) -> (i32)  : i32 {
      %mul3A_186 = arith.constant 8192 : i32
      %mul3A_187 = arith.muli %arg1, %mul3A_186 : i32
      %mul3A_188 = arith.constant 2048 : i32
      %mul3A_189 = arith.muli %scan3A_184, %mul3A_188 : i32
      %add3A_190 = arith.addi %mul3A_187, %mul3A_189 : i32
      "tpu.region"() ({
        %run_scoped3A = tpu.sem_alloc : memref<!tpu.dma_semaphore, #tpu.memory_space<semaphore_mem>>
        %dma_start3A = tpu.memref_slice %arg2[%add3A_190] : memref<131072xi32, #tpu.memory_space<hbm>> -> memref<2048xi32, #tpu.memory_space<hbm>>
        %dma_start3A_197 = tpu.memref_slice %arg2[%add3A_190] : memref<131072xi32, #tpu.memory_space<hbm>> -> memref<2048xi32, #tpu.memory_space<hbm>>
        tpu.enqueue_dma source(%dma_start3A_197 : memref<2048xi32, #tpu.memory_space<hbm>>) target(%arg6 : memref<2048xi32, #tpu.memory_space<vmem>>) target_semaphore(%run_scoped3A : memref<!tpu.dma_semaphore, #tpu.memory_space<semaphore_mem>>)
        %dma_wait3A = tpu.memref_slice %arg2[%add3A_190] : memref<131072xi32, #tpu.memory_space<hbm>> -> memref<2048xi32, #tpu.memory_space<hbm>>
        %dma_wait3A_198 = tpu.memref_slice %arg2[%add3A_190] : memref<131072xi32, #tpu.memory_space<hbm>> -> memref<2048xi32, #tpu.memory_space<hbm>>
        tpu.wait_dma2 semaphore(%run_scoped3A : memref<!tpu.dma_semaphore, #tpu.memory_space<semaphore_mem>>) src(%dma_wait3A_198 : memref<2048xi32, #tpu.memory_space<hbm>>) dst(%arg6 : memref<2048xi32, #tpu.memory_space<vmem>>)
        tpu.yield
      }) : () -> ()
      %scan3A_191 = arith.constant 0 : i32
      %scan3A_192 = arith.constant 128 : i32
      %scan3A_193 = arith.addi %scan3A_191, %scan3A_192 : i32
      %scan3A_194 = arith.constant 1 : i32
      %scan3A_195 = scf.for %scan3A_197 = %scan3A_191 to %scan3A_193 step %scan3A_194 iter_args(%scan3A_198 = %scan3A_185) -> (i32)  : i32 {
        %mul3A_199 = arith.constant 16 : i32
        %mul3A_200 = arith.muli %scan3A_197, %mul3A_199 : i32
        %get3A = arith.index_cast %mul3A_200 : i32 to index
        %get3A_201 = tpu.vector_load %arg6[%get3A] {strides = array<i32>} : memref<2048xi32, #tpu.memory_space<vmem>>, vector<16xi32>,
        %sub3A_202 = vector.broadcast %mul3A_3 : i32 to vector<16xi32>
        %sub3A_203 = arith.subi %get3A_201, %sub3A_202 : vector<16xi32>
        %ge3A = arith.constant 0 : i32
        %ge3A_204 = vector.broadcast %ge3A : i32 to vector<16xi32>
        %ge3A_205 = arith.cmpi sge, %sub3A_203, %ge3A_204 : vector<16xi32>
        %lt3A = arith.constant 12544 : i32
        %lt3A_206 = vector.broadcast %lt3A : i32 to vector<16xi32>
        %lt3A_207 = arith.cmpi slt, %sub3A_203, %lt3A_206 : vector<16xi32>
        %and3A_208 = arith.andi %ge3A_205, %lt3A_207 : vector<16xi1>
        %mul3A_209 = arith.constant 8192 : i32
        %mul3A_210 = arith.muli %arg1, %mul3A_209 : i32
        %mul3A_211 = arith.constant 2048 : i32
        %mul3A_212 = arith.muli %scan3A_184, %mul3A_211 : i32
        %add3A_213 = arith.addi %mul3A_210, %mul3A_212 : i32
        %mul3A_214 = arith.constant 16 : i32
        %mul3A_215 = arith.muli %scan3A_197, %mul3A_214 : i32
        %add3A_216 = arith.addi %add3A_213, %mul3A_215 : i32
        %add3A_217 = vector.broadcast %add3A_216 : i32 to vector<16xi32>
        %add3A_218 = arith.addi %add3A_217, %iota3A : vector<16xi32>
        %jit3A_219 = arith.constant 64 : i32
        %div3A_220 = vector.broadcast %jit3A_219 : i32 to vector<16xi32>
        %div3A_221 = arith.divsi %add3A_218, %div3A_220 : vector<16xi32>
        %sign3A_222 = arith.constant 0 : i32
        %sign3A_223 = vector.broadcast %sign3A_222 : i32 to vector<16xi32>
        %sign3A_224 = arith.cmpi sgt, %add3A_218, %sign3A_223 : vector<16xi32>
        %sign3A_225 = arith.extui %sign3A_224 : vector<16xi1> to vector<16xi32>
        %sign3A_226 = arith.constant 0 : i32
        %sign3A_227 = vector.broadcast %sign3A_226 : i32 to vector<16xi32>
        %sign3A_228 = arith.cmpi slt, %add3A_218, %sign3A_227 : vector<16xi32>
        %sign3A_229 = arith.extui %sign3A_228 : vector<16xi1> to vector<16xi32>
        %sign3A_230 = arith.subi %sign3A_225, %sign3A_229 : vector<16xi32>
        %sign3A_231 = arith.constant 0 : i32
        %sign3A_232 = arith.cmpi sgt, %jit3A_219, %sign3A_231 : i32
        %sign3A_233 = arith.extui %sign3A_232 : i1 to i32
        %sign3A_234 = arith.constant 0 : i32
        %sign3A_235 = arith.cmpi slt, %jit3A_219, %sign3A_234 : i32
        %sign3A_236 = arith.extui %sign3A_235 : i1 to i32
        %sign3A_237 = arith.subi %sign3A_233, %sign3A_236 : i32
        %ne3A_238 = vector.broadcast %sign3A_237 : i32 to vector<16xi32>
        %ne3A_239 = arith.cmpi ne, %sign3A_230, %ne3A_238 : vector<16xi32>
        %rem3A_240 = vector.broadcast %jit3A_219 : i32 to vector<16xi32>
        %rem3A_241 = arith.remsi %add3A_218, %rem3A_240 : vector<16xi32>
        %ne3A_242 = arith.constant 0 : i32
        %ne3A_243 = vector.broadcast %ne3A_242 : i32 to vector<16xi32>
        %ne3A_244 = arith.cmpi ne, %rem3A_241, %ne3A_243 : vector<16xi32>
        %and3A_245 = arith.andi %ne3A_239, %ne3A_244 : vector<16xi1>
        %sub3A_246 = arith.constant 1 : i32
        %sub3A_247 = vector.broadcast %sub3A_246 : i32 to vector<16xi32>
        %sub3A_248 = arith.subi %div3A_221, %sub3A_247 : vector<16xi32>
        %select_n3A_249 = arith.select %and3A_245, %sub3A_248, %div3A_221 : vector<16xi1>, vector<16xi32>
        %shift_left3A = arith.constant 14 : i32
        %shift_left3A_250 = vector.broadcast %shift_left3A : i32 to vector<16xi32>
        %shift_left3A_251 = arith.shli %select_n3A_249, %shift_left3A_250 : vector<16xi32>
        %or3A = arith.ori %sub3A_203, %shift_left3A_251 : vector<16xi32>
        %swap3A = arith.index_cast %scan3A_198 : i32 to index
        %swap3A_252 = tpu.vector_load %arg7[%swap3A] masked %and3A_208 {strides = array<i32>} : memref<8320xi32, #tpu.memory_space<vmem>>, vector<16xi32>, vector<16xi1>
        tpu.vector_store %arg7[%swap3A], %or3A masked %and3A_208 {strides = array<i32>} : memref<8320xi32, #tpu.memory_space<vmem>>, vector<16xi32>, vector<16xi1>
        %all_reduce_population_count3A = tpu.all_reduce %and3A_208 {dim = 0 : i64, kind = #tpu.reduction_kind<sum>} : vector<16xi1> -> vector<16xi32>
        %reduce_max3A = arith.constant true
        %reduce_max3A_253 = vector.broadcast %reduce_max3A : i1 to vector<16xi1>
        %reduce_max3A_254 = arith.constant -2147483648 : i32
        %reduce_max3A_255 = vector.broadcast %reduce_max3A_254 : i32 to vector<16xi32>
        %reduce_max3A_256 = arith.xori %all_reduce_population_count3A, %reduce_max3A_255 : vector<16xi32>
        %reduce_max3A_257 = tpu.scan <max>, %reduce_max3A_256 masked %reduce_max3A_253 : vector<16xi32>, vector<16xi1> -> vector<16xi32>
        %reduce_max3A_258 = arith.xori %reduce_max3A_257, %reduce_max3A_255 : vector<16xi32>
        %reduce_max3A_259 = vector.extract %reduce_max3A_258[15] : i32 from vector<16xi32>
        %add3A_260 = arith.addi %scan3A_198, %reduce_max3A_259 : i32
        scf.yield %add3A_260 : i32
      }
      %scan3A_196 = arith.constant 128 : i32
      scf.yield %scan3A_195 : i32
    }
    %scan3A_16 = arith.constant 4 : i32
    %add3A_17 = arith.constant 63 : i32
    %add3A_18 = arith.addi %scan3A_15, %add3A_17 : i32
    %jit3A = arith.constant 64 : i32
    %div3A = arith.divsi %add3A_18, %jit3A : i32
    %sign3A = arith.constant 0 : i32
    %sign3A_19 = arith.cmpi sgt, %add3A_18, %sign3A : i32
    %sign3A_20 = arith.extui %sign3A_19 : i1 to i32
    %sign3A_21 = arith.constant 0 : i32
    %sign3A_22 = arith.cmpi slt, %add3A_18, %sign3A_21 : i32
    %sign3A_23 = arith.extui %sign3A_22 : i1 to i32
    %sign3A_24 = arith.subi %sign3A_20, %sign3A_23 : i32
    %sign3A_25 = arith.constant 0 : i32
    %sign3A_26 = arith.cmpi sgt, %jit3A, %sign3A_25 : i32
    %sign3A_27 = arith.extui %sign3A_26 : i1 to i32
    %sign3A_28 = arith.constant 0 : i32
    %sign3A_29 = arith.cmpi slt, %jit3A, %sign3A_28 : i32
    %sign3A_30 = arith.extui %sign3A_29 : i1 to i32
    %sign3A_31 = arith.subi %sign3A_27, %sign3A_30 : i32
    %ne3A = arith.cmpi ne, %sign3A_24, %sign3A_31 : i32
    %rem3A = arith.remsi %add3A_18, %jit3A : i32
    %ne3A_32 = arith.constant 0 : i32
    %ne3A_33 = arith.cmpi ne, %rem3A, %ne3A_32 : i32
    %and3A = arith.andi %ne3A, %ne3A_33 : i1
    %sub3A = arith.constant 1 : i32
    %sub3A_34 = arith.subi %div3A, %sub3A : i32
    %select_n3A = arith.select %and3A, %sub3A_34, %div3A : i32
    %add3A_35 = arith.constant 1 : i32
    %add3A_36 = arith.addi %select_n3A, %add3A_35 : i32
    %jit3A_37 = arith.constant 2 : i32
    %div3A_38 = arith.divsi %add3A_36, %jit3A_37 : i32
    %sign3A_39 = arith.constant 0 : i32
    %sign3A_40 = arith.cmpi sgt, %add3A_36, %sign3A_39 : i32
    %sign3A_41 = arith.extui %sign3A_40 : i1 to i32
    %sign3A_42 = arith.constant 0 : i32
    %sign3A_43 = arith.cmpi slt, %add3A_36, %sign3A_42 : i32
    %sign3A_44 = arith.extui %sign3A_43 : i1 to i32
    %sign3A_45 = arith.subi %sign3A_41, %sign3A_44 : i32
    %sign3A_46 = arith.constant 0 : i32
    %sign3A_47 = arith.cmpi sgt, %jit3A_37, %sign3A_46 : i32
    %sign3A_48 = arith.extui %sign3A_47 : i1 to i32
    %sign3A_49 = arith.constant 0 : i32
    %sign3A_50 = arith.cmpi slt, %jit3A_37, %sign3A_49 : i32
    %sign3A_51 = arith.extui %sign3A_50 : i1 to i32
    %sign3A_52 = arith.subi %sign3A_48, %sign3A_51 : i32
    %ne3A_53 = arith.cmpi ne, %sign3A_45, %sign3A_52 : i32
    %rem3A_54 = arith.remsi %add3A_36, %jit3A_37 : i32
    %ne3A_55 = arith.constant 0 : i32
    %ne3A_56 = arith.cmpi ne, %rem3A_54, %ne3A_55 : i32
    %and3A_57 = arith.andi %ne3A_53, %ne3A_56 : i1
    %sub3A_58 = arith.constant 1 : i32
    %sub3A_59 = arith.subi %div3A_38, %sub3A_58 : i32
    %select_n3A_60 = arith.select %and3A_57, %sub3A_59, %div3A_38 : i32
    %while3A = arith.constant 0 : i32
    %while3A_61 = arith.constant 0 : i32
    %while3A_62 = arith.subi %select_n3A_60, %while3A_61 : i32
    %while3A_63 = arith.addi %while3A_61, %while3A_62 : i32
    %while3A_64 = arith.constant 1 : i32
    %while3A_65 = arith.divsi %while3A_62, %while3A_64 : i32
    %while3A_66 = arith.muli %while3A_65, %while3A_64 : i32
    %while3A_67 = arith.addi %while3A_61, %while3A_66 : i32
    %while3A_68 = arith.constant 1 : i32
    scf.for %while3A_184 = %while3A_61 to %while3A_67 step %while3A_68  : i32 {
      %gt3A_185 = arith.constant 0 : i32
      %gt3A_186 = arith.cmpi sgt, %while3A_184, %gt3A_185 : i32
      %convert_element_type3A_187 = arith.extui %gt3A_186 : i1 to i32
      %cond3A_188 = arith.constant 0 : i32
      %cond3A_189 = arith.cmpi ne, %convert_element_type3A_187, %cond3A_188 : i32
      scf.if %cond3A_189 {
        %dma_wait3A_454 = arith.constant 0 : i32
        %dma_wait3A_455 = arith.constant 0 : i32
        %dma_wait3A_456 = arith.constant 0 : i32
        %dma_wait3A_457 = arith.constant 0 : i32
        %dma_wait3A_458 = tpu.memref_slice %arg10[%dma_wait3A_454, %dma_wait3A_456, %dma_wait3A_457] : memref<2x64x128xf32, #tpu.memory_space<vmem>> -> memref<1x64x128xf32, #tpu.memory_space<vmem>>
        %dma_wait3A_459 = tpu.memref_squeeze %dma_wait3A_458 : memref<1x64x128xf32, #tpu.memory_space<vmem>> -> memref<64x128xf32, #tpu.memory_space<vmem>>
        %dma_wait3A_460 = arith.constant 0 : i32
        %dma_wait3A_461 = arith.constant 0 : i32
        %dma_wait3A_462 = tpu.memref_slice %arg11[%dma_wait3A_460, %dma_wait3A_461] : memref<12545x128xf32, #tpu.memory_space<vmem_shared>> -> memref<64x128xf32, #tpu.memory_space<vmem_shared>>
        %dma_wait3A_463 = tpu.memref_slice %arg13[%dma_wait3A_455] : memref<2x!tpu.dma_semaphore, #tpu.memory_space<semaphore_mem>> -> memref<1x!tpu.dma_semaphore, #tpu.memory_space<semaphore_mem>>
        %dma_wait3A_464 = tpu.memref_squeeze %dma_wait3A_463 : memref<1x!tpu.dma_semaphore, #tpu.memory_space<semaphore_mem>> -> memref<!tpu.dma_semaphore, #tpu.memory_space<semaphore_mem>>
        %dma_wait3A_465 = arith.constant 0 : i32
        %dma_wait3A_466 = arith.constant 0 : i32
        %dma_wait3A_467 = tpu.memref_slice %arg11[%dma_wait3A_465, %dma_wait3A_466] : memref<12545x128xf32, #tpu.memory_space<vmem_shared>> -> memref<64x128xf32, #tpu.memory_space<vmem_shared>>
        %dma_wait3A_468 = arith.constant 0 : i32
        %dma_wait3A_469 = arith.constant 0 : i32
        %dma_wait3A_470 = tpu.memref_slice %arg10[%dma_wait3A_454, %dma_wait3A_468, %dma_wait3A_469] : memref<2x64x128xf32, #tpu.memory_space<vmem>> -> memref<1x64x128xf32, #tpu.memory_space<vmem>>
        %dma_wait3A_471 = tpu.memref_squeeze %dma_wait3A_470 : memref<1x64x128xf32, #tpu.memory_space<vmem>> -> memref<64x128xf32, #tpu.memory_space<vmem>>
        tpu.wait_dma2 semaphore(%dma_wait3A_464 : memref<!tpu.dma_semaphore, #tpu.memory_space<semaphore_mem>>) src(%dma_wait3A_471 : memref<64x128xf32, #tpu.memory_space<vmem>>) dst(%dma_wait3A_467 : memref<64x128xf32, #tpu.memory_space<vmem_shared>>)
      } else {
      }
      %mul3A_190 = arith.constant 2 : i32
      %mul3A_191 = arith.muli %while3A_184, %mul3A_190 : i32
      %add3A_192 = arith.constant 0 : i32
      %add3A_193 = arith.addi %mul3A_191, %add3A_192 : i32
      %mul3A_194 = arith.constant 64 : i32
      %mul3A_195 = arith.muli %add3A_193, %mul3A_194 : i32
      %add3A_196 = arith.constant 0 : i32
      %add3A_197 = arith.addi %mul3A_195, %add3A_196 : i32
      %get3A = arith.index_cast %add3A_197 : i32 to index
      %get3A_198 = tpu.vector_load %arg7[%get3A] {strides = array<i32>} : memref<8320xi32, #tpu.memory_space<vmem>>, vector<16xi32>,
      %and3A_199 = arith.constant 16383 : i32
      %and3A_200 = vector.broadcast %and3A_199 : i32 to vector<16xi32>
      %and3A_201 = arith.andi %get3A_198, %and3A_200 : vector<16xi32>
      %swap3A = arith.constant 0 : i32
      %swap3A_202 = arith.index_cast %swap3A : i32 to index
      %swap3A_203 = arith.constant 0 : index
      %swap3A_204 = tpu.vector_load %arg8[%swap3A_202, %swap3A_203] {strides = array<i32>} : memref<2x64xi32, #tpu.memory_space<vmem>>, vector<16xi32>,
      tpu.vector_store %arg8[%swap3A_202, %swap3A_203], %and3A_201 {strides = array<i32>} : memref<2x64xi32, #tpu.memory_space<vmem>>, vector<16xi32>,
      %shift_right_logical3A = arith.constant 14 : i32
      %shift_right_logical3A_205 = vector.broadcast %shift_right_logical3A : i32 to vector<16xi32>
      %shift_right_logical3A_206 = arith.shrui %get3A_198, %shift_right_logical3A_205 : vector<16xi32>
      %swap3A_207 = arith.constant 0 : i32
      %swap3A_208 = arith.index_cast %swap3A_207 : i32 to index
      %swap3A_209 = arith.constant 0 : index
      %swap3A_210 = tpu.vector_load %arg9[%swap3A_208, %swap3A_209] {strides = array<i32>} : memref<2x64xi32, #tpu.memory_space<vmem>>, vector<16xi32>,
      tpu.vector_store %arg9[%swap3A_208, %swap3A_209], %shift_right_logical3A_206 {strides = array<i32>} : memref<2x64xi32, #tpu.memory_space<vmem>>, vector<16xi32>,
      %mul3A_211 = arith.constant 64 : i32
      %mul3A_212 = arith.muli %add3A_193, %mul3A_211 : i32
      %add3A_213 = arith.constant 16 : i32
      %add3A_214 = arith.addi %mul3A_212, %add3A_213 : i32
      %get3A_215 = arith.index_cast %add3A_214 : i32 to index
      %get3A_216 = tpu.vector_load %arg7[%get3A_215] {strides = array<i32>} : memref<8320xi32, #tpu.memory_space<vmem>>, vector<16xi32>,
      %and3A_217 = arith.constant 16383 : i32
      %and3A_218 = vector.broadcast %and3A_217 : i32 to vector<16xi32>
      %and3A_219 = arith.andi %get3A_216, %and3A_218 : vector<16xi32>
      %swap3A_220 = arith.constant 0 : i32
      %swap3A_221 = arith.index_cast %swap3A_220 : i32 to index
      %swap3A_222 = arith.constant 16 : index
      %swap3A_223 = tpu.vector_load %arg8[%swap3A_221, %swap3A_222] {strides = array<i32>} : memref<2x64xi32, #tpu.memory_space<vmem>>, vector<16xi32>,
      tpu.vector_store %arg8[%swap3A_221, %swap3A_222], %and3A_219 {strides = array<i32>} : memref<2x64xi32, #tpu.memory_space<vmem>>, vector<16xi32>,
      %shift_right_logical3A_224 = arith.constant 14 : i32
      %shift_right_logical3A_225 = vector.broadcast %shift_right_logical3A_224 : i32 to vector<16xi32>
      %shift_right_logical3A_226 = arith.shrui %get3A_216, %shift_right_logical3A_225 : vector<16xi32>
      %swap3A_227 = arith.constant 0 : i32
      %swap3A_228 = arith.index_cast %swap3A_227 : i32 to index
      %swap3A_229 = arith.constant 16 : index
      %swap3A_230 = tpu.vector_load %arg9[%swap3A_228, %swap3A_229] {strides = array<i32>} : memref<2x64xi32, #tpu.memory_space<vmem>>, vector<16xi32>,
      tpu.vector_store %arg9[%swap3A_228, %swap3A_229], %shift_right_logical3A_226 {strides = array<i32>} : memref<2x64xi32, #tpu.memory_space<vmem>>, vector<16xi32>,
      %mul3A_231 = arith.constant 64 : i32
      %mul3A_232 = arith.muli %add3A_193, %mul3A_231 : i32
      %add3A_233 = arith.constant 32 : i32
      %add3A_234 = arith.addi %mul3A_232, %add3A_233 : i32
      %get3A_235 = arith.index_cast %add3A_234 : i32 to index
      %get3A_236 = tpu.vector_load %arg7[%get3A_235] {strides = array<i32>} : memref<8320xi32, #tpu.memory_space<vmem>>, vector<16xi32>,
      %and3A_237 = arith.constant 16383 : i32
      %and3A_238 = vector.broadcast %and3A_237 : i32 to vector<16xi32>
      %and3A_239 = arith.andi %get3A_236, %and3A_238 : vector<16xi32>
      %swap3A_240 = arith.constant 0 : i32
      %swap3A_241 = arith.index_cast %swap3A_240 : i32 to index
      %swap3A_242 = arith.constant 32 : index
      %swap3A_243 = tpu.vector_load %arg8[%swap3A_241, %swap3A_242] {strides = array<i32>} : memref<2x64xi32, #tpu.memory_space<vmem>>, vector<16xi32>,
      tpu.vector_store %arg8[%swap3A_241, %swap3A_242], %and3A_239 {strides = array<i32>} : memref<2x64xi32, #tpu.memory_space<vmem>>, vector<16xi32>,
      %shift_right_logical3A_244 = arith.constant 14 : i32
      %shift_right_logical3A_245 = vector.broadcast %shift_right_logical3A_244 : i32 to vector<16xi32>
      %shift_right_logical3A_246 = arith.shrui %get3A_236, %shift_right_logical3A_245 : vector<16xi32>
      %swap3A_247 = arith.constant 0 : i32
      %swap3A_248 = arith.index_cast %swap3A_247 : i32 to index
      %swap3A_249 = arith.constant 32 : index
      %swap3A_250 = tpu.vector_load %arg9[%swap3A_248, %swap3A_249] {strides = array<i32>} : memref<2x64xi32, #tpu.memory_space<vmem>>, vector<16xi32>,
      tpu.vector_store %arg9[%swap3A_248, %swap3A_249], %shift_right_logical3A_246 {strides = array<i32>} : memref<2x64xi32, #tpu.memory_space<vmem>>, vector<16xi32>,
      %mul3A_251 = arith.constant 64 : i32
      %mul3A_252 = arith.muli %add3A_193, %mul3A_251 : i32
      %add3A_253 = arith.constant 48 : i32
      %add3A_254 = arith.addi %mul3A_252, %add3A_253 : i32
      %get3A_255 = arith.index_cast %add3A_254 : i32 to index
      %get3A_256 = tpu.vector_load %arg7[%get3A_255] {strides = array<i32>} : memref<8320xi32, #tpu.memory_space<vmem>>, vector<16xi32>,
      %and3A_257 = arith.constant 16383 : i32
      %and3A_258 = vector.broadcast %and3A_257 : i32 to vector<16xi32>
      %and3A_259 = arith.andi %get3A_256, %and3A_258 : vector<16xi32>
      %swap3A_260 = arith.constant 0 : i32
      %swap3A_261 = arith.index_cast %swap3A_260 : i32 to index
      %swap3A_262 = arith.constant 48 : index
      %swap3A_263 = tpu.vector_load %arg8[%swap3A_261, %swap3A_262] {strides = array<i32>} : memref<2x64xi32, #tpu.memory_space<vmem>>, vector<16xi32>,
      tpu.vector_store %arg8[%swap3A_261, %swap3A_262], %and3A_259 {strides = array<i32>} : memref<2x64xi32, #tpu.memory_space<vmem>>, vector<16xi32>,
      %shift_right_logical3A_264 = arith.constant 14 : i32
      %shift_right_logical3A_265 = vector.broadcast %shift_right_logical3A_264 : i32 to vector<16xi32>
      %shift_right_logical3A_266 = arith.shrui %get3A_256, %shift_right_logical3A_265 : vector<16xi32>
      %swap3A_267 = arith.constant 0 : i32
      %swap3A_268 = arith.index_cast %swap3A_267 : i32 to index
      %swap3A_269 = arith.constant 48 : index
      %swap3A_270 = tpu.vector_load %arg9[%swap3A_268, %swap3A_269] {strides = array<i32>} : memref<2x64xi32, #tpu.memory_space<vmem>>, vector<16xi32>,
      tpu.vector_store %arg9[%swap3A_268, %swap3A_269], %shift_right_logical3A_266 {strides = array<i32>} : memref<2x64xi32, #tpu.memory_space<vmem>>, vector<16xi32>,
      %dma_start3A = arith.constant 0 : i32
      %dma_start3A_271 = arith.constant 0 : i32
      %dma_start3A_272 = arith.constant 0 : i32
      %dma_start3A_273 = arith.constant 0 : i32
      %dma_start3A_274 = arith.constant 0 : i32
      %dma_start3A_275 = tpu.memref_slice %arg10[%dma_start3A_271, %dma_start3A_273, %dma_start3A_274] : memref<2x64x128xf32, #tpu.memory_space<vmem>> -> memref<1x64x128xf32, #tpu.memory_space<vmem>>
      %dma_start3A_276 = tpu.memref_squeeze %dma_start3A_275 : memref<1x64x128xf32, #tpu.memory_space<vmem>> -> memref<64x128xf32, #tpu.memory_space<vmem>>
      %dma_start3A_277 = arith.constant 0 : i32
      %dma_start3A_278 = tpu.memref_slice %arg9[%dma_start3A, %dma_start3A_277] : memref<2x64xi32, #tpu.memory_space<vmem>> -> memref<1x64xi32, #tpu.memory_space<vmem>>
      %dma_start3A_279 = tpu.memref_squeeze %dma_start3A_278 : memref<1x64xi32, #tpu.memory_space<vmem>> -> memref<64xi32, #tpu.memory_space<vmem>>
      %dma_start3A_280 = arith.constant 0 : i32
      %dma_start3A_281 = arith.constant 0 : i32
      %dma_start3A_282 = tpu.memref_slice %arg3[%dma_start3A_280, %dma_start3A_281] : memref<2048x128xf32, #tpu.memory_space<hbm>> -> memref<2048x128xf32, #tpu.memory_space<hbm>>
      %dma_start3A_283 = tpu.memref_slice %arg12[%dma_start3A_272] : memref<2x!tpu.dma_semaphore, #tpu.memory_space<semaphore_mem>> -> memref<1x!tpu.dma_semaphore, #tpu.memory_space<semaphore_mem>>
      %dma_start3A_284 = tpu.memref_squeeze %dma_start3A_283 : memref<1x!tpu.dma_semaphore, #tpu.memory_space<semaphore_mem>> -> memref<!tpu.dma_semaphore, #tpu.memory_space<semaphore_mem>>
      tpu.enqueue_indirect_dma source(%dma_start3A_282 : memref<2048x128xf32, #tpu.memory_space<hbm>>) target(%dma_start3A_276 : memref<64x128xf32, #tpu.memory_space<vmem>>) offsets(%dma_start3A_279 : memref<64xi32, #tpu.memory_space<vmem>>) semaphore(%dma_start3A_284 : memref<!tpu.dma_semaphore, #tpu.memory_space<semaphore_mem>>)
      %gt3A_285 = arith.constant 0 : i32
      %gt3A_286 = arith.cmpi sgt, %while3A_184, %gt3A_285 : i32
      %convert_element_type3A_287 = arith.extui %gt3A_286 : i1 to i32
      %cond3A_288 = arith.constant 0 : i32
      %cond3A_289 = arith.cmpi ne, %convert_element_type3A_287, %cond3A_288 : i32
      scf.if %cond3A_289 {
        %dma_wait3A_454 = arith.constant 1 : i32
        %dma_wait3A_455 = arith.constant 1 : i32
        %dma_wait3A_456 = arith.constant 0 : i32
        %dma_wait3A_457 = arith.constant 0 : i32
        %dma_wait3A_458 = tpu.memref_slice %arg10[%dma_wait3A_454, %dma_wait3A_456, %dma_wait3A_457] : memref<2x64x128xf32, #tpu.memory_space<vmem>> -> memref<1x64x128xf32, #tpu.memory_space<vmem>>
        %dma_wait3A_459 = tpu.memref_squeeze %dma_wait3A_458 : memref<1x64x128xf32, #tpu.memory_space<vmem>> -> memref<64x128xf32, #tpu.memory_space<vmem>>
        %dma_wait3A_460 = arith.constant 0 : i32
        %dma_wait3A_461 = arith.constant 0 : i32
        %dma_wait3A_462 = tpu.memref_slice %arg11[%dma_wait3A_460, %dma_wait3A_461] : memref<12545x128xf32, #tpu.memory_space<vmem_shared>> -> memref<64x128xf32, #tpu.memory_space<vmem_shared>>
        %dma_wait3A_463 = tpu.memref_slice %arg13[%dma_wait3A_455] : memref<2x!tpu.dma_semaphore, #tpu.memory_space<semaphore_mem>> -> memref<1x!tpu.dma_semaphore, #tpu.memory_space<semaphore_mem>>
        %dma_wait3A_464 = tpu.memref_squeeze %dma_wait3A_463 : memref<1x!tpu.dma_semaphore, #tpu.memory_space<semaphore_mem>> -> memref<!tpu.dma_semaphore, #tpu.memory_space<semaphore_mem>>
        %dma_wait3A_465 = arith.constant 0 : i32
        %dma_wait3A_466 = arith.constant 0 : i32
        %dma_wait3A_467 = tpu.memref_slice %arg11[%dma_wait3A_465, %dma_wait3A_466] : memref<12545x128xf32, #tpu.memory_space<vmem_shared>> -> memref<64x128xf32, #tpu.memory_space<vmem_shared>>
        %dma_wait3A_468 = arith.constant 0 : i32
        %dma_wait3A_469 = arith.constant 0 : i32
        %dma_wait3A_470 = tpu.memref_slice %arg10[%dma_wait3A_454, %dma_wait3A_468, %dma_wait3A_469] : memref<2x64x128xf32, #tpu.memory_space<vmem>> -> memref<1x64x128xf32, #tpu.memory_space<vmem>>
        %dma_wait3A_471 = tpu.memref_squeeze %dma_wait3A_470 : memref<1x64x128xf32, #tpu.memory_space<vmem>> -> memref<64x128xf32, #tpu.memory_space<vmem>>
        tpu.wait_dma2 semaphore(%dma_wait3A_464 : memref<!tpu.dma_semaphore, #tpu.memory_space<semaphore_mem>>) src(%dma_wait3A_471 : memref<64x128xf32, #tpu.memory_space<vmem>>) dst(%dma_wait3A_467 : memref<64x128xf32, #tpu.memory_space<vmem_shared>>)
      } else {
      }
      %mul3A_290 = arith.constant 2 : i32
      %mul3A_291 = arith.muli %while3A_184, %mul3A_290 : i32
      %add3A_292 = arith.constant 1 : i32
      %add3A_293 = arith.addi %mul3A_291, %add3A_292 : i32
      %mul3A_294 = arith.constant 64 : i32
      %mul3A_295 = arith.muli %add3A_293, %mul3A_294 : i32
      %add3A_296 = arith.constant 0 : i32
      %add3A_297 = arith.addi %mul3A_295, %add3A_296 : i32
      %get3A_298 = arith.index_cast %add3A_297 : i32 to index
      %get3A_299 = tpu.vector_load %arg7[%get3A_298] {strides = array<i32>} : memref<8320xi32, #tpu.memory_space<vmem>>, vector<16xi32>,
      %and3A_300 = arith.constant 16383 : i32
      %and3A_301 = vector.broadcast %and3A_300 : i32 to vector<16xi32>
      %and3A_302 = arith.andi %get3A_299, %and3A_301 : vector<16xi32>
      %swap3A_303 = arith.constant 1 : i32
      %swap3A_304 = arith.index_cast %swap3A_303 : i32 to index
      %swap3A_305 = arith.constant 0 : index
      %swap3A_306 = tpu.vector_load %arg8[%swap3A_304, %swap3A_305] {strides = array<i32>} : memref<2x64xi32, #tpu.memory_space<vmem>>, vector<16xi32>,
      tpu.vector_store %arg8[%swap3A_304, %swap3A_305], %and3A_302 {strides = array<i32>} : memref<2x64xi32, #tpu.memory_space<vmem>>, vector<16xi32>,
      %shift_right_logical3A_307 = arith.constant 14 : i32
      %shift_right_logical3A_308 = vector.broadcast %shift_right_logical3A_307 : i32 to vector<16xi32>
      %shift_right_logical3A_309 = arith.shrui %get3A_299, %shift_right_logical3A_308 : vector<16xi32>
      %swap3A_310 = arith.constant 1 : i32
      %swap3A_311 = arith.index_cast %swap3A_310 : i32 to index
      %swap3A_312 = arith.constant 0 : index
      %swap3A_313 = tpu.vector_load %arg9[%swap3A_311, %swap3A_312] {strides = array<i32>} : memref<2x64xi32, #tpu.memory_space<vmem>>, vector<16xi32>,
      tpu.vector_store %arg9[%swap3A_311, %swap3A_312], %shift_right_logical3A_309 {strides = array<i32>} : memref<2x64xi32, #tpu.memory_space<vmem>>, vector<16xi32>,
      %mul3A_314 = arith.constant 64 : i32
      %mul3A_315 = arith.muli %add3A_293, %mul3A_314 : i32
      %add3A_316 = arith.constant 16 : i32
      %add3A_317 = arith.addi %mul3A_315, %add3A_316 : i32
      %get3A_318 = arith.index_cast %add3A_317 : i32 to index
      %get3A_319 = tpu.vector_load %arg7[%get3A_318] {strides = array<i32>} : memref<8320xi32, #tpu.memory_space<vmem>>, vector<16xi32>,
      %and3A_320 = arith.constant 16383 : i32
      %and3A_321 = vector.broadcast %and3A_320 : i32 to vector<16xi32>
      %and3A_322 = arith.andi %get3A_319, %and3A_321 : vector<16xi32>
      %swap3A_323 = arith.constant 1 : i32
      %swap3A_324 = arith.index_cast %swap3A_323 : i32 to index
      %swap3A_325 = arith.constant 16 : index
      %swap3A_326 = tpu.vector_load %arg8[%swap3A_324, %swap3A_325] {strides = array<i32>} : memref<2x64xi32, #tpu.memory_space<vmem>>, vector<16xi32>,
      tpu.vector_store %arg8[%swap3A_324, %swap3A_325], %and3A_322 {strides = array<i32>} : memref<2x64xi32, #tpu.memory_space<vmem>>, vector<16xi32>,
      %shift_right_logical3A_327 = arith.constant 14 : i32
      %shift_right_logical3A_328 = vector.broadcast %shift_right_logical3A_327 : i32 to vector<16xi32>
      %shift_right_logical3A_329 = arith.shrui %get3A_319, %shift_right_logical3A_328 : vector<16xi32>
      %swap3A_330 = arith.constant 1 : i32
      %swap3A_331 = arith.index_cast %swap3A_330 : i32 to index
      %swap3A_332 = arith.constant 16 : index
      %swap3A_333 = tpu.vector_load %arg9[%swap3A_331, %swap3A_332] {strides = array<i32>} : memref<2x64xi32, #tpu.memory_space<vmem>>, vector<16xi32>,
      tpu.vector_store %arg9[%swap3A_331, %swap3A_332], %shift_right_logical3A_329 {strides = array<i32>} : memref<2x64xi32, #tpu.memory_space<vmem>>, vector<16xi32>,
      %mul3A_334 = arith.constant 64 : i32
      %mul3A_335 = arith.muli %add3A_293, %mul3A_334 : i32
      %add3A_336 = arith.constant 32 : i32
      %add3A_337 = arith.addi %mul3A_335, %add3A_336 : i32
      %get3A_338 = arith.index_cast %add3A_337 : i32 to index
      %get3A_339 = tpu.vector_load %arg7[%get3A_338] {strides = array<i32>} : memref<8320xi32, #tpu.memory_space<vmem>>, vector<16xi32>,
      %and3A_340 = arith.constant 16383 : i32
      %and3A_341 = vector.broadcast %and3A_340 : i32 to vector<16xi32>
      %and3A_342 = arith.andi %get3A_339, %and3A_341 : vector<16xi32>
      %swap3A_343 = arith.constant 1 : i32
      %swap3A_344 = arith.index_cast %swap3A_343 : i32 to index
      %swap3A_345 = arith.constant 32 : index
      %swap3A_346 = tpu.vector_load %arg8[%swap3A_344, %swap3A_345] {strides = array<i32>} : memref<2x64xi32, #tpu.memory_space<vmem>>, vector<16xi32>,
      tpu.vector_store %arg8[%swap3A_344, %swap3A_345], %and3A_342 {strides = array<i32>} : memref<2x64xi32, #tpu.memory_space<vmem>>, vector<16xi32>,
      %shift_right_logical3A_347 = arith.constant 14 : i32
      %shift_right_logical3A_348 = vector.broadcast %shift_right_logical3A_347 : i32 to vector<16xi32>
      %shift_right_logical3A_349 = arith.shrui %get3A_339, %shift_right_logical3A_348 : vector<16xi32>
      %swap3A_350 = arith.constant 1 : i32
      %swap3A_351 = arith.index_cast %swap3A_350 : i32 to index
      %swap3A_352 = arith.constant 32 : index
      %swap3A_353 = tpu.vector_load %arg9[%swap3A_351, %swap3A_352] {strides = array<i32>} : memref<2x64xi32, #tpu.memory_space<vmem>>, vector<16xi32>,
      tpu.vector_store %arg9[%swap3A_351, %swap3A_352], %shift_right_logical3A_349 {strides = array<i32>} : memref<2x64xi32, #tpu.memory_space<vmem>>, vector<16xi32>,
      %mul3A_354 = arith.constant 64 : i32
      %mul3A_355 = arith.muli %add3A_293, %mul3A_354 : i32
      %add3A_356 = arith.constant 48 : i32
      %add3A_357 = arith.addi %mul3A_355, %add3A_356 : i32
      %get3A_358 = arith.index_cast %add3A_357 : i32 to index
      %get3A_359 = tpu.vector_load %arg7[%get3A_358] {strides = array<i32>} : memref<8320xi32, #tpu.memory_space<vmem>>, vector<16xi32>,
      %and3A_360 = arith.constant 16383 : i32
      %and3A_361 = vector.broadcast %and3A_360 : i32 to vector<16xi32>
      %and3A_362 = arith.andi %get3A_359, %and3A_361 : vector<16xi32>
      %swap3A_363 = arith.constant 1 : i32
      %swap3A_364 = arith.index_cast %swap3A_363 : i32 to index
      %swap3A_365 = arith.constant 48 : index
      %swap3A_366 = tpu.vector_load %arg8[%swap3A_364, %swap3A_365] {strides = array<i32>} : memref<2x64xi32, #tpu.memory_space<vmem>>, vector<16xi32>,
      tpu.vector_store %arg8[%swap3A_364, %swap3A_365], %and3A_362 {strides = array<i32>} : memref<2x64xi32, #tpu.memory_space<vmem>>, vector<16xi32>,
      %shift_right_logical3A_367 = arith.constant 14 : i32
      %shift_right_logical3A_368 = vector.broadcast %shift_right_logical3A_367 : i32 to vector<16xi32>
      %shift_right_logical3A_369 = arith.shrui %get3A_359, %shift_right_logical3A_368 : vector<16xi32>
      %swap3A_370 = arith.constant 1 : i32
      %swap3A_371 = arith.index_cast %swap3A_370 : i32 to index
      %swap3A_372 = arith.constant 48 : index
      %swap3A_373 = tpu.vector_load %arg9[%swap3A_371, %swap3A_372] {strides = array<i32>} : memref<2x64xi32, #tpu.memory_space<vmem>>, vector<16xi32>,
      tpu.vector_store %arg9[%swap3A_371, %swap3A_372], %shift_right_logical3A_369 {strides = array<i32>} : memref<2x64xi32, #tpu.memory_space<vmem>>, vector<16xi32>,
      %dma_start3A_374 = arith.constant 1 : i32
      %dma_start3A_375 = arith.constant 1 : i32
      %dma_start3A_376 = arith.constant 1 : i32
      %dma_start3A_377 = arith.constant 0 : i32
      %dma_start3A_378 = arith.constant 0 : i32
      %dma_start3A_379 = tpu.memref_slice %arg10[%dma_start3A_375, %dma_start3A_377, %dma_start3A_378] : memref<2x64x128xf32, #tpu.memory_space<vmem>> -> memref<1x64x128xf32, #tpu.memory_space<vmem>>
      %dma_start3A_380 = tpu.memref_squeeze %dma_start3A_379 : memref<1x64x128xf32, #tpu.memory_space<vmem>> -> memref<64x128xf32, #tpu.memory_space<vmem>>
      %dma_start3A_381 = arith.constant 0 : i32
      %dma_start3A_382 = tpu.memref_slice %arg9[%dma_start3A_374, %dma_start3A_381] : memref<2x64xi32, #tpu.memory_space<vmem>> -> memref<1x64xi32, #tpu.memory_space<vmem>>
      %dma_start3A_383 = tpu.memref_squeeze %dma_start3A_382 : memref<1x64xi32, #tpu.memory_space<vmem>> -> memref<64xi32, #tpu.memory_space<vmem>>
      %dma_start3A_384 = arith.constant 0 : i32
      %dma_start3A_385 = arith.constant 0 : i32
      %dma_start3A_386 = tpu.memref_slice %arg3[%dma_start3A_384, %dma_start3A_385] : memref<2048x128xf32, #tpu.memory_space<hbm>> -> memref<2048x128xf32, #tpu.memory_space<hbm>>
      %dma_start3A_387 = tpu.memref_slice %arg12[%dma_start3A_376] : memref<2x!tpu.dma_semaphore, #tpu.memory_space<semaphore_mem>> -> memref<1x!tpu.dma_semaphore, #tpu.memory_space<semaphore_mem>>
      %dma_start3A_388 = tpu.memref_squeeze %dma_start3A_387 : memref<1x!tpu.dma_semaphore, #tpu.memory_space<semaphore_mem>> -> memref<!tpu.dma_semaphore, #tpu.memory_space<semaphore_mem>>
      tpu.enqueue_indirect_dma source(%dma_start3A_386 : memref<2048x128xf32, #tpu.memory_space<hbm>>) target(%dma_start3A_380 : memref<64x128xf32, #tpu.memory_space<vmem>>) offsets(%dma_start3A_383 : memref<64xi32, #tpu.memory_space<vmem>>) semaphore(%dma_start3A_388 : memref<!tpu.dma_semaphore, #tpu.memory_space<semaphore_mem>>)
      %dma_wait3A = arith.constant 0 : i32
      %dma_wait3A_389 = arith.constant 0 : i32
      %dma_wait3A_390 = arith.constant 0 : i32
      %dma_wait3A_391 = arith.constant 0 : i32
      %dma_wait3A_392 = tpu.memref_slice %arg10[%dma_wait3A, %dma_wait3A_390, %dma_wait3A_391] : memref<2x64x128xf32, #tpu.memory_space<vmem>> -> memref<1x64x128xf32, #tpu.memory_space<vmem>>
      %dma_wait3A_393 = tpu.memref_squeeze %dma_wait3A_392 : memref<1x64x128xf32, #tpu.memory_space<vmem>> -> memref<64x128xf32, #tpu.memory_space<vmem>>
      %dma_wait3A_394 = arith.constant 0 : i32
      %dma_wait3A_395 = arith.constant 0 : i32
      %dma_wait3A_396 = tpu.memref_slice %arg3[%dma_wait3A_394, %dma_wait3A_395] : memref<2048x128xf32, #tpu.memory_space<hbm>> -> memref<64x128xf32, #tpu.memory_space<hbm>>
      %dma_wait3A_397 = tpu.memref_slice %arg12[%dma_wait3A_389] : memref<2x!tpu.dma_semaphore, #tpu.memory_space<semaphore_mem>> -> memref<1x!tpu.dma_semaphore, #tpu.memory_space<semaphore_mem>>
      %dma_wait3A_398 = tpu.memref_squeeze %dma_wait3A_397 : memref<1x!tpu.dma_semaphore, #tpu.memory_space<semaphore_mem>> -> memref<!tpu.dma_semaphore, #tpu.memory_space<semaphore_mem>>
      %dma_wait3A_399 = arith.constant 0 : i32
      %dma_wait3A_400 = arith.constant 0 : i32
      %dma_wait3A_401 = tpu.memref_slice %arg10[%dma_wait3A, %dma_wait3A_399, %dma_wait3A_400] : memref<2x64x128xf32, #tpu.memory_space<vmem>> -> memref<1x64x128xf32, #tpu.memory_space<vmem>>
      %dma_wait3A_402 = tpu.memref_squeeze %dma_wait3A_401 : memref<1x64x128xf32, #tpu.memory_space<vmem>> -> memref<64x128xf32, #tpu.memory_space<vmem>>
      %dma_wait3A_403 = arith.constant 0 : i32
      %dma_wait3A_404 = arith.constant 0 : i32
      %dma_wait3A_405 = tpu.memref_slice %arg3[%dma_wait3A_403, %dma_wait3A_404] : memref<2048x128xf32, #tpu.memory_space<hbm>> -> memref<64x128xf32, #tpu.memory_space<hbm>>
      tpu.wait_dma2 semaphore(%dma_wait3A_398 : memref<!tpu.dma_semaphore, #tpu.memory_space<semaphore_mem>>) src(%dma_wait3A_405 : memref<64x128xf32, #tpu.memory_space<hbm>>) dst(%dma_wait3A_402 : memref<64x128xf32, #tpu.memory_space<vmem>>)
      %dma_start3A_406 = arith.constant 0 : i32
      %dma_start3A_407 = arith.constant 0 : i32
      %dma_start3A_408 = arith.constant 0 : i32
      %dma_start3A_409 = arith.constant 0 : i32
      %dma_start3A_410 = arith.constant 0 : i32
      %dma_start3A_411 = tpu.memref_slice %arg10[%dma_start3A_406, %dma_start3A_409, %dma_start3A_410] : memref<2x64x128xf32, #tpu.memory_space<vmem>> -> memref<1x64x128xf32, #tpu.memory_space<vmem>>
      %dma_start3A_412 = tpu.memref_squeeze %dma_start3A_411 : memref<1x64x128xf32, #tpu.memory_space<vmem>> -> memref<64x128xf32, #tpu.memory_space<vmem>>
      %dma_start3A_413 = arith.constant 0 : i32
      %dma_start3A_414 = tpu.memref_slice %arg8[%dma_start3A_407, %dma_start3A_413] : memref<2x64xi32, #tpu.memory_space<vmem>> -> memref<1x64xi32, #tpu.memory_space<vmem>>
      %dma_start3A_415 = tpu.memref_squeeze %dma_start3A_414 : memref<1x64xi32, #tpu.memory_space<vmem>> -> memref<64xi32, #tpu.memory_space<vmem>>
      %dma_start3A_416 = arith.constant 0 : i32
      %dma_start3A_417 = arith.constant 0 : i32
      %dma_start3A_418 = tpu.memref_slice %arg11[%dma_start3A_416, %dma_start3A_417] : memref<12545x128xf32, #tpu.memory_space<vmem_shared>> -> memref<12545x128xf32, #tpu.memory_space<vmem_shared>>
      %dma_start3A_419 = tpu.memref_slice %arg13[%dma_start3A_408] : memref<2x!tpu.dma_semaphore, #tpu.memory_space<semaphore_mem>> -> memref<1x!tpu.dma_semaphore, #tpu.memory_space<semaphore_mem>>
      %dma_start3A_420 = tpu.memref_squeeze %dma_start3A_419 : memref<1x!tpu.dma_semaphore, #tpu.memory_space<semaphore_mem>> -> memref<!tpu.dma_semaphore, #tpu.memory_space<semaphore_mem>>
      tpu.enqueue_indirect_dma source(%dma_start3A_412 : memref<64x128xf32, #tpu.memory_space<vmem>>) target(%dma_start3A_418 : memref<12545x128xf32, #tpu.memory_space<vmem_shared>>) offsets(%dma_start3A_415 : memref<64xi32, #tpu.memory_space<vmem>>) semaphore(%dma_start3A_420 : memref<!tpu.dma_semaphore, #tpu.memory_space<semaphore_mem>>) {add = true}
      %dma_wait3A_421 = arith.constant 1 : i32
      %dma_wait3A_422 = arith.constant 1 : i32
      %dma_wait3A_423 = arith.constant 0 : i32
      %dma_wait3A_424 = arith.constant 0 : i32
      %dma_wait3A_425 = tpu.memref_slice %arg10[%dma_wait3A_421, %dma_wait3A_423, %dma_wait3A_424] : memref<2x64x128xf32, #tpu.memory_space<vmem>> -> memref<1x64x128xf32, #tpu.memory_space<vmem>>
      %dma_wait3A_426 = tpu.memref_squeeze %dma_wait3A_425 : memref<1x64x128xf32, #tpu.memory_space<vmem>> -> memref<64x128xf32, #tpu.memory_space<vmem>>
      %dma_wait3A_427 = arith.constant 0 : i32
      %dma_wait3A_428 = arith.constant 0 : i32
      %dma_wait3A_429 = tpu.memref_slice %arg3[%dma_wait3A_427, %dma_wait3A_428] : memref<2048x128xf32, #tpu.memory_space<hbm>> -> memref<64x128xf32, #tpu.memory_space<hbm>>
      %dma_wait3A_430 = tpu.memref_slice %arg12[%dma_wait3A_422] : memref<2x!tpu.dma_semaphore, #tpu.memory_space<semaphore_mem>> -> memref<1x!tpu.dma_semaphore, #tpu.memory_space<semaphore_mem>>
      %dma_wait3A_431 = tpu.memref_squeeze %dma_wait3A_430 : memref<1x!tpu.dma_semaphore, #tpu.memory_space<semaphore_mem>> -> memref<!tpu.dma_semaphore, #tpu.memory_space<semaphore_mem>>
      %dma_wait3A_432 = arith.constant 0 : i32
      %dma_wait3A_433 = arith.constant 0 : i32
      %dma_wait3A_434 = tpu.memref_slice %arg10[%dma_wait3A_421, %dma_wait3A_432, %dma_wait3A_433] : memref<2x64x128xf32, #tpu.memory_space<vmem>> -> memref<1x64x128xf32, #tpu.memory_space<vmem>>
      %dma_wait3A_435 = tpu.memref_squeeze %dma_wait3A_434 : memref<1x64x128xf32, #tpu.memory_space<vmem>> -> memref<64x128xf32, #tpu.memory_space<vmem>>
      %dma_wait3A_436 = arith.constant 0 : i32
      %dma_wait3A_437 = arith.constant 0 : i32
      %dma_wait3A_438 = tpu.memref_slice %arg3[%dma_wait3A_436, %dma_wait3A_437] : memref<2048x128xf32, #tpu.memory_space<hbm>> -> memref<64x128xf32, #tpu.memory_space<hbm>>
      tpu.wait_dma2 semaphore(%dma_wait3A_431 : memref<!tpu.dma_semaphore, #tpu.memory_space<semaphore_mem>>) src(%dma_wait3A_438 : memref<64x128xf32, #tpu.memory_space<hbm>>) dst(%dma_wait3A_435 : memref<64x128xf32, #tpu.memory_space<vmem>>)
      %dma_start3A_439 = arith.constant 1 : i32
      %dma_start3A_440 = arith.constant 1 : i32
      %dma_start3A_441 = arith.constant 1 : i32
      %dma_start3A_442 = arith.constant 0 : i32
      %dma_start3A_443 = arith.constant 0 : i32
      %dma_start3A_444 = tpu.memref_slice %arg10[%dma_start3A_439, %dma_start3A_442, %dma_start3A_443] : memref<2x64x128xf32, #tpu.memory_space<vmem>> -> memref<1x64x128xf32, #tpu.memory_space<vmem>>
      %dma_start3A_445 = tpu.memref_squeeze %dma_start3A_444 : memref<1x64x128xf32, #tpu.memory_space<vmem>> -> memref<64x128xf32, #tpu.memory_space<vmem>>
      %dma_start3A_446 = arith.constant 0 : i32
      %dma_start3A_447 = tpu.memref_slice %arg8[%dma_start3A_440, %dma_start3A_446] : memref<2x64xi32, #tpu.memory_space<vmem>> -> memref<1x64xi32, #tpu.memory_space<vmem>>
      %dma_start3A_448 = tpu.memref_squeeze %dma_start3A_447 : memref<1x64xi32, #tpu.memory_space<vmem>> -> memref<64xi32, #tpu.memory_space<vmem>>
      %dma_start3A_449 = arith.constant 0 : i32
      %dma_start3A_450 = arith.constant 0 : i32
      %dma_start3A_451 = tpu.memref_slice %arg11[%dma_start3A_449, %dma_start3A_450] : memref<12545x128xf32, #tpu.memory_space<vmem_shared>> -> memref<12545x128xf32, #tpu.memory_space<vmem_shared>>
      %dma_start3A_452 = tpu.memref_slice %arg13[%dma_start3A_441] : memref<2x!tpu.dma_semaphore, #tpu.memory_space<semaphore_mem>> -> memref<1x!tpu.dma_semaphore, #tpu.memory_space<semaphore_mem>>
      %dma_start3A_453 = tpu.memref_squeeze %dma_start3A_452 : memref<1x!tpu.dma_semaphore, #tpu.memory_space<semaphore_mem>> -> memref<!tpu.dma_semaphore, #tpu.memory_space<semaphore_mem>>
      tpu.enqueue_indirect_dma source(%dma_start3A_445 : memref<64x128xf32, #tpu.memory_space<vmem>>) target(%dma_start3A_451 : memref<12545x128xf32, #tpu.memory_space<vmem_shared>>) offsets(%dma_start3A_448 : memref<64xi32, #tpu.memory_space<vmem>>) semaphore(%dma_start3A_453 : memref<!tpu.dma_semaphore, #tpu.memory_space<semaphore_mem>>) {add = true}
    }
    %while3A_69 = arith.constant 1 : i32
    scf.for %while3A_184 = %while3A_67 to %while3A_63 step %while3A_69  : i32 {
      %gt3A_185 = arith.constant 0 : i32
      %gt3A_186 = arith.cmpi sgt, %while3A_184, %gt3A_185 : i32
      %convert_element_type3A_187 = arith.extui %gt3A_186 : i1 to i32
      %cond3A_188 = arith.constant 0 : i32
      %cond3A_189 = arith.cmpi ne, %convert_element_type3A_187, %cond3A_188 : i32
      scf.if %cond3A_189 {
        %dma_wait3A_454 = arith.constant 0 : i32
        %dma_wait3A_455 = arith.constant 0 : i32
        %dma_wait3A_456 = arith.constant 0 : i32
        %dma_wait3A_457 = arith.constant 0 : i32
        %dma_wait3A_458 = tpu.memref_slice %arg10[%dma_wait3A_454, %dma_wait3A_456, %dma_wait3A_457] : memref<2x64x128xf32, #tpu.memory_space<vmem>> -> memref<1x64x128xf32, #tpu.memory_space<vmem>>
        %dma_wait3A_459 = tpu.memref_squeeze %dma_wait3A_458 : memref<1x64x128xf32, #tpu.memory_space<vmem>> -> memref<64x128xf32, #tpu.memory_space<vmem>>
        %dma_wait3A_460 = arith.constant 0 : i32
        %dma_wait3A_461 = arith.constant 0 : i32
        %dma_wait3A_462 = tpu.memref_slice %arg11[%dma_wait3A_460, %dma_wait3A_461] : memref<12545x128xf32, #tpu.memory_space<vmem_shared>> -> memref<64x128xf32, #tpu.memory_space<vmem_shared>>
        %dma_wait3A_463 = tpu.memref_slice %arg13[%dma_wait3A_455] : memref<2x!tpu.dma_semaphore, #tpu.memory_space<semaphore_mem>> -> memref<1x!tpu.dma_semaphore, #tpu.memory_space<semaphore_mem>>
        %dma_wait3A_464 = tpu.memref_squeeze %dma_wait3A_463 : memref<1x!tpu.dma_semaphore, #tpu.memory_space<semaphore_mem>> -> memref<!tpu.dma_semaphore, #tpu.memory_space<semaphore_mem>>
        %dma_wait3A_465 = arith.constant 0 : i32
        %dma_wait3A_466 = arith.constant 0 : i32
        %dma_wait3A_467 = tpu.memref_slice %arg11[%dma_wait3A_465, %dma_wait3A_466] : memref<12545x128xf32, #tpu.memory_space<vmem_shared>> -> memref<64x128xf32, #tpu.memory_space<vmem_shared>>
        %dma_wait3A_468 = arith.constant 0 : i32
        %dma_wait3A_469 = arith.constant 0 : i32
        %dma_wait3A_470 = tpu.memref_slice %arg10[%dma_wait3A_454, %dma_wait3A_468, %dma_wait3A_469] : memref<2x64x128xf32, #tpu.memory_space<vmem>> -> memref<1x64x128xf32, #tpu.memory_space<vmem>>
        %dma_wait3A_471 = tpu.memref_squeeze %dma_wait3A_470 : memref<1x64x128xf32, #tpu.memory_space<vmem>> -> memref<64x128xf32, #tpu.memory_space<vmem>>
        tpu.wait_dma2 semaphore(%dma_wait3A_464 : memref<!tpu.dma_semaphore, #tpu.memory_space<semaphore_mem>>) src(%dma_wait3A_471 : memref<64x128xf32, #tpu.memory_space<vmem>>) dst(%dma_wait3A_467 : memref<64x128xf32, #tpu.memory_space<vmem_shared>>)
      } else {
      }
      %mul3A_190 = arith.constant 2 : i32
      %mul3A_191 = arith.muli %while3A_184, %mul3A_190 : i32
      %add3A_192 = arith.constant 0 : i32
      %add3A_193 = arith.addi %mul3A_191, %add3A_192 : i32
      %mul3A_194 = arith.constant 64 : i32
      %mul3A_195 = arith.muli %add3A_193, %mul3A_194 : i32
      %add3A_196 = arith.constant 0 : i32
      %add3A_197 = arith.addi %mul3A_195, %add3A_196 : i32
      %get3A = arith.index_cast %add3A_197 : i32 to index
      %get3A_198 = tpu.vector_load %arg7[%get3A] {strides = array<i32>} : memref<8320xi32, #tpu.memory_space<vmem>>, vector<16xi32>,
      %and3A_199 = arith.constant 16383 : i32
      %and3A_200 = vector.broadcast %and3A_199 : i32 to vector<16xi32>
      %and3A_201 = arith.andi %get3A_198, %and3A_200 : vector<16xi32>
      %swap3A = arith.constant 0 : i32
      %swap3A_202 = arith.index_cast %swap3A : i32 to index
      %swap3A_203 = arith.constant 0 : index
      %swap3A_204 = tpu.vector_load %arg8[%swap3A_202, %swap3A_203] {strides = array<i32>} : memref<2x64xi32, #tpu.memory_space<vmem>>, vector<16xi32>,
      tpu.vector_store %arg8[%swap3A_202, %swap3A_203], %and3A_201 {strides = array<i32>} : memref<2x64xi32, #tpu.memory_space<vmem>>, vector<16xi32>,
      %shift_right_logical3A = arith.constant 14 : i32
      %shift_right_logical3A_205 = vector.broadcast %shift_right_logical3A : i32 to vector<16xi32>
      %shift_right_logical3A_206 = arith.shrui %get3A_198, %shift_right_logical3A_205 : vector<16xi32>
      %swap3A_207 = arith.constant 0 : i32
      %swap3A_208 = arith.index_cast %swap3A_207 : i32 to index
      %swap3A_209 = arith.constant 0 : index
      %swap3A_210 = tpu.vector_load %arg9[%swap3A_208, %swap3A_209] {strides = array<i32>} : memref<2x64xi32, #tpu.memory_space<vmem>>, vector<16xi32>,
      tpu.vector_store %arg9[%swap3A_208, %swap3A_209], %shift_right_logical3A_206 {strides = array<i32>} : memref<2x64xi32, #tpu.memory_space<vmem>>, vector<16xi32>,
      %mul3A_211 = arith.constant 64 : i32
      %mul3A_212 = arith.muli %add3A_193, %mul3A_211 : i32
      %add3A_213 = arith.constant 16 : i32
      %add3A_214 = arith.addi %mul3A_212, %add3A_213 : i32
      %get3A_215 = arith.index_cast %add3A_214 : i32 to index
      %get3A_216 = tpu.vector_load %arg7[%get3A_215] {strides = array<i32>} : memref<8320xi32, #tpu.memory_space<vmem>>, vector<16xi32>,
      %and3A_217 = arith.constant 16383 : i32
      %and3A_218 = vector.broadcast %and3A_217 : i32 to vector<16xi32>
      %and3A_219 = arith.andi %get3A_216, %and3A_218 : vector<16xi32>
      %swap3A_220 = arith.constant 0 : i32
      %swap3A_221 = arith.index_cast %swap3A_220 : i32 to index
      %swap3A_222 = arith.constant 16 : index
      %swap3A_223 = tpu.vector_load %arg8[%swap3A_221, %swap3A_222] {strides = array<i32>} : memref<2x64xi32, #tpu.memory_space<vmem>>, vector<16xi32>,
      tpu.vector_store %arg8[%swap3A_221, %swap3A_222], %and3A_219 {strides = array<i32>} : memref<2x64xi32, #tpu.memory_space<vmem>>, vector<16xi32>,
      %shift_right_logical3A_224 = arith.constant 14 : i32
      %shift_right_logical3A_225 = vector.broadcast %shift_right_logical3A_224 : i32 to vector<16xi32>
      %shift_right_logical3A_226 = arith.shrui %get3A_216, %shift_right_logical3A_225 : vector<16xi32>
      %swap3A_227 = arith.constant 0 : i32
      %swap3A_228 = arith.index_cast %swap3A_227 : i32 to index
      %swap3A_229 = arith.constant 16 : index
      %swap3A_230 = tpu.vector_load %arg9[%swap3A_228, %swap3A_229] {strides = array<i32>} : memref<2x64xi32, #tpu.memory_space<vmem>>, vector<16xi32>,
      tpu.vector_store %arg9[%swap3A_228, %swap3A_229], %shift_right_logical3A_226 {strides = array<i32>} : memref<2x64xi32, #tpu.memory_space<vmem>>, vector<16xi32>,
      %mul3A_231 = arith.constant 64 : i32
      %mul3A_232 = arith.muli %add3A_193, %mul3A_231 : i32
      %add3A_233 = arith.constant 32 : i32
      %add3A_234 = arith.addi %mul3A_232, %add3A_233 : i32
      %get3A_235 = arith.index_cast %add3A_234 : i32 to index
      %get3A_236 = tpu.vector_load %arg7[%get3A_235] {strides = array<i32>} : memref<8320xi32, #tpu.memory_space<vmem>>, vector<16xi32>,
      %and3A_237 = arith.constant 16383 : i32
      %and3A_238 = vector.broadcast %and3A_237 : i32 to vector<16xi32>
      %and3A_239 = arith.andi %get3A_236, %and3A_238 : vector<16xi32>
      %swap3A_240 = arith.constant 0 : i32
      %swap3A_241 = arith.index_cast %swap3A_240 : i32 to index
      %swap3A_242 = arith.constant 32 : index
      %swap3A_243 = tpu.vector_load %arg8[%swap3A_241, %swap3A_242] {strides = array<i32>} : memref<2x64xi32, #tpu.memory_space<vmem>>, vector<16xi32>,
      tpu.vector_store %arg8[%swap3A_241, %swap3A_242], %and3A_239 {strides = array<i32>} : memref<2x64xi32, #tpu.memory_space<vmem>>, vector<16xi32>,
      %shift_right_logical3A_244 = arith.constant 14 : i32
      %shift_right_logical3A_245 = vector.broadcast %shift_right_logical3A_244 : i32 to vector<16xi32>
      %shift_right_logical3A_246 = arith.shrui %get3A_236, %shift_right_logical3A_245 : vector<16xi32>
      %swap3A_247 = arith.constant 0 : i32
      %swap3A_248 = arith.index_cast %swap3A_247 : i32 to index
      %swap3A_249 = arith.constant 32 : index
      %swap3A_250 = tpu.vector_load %arg9[%swap3A_248, %swap3A_249] {strides = array<i32>} : memref<2x64xi32, #tpu.memory_space<vmem>>, vector<16xi32>,
      tpu.vector_store %arg9[%swap3A_248, %swap3A_249], %shift_right_logical3A_246 {strides = array<i32>} : memref<2x64xi32, #tpu.memory_space<vmem>>, vector<16xi32>,
      %mul3A_251 = arith.constant 64 : i32
      %mul3A_252 = arith.muli %add3A_193, %mul3A_251 : i32
      %add3A_253 = arith.constant 48 : i32
      %add3A_254 = arith.addi %mul3A_252, %add3A_253 : i32
      %get3A_255 = arith.index_cast %add3A_254 : i32 to index
      %get3A_256 = tpu.vector_load %arg7[%get3A_255] {strides = array<i32>} : memref<8320xi32, #tpu.memory_space<vmem>>, vector<16xi32>,
      %and3A_257 = arith.constant 16383 : i32
      %and3A_258 = vector.broadcast %and3A_257 : i32 to vector<16xi32>
      %and3A_259 = arith.andi %get3A_256, %and3A_258 : vector<16xi32>
      %swap3A_260 = arith.constant 0 : i32
      %swap3A_261 = arith.index_cast %swap3A_260 : i32 to index
      %swap3A_262 = arith.constant 48 : index
      %swap3A_263 = tpu.vector_load %arg8[%swap3A_261, %swap3A_262] {strides = array<i32>} : memref<2x64xi32, #tpu.memory_space<vmem>>, vector<16xi32>,
      tpu.vector_store %arg8[%swap3A_261, %swap3A_262], %and3A_259 {strides = array<i32>} : memref<2x64xi32, #tpu.memory_space<vmem>>, vector<16xi32>,
      %shift_right_logical3A_264 = arith.constant 14 : i32
      %shift_right_logical3A_265 = vector.broadcast %shift_right_logical3A_264 : i32 to vector<16xi32>
      %shift_right_logical3A_266 = arith.shrui %get3A_256, %shift_right_logical3A_265 : vector<16xi32>
      %swap3A_267 = arith.constant 0 : i32
      %swap3A_268 = arith.index_cast %swap3A_267 : i32 to index
      %swap3A_269 = arith.constant 48 : index
      %swap3A_270 = tpu.vector_load %arg9[%swap3A_268, %swap3A_269] {strides = array<i32>} : memref<2x64xi32, #tpu.memory_space<vmem>>, vector<16xi32>,
      tpu.vector_store %arg9[%swap3A_268, %swap3A_269], %shift_right_logical3A_266 {strides = array<i32>} : memref<2x64xi32, #tpu.memory_space<vmem>>, vector<16xi32>,
      %dma_start3A = arith.constant 0 : i32
      %dma_start3A_271 = arith.constant 0 : i32
      %dma_start3A_272 = arith.constant 0 : i32
      %dma_start3A_273 = arith.constant 0 : i32
      %dma_start3A_274 = arith.constant 0 : i32
      %dma_start3A_275 = tpu.memref_slice %arg10[%dma_start3A_271, %dma_start3A_273, %dma_start3A_274] : memref<2x64x128xf32, #tpu.memory_space<vmem>> -> memref<1x64x128xf32, #tpu.memory_space<vmem>>
      %dma_start3A_276 = tpu.memref_squeeze %dma_start3A_275 : memref<1x64x128xf32, #tpu.memory_space<vmem>> -> memref<64x128xf32, #tpu.memory_space<vmem>>
      %dma_start3A_277 = arith.constant 0 : i32
      %dma_start3A_278 = tpu.memref_slice %arg9[%dma_start3A, %dma_start3A_277] : memref<2x64xi32, #tpu.memory_space<vmem>> -> memref<1x64xi32, #tpu.memory_space<vmem>>
      %dma_start3A_279 = tpu.memref_squeeze %dma_start3A_278 : memref<1x64xi32, #tpu.memory_space<vmem>> -> memref<64xi32, #tpu.memory_space<vmem>>
      %dma_start3A_280 = arith.constant 0 : i32
      %dma_start3A_281 = arith.constant 0 : i32
      %dma_start3A_282 = tpu.memref_slice %arg3[%dma_start3A_280, %dma_start3A_281] : memref<2048x128xf32, #tpu.memory_space<hbm>> -> memref<2048x128xf32, #tpu.memory_space<hbm>>
      %dma_start3A_283 = tpu.memref_slice %arg12[%dma_start3A_272] : memref<2x!tpu.dma_semaphore, #tpu.memory_space<semaphore_mem>> -> memref<1x!tpu.dma_semaphore, #tpu.memory_space<semaphore_mem>>
      %dma_start3A_284 = tpu.memref_squeeze %dma_start3A_283 : memref<1x!tpu.dma_semaphore, #tpu.memory_space<semaphore_mem>> -> memref<!tpu.dma_semaphore, #tpu.memory_space<semaphore_mem>>
      tpu.enqueue_indirect_dma source(%dma_start3A_282 : memref<2048x128xf32, #tpu.memory_space<hbm>>) target(%dma_start3A_276 : memref<64x128xf32, #tpu.memory_space<vmem>>) offsets(%dma_start3A_279 : memref<64xi32, #tpu.memory_space<vmem>>) semaphore(%dma_start3A_284 : memref<!tpu.dma_semaphore, #tpu.memory_space<semaphore_mem>>)
      %gt3A_285 = arith.constant 0 : i32
      %gt3A_286 = arith.cmpi sgt, %while3A_184, %gt3A_285 : i32
      %convert_element_type3A_287 = arith.extui %gt3A_286 : i1 to i32
      %cond3A_288 = arith.constant 0 : i32
      %cond3A_289 = arith.cmpi ne, %convert_element_type3A_287, %cond3A_288 : i32
      scf.if %cond3A_289 {
        %dma_wait3A_454 = arith.constant 1 : i32
        %dma_wait3A_455 = arith.constant 1 : i32
        %dma_wait3A_456 = arith.constant 0 : i32
        %dma_wait3A_457 = arith.constant 0 : i32
        %dma_wait3A_458 = tpu.memref_slice %arg10[%dma_wait3A_454, %dma_wait3A_456, %dma_wait3A_457] : memref<2x64x128xf32, #tpu.memory_space<vmem>> -> memref<1x64x128xf32, #tpu.memory_space<vmem>>
        %dma_wait3A_459 = tpu.memref_squeeze %dma_wait3A_458 : memref<1x64x128xf32, #tpu.memory_space<vmem>> -> memref<64x128xf32, #tpu.memory_space<vmem>>
        %dma_wait3A_460 = arith.constant 0 : i32
        %dma_wait3A_461 = arith.constant 0 : i32
        %dma_wait3A_462 = tpu.memref_slice %arg11[%dma_wait3A_460, %dma_wait3A_461] : memref<12545x128xf32, #tpu.memory_space<vmem_shared>> -> memref<64x128xf32, #tpu.memory_space<vmem_shared>>
        %dma_wait3A_463 = tpu.memref_slice %arg13[%dma_wait3A_455] : memref<2x!tpu.dma_semaphore, #tpu.memory_space<semaphore_mem>> -> memref<1x!tpu.dma_semaphore, #tpu.memory_space<semaphore_mem>>
        %dma_wait3A_464 = tpu.memref_squeeze %dma_wait3A_463 : memref<1x!tpu.dma_semaphore, #tpu.memory_space<semaphore_mem>> -> memref<!tpu.dma_semaphore, #tpu.memory_space<semaphore_mem>>
        %dma_wait3A_465 = arith.constant 0 : i32
        %dma_wait3A_466 = arith.constant 0 : i32
        %dma_wait3A_467 = tpu.memref_slice %arg11[%dma_wait3A_465, %dma_wait3A_466] : memref<12545x128xf32, #tpu.memory_space<vmem_shared>> -> memref<64x128xf32, #tpu.memory_space<vmem_shared>>
        %dma_wait3A_468 = arith.constant 0 : i32
        %dma_wait3A_469 = arith.constant 0 : i32
        %dma_wait3A_470 = tpu.memref_slice %arg10[%dma_wait3A_454, %dma_wait3A_468, %dma_wait3A_469] : memref<2x64x128xf32, #tpu.memory_space<vmem>> -> memref<1x64x128xf32, #tpu.memory_space<vmem>>
        %dma_wait3A_471 = tpu.memref_squeeze %dma_wait3A_470 : memref<1x64x128xf32, #tpu.memory_space<vmem>> -> memref<64x128xf32, #tpu.memory_space<vmem>>
        tpu.wait_dma2 semaphore(%dma_wait3A_464 : memref<!tpu.dma_semaphore, #tpu.memory_space<semaphore_mem>>) src(%dma_wait3A_471 : memref<64x128xf32, #tpu.memory_space<vmem>>) dst(%dma_wait3A_467 : memref<64x128xf32, #tpu.memory_space<vmem_shared>>)
      } else {
      }
      %mul3A_290 = arith.constant 2 : i32
      %mul3A_291 = arith.muli %while3A_184, %mul3A_290 : i32
      %add3A_292 = arith.constant 1 : i32
      %add3A_293 = arith.addi %mul3A_291, %add3A_292 : i32
      %mul3A_294 = arith.constant 64 : i32
      %mul3A_295 = arith.muli %add3A_293, %mul3A_294 : i32
      %add3A_296 = arith.constant 0 : i32
      %add3A_297 = arith.addi %mul3A_295, %add3A_296 : i32
      %get3A_298 = arith.index_cast %add3A_297 : i32 to index
      %get3A_299 = tpu.vector_load %arg7[%get3A_298] {strides = array<i32>} : memref<8320xi32, #tpu.memory_space<vmem>>, vector<16xi32>,
      %and3A_300 = arith.constant 16383 : i32
      %and3A_301 = vector.broadcast %and3A_300 : i32 to vector<16xi32>
      %and3A_302 = arith.andi %get3A_299, %and3A_301 : vector<16xi32>
      %swap3A_303 = arith.constant 1 : i32
      %swap3A_304 = arith.index_cast %swap3A_303 : i32 to index
      %swap3A_305 = arith.constant 0 : index
      %swap3A_306 = tpu.vector_load %arg8[%swap3A_304, %swap3A_305] {strides = array<i32>} : memref<2x64xi32, #tpu.memory_space<vmem>>, vector<16xi32>,
      tpu.vector_store %arg8[%swap3A_304, %swap3A_305], %and3A_302 {strides = array<i32>} : memref<2x64xi32, #tpu.memory_space<vmem>>, vector<16xi32>,
      %shift_right_logical3A_307 = arith.constant 14 : i32
      %shift_right_logical3A_308 = vector.broadcast %shift_right_logical3A_307 : i32 to vector<16xi32>
      %shift_right_logical3A_309 = arith.shrui %get3A_299, %shift_right_logical3A_308 : vector<16xi32>
      %swap3A_310 = arith.constant 1 : i32
      %swap3A_311 = arith.index_cast %swap3A_310 : i32 to index
      %swap3A_312 = arith.constant 0 : index
      %swap3A_313 = tpu.vector_load %arg9[%swap3A_311, %swap3A_312] {strides = array<i32>} : memref<2x64xi32, #tpu.memory_space<vmem>>, vector<16xi32>,
      tpu.vector_store %arg9[%swap3A_311, %swap3A_312], %shift_right_logical3A_309 {strides = array<i32>} : memref<2x64xi32, #tpu.memory_space<vmem>>, vector<16xi32>,
      %mul3A_314 = arith.constant 64 : i32
      %mul3A_315 = arith.muli %add3A_293, %mul3A_314 : i32
      %add3A_316 = arith.constant 16 : i32
      %add3A_317 = arith.addi %mul3A_315, %add3A_316 : i32
      %get3A_318 = arith.index_cast %add3A_317 : i32 to index
      %get3A_319 = tpu.vector_load %arg7[%get3A_318] {strides = array<i32>} : memref<8320xi32, #tpu.memory_space<vmem>>, vector<16xi32>,
      %and3A_320 = arith.constant 16383 : i32
      %and3A_321 = vector.broadcast %and3A_320 : i32 to vector<16xi32>
      %and3A_322 = arith.andi %get3A_319, %and3A_321 : vector<16xi32>
      %swap3A_323 = arith.constant 1 : i32
      %swap3A_324 = arith.index_cast %swap3A_323 : i32 to index
      %swap3A_325 = arith.constant 16 : index
      %swap3A_326 = tpu.vector_load %arg8[%swap3A_324, %swap3A_325] {strides = array<i32>} : memref<2x64xi32, #tpu.memory_space<vmem>>, vector<16xi32>,
      tpu.vector_store %arg8[%swap3A_324, %swap3A_325], %and3A_322 {strides = array<i32>} : memref<2x64xi32, #tpu.memory_space<vmem>>, vector<16xi32>,
      %shift_right_logical3A_327 = arith.constant 14 : i32
      %shift_right_logical3A_328 = vector.broadcast %shift_right_logical3A_327 : i32 to vector<16xi32>
      %shift_right_logical3A_329 = arith.shrui %get3A_319, %shift_right_logical3A_328 : vector<16xi32>
      %swap3A_330 = arith.constant 1 : i32
      %swap3A_331 = arith.index_cast %swap3A_330 : i32 to index
      %swap3A_332 = arith.constant 16 : index
      %swap3A_333 = tpu.vector_load %arg9[%swap3A_331, %swap3A_332] {strides = array<i32>} : memref<2x64xi32, #tpu.memory_space<vmem>>, vector<16xi32>,
      tpu.vector_store %arg9[%swap3A_331, %swap3A_332], %shift_right_logical3A_329 {strides = array<i32>} : memref<2x64xi32, #tpu.memory_space<vmem>>, vector<16xi32>,
      %mul3A_334 = arith.constant 64 : i32
      %mul3A_335 = arith.muli %add3A_293, %mul3A_334 : i32
      %add3A_336 = arith.constant 32 : i32
      %add3A_337 = arith.addi %mul3A_335, %add3A_336 : i32
      %get3A_338 = arith.index_cast %add3A_337 : i32 to index
      %get3A_339 = tpu.vector_load %arg7[%get3A_338] {strides = array<i32>} : memref<8320xi32, #tpu.memory_space<vmem>>, vector<16xi32>,
      %and3A_340 = arith.constant 16383 : i32
      %and3A_341 = vector.broadcast %and3A_340 : i32 to vector<16xi32>
      %and3A_342 = arith.andi %get3A_339, %and3A_341 : vector<16xi32>
      %swap3A_343 = arith.constant 1 : i32
      %swap3A_344 = arith.index_cast %swap3A_343 : i32 to index
      %swap3A_345 = arith.constant 32 : index
      %swap3A_346 = tpu.vector_load %arg8[%swap3A_344, %swap3A_345] {strides = array<i32>} : memref<2x64xi32, #tpu.memory_space<vmem>>, vector<16xi32>,
      tpu.vector_store %arg8[%swap3A_344, %swap3A_345], %and3A_342 {strides = array<i32>} : memref<2x64xi32, #tpu.memory_space<vmem>>, vector<16xi32>,
      %shift_right_logical3A_347 = arith.constant 14 : i32
      %shift_right_logical3A_348 = vector.broadcast %shift_right_logical3A_347 : i32 to vector<16xi32>
      %shift_right_logical3A_349 = arith.shrui %get3A_339, %shift_right_logical3A_348 : vector<16xi32>
      %swap3A_350 = arith.constant 1 : i32
      %swap3A_351 = arith.index_cast %swap3A_350 : i32 to index
      %swap3A_352 = arith.constant 32 : index
      %swap3A_353 = tpu.vector_load %arg9[%swap3A_351, %swap3A_352] {strides = array<i32>} : memref<2x64xi32, #tpu.memory_space<vmem>>, vector<16xi32>,
      tpu.vector_store %arg9[%swap3A_351, %swap3A_352], %shift_right_logical3A_349 {strides = array<i32>} : memref<2x64xi32, #tpu.memory_space<vmem>>, vector<16xi32>,
      %mul3A_354 = arith.constant 64 : i32
      %mul3A_355 = arith.muli %add3A_293, %mul3A_354 : i32
      %add3A_356 = arith.constant 48 : i32
      %add3A_357 = arith.addi %mul3A_355, %add3A_356 : i32
      %get3A_358 = arith.index_cast %add3A_357 : i32 to index
      %get3A_359 = tpu.vector_load %arg7[%get3A_358] {strides = array<i32>} : memref<8320xi32, #tpu.memory_space<vmem>>, vector<16xi32>,
      %and3A_360 = arith.constant 16383 : i32
      %and3A_361 = vector.broadcast %and3A_360 : i32 to vector<16xi32>
      %and3A_362 = arith.andi %get3A_359, %and3A_361 : vector<16xi32>
      %swap3A_363 = arith.constant 1 : i32
      %swap3A_364 = arith.index_cast %swap3A_363 : i32 to index
      %swap3A_365 = arith.constant 48 : index
      %swap3A_366 = tpu.vector_load %arg8[%swap3A_364, %swap3A_365] {strides = array<i32>} : memref<2x64xi32, #tpu.memory_space<vmem>>, vector<16xi32>,
      tpu.vector_store %arg8[%swap3A_364, %swap3A_365], %and3A_362 {strides = array<i32>} : memref<2x64xi32, #tpu.memory_space<vmem>>, vector<16xi32>,
      %shift_right_logical3A_367 = arith.constant 14 : i32
      %shift_right_logical3A_368 = vector.broadcast %shift_right_logical3A_367 : i32 to vector<16xi32>
      %shift_right_logical3A_369 = arith.shrui %get3A_359, %shift_right_logical3A_368 : vector<16xi32>
      %swap3A_370 = arith.constant 1 : i32
      %swap3A_371 = arith.index_cast %swap3A_370 : i32 to index
      %swap3A_372 = arith.constant 48 : index
      %swap3A_373 = tpu.vector_load %arg9[%swap3A_371, %swap3A_372] {strides = array<i32>} : memref<2x64xi32, #tpu.memory_space<vmem>>, vector<16xi32>,
      tpu.vector_store %arg9[%swap3A_371, %swap3A_372], %shift_right_logical3A_369 {strides = array<i32>} : memref<2x64xi32, #tpu.memory_space<vmem>>, vector<16xi32>,
      %dma_start3A_374 = arith.constant 1 : i32
      %dma_start3A_375 = arith.constant 1 : i32
      %dma_start3A_376 = arith.constant 1 : i32
      %dma_start3A_377 = arith.constant 0 : i32
      %dma_start3A_378 = arith.constant 0 : i32
      %dma_start3A_379 = tpu.memref_slice %arg10[%dma_start3A_375, %dma_start3A_377, %dma_start3A_378] : memref<2x64x128xf32, #tpu.memory_space<vmem>> -> memref<1x64x128xf32, #tpu.memory_space<vmem>>
      %dma_start3A_380 = tpu.memref_squeeze %dma_start3A_379 : memref<1x64x128xf32, #tpu.memory_space<vmem>> -> memref<64x128xf32, #tpu.memory_space<vmem>>
      %dma_start3A_381 = arith.constant 0 : i32
      %dma_start3A_382 = tpu.memref_slice %arg9[%dma_start3A_374, %dma_start3A_381] : memref<2x64xi32, #tpu.memory_space<vmem>> -> memref<1x64xi32, #tpu.memory_space<vmem>>
      %dma_start3A_383 = tpu.memref_squeeze %dma_start3A_382 : memref<1x64xi32, #tpu.memory_space<vmem>> -> memref<64xi32, #tpu.memory_space<vmem>>
      %dma_start3A_384 = arith.constant 0 : i32
      %dma_start3A_385 = arith.constant 0 : i32
      %dma_start3A_386 = tpu.memref_slice %arg3[%dma_start3A_384, %dma_start3A_385] : memref<2048x128xf32, #tpu.memory_space<hbm>> -> memref<2048x128xf32, #tpu.memory_space<hbm>>
      %dma_start3A_387 = tpu.memref_slice %arg12[%dma_start3A_376] : memref<2x!tpu.dma_semaphore, #tpu.memory_space<semaphore_mem>> -> memref<1x!tpu.dma_semaphore, #tpu.memory_space<semaphore_mem>>
      %dma_start3A_388 = tpu.memref_squeeze %dma_start3A_387 : memref<1x!tpu.dma_semaphore, #tpu.memory_space<semaphore_mem>> -> memref<!tpu.dma_semaphore, #tpu.memory_space<semaphore_mem>>
      tpu.enqueue_indirect_dma source(%dma_start3A_386 : memref<2048x128xf32, #tpu.memory_space<hbm>>) target(%dma_start3A_380 : memref<64x128xf32, #tpu.memory_space<vmem>>) offsets(%dma_start3A_383 : memref<64xi32, #tpu.memory_space<vmem>>) semaphore(%dma_start3A_388 : memref<!tpu.dma_semaphore, #tpu.memory_space<semaphore_mem>>)
      %dma_wait3A = arith.constant 0 : i32
      %dma_wait3A_389 = arith.constant 0 : i32
      %dma_wait3A_390 = arith.constant 0 : i32
      %dma_wait3A_391 = arith.constant 0 : i32
      %dma_wait3A_392 = tpu.memref_slice %arg10[%dma_wait3A, %dma_wait3A_390, %dma_wait3A_391] : memref<2x64x128xf32, #tpu.memory_space<vmem>> -> memref<1x64x128xf32, #tpu.memory_space<vmem>>
      %dma_wait3A_393 = tpu.memref_squeeze %dma_wait3A_392 : memref<1x64x128xf32, #tpu.memory_space<vmem>> -> memref<64x128xf32, #tpu.memory_space<vmem>>
      %dma_wait3A_394 = arith.constant 0 : i32
      %dma_wait3A_395 = arith.constant 0 : i32
      %dma_wait3A_396 = tpu.memref_slice %arg3[%dma_wait3A_394, %dma_wait3A_395] : memref<2048x128xf32, #tpu.memory_space<hbm>> -> memref<64x128xf32, #tpu.memory_space<hbm>>
      %dma_wait3A_397 = tpu.memref_slice %arg12[%dma_wait3A_389] : memref<2x!tpu.dma_semaphore, #tpu.memory_space<semaphore_mem>> -> memref<1x!tpu.dma_semaphore, #tpu.memory_space<semaphore_mem>>
      %dma_wait3A_398 = tpu.memref_squeeze %dma_wait3A_397 : memref<1x!tpu.dma_semaphore, #tpu.memory_space<semaphore_mem>> -> memref<!tpu.dma_semaphore, #tpu.memory_space<semaphore_mem>>
      %dma_wait3A_399 = arith.constant 0 : i32
      %dma_wait3A_400 = arith.constant 0 : i32
      %dma_wait3A_401 = tpu.memref_slice %arg10[%dma_wait3A, %dma_wait3A_399, %dma_wait3A_400] : memref<2x64x128xf32, #tpu.memory_space<vmem>> -> memref<1x64x128xf32, #tpu.memory_space<vmem>>
      %dma_wait3A_402 = tpu.memref_squeeze %dma_wait3A_401 : memref<1x64x128xf32, #tpu.memory_space<vmem>> -> memref<64x128xf32, #tpu.memory_space<vmem>>
      %dma_wait3A_403 = arith.constant 0 : i32
      %dma_wait3A_404 = arith.constant 0 : i32
      %dma_wait3A_405 = tpu.memref_slice %arg3[%dma_wait3A_403, %dma_wait3A_404] : memref<2048x128xf32, #tpu.memory_space<hbm>> -> memref<64x128xf32, #tpu.memory_space<hbm>>
      tpu.wait_dma2 semaphore(%dma_wait3A_398 : memref<!tpu.dma_semaphore, #tpu.memory_space<semaphore_mem>>) src(%dma_wait3A_405 : memref<64x128xf32, #tpu.memory_space<hbm>>) dst(%dma_wait3A_402 : memref<64x128xf32, #tpu.memory_space<vmem>>)
      %dma_start3A_406 = arith.constant 0 : i32
      %dma_start3A_407 = arith.constant 0 : i32
      %dma_start3A_408 = arith.constant 0 : i32
      %dma_start3A_409 = arith.constant 0 : i32
      %dma_start3A_410 = arith.constant 0 : i32
      %dma_start3A_411 = tpu.memref_slice %arg10[%dma_start3A_406, %dma_start3A_409, %dma_start3A_410] : memref<2x64x128xf32, #tpu.memory_space<vmem>> -> memref<1x64x128xf32, #tpu.memory_space<vmem>>
      %dma_start3A_412 = tpu.memref_squeeze %dma_start3A_411 : memref<1x64x128xf32, #tpu.memory_space<vmem>> -> memref<64x128xf32, #tpu.memory_space<vmem>>
      %dma_start3A_413 = arith.constant 0 : i32
      %dma_start3A_414 = tpu.memref_slice %arg8[%dma_start3A_407, %dma_start3A_413] : memref<2x64xi32, #tpu.memory_space<vmem>> -> memref<1x64xi32, #tpu.memory_space<vmem>>
      %dma_start3A_415 = tpu.memref_squeeze %dma_start3A_414 : memref<1x64xi32, #tpu.memory_space<vmem>> -> memref<64xi32, #tpu.memory_space<vmem>>
      %dma_start3A_416 = arith.constant 0 : i32
      %dma_start3A_417 = arith.constant 0 : i32
      %dma_start3A_418 = tpu.memref_slice %arg11[%dma_start3A_416, %dma_start3A_417] : memref<12545x128xf32, #tpu.memory_space<vmem_shared>> -> memref<12545x128xf32, #tpu.memory_space<vmem_shared>>
      %dma_start3A_419 = tpu.memref_slice %arg13[%dma_start3A_408] : memref<2x!tpu.dma_semaphore, #tpu.memory_space<semaphore_mem>> -> memref<1x!tpu.dma_semaphore, #tpu.memory_space<semaphore_mem>>
      %dma_start3A_420 = tpu.memref_squeeze %dma_start3A_419 : memref<1x!tpu.dma_semaphore, #tpu.memory_space<semaphore_mem>> -> memref<!tpu.dma_semaphore, #tpu.memory_space<semaphore_mem>>
      tpu.enqueue_indirect_dma source(%dma_start3A_412 : memref<64x128xf32, #tpu.memory_space<vmem>>) target(%dma_start3A_418 : memref<12545x128xf32, #tpu.memory_space<vmem_shared>>) offsets(%dma_start3A_415 : memref<64xi32, #tpu.memory_space<vmem>>) semaphore(%dma_start3A_420 : memref<!tpu.dma_semaphore, #tpu.memory_space<semaphore_mem>>) {add = true}
      %dma_wait3A_421 = arith.constant 1 : i32
      %dma_wait3A_422 = arith.constant 1 : i32
      %dma_wait3A_423 = arith.constant 0 : i32
      %dma_wait3A_424 = arith.constant 0 : i32
      %dma_wait3A_425 = tpu.memref_slice %arg10[%dma_wait3A_421, %dma_wait3A_423, %dma_wait3A_424] : memref<2x64x128xf32, #tpu.memory_space<vmem>> -> memref<1x64x128xf32, #tpu.memory_space<vmem>>
      %dma_wait3A_426 = tpu.memref_squeeze %dma_wait3A_425 : memref<1x64x128xf32, #tpu.memory_space<vmem>> -> memref<64x128xf32, #tpu.memory_space<vmem>>
      %dma_wait3A_427 = arith.constant 0 : i32
      %dma_wait3A_428 = arith.constant 0 : i32
      %dma_wait3A_429 = tpu.memref_slice %arg3[%dma_wait3A_427, %dma_wait3A_428] : memref<2048x128xf32, #tpu.memory_space<hbm>> -> memref<64x128xf32, #tpu.memory_space<hbm>>
      %dma_wait3A_430 = tpu.memref_slice %arg12[%dma_wait3A_422] : memref<2x!tpu.dma_semaphore, #tpu.memory_space<semaphore_mem>> -> memref<1x!tpu.dma_semaphore, #tpu.memory_space<semaphore_mem>>
      %dma_wait3A_431 = tpu.memref_squeeze %dma_wait3A_430 : memref<1x!tpu.dma_semaphore, #tpu.memory_space<semaphore_mem>> -> memref<!tpu.dma_semaphore, #tpu.memory_space<semaphore_mem>>
      %dma_wait3A_432 = arith.constant 0 : i32
      %dma_wait3A_433 = arith.constant 0 : i32
      %dma_wait3A_434 = tpu.memref_slice %arg10[%dma_wait3A_421, %dma_wait3A_432, %dma_wait3A_433] : memref<2x64x128xf32, #tpu.memory_space<vmem>> -> memref<1x64x128xf32, #tpu.memory_space<vmem>>
      %dma_wait3A_435 = tpu.memref_squeeze %dma_wait3A_434 : memref<1x64x128xf32, #tpu.memory_space<vmem>> -> memref<64x128xf32, #tpu.memory_space<vmem>>
      %dma_wait3A_436 = arith.constant 0 : i32
      %dma_wait3A_437 = arith.constant 0 : i32
      %dma_wait3A_438 = tpu.memref_slice %arg3[%dma_wait3A_436, %dma_wait3A_437] : memref<2048x128xf32, #tpu.memory_space<hbm>> -> memref<64x128xf32, #tpu.memory_space<hbm>>
      tpu.wait_dma2 semaphore(%dma_wait3A_431 : memref<!tpu.dma_semaphore, #tpu.memory_space<semaphore_mem>>) src(%dma_wait3A_438 : memref<64x128xf32, #tpu.memory_space<hbm>>) dst(%dma_wait3A_435 : memref<64x128xf32, #tpu.memory_space<vmem>>)
      %dma_start3A_439 = arith.constant 1 : i32
      %dma_start3A_440 = arith.constant 1 : i32
      %dma_start3A_441 = arith.constant 1 : i32
      %dma_start3A_442 = arith.constant 0 : i32
      %dma_start3A_443 = arith.constant 0 : i32
      %dma_start3A_444 = tpu.memref_slice %arg10[%dma_start3A_439, %dma_start3A_442, %dma_start3A_443] : memref<2x64x128xf32, #tpu.memory_space<vmem>> -> memref<1x64x128xf32, #tpu.memory_space<vmem>>
      %dma_start3A_445 = tpu.memref_squeeze %dma_start3A_444 : memref<1x64x128xf32, #tpu.memory_space<vmem>> -> memref<64x128xf32, #tpu.memory_space<vmem>>
      %dma_start3A_446 = arith.constant 0 : i32
      %dma_start3A_447 = tpu.memref_slice %arg8[%dma_start3A_440, %dma_start3A_446] : memref<2x64xi32, #tpu.memory_space<vmem>> -> memref<1x64xi32, #tpu.memory_space<vmem>>
      %dma_start3A_448 = tpu.memref_squeeze %dma_start3A_447 : memref<1x64xi32, #tpu.memory_space<vmem>> -> memref<64xi32, #tpu.memory_space<vmem>>
      %dma_start3A_449 = arith.constant 0 : i32
      %dma_start3A_450 = arith.constant 0 : i32
      %dma_start3A_451 = tpu.memref_slice %arg11[%dma_start3A_449, %dma_start3A_450] : memref<12545x128xf32, #tpu.memory_space<vmem_shared>> -> memref<12545x128xf32, #tpu.memory_space<vmem_shared>>
      %dma_start3A_452 = tpu.memref_slice %arg13[%dma_start3A_441] : memref<2x!tpu.dma_semaphore, #tpu.memory_space<semaphore_mem>> -> memref<1x!tpu.dma_semaphore, #tpu.memory_space<semaphore_mem>>
      %dma_start3A_453 = tpu.memref_squeeze %dma_start3A_452 : memref<1x!tpu.dma_semaphore, #tpu.memory_space<semaphore_mem>> -> memref<!tpu.dma_semaphore, #tpu.memory_space<semaphore_mem>>
      tpu.enqueue_indirect_dma source(%dma_start3A_445 : memref<64x128xf32, #tpu.memory_space<vmem>>) target(%dma_start3A_451 : memref<12545x128xf32, #tpu.memory_space<vmem_shared>>) offsets(%dma_start3A_448 : memref<64xi32, #tpu.memory_space<vmem>>) semaphore(%dma_start3A_453 : memref<!tpu.dma_semaphore, #tpu.memory_space<semaphore_mem>>) {add = true}
    }
    %gt3A = arith.constant 0 : i32
    %gt3A_70 = arith.cmpi sgt, %select_n3A_60, %gt3A : i32
    %convert_element_type3A = arith.extui %gt3A_70 : i1 to i32
    %cond3A = arith.constant 0 : i32
    %cond3A_71 = arith.cmpi ne, %convert_element_type3A, %cond3A : i32
    scf.if %cond3A_71 {
      %dma_wait3A = arith.constant 0 : i32
      %dma_wait3A_184 = arith.constant 0 : i32
      %dma_wait3A_185 = arith.constant 0 : i32
      %dma_wait3A_186 = arith.constant 0 : i32
      %dma_wait3A_187 = tpu.memref_slice %arg10[%dma_wait3A, %dma_wait3A_185, %dma_wait3A_186] : memref<2x64x128xf32, #tpu.memory_space<vmem>> -> memref<1x64x128xf32, #tpu.memory_space<vmem>>
      %dma_wait3A_188 = tpu.memref_squeeze %dma_wait3A_187 : memref<1x64x128xf32, #tpu.memory_space<vmem>> -> memref<64x128xf32, #tpu.memory_space<vmem>>
      %dma_wait3A_189 = arith.constant 0 : i32
      %dma_wait3A_190 = arith.constant 0 : i32
      %dma_wait3A_191 = tpu.memref_slice %arg11[%dma_wait3A_189, %dma_wait3A_190] : memref<12545x128xf32, #tpu.memory_space<vmem_shared>> -> memref<64x128xf32, #tpu.memory_space<vmem_shared>>
      %dma_wait3A_192 = tpu.memref_slice %arg13[%dma_wait3A_184] : memref<2x!tpu.dma_semaphore, #tpu.memory_space<semaphore_mem>> -> memref<1x!tpu.dma_semaphore, #tpu.memory_space<semaphore_mem>>
      %dma_wait3A_193 = tpu.memref_squeeze %dma_wait3A_192 : memref<1x!tpu.dma_semaphore, #tpu.memory_space<semaphore_mem>> -> memref<!tpu.dma_semaphore, #tpu.memory_space<semaphore_mem>>
      %dma_wait3A_194 = arith.constant 0 : i32
      %dma_wait3A_195 = arith.constant 0 : i32
      %dma_wait3A_196 = tpu.memref_slice %arg11[%dma_wait3A_194, %dma_wait3A_195] : memref<12545x128xf32, #tpu.memory_space<vmem_shared>> -> memref<64x128xf32, #tpu.memory_space<vmem_shared>>
      %dma_wait3A_197 = arith.constant 0 : i32
      %dma_wait3A_198 = arith.constant 0 : i32
      %dma_wait3A_199 = tpu.memref_slice %arg10[%dma_wait3A, %dma_wait3A_197, %dma_wait3A_198] : memref<2x64x128xf32, #tpu.memory_space<vmem>> -> memref<1x64x128xf32, #tpu.memory_space<vmem>>
      %dma_wait3A_200 = tpu.memref_squeeze %dma_wait3A_199 : memref<1x64x128xf32, #tpu.memory_space<vmem>> -> memref<64x128xf32, #tpu.memory_space<vmem>>
      tpu.wait_dma2 semaphore(%dma_wait3A_193 : memref<!tpu.dma_semaphore, #tpu.memory_space<semaphore_mem>>) src(%dma_wait3A_200 : memref<64x128xf32, #tpu.memory_space<vmem>>) dst(%dma_wait3A_196 : memref<64x128xf32, #tpu.memory_space<vmem_shared>>)
    } else {
    }
    %gt3A_72 = arith.constant 0 : i32
    %gt3A_73 = arith.cmpi sgt, %select_n3A_60, %gt3A_72 : i32
    %convert_element_type3A_74 = arith.extui %gt3A_73 : i1 to i32
    %cond3A_75 = arith.constant 0 : i32
    %cond3A_76 = arith.cmpi ne, %convert_element_type3A_74, %cond3A_75 : i32
    scf.if %cond3A_76 {
      %dma_wait3A = arith.constant 1 : i32
      %dma_wait3A_184 = arith.constant 1 : i32
      %dma_wait3A_185 = arith.constant 0 : i32
      %dma_wait3A_186 = arith.constant 0 : i32
      %dma_wait3A_187 = tpu.memref_slice %arg10[%dma_wait3A, %dma_wait3A_185, %dma_wait3A_186] : memref<2x64x128xf32, #tpu.memory_space<vmem>> -> memref<1x64x128xf32, #tpu.memory_space<vmem>>
      %dma_wait3A_188 = tpu.memref_squeeze %dma_wait3A_187 : memref<1x64x128xf32, #tpu.memory_space<vmem>> -> memref<64x128xf32, #tpu.memory_space<vmem>>
      %dma_wait3A_189 = arith.constant 0 : i32
      %dma_wait3A_190 = arith.constant 0 : i32
      %dma_wait3A_191 = tpu.memref_slice %arg11[%dma_wait3A_189, %dma_wait3A_190] : memref<12545x128xf32, #tpu.memory_space<vmem_shared>> -> memref<64x128xf32, #tpu.memory_space<vmem_shared>>
      %dma_wait3A_192 = tpu.memref_slice %arg13[%dma_wait3A_184] : memref<2x!tpu.dma_semaphore, #tpu.memory_space<semaphore_mem>> -> memref<1x!tpu.dma_semaphore, #tpu.memory_space<semaphore_mem>>
      %dma_wait3A_193 = tpu.memref_squeeze %dma_wait3A_192 : memref<1x!tpu.dma_semaphore, #tpu.memory_space<semaphore_mem>> -> memref<!tpu.dma_semaphore, #tpu.memory_space<semaphore_mem>>
      %dma_wait3A_194 = arith.constant 0 : i32
      %dma_wait3A_195 = arith.constant 0 : i32
      %dma_wait3A_196 = tpu.memref_slice %arg11[%dma_wait3A_194, %dma_wait3A_195] : memref<12545x128xf32, #tpu.memory_space<vmem_shared>> -> memref<64x128xf32, #tpu.memory_space<vmem_shared>>
      %dma_wait3A_197 = arith.constant 0 : i32
      %dma_wait3A_198 = arith.constant 0 : i32
      %dma_wait3A_199 = tpu.memref_slice %arg10[%dma_wait3A, %dma_wait3A_197, %dma_wait3A_198] : memref<2x64x128xf32, #tpu.memory_space<vmem>> -> memref<1x64x128xf32, #tpu.memory_space<vmem>>
      %dma_wait3A_200 = tpu.memref_squeeze %dma_wait3A_199 : memref<1x64x128xf32, #tpu.memory_space<vmem>> -> memref<64x128xf32, #tpu.memory_space<vmem>>
      tpu.wait_dma2 semaphore(%dma_wait3A_193 : memref<!tpu.dma_semaphore, #tpu.memory_space<semaphore_mem>>) src(%dma_wait3A_200 : memref<64x128xf32, #tpu.memory_space<vmem>>) dst(%dma_wait3A_196 : memref<64x128xf32, #tpu.memory_space<vmem_shared>>)
    } else {
    }
    %barrier3A_77 = arith.constant 0 : index
    tpu.barrier barrier_id(%barrier3A_77)
    %mul3A_78 = arith.constant 784 : i32
    %mul3A_79 = arith.muli %arg1, %mul3A_78 : i32
    %mul3A_80 = arith.constant 784 : i32
    %mul3A_81 = arith.muli %arg1, %mul3A_80 : i32
    %add3A_82 = arith.addi %mul3A_3, %mul3A_81 : i32
    "tpu.region"() ({
      %run_scoped3A = tpu.sem_alloc : memref<!tpu.dma_semaphore, #tpu.memory_space<semaphore_mem>>
      %dma_start3A = arith.constant 0 : i32
      %dma_start3A_184 = tpu.memref_slice %arg5[%add3A_82, %dma_start3A] : memref<50176x128xf32, #tpu.memory_space<hbm>> -> memref<784x128xf32, #tpu.memory_space<hbm>>
      %dma_start3A_185 = arith.constant 0 : i32
      %dma_start3A_186 = tpu.memref_slice %arg11[%mul3A_79, %dma_start3A_185] : memref<12545x128xf32, #tpu.memory_space<vmem_shared>> -> memref<784x128xf32, #tpu.memory_space<vmem_shared>>
      tpu.enqueue_dma source(%dma_start3A_186 : memref<784x128xf32, #tpu.memory_space<vmem_shared>>) target(%dma_start3A_184 : memref<784x128xf32, #tpu.memory_space<hbm>>) target_semaphore(%run_scoped3A : memref<!tpu.dma_semaphore, #tpu.memory_space<semaphore_mem>>)
      %dma_wait3A = arith.constant 0 : i32
      %dma_wait3A_187 = tpu.memref_slice %arg5[%add3A_82, %dma_wait3A] : memref<50176x128xf32, #tpu.memory_space<hbm>> -> memref<784x128xf32, #tpu.memory_space<hbm>>
      %dma_wait3A_188 = arith.constant 0 : i32
      %dma_wait3A_189 = tpu.memref_slice %arg11[%mul3A_79, %dma_wait3A_188] : memref<12545x128xf32, #tpu.memory_space<vmem_shared>> -> memref<784x128xf32, #tpu.memory_space<vmem_shared>>
      tpu.wait_dma2 semaphore(%run_scoped3A : memref<!tpu.dma_semaphore, #tpu.memory_space<semaphore_mem>>) src(%dma_wait3A_189 : memref<784x128xf32, #tpu.memory_space<vmem_shared>>) dst(%dma_wait3A_187 : memref<784x128xf32, #tpu.memory_space<hbm>>)
      tpu.yield
    }) : () -> ()
    %barrier3A_83 = arith.constant 0 : index
    tpu.barrier barrier_id(%barrier3A_83)
    %mul3A_84 = arith.constant 2 : i32
    %mul3A_85 = arith.muli %mul3A_84, %arg0 : i32
    %add3A_86 = arith.constant 1 : i32
    %add3A_87 = arith.addi %mul3A_85, %add3A_86 : i32
    %mul3A_88 = arith.constant 12544 : i32
    %mul3A_89 = arith.muli %add3A_87, %mul3A_88 : i32
    %mul3A_90 = arith.constant 784 : i32
    %mul3A_91 = arith.muli %arg1, %mul3A_90 : i32
    "tpu.region"() ({
      %run_scoped3A = tpu.sem_alloc : memref<!tpu.dma_semaphore, #tpu.memory_space<semaphore_mem>>
      %dma_start3A = arith.constant 0 : i32
      %dma_start3A_184 = tpu.memref_slice %arg11[%mul3A_91, %dma_start3A] : memref<12545x128xf32, #tpu.memory_space<vmem_shared>> -> memref<784x128xf32, #tpu.memory_space<vmem_shared>>
      tpu.enqueue_dma source(%arg4 : memref<784x128xf32, #tpu.memory_space<hbm>>) target(%dma_start3A_184 : memref<784x128xf32, #tpu.memory_space<vmem_shared>>) target_semaphore(%run_scoped3A : memref<!tpu.dma_semaphore, #tpu.memory_space<semaphore_mem>>)
      %dma_wait3A = arith.constant 0 : i32
      %dma_wait3A_185 = tpu.memref_slice %arg11[%mul3A_91, %dma_wait3A] : memref<12545x128xf32, #tpu.memory_space<vmem_shared>> -> memref<784x128xf32, #tpu.memory_space<vmem_shared>>
      tpu.wait_dma2 semaphore(%run_scoped3A : memref<!tpu.dma_semaphore, #tpu.memory_space<semaphore_mem>>) src(%arg4 : memref<784x128xf32, #tpu.memory_space<hbm>>) dst(%dma_wait3A_185 : memref<784x128xf32, #tpu.memory_space<vmem_shared>>)
      tpu.yield
    }) : () -> ()
    %scan3A_92 = arith.constant 0 : i32
    %scan3A_93 = arith.constant 520 : i32
    %scan3A_94 = arith.addi %scan3A_92, %scan3A_93 : i32
    %scan3A_95 = arith.constant 1 : i32
    scf.for %scan3A_184 = %scan3A_92 to %scan3A_94 step %scan3A_95  : i32 {
      %mul3A_185 = arith.constant 1 : i32
      %mul3A_186 = arith.muli %scan3A_184, %mul3A_185 : i32
      %add3A_187 = arith.constant 0 : i32
      %add3A_188 = arith.addi %add3A_187, %mul3A_186 : i32
      %broadcast_in_dim3A = arith.constant 12544 : i32
      %broadcast_in_dim3A_189 = vector.broadcast %broadcast_in_dim3A : i32 to vector<16xi32>
      %mul3A_190 = arith.constant 16 : i32
      %mul3A_191 = arith.muli %add3A_188, %mul3A_190 : i32
      %swap3A = arith.index_cast %mul3A_191 : i32 to index
      %swap3A_192 = tpu.vector_load %arg7[%swap3A] {strides = array<i32>} : memref<8320xi32, #tpu.memory_space<vmem>>, vector<16xi32>,
      tpu.vector_store %arg7[%swap3A], %broadcast_in_dim3A_189 {strides = array<i32>} : memref<8320xi32, #tpu.memory_space<vmem>>, vector<16xi32>,
    }
    %scan3A_96 = arith.constant 520 : i32
    %barrier3A_97 = arith.constant 0 : index
    tpu.barrier barrier_id(%barrier3A_97)
    %scan3A_98 = arith.constant 0 : i32
    %scan3A_99 = arith.constant 0 : i32
    %scan3A_100 = arith.constant 4 : i32
    %scan3A_101 = arith.addi %scan3A_99, %scan3A_100 : i32
    %scan3A_102 = arith.constant 1 : i32
    %scan3A_103 = scf.for %scan3A_184 = %scan3A_99 to %scan3A_101 step %scan3A_102 iter_args(%scan3A_185 = %scan3A_98) -> (i32)  : i32 {
      %mul3A_186 = arith.constant 8192 : i32
      %mul3A_187 = arith.muli %arg1, %mul3A_186 : i32
      %mul3A_188 = arith.constant 2048 : i32
      %mul3A_189 = arith.muli %scan3A_184, %mul3A_188 : i32
      %add3A_190 = arith.addi %mul3A_187, %mul3A_189 : i32
      "tpu.region"() ({
        %run_scoped3A = tpu.sem_alloc : memref<!tpu.dma_semaphore, #tpu.memory_space<semaphore_mem>>
        %dma_start3A = tpu.memref_slice %arg2[%add3A_190] : memref<131072xi32, #tpu.memory_space<hbm>> -> memref<2048xi32, #tpu.memory_space<hbm>>
        %dma_start3A_197 = tpu.memref_slice %arg2[%add3A_190] : memref<131072xi32, #tpu.memory_space<hbm>> -> memref<2048xi32, #tpu.memory_space<hbm>>
        tpu.enqueue_dma source(%dma_start3A_197 : memref<2048xi32, #tpu.memory_space<hbm>>) target(%arg6 : memref<2048xi32, #tpu.memory_space<vmem>>) target_semaphore(%run_scoped3A : memref<!tpu.dma_semaphore, #tpu.memory_space<semaphore_mem>>)
        %dma_wait3A = tpu.memref_slice %arg2[%add3A_190] : memref<131072xi32, #tpu.memory_space<hbm>> -> memref<2048xi32, #tpu.memory_space<hbm>>
        %dma_wait3A_198 = tpu.memref_slice %arg2[%add3A_190] : memref<131072xi32, #tpu.memory_space<hbm>> -> memref<2048xi32, #tpu.memory_space<hbm>>
        tpu.wait_dma2 semaphore(%run_scoped3A : memref<!tpu.dma_semaphore, #tpu.memory_space<semaphore_mem>>) src(%dma_wait3A_198 : memref<2048xi32, #tpu.memory_space<hbm>>) dst(%arg6 : memref<2048xi32, #tpu.memory_space<vmem>>)
        tpu.yield
      }) : () -> ()
      %scan3A_191 = arith.constant 0 : i32
      %scan3A_192 = arith.constant 128 : i32
      %scan3A_193 = arith.addi %scan3A_191, %scan3A_192 : i32
      %scan3A_194 = arith.constant 1 : i32
      %scan3A_195 = scf.for %scan3A_197 = %scan3A_191 to %scan3A_193 step %scan3A_194 iter_args(%scan3A_198 = %scan3A_185) -> (i32)  : i32 {
        %mul3A_199 = arith.constant 16 : i32
        %mul3A_200 = arith.muli %scan3A_197, %mul3A_199 : i32
        %get3A = arith.index_cast %mul3A_200 : i32 to index
        %get3A_201 = tpu.vector_load %arg6[%get3A] {strides = array<i32>} : memref<2048xi32, #tpu.memory_space<vmem>>, vector<16xi32>,
        %sub3A_202 = vector.broadcast %mul3A_89 : i32 to vector<16xi32>
        %sub3A_203 = arith.subi %get3A_201, %sub3A_202 : vector<16xi32>
        %ge3A = arith.constant 0 : i32
        %ge3A_204 = vector.broadcast %ge3A : i32 to vector<16xi32>
        %ge3A_205 = arith.cmpi sge, %sub3A_203, %ge3A_204 : vector<16xi32>
        %lt3A = arith.constant 12544 : i32
        %lt3A_206 = vector.broadcast %lt3A : i32 to vector<16xi32>
        %lt3A_207 = arith.cmpi slt, %sub3A_203, %lt3A_206 : vector<16xi32>
        %and3A_208 = arith.andi %ge3A_205, %lt3A_207 : vector<16xi1>
        %mul3A_209 = arith.constant 8192 : i32
        %mul3A_210 = arith.muli %arg1, %mul3A_209 : i32
        %mul3A_211 = arith.constant 2048 : i32
        %mul3A_212 = arith.muli %scan3A_184, %mul3A_211 : i32
        %add3A_213 = arith.addi %mul3A_210, %mul3A_212 : i32
        %mul3A_214 = arith.constant 16 : i32
        %mul3A_215 = arith.muli %scan3A_197, %mul3A_214 : i32
        %add3A_216 = arith.addi %add3A_213, %mul3A_215 : i32
        %add3A_217 = vector.broadcast %add3A_216 : i32 to vector<16xi32>
        %add3A_218 = arith.addi %add3A_217, %iota3A : vector<16xi32>
        %jit3A_219 = arith.constant 64 : i32
        %div3A_220 = vector.broadcast %jit3A_219 : i32 to vector<16xi32>
        %div3A_221 = arith.divsi %add3A_218, %div3A_220 : vector<16xi32>
        %sign3A_222 = arith.constant 0 : i32
        %sign3A_223 = vector.broadcast %sign3A_222 : i32 to vector<16xi32>
        %sign3A_224 = arith.cmpi sgt, %add3A_218, %sign3A_223 : vector<16xi32>
        %sign3A_225 = arith.extui %sign3A_224 : vector<16xi1> to vector<16xi32>
        %sign3A_226 = arith.constant 0 : i32
        %sign3A_227 = vector.broadcast %sign3A_226 : i32 to vector<16xi32>
        %sign3A_228 = arith.cmpi slt, %add3A_218, %sign3A_227 : vector<16xi32>
        %sign3A_229 = arith.extui %sign3A_228 : vector<16xi1> to vector<16xi32>
        %sign3A_230 = arith.subi %sign3A_225, %sign3A_229 : vector<16xi32>
        %sign3A_231 = arith.constant 0 : i32
        %sign3A_232 = arith.cmpi sgt, %jit3A_219, %sign3A_231 : i32
        %sign3A_233 = arith.extui %sign3A_232 : i1 to i32
        %sign3A_234 = arith.constant 0 : i32
        %sign3A_235 = arith.cmpi slt, %jit3A_219, %sign3A_234 : i32
        %sign3A_236 = arith.extui %sign3A_235 : i1 to i32
        %sign3A_237 = arith.subi %sign3A_233, %sign3A_236 : i32
        %ne3A_238 = vector.broadcast %sign3A_237 : i32 to vector<16xi32>
        %ne3A_239 = arith.cmpi ne, %sign3A_230, %ne3A_238 : vector<16xi32>
        %rem3A_240 = vector.broadcast %jit3A_219 : i32 to vector<16xi32>
        %rem3A_241 = arith.remsi %add3A_218, %rem3A_240 : vector<16xi32>
        %ne3A_242 = arith.constant 0 : i32
        %ne3A_243 = vector.broadcast %ne3A_242 : i32 to vector<16xi32>
        %ne3A_244 = arith.cmpi ne, %rem3A_241, %ne3A_243 : vector<16xi32>
        %and3A_245 = arith.andi %ne3A_239, %ne3A_244 : vector<16xi1>
        %sub3A_246 = arith.constant 1 : i32
        %sub3A_247 = vector.broadcast %sub3A_246 : i32 to vector<16xi32>
        %sub3A_248 = arith.subi %div3A_221, %sub3A_247 : vector<16xi32>
        %select_n3A_249 = arith.select %and3A_245, %sub3A_248, %div3A_221 : vector<16xi1>, vector<16xi32>
        %shift_left3A = arith.constant 14 : i32
        %shift_left3A_250 = vector.broadcast %shift_left3A : i32 to vector<16xi32>
        %shift_left3A_251 = arith.shli %select_n3A_249, %shift_left3A_250 : vector<16xi32>
        %or3A = arith.ori %sub3A_203, %shift_left3A_251 : vector<16xi32>
        %swap3A = arith.index_cast %scan3A_198 : i32 to index
        %swap3A_252 = tpu.vector_load %arg7[%swap3A] masked %and3A_208 {strides = array<i32>} : memref<8320xi32, #tpu.memory_space<vmem>>, vector<16xi32>, vector<16xi1>
        tpu.vector_store %arg7[%swap3A], %or3A masked %and3A_208 {strides = array<i32>} : memref<8320xi32, #tpu.memory_space<vmem>>, vector<16xi32>, vector<16xi1>
        %all_reduce_population_count3A = tpu.all_reduce %and3A_208 {dim = 0 : i64, kind = #tpu.reduction_kind<sum>} : vector<16xi1> -> vector<16xi32>
        %reduce_max3A = arith.constant true
        %reduce_max3A_253 = vector.broadcast %reduce_max3A : i1 to vector<16xi1>
        %reduce_max3A_254 = arith.constant -2147483648 : i32
        %reduce_max3A_255 = vector.broadcast %reduce_max3A_254 : i32 to vector<16xi32>
        %reduce_max3A_256 = arith.xori %all_reduce_population_count3A, %reduce_max3A_255 : vector<16xi32>
        %reduce_max3A_257 = tpu.scan <max>, %reduce_max3A_256 masked %reduce_max3A_253 : vector<16xi32>, vector<16xi1> -> vector<16xi32>
        %reduce_max3A_258 = arith.xori %reduce_max3A_257, %reduce_max3A_255 : vector<16xi32>
        %reduce_max3A_259 = vector.extract %reduce_max3A_258[15] : i32 from vector<16xi32>
        %add3A_260 = arith.addi %scan3A_198, %reduce_max3A_259 : i32
        scf.yield %add3A_260 : i32
      }
      %scan3A_196 = arith.constant 128 : i32
      scf.yield %scan3A_195 : i32
    }
    %scan3A_104 = arith.constant 4 : i32
    %add3A_105 = arith.constant 63 : i32
    %add3A_106 = arith.addi %scan3A_103, %add3A_105 : i32
    %jit3A_107 = arith.constant 64 : i32
    %div3A_108 = arith.divsi %add3A_106, %jit3A_107 : i32
    %sign3A_109 = arith.constant 0 : i32
    %sign3A_110 = arith.cmpi sgt, %add3A_106, %sign3A_109 : i32
    %sign3A_111 = arith.extui %sign3A_110 : i1 to i32
    %sign3A_112 = arith.constant 0 : i32
    %sign3A_113 = arith.cmpi slt, %add3A_106, %sign3A_112 : i32
    %sign3A_114 = arith.extui %sign3A_113 : i1 to i32
    %sign3A_115 = arith.subi %sign3A_111, %sign3A_114 : i32
    %sign3A_116 = arith.constant 0 : i32
    %sign3A_117 = arith.cmpi sgt, %jit3A_107, %sign3A_116 : i32
    %sign3A_118 = arith.extui %sign3A_117 : i1 to i32
    %sign3A_119 = arith.constant 0 : i32
    %sign3A_120 = arith.cmpi slt, %jit3A_107, %sign3A_119 : i32
    %sign3A_121 = arith.extui %sign3A_120 : i1 to i32
    %sign3A_122 = arith.subi %sign3A_118, %sign3A_121 : i32
    %ne3A_123 = arith.cmpi ne, %sign3A_115, %sign3A_122 : i32
    %rem3A_124 = arith.remsi %add3A_106, %jit3A_107 : i32
    %ne3A_125 = arith.constant 0 : i32
    %ne3A_126 = arith.cmpi ne, %rem3A_124, %ne3A_125 : i32
    %and3A_127 = arith.andi %ne3A_123, %ne3A_126 : i1
    %sub3A_128 = arith.constant 1 : i32
    %sub3A_129 = arith.subi %div3A_108, %sub3A_128 : i32
    %select_n3A_130 = arith.select %and3A_127, %sub3A_129, %div3A_108 : i32
    %add3A_131 = arith.constant 1 : i32
    %add3A_132 = arith.addi %select_n3A_130, %add3A_131 : i32
    %jit3A_133 = arith.constant 2 : i32
    %div3A_134 = arith.divsi %add3A_132, %jit3A_133 : i32
    %sign3A_135 = arith.constant 0 : i32
    %sign3A_136 = arith.cmpi sgt, %add3A_132, %sign3A_135 : i32
    %sign3A_137 = arith.extui %sign3A_136 : i1 to i32
    %sign3A_138 = arith.constant 0 : i32
    %sign3A_139 = arith.cmpi slt, %add3A_132, %sign3A_138 : i32
    %sign3A_140 = arith.extui %sign3A_139 : i1 to i32
    %sign3A_141 = arith.subi %sign3A_137, %sign3A_140 : i32
    %sign3A_142 = arith.constant 0 : i32
    %sign3A_143 = arith.cmpi sgt, %jit3A_133, %sign3A_142 : i32
    %sign3A_144 = arith.extui %sign3A_143 : i1 to i32
    %sign3A_145 = arith.constant 0 : i32
    %sign3A_146 = arith.cmpi slt, %jit3A_133, %sign3A_145 : i32
    %sign3A_147 = arith.extui %sign3A_146 : i1 to i32
    %sign3A_148 = arith.subi %sign3A_144, %sign3A_147 : i32
    %ne3A_149 = arith.cmpi ne, %sign3A_141, %sign3A_148 : i32
    %rem3A_150 = arith.remsi %add3A_132, %jit3A_133 : i32
    %ne3A_151 = arith.constant 0 : i32
    %ne3A_152 = arith.cmpi ne, %rem3A_150, %ne3A_151 : i32
    %and3A_153 = arith.andi %ne3A_149, %ne3A_152 : i1
    %sub3A_154 = arith.constant 1 : i32
    %sub3A_155 = arith.subi %div3A_134, %sub3A_154 : i32
    %select_n3A_156 = arith.select %and3A_153, %sub3A_155, %div3A_134 : i32
    %while3A_157 = arith.constant 0 : i32
    %while3A_158 = arith.constant 0 : i32
    %while3A_159 = arith.subi %select_n3A_156, %while3A_158 : i32
    %while3A_160 = arith.addi %while3A_158, %while3A_159 : i32
    %while3A_161 = arith.constant 1 : i32
    %while3A_162 = arith.divsi %while3A_159, %while3A_161 : i32
    %while3A_163 = arith.muli %while3A_162, %while3A_161 : i32
    %while3A_164 = arith.addi %while3A_158, %while3A_163 : i32
    %while3A_165 = arith.constant 1 : i32
    scf.for %while3A_184 = %while3A_158 to %while3A_164 step %while3A_165  : i32 {
      %gt3A_185 = arith.constant 0 : i32
      %gt3A_186 = arith.cmpi sgt, %while3A_184, %gt3A_185 : i32
      %convert_element_type3A_187 = arith.extui %gt3A_186 : i1 to i32
      %cond3A_188 = arith.constant 0 : i32
      %cond3A_189 = arith.cmpi ne, %convert_element_type3A_187, %cond3A_188 : i32
      scf.if %cond3A_189 {
        %dma_wait3A_454 = arith.constant 0 : i32
        %dma_wait3A_455 = arith.constant 0 : i32
        %dma_wait3A_456 = arith.constant 0 : i32
        %dma_wait3A_457 = arith.constant 0 : i32
        %dma_wait3A_458 = tpu.memref_slice %arg10[%dma_wait3A_454, %dma_wait3A_456, %dma_wait3A_457] : memref<2x64x128xf32, #tpu.memory_space<vmem>> -> memref<1x64x128xf32, #tpu.memory_space<vmem>>
        %dma_wait3A_459 = tpu.memref_squeeze %dma_wait3A_458 : memref<1x64x128xf32, #tpu.memory_space<vmem>> -> memref<64x128xf32, #tpu.memory_space<vmem>>
        %dma_wait3A_460 = arith.constant 0 : i32
        %dma_wait3A_461 = arith.constant 0 : i32
        %dma_wait3A_462 = tpu.memref_slice %arg11[%dma_wait3A_460, %dma_wait3A_461] : memref<12545x128xf32, #tpu.memory_space<vmem_shared>> -> memref<64x128xf32, #tpu.memory_space<vmem_shared>>
        %dma_wait3A_463 = tpu.memref_slice %arg13[%dma_wait3A_455] : memref<2x!tpu.dma_semaphore, #tpu.memory_space<semaphore_mem>> -> memref<1x!tpu.dma_semaphore, #tpu.memory_space<semaphore_mem>>
        %dma_wait3A_464 = tpu.memref_squeeze %dma_wait3A_463 : memref<1x!tpu.dma_semaphore, #tpu.memory_space<semaphore_mem>> -> memref<!tpu.dma_semaphore, #tpu.memory_space<semaphore_mem>>
        %dma_wait3A_465 = arith.constant 0 : i32
        %dma_wait3A_466 = arith.constant 0 : i32
        %dma_wait3A_467 = tpu.memref_slice %arg11[%dma_wait3A_465, %dma_wait3A_466] : memref<12545x128xf32, #tpu.memory_space<vmem_shared>> -> memref<64x128xf32, #tpu.memory_space<vmem_shared>>
        %dma_wait3A_468 = arith.constant 0 : i32
        %dma_wait3A_469 = arith.constant 0 : i32
        %dma_wait3A_470 = tpu.memref_slice %arg10[%dma_wait3A_454, %dma_wait3A_468, %dma_wait3A_469] : memref<2x64x128xf32, #tpu.memory_space<vmem>> -> memref<1x64x128xf32, #tpu.memory_space<vmem>>
        %dma_wait3A_471 = tpu.memref_squeeze %dma_wait3A_470 : memref<1x64x128xf32, #tpu.memory_space<vmem>> -> memref<64x128xf32, #tpu.memory_space<vmem>>
        tpu.wait_dma2 semaphore(%dma_wait3A_464 : memref<!tpu.dma_semaphore, #tpu.memory_space<semaphore_mem>>) src(%dma_wait3A_471 : memref<64x128xf32, #tpu.memory_space<vmem>>) dst(%dma_wait3A_467 : memref<64x128xf32, #tpu.memory_space<vmem_shared>>)
      } else {
      }
      %mul3A_190 = arith.constant 2 : i32
      %mul3A_191 = arith.muli %while3A_184, %mul3A_190 : i32
      %add3A_192 = arith.constant 0 : i32
      %add3A_193 = arith.addi %mul3A_191, %add3A_192 : i32
      %mul3A_194 = arith.constant 64 : i32
      %mul3A_195 = arith.muli %add3A_193, %mul3A_194 : i32
      %add3A_196 = arith.constant 0 : i32
      %add3A_197 = arith.addi %mul3A_195, %add3A_196 : i32
      %get3A = arith.index_cast %add3A_197 : i32 to index
      %get3A_198 = tpu.vector_load %arg7[%get3A] {strides = array<i32>} : memref<8320xi32, #tpu.memory_space<vmem>>, vector<16xi32>,
      %and3A_199 = arith.constant 16383 : i32
      %and3A_200 = vector.broadcast %and3A_199 : i32 to vector<16xi32>
      %and3A_201 = arith.andi %get3A_198, %and3A_200 : vector<16xi32>
      %swap3A = arith.constant 0 : i32
      %swap3A_202 = arith.index_cast %swap3A : i32 to index
      %swap3A_203 = arith.constant 0 : index
      %swap3A_204 = tpu.vector_load %arg8[%swap3A_202, %swap3A_203] {strides = array<i32>} : memref<2x64xi32, #tpu.memory_space<vmem>>, vector<16xi32>,
      tpu.vector_store %arg8[%swap3A_202, %swap3A_203], %and3A_201 {strides = array<i32>} : memref<2x64xi32, #tpu.memory_space<vmem>>, vector<16xi32>,
      %shift_right_logical3A = arith.constant 14 : i32
      %shift_right_logical3A_205 = vector.broadcast %shift_right_logical3A : i32 to vector<16xi32>
      %shift_right_logical3A_206 = arith.shrui %get3A_198, %shift_right_logical3A_205 : vector<16xi32>
      %swap3A_207 = arith.constant 0 : i32
      %swap3A_208 = arith.index_cast %swap3A_207 : i32 to index
      %swap3A_209 = arith.constant 0 : index
      %swap3A_210 = tpu.vector_load %arg9[%swap3A_208, %swap3A_209] {strides = array<i32>} : memref<2x64xi32, #tpu.memory_space<vmem>>, vector<16xi32>,
      tpu.vector_store %arg9[%swap3A_208, %swap3A_209], %shift_right_logical3A_206 {strides = array<i32>} : memref<2x64xi32, #tpu.memory_space<vmem>>, vector<16xi32>,
      %mul3A_211 = arith.constant 64 : i32
      %mul3A_212 = arith.muli %add3A_193, %mul3A_211 : i32
      %add3A_213 = arith.constant 16 : i32
      %add3A_214 = arith.addi %mul3A_212, %add3A_213 : i32
      %get3A_215 = arith.index_cast %add3A_214 : i32 to index
      %get3A_216 = tpu.vector_load %arg7[%get3A_215] {strides = array<i32>} : memref<8320xi32, #tpu.memory_space<vmem>>, vector<16xi32>,
      %and3A_217 = arith.constant 16383 : i32
      %and3A_218 = vector.broadcast %and3A_217 : i32 to vector<16xi32>
      %and3A_219 = arith.andi %get3A_216, %and3A_218 : vector<16xi32>
      %swap3A_220 = arith.constant 0 : i32
      %swap3A_221 = arith.index_cast %swap3A_220 : i32 to index
      %swap3A_222 = arith.constant 16 : index
      %swap3A_223 = tpu.vector_load %arg8[%swap3A_221, %swap3A_222] {strides = array<i32>} : memref<2x64xi32, #tpu.memory_space<vmem>>, vector<16xi32>,
      tpu.vector_store %arg8[%swap3A_221, %swap3A_222], %and3A_219 {strides = array<i32>} : memref<2x64xi32, #tpu.memory_space<vmem>>, vector<16xi32>,
      %shift_right_logical3A_224 = arith.constant 14 : i32
      %shift_right_logical3A_225 = vector.broadcast %shift_right_logical3A_224 : i32 to vector<16xi32>
      %shift_right_logical3A_226 = arith.shrui %get3A_216, %shift_right_logical3A_225 : vector<16xi32>
      %swap3A_227 = arith.constant 0 : i32
      %swap3A_228 = arith.index_cast %swap3A_227 : i32 to index
      %swap3A_229 = arith.constant 16 : index
      %swap3A_230 = tpu.vector_load %arg9[%swap3A_228, %swap3A_229] {strides = array<i32>} : memref<2x64xi32, #tpu.memory_space<vmem>>, vector<16xi32>,
      tpu.vector_store %arg9[%swap3A_228, %swap3A_229], %shift_right_logical3A_226 {strides = array<i32>} : memref<2x64xi32, #tpu.memory_space<vmem>>, vector<16xi32>,
      %mul3A_231 = arith.constant 64 : i32
      %mul3A_232 = arith.muli %add3A_193, %mul3A_231 : i32
      %add3A_233 = arith.constant 32 : i32
      %add3A_234 = arith.addi %mul3A_232, %add3A_233 : i32
      %get3A_235 = arith.index_cast %add3A_234 : i32 to index
      %get3A_236 = tpu.vector_load %arg7[%get3A_235] {strides = array<i32>} : memref<8320xi32, #tpu.memory_space<vmem>>, vector<16xi32>,
      %and3A_237 = arith.constant 16383 : i32
      %and3A_238 = vector.broadcast %and3A_237 : i32 to vector<16xi32>
      %and3A_239 = arith.andi %get3A_236, %and3A_238 : vector<16xi32>
      %swap3A_240 = arith.constant 0 : i32
      %swap3A_241 = arith.index_cast %swap3A_240 : i32 to index
      %swap3A_242 = arith.constant 32 : index
      %swap3A_243 = tpu.vector_load %arg8[%swap3A_241, %swap3A_242] {strides = array<i32>} : memref<2x64xi32, #tpu.memory_space<vmem>>, vector<16xi32>,
      tpu.vector_store %arg8[%swap3A_241, %swap3A_242], %and3A_239 {strides = array<i32>} : memref<2x64xi32, #tpu.memory_space<vmem>>, vector<16xi32>,
      %shift_right_logical3A_244 = arith.constant 14 : i32
      %shift_right_logical3A_245 = vector.broadcast %shift_right_logical3A_244 : i32 to vector<16xi32>
      %shift_right_logical3A_246 = arith.shrui %get3A_236, %shift_right_logical3A_245 : vector<16xi32>
      %swap3A_247 = arith.constant 0 : i32
      %swap3A_248 = arith.index_cast %swap3A_247 : i32 to index
      %swap3A_249 = arith.constant 32 : index
      %swap3A_250 = tpu.vector_load %arg9[%swap3A_248, %swap3A_249] {strides = array<i32>} : memref<2x64xi32, #tpu.memory_space<vmem>>, vector<16xi32>,
      tpu.vector_store %arg9[%swap3A_248, %swap3A_249], %shift_right_logical3A_246 {strides = array<i32>} : memref<2x64xi32, #tpu.memory_space<vmem>>, vector<16xi32>,
      %mul3A_251 = arith.constant 64 : i32
      %mul3A_252 = arith.muli %add3A_193, %mul3A_251 : i32
      %add3A_253 = arith.constant 48 : i32
      %add3A_254 = arith.addi %mul3A_252, %add3A_253 : i32
      %get3A_255 = arith.index_cast %add3A_254 : i32 to index
      %get3A_256 = tpu.vector_load %arg7[%get3A_255] {strides = array<i32>} : memref<8320xi32, #tpu.memory_space<vmem>>, vector<16xi32>,
      %and3A_257 = arith.constant 16383 : i32
      %and3A_258 = vector.broadcast %and3A_257 : i32 to vector<16xi32>
      %and3A_259 = arith.andi %get3A_256, %and3A_258 : vector<16xi32>
      %swap3A_260 = arith.constant 0 : i32
      %swap3A_261 = arith.index_cast %swap3A_260 : i32 to index
      %swap3A_262 = arith.constant 48 : index
      %swap3A_263 = tpu.vector_load %arg8[%swap3A_261, %swap3A_262] {strides = array<i32>} : memref<2x64xi32, #tpu.memory_space<vmem>>, vector<16xi32>,
      tpu.vector_store %arg8[%swap3A_261, %swap3A_262], %and3A_259 {strides = array<i32>} : memref<2x64xi32, #tpu.memory_space<vmem>>, vector<16xi32>,
      %shift_right_logical3A_264 = arith.constant 14 : i32
      %shift_right_logical3A_265 = vector.broadcast %shift_right_logical3A_264 : i32 to vector<16xi32>
      %shift_right_logical3A_266 = arith.shrui %get3A_256, %shift_right_logical3A_265 : vector<16xi32>
      %swap3A_267 = arith.constant 0 : i32
      %swap3A_268 = arith.index_cast %swap3A_267 : i32 to index
      %swap3A_269 = arith.constant 48 : index
      %swap3A_270 = tpu.vector_load %arg9[%swap3A_268, %swap3A_269] {strides = array<i32>} : memref<2x64xi32, #tpu.memory_space<vmem>>, vector<16xi32>,
      tpu.vector_store %arg9[%swap3A_268, %swap3A_269], %shift_right_logical3A_266 {strides = array<i32>} : memref<2x64xi32, #tpu.memory_space<vmem>>, vector<16xi32>,
      %dma_start3A = arith.constant 0 : i32
      %dma_start3A_271 = arith.constant 0 : i32
      %dma_start3A_272 = arith.constant 0 : i32
      %dma_start3A_273 = arith.constant 0 : i32
      %dma_start3A_274 = arith.constant 0 : i32
      %dma_start3A_275 = tpu.memref_slice %arg10[%dma_start3A_271, %dma_start3A_273, %dma_start3A_274] : memref<2x64x128xf32, #tpu.memory_space<vmem>> -> memref<1x64x128xf32, #tpu.memory_space<vmem>>
      %dma_start3A_276 = tpu.memref_squeeze %dma_start3A_275 : memref<1x64x128xf32, #tpu.memory_space<vmem>> -> memref<64x128xf32, #tpu.memory_space<vmem>>
      %dma_start3A_277 = arith.constant 0 : i32
      %dma_start3A_278 = tpu.memref_slice %arg9[%dma_start3A, %dma_start3A_277] : memref<2x64xi32, #tpu.memory_space<vmem>> -> memref<1x64xi32, #tpu.memory_space<vmem>>
      %dma_start3A_279 = tpu.memref_squeeze %dma_start3A_278 : memref<1x64xi32, #tpu.memory_space<vmem>> -> memref<64xi32, #tpu.memory_space<vmem>>
      %dma_start3A_280 = arith.constant 0 : i32
      %dma_start3A_281 = arith.constant 0 : i32
      %dma_start3A_282 = tpu.memref_slice %arg3[%dma_start3A_280, %dma_start3A_281] : memref<2048x128xf32, #tpu.memory_space<hbm>> -> memref<2048x128xf32, #tpu.memory_space<hbm>>
      %dma_start3A_283 = tpu.memref_slice %arg12[%dma_start3A_272] : memref<2x!tpu.dma_semaphore, #tpu.memory_space<semaphore_mem>> -> memref<1x!tpu.dma_semaphore, #tpu.memory_space<semaphore_mem>>
      %dma_start3A_284 = tpu.memref_squeeze %dma_start3A_283 : memref<1x!tpu.dma_semaphore, #tpu.memory_space<semaphore_mem>> -> memref<!tpu.dma_semaphore, #tpu.memory_space<semaphore_mem>>
      tpu.enqueue_indirect_dma source(%dma_start3A_282 : memref<2048x128xf32, #tpu.memory_space<hbm>>) target(%dma_start3A_276 : memref<64x128xf32, #tpu.memory_space<vmem>>) offsets(%dma_start3A_279 : memref<64xi32, #tpu.memory_space<vmem>>) semaphore(%dma_start3A_284 : memref<!tpu.dma_semaphore, #tpu.memory_space<semaphore_mem>>)
      %gt3A_285 = arith.constant 0 : i32
      %gt3A_286 = arith.cmpi sgt, %while3A_184, %gt3A_285 : i32
      %convert_element_type3A_287 = arith.extui %gt3A_286 : i1 to i32
      %cond3A_288 = arith.constant 0 : i32
      %cond3A_289 = arith.cmpi ne, %convert_element_type3A_287, %cond3A_288 : i32
      scf.if %cond3A_289 {
        %dma_wait3A_454 = arith.constant 1 : i32
        %dma_wait3A_455 = arith.constant 1 : i32
        %dma_wait3A_456 = arith.constant 0 : i32
        %dma_wait3A_457 = arith.constant 0 : i32
        %dma_wait3A_458 = tpu.memref_slice %arg10[%dma_wait3A_454, %dma_wait3A_456, %dma_wait3A_457] : memref<2x64x128xf32, #tpu.memory_space<vmem>> -> memref<1x64x128xf32, #tpu.memory_space<vmem>>
        %dma_wait3A_459 = tpu.memref_squeeze %dma_wait3A_458 : memref<1x64x128xf32, #tpu.memory_space<vmem>> -> memref<64x128xf32, #tpu.memory_space<vmem>>
        %dma_wait3A_460 = arith.constant 0 : i32
        %dma_wait3A_461 = arith.constant 0 : i32
        %dma_wait3A_462 = tpu.memref_slice %arg11[%dma_wait3A_460, %dma_wait3A_461] : memref<12545x128xf32, #tpu.memory_space<vmem_shared>> -> memref<64x128xf32, #tpu.memory_space<vmem_shared>>
        %dma_wait3A_463 = tpu.memref_slice %arg13[%dma_wait3A_455] : memref<2x!tpu.dma_semaphore, #tpu.memory_space<semaphore_mem>> -> memref<1x!tpu.dma_semaphore, #tpu.memory_space<semaphore_mem>>
        %dma_wait3A_464 = tpu.memref_squeeze %dma_wait3A_463 : memref<1x!tpu.dma_semaphore, #tpu.memory_space<semaphore_mem>> -> memref<!tpu.dma_semaphore, #tpu.memory_space<semaphore_mem>>
        %dma_wait3A_465 = arith.constant 0 : i32
        %dma_wait3A_466 = arith.constant 0 : i32
        %dma_wait3A_467 = tpu.memref_slice %arg11[%dma_wait3A_465, %dma_wait3A_466] : memref<12545x128xf32, #tpu.memory_space<vmem_shared>> -> memref<64x128xf32, #tpu.memory_space<vmem_shared>>
        %dma_wait3A_468 = arith.constant 0 : i32
        %dma_wait3A_469 = arith.constant 0 : i32
        %dma_wait3A_470 = tpu.memref_slice %arg10[%dma_wait3A_454, %dma_wait3A_468, %dma_wait3A_469] : memref<2x64x128xf32, #tpu.memory_space<vmem>> -> memref<1x64x128xf32, #tpu.memory_space<vmem>>
        %dma_wait3A_471 = tpu.memref_squeeze %dma_wait3A_470 : memref<1x64x128xf32, #tpu.memory_space<vmem>> -> memref<64x128xf32, #tpu.memory_space<vmem>>
        tpu.wait_dma2 semaphore(%dma_wait3A_464 : memref<!tpu.dma_semaphore, #tpu.memory_space<semaphore_mem>>) src(%dma_wait3A_471 : memref<64x128xf32, #tpu.memory_space<vmem>>) dst(%dma_wait3A_467 : memref<64x128xf32, #tpu.memory_space<vmem_shared>>)
      } else {
      }
      %mul3A_290 = arith.constant 2 : i32
      %mul3A_291 = arith.muli %while3A_184, %mul3A_290 : i32
      %add3A_292 = arith.constant 1 : i32
      %add3A_293 = arith.addi %mul3A_291, %add3A_292 : i32
      %mul3A_294 = arith.constant 64 : i32
      %mul3A_295 = arith.muli %add3A_293, %mul3A_294 : i32
      %add3A_296 = arith.constant 0 : i32
      %add3A_297 = arith.addi %mul3A_295, %add3A_296 : i32
      %get3A_298 = arith.index_cast %add3A_297 : i32 to index
      %get3A_299 = tpu.vector_load %arg7[%get3A_298] {strides = array<i32>} : memref<8320xi32, #tpu.memory_space<vmem>>, vector<16xi32>,
      %and3A_300 = arith.constant 16383 : i32
      %and3A_301 = vector.broadcast %and3A_300 : i32 to vector<16xi32>
      %and3A_302 = arith.andi %get3A_299, %and3A_301 : vector<16xi32>
      %swap3A_303 = arith.constant 1 : i32
      %swap3A_304 = arith.index_cast %swap3A_303 : i32 to index
      %swap3A_305 = arith.constant 0 : index
      %swap3A_306 = tpu.vector_load %arg8[%swap3A_304, %swap3A_305] {strides = array<i32>} : memref<2x64xi32, #tpu.memory_space<vmem>>, vector<16xi32>,
      tpu.vector_store %arg8[%swap3A_304, %swap3A_305], %and3A_302 {strides = array<i32>} : memref<2x64xi32, #tpu.memory_space<vmem>>, vector<16xi32>,
      %shift_right_logical3A_307 = arith.constant 14 : i32
      %shift_right_logical3A_308 = vector.broadcast %shift_right_logical3A_307 : i32 to vector<16xi32>
      %shift_right_logical3A_309 = arith.shrui %get3A_299, %shift_right_logical3A_308 : vector<16xi32>
      %swap3A_310 = arith.constant 1 : i32
      %swap3A_311 = arith.index_cast %swap3A_310 : i32 to index
      %swap3A_312 = arith.constant 0 : index
      %swap3A_313 = tpu.vector_load %arg9[%swap3A_311, %swap3A_312] {strides = array<i32>} : memref<2x64xi32, #tpu.memory_space<vmem>>, vector<16xi32>,
      tpu.vector_store %arg9[%swap3A_311, %swap3A_312], %shift_right_logical3A_309 {strides = array<i32>} : memref<2x64xi32, #tpu.memory_space<vmem>>, vector<16xi32>,
      %mul3A_314 = arith.constant 64 : i32
      %mul3A_315 = arith.muli %add3A_293, %mul3A_314 : i32
      %add3A_316 = arith.constant 16 : i32
      %add3A_317 = arith.addi %mul3A_315, %add3A_316 : i32
      %get3A_318 = arith.index_cast %add3A_317 : i32 to index
      %get3A_319 = tpu.vector_load %arg7[%get3A_318] {strides = array<i32>} : memref<8320xi32, #tpu.memory_space<vmem>>, vector<16xi32>,
      %and3A_320 = arith.constant 16383 : i32
      %and3A_321 = vector.broadcast %and3A_320 : i32 to vector<16xi32>
      %and3A_322 = arith.andi %get3A_319, %and3A_321 : vector<16xi32>
      %swap3A_323 = arith.constant 1 : i32
      %swap3A_324 = arith.index_cast %swap3A_323 : i32 to index
      %swap3A_325 = arith.constant 16 : index
      %swap3A_326 = tpu.vector_load %arg8[%swap3A_324, %swap3A_325] {strides = array<i32>} : memref<2x64xi32, #tpu.memory_space<vmem>>, vector<16xi32>,
      tpu.vector_store %arg8[%swap3A_324, %swap3A_325], %and3A_322 {strides = array<i32>} : memref<2x64xi32, #tpu.memory_space<vmem>>, vector<16xi32>,
      %shift_right_logical3A_327 = arith.constant 14 : i32
      %shift_right_logical3A_328 = vector.broadcast %shift_right_logical3A_327 : i32 to vector<16xi32>
      %shift_right_logical3A_329 = arith.shrui %get3A_319, %shift_right_logical3A_328 : vector<16xi32>
      %swap3A_330 = arith.constant 1 : i32
      %swap3A_331 = arith.index_cast %swap3A_330 : i32 to index
      %swap3A_332 = arith.constant 16 : index
      %swap3A_333 = tpu.vector_load %arg9[%swap3A_331, %swap3A_332] {strides = array<i32>} : memref<2x64xi32, #tpu.memory_space<vmem>>, vector<16xi32>,
      tpu.vector_store %arg9[%swap3A_331, %swap3A_332], %shift_right_logical3A_329 {strides = array<i32>} : memref<2x64xi32, #tpu.memory_space<vmem>>, vector<16xi32>,
      %mul3A_334 = arith.constant 64 : i32
      %mul3A_335 = arith.muli %add3A_293, %mul3A_334 : i32
      %add3A_336 = arith.constant 32 : i32
      %add3A_337 = arith.addi %mul3A_335, %add3A_336 : i32
      %get3A_338 = arith.index_cast %add3A_337 : i32 to index
      %get3A_339 = tpu.vector_load %arg7[%get3A_338] {strides = array<i32>} : memref<8320xi32, #tpu.memory_space<vmem>>, vector<16xi32>,
      %and3A_340 = arith.constant 16383 : i32
      %and3A_341 = vector.broadcast %and3A_340 : i32 to vector<16xi32>
      %and3A_342 = arith.andi %get3A_339, %and3A_341 : vector<16xi32>
      %swap3A_343 = arith.constant 1 : i32
      %swap3A_344 = arith.index_cast %swap3A_343 : i32 to index
      %swap3A_345 = arith.constant 32 : index
      %swap3A_346 = tpu.vector_load %arg8[%swap3A_344, %swap3A_345] {strides = array<i32>} : memref<2x64xi32, #tpu.memory_space<vmem>>, vector<16xi32>,
      tpu.vector_store %arg8[%swap3A_344, %swap3A_345], %and3A_342 {strides = array<i32>} : memref<2x64xi32, #tpu.memory_space<vmem>>, vector<16xi32>,
      %shift_right_logical3A_347 = arith.constant 14 : i32
      %shift_right_logical3A_348 = vector.broadcast %shift_right_logical3A_347 : i32 to vector<16xi32>
      %shift_right_logical3A_349 = arith.shrui %get3A_339, %shift_right_logical3A_348 : vector<16xi32>
      %swap3A_350 = arith.constant 1 : i32
      %swap3A_351 = arith.index_cast %swap3A_350 : i32 to index
      %swap3A_352 = arith.constant 32 : index
      %swap3A_353 = tpu.vector_load %arg9[%swap3A_351, %swap3A_352] {strides = array<i32>} : memref<2x64xi32, #tpu.memory_space<vmem>>, vector<16xi32>,
      tpu.vector_store %arg9[%swap3A_351, %swap3A_352], %shift_right_logical3A_349 {strides = array<i32>} : memref<2x64xi32, #tpu.memory_space<vmem>>, vector<16xi32>,
      %mul3A_354 = arith.constant 64 : i32
      %mul3A_355 = arith.muli %add3A_293, %mul3A_354 : i32
      %add3A_356 = arith.constant 48 : i32
      %add3A_357 = arith.addi %mul3A_355, %add3A_356 : i32
      %get3A_358 = arith.index_cast %add3A_357 : i32 to index
      %get3A_359 = tpu.vector_load %arg7[%get3A_358] {strides = array<i32>} : memref<8320xi32, #tpu.memory_space<vmem>>, vector<16xi32>,
      %and3A_360 = arith.constant 16383 : i32
      %and3A_361 = vector.broadcast %and3A_360 : i32 to vector<16xi32>
      %and3A_362 = arith.andi %get3A_359, %and3A_361 : vector<16xi32>
      %swap3A_363 = arith.constant 1 : i32
      %swap3A_364 = arith.index_cast %swap3A_363 : i32 to index
      %swap3A_365 = arith.constant 48 : index
      %swap3A_366 = tpu.vector_load %arg8[%swap3A_364, %swap3A_365] {strides = array<i32>} : memref<2x64xi32, #tpu.memory_space<vmem>>, vector<16xi32>,
      tpu.vector_store %arg8[%swap3A_364, %swap3A_365], %and3A_362 {strides = array<i32>} : memref<2x64xi32, #tpu.memory_space<vmem>>, vector<16xi32>,
      %shift_right_logical3A_367 = arith.constant 14 : i32
      %shift_right_logical3A_368 = vector.broadcast %shift_right_logical3A_367 : i32 to vector<16xi32>
      %shift_right_logical3A_369 = arith.shrui %get3A_359, %shift_right_logical3A_368 : vector<16xi32>
      %swap3A_370 = arith.constant 1 : i32
      %swap3A_371 = arith.index_cast %swap3A_370 : i32 to index
      %swap3A_372 = arith.constant 48 : index
      %swap3A_373 = tpu.vector_load %arg9[%swap3A_371, %swap3A_372] {strides = array<i32>} : memref<2x64xi32, #tpu.memory_space<vmem>>, vector<16xi32>,
      tpu.vector_store %arg9[%swap3A_371, %swap3A_372], %shift_right_logical3A_369 {strides = array<i32>} : memref<2x64xi32, #tpu.memory_space<vmem>>, vector<16xi32>,
      %dma_start3A_374 = arith.constant 1 : i32
      %dma_start3A_375 = arith.constant 1 : i32
      %dma_start3A_376 = arith.constant 1 : i32
      %dma_start3A_377 = arith.constant 0 : i32
      %dma_start3A_378 = arith.constant 0 : i32
      %dma_start3A_379 = tpu.memref_slice %arg10[%dma_start3A_375, %dma_start3A_377, %dma_start3A_378] : memref<2x64x128xf32, #tpu.memory_space<vmem>> -> memref<1x64x128xf32, #tpu.memory_space<vmem>>
      %dma_start3A_380 = tpu.memref_squeeze %dma_start3A_379 : memref<1x64x128xf32, #tpu.memory_space<vmem>> -> memref<64x128xf32, #tpu.memory_space<vmem>>
      %dma_start3A_381 = arith.constant 0 : i32
      %dma_start3A_382 = tpu.memref_slice %arg9[%dma_start3A_374, %dma_start3A_381] : memref<2x64xi32, #tpu.memory_space<vmem>> -> memref<1x64xi32, #tpu.memory_space<vmem>>
      %dma_start3A_383 = tpu.memref_squeeze %dma_start3A_382 : memref<1x64xi32, #tpu.memory_space<vmem>> -> memref<64xi32, #tpu.memory_space<vmem>>
      %dma_start3A_384 = arith.constant 0 : i32
      %dma_start3A_385 = arith.constant 0 : i32
      %dma_start3A_386 = tpu.memref_slice %arg3[%dma_start3A_384, %dma_start3A_385] : memref<2048x128xf32, #tpu.memory_space<hbm>> -> memref<2048x128xf32, #tpu.memory_space<hbm>>
      %dma_start3A_387 = tpu.memref_slice %arg12[%dma_start3A_376] : memref<2x!tpu.dma_semaphore, #tpu.memory_space<semaphore_mem>> -> memref<1x!tpu.dma_semaphore, #tpu.memory_space<semaphore_mem>>
      %dma_start3A_388 = tpu.memref_squeeze %dma_start3A_387 : memref<1x!tpu.dma_semaphore, #tpu.memory_space<semaphore_mem>> -> memref<!tpu.dma_semaphore, #tpu.memory_space<semaphore_mem>>
      tpu.enqueue_indirect_dma source(%dma_start3A_386 : memref<2048x128xf32, #tpu.memory_space<hbm>>) target(%dma_start3A_380 : memref<64x128xf32, #tpu.memory_space<vmem>>) offsets(%dma_start3A_383 : memref<64xi32, #tpu.memory_space<vmem>>) semaphore(%dma_start3A_388 : memref<!tpu.dma_semaphore, #tpu.memory_space<semaphore_mem>>)
      %dma_wait3A = arith.constant 0 : i32
      %dma_wait3A_389 = arith.constant 0 : i32
      %dma_wait3A_390 = arith.constant 0 : i32
      %dma_wait3A_391 = arith.constant 0 : i32
      %dma_wait3A_392 = tpu.memref_slice %arg10[%dma_wait3A, %dma_wait3A_390, %dma_wait3A_391] : memref<2x64x128xf32, #tpu.memory_space<vmem>> -> memref<1x64x128xf32, #tpu.memory_space<vmem>>
      %dma_wait3A_393 = tpu.memref_squeeze %dma_wait3A_392 : memref<1x64x128xf32, #tpu.memory_space<vmem>> -> memref<64x128xf32, #tpu.memory_space<vmem>>
      %dma_wait3A_394 = arith.constant 0 : i32
      %dma_wait3A_395 = arith.constant 0 : i32
      %dma_wait3A_396 = tpu.memref_slice %arg3[%dma_wait3A_394, %dma_wait3A_395] : memref<2048x128xf32, #tpu.memory_space<hbm>> -> memref<64x128xf32, #tpu.memory_space<hbm>>
      %dma_wait3A_397 = tpu.memref_slice %arg12[%dma_wait3A_389] : memref<2x!tpu.dma_semaphore, #tpu.memory_space<semaphore_mem>> -> memref<1x!tpu.dma_semaphore, #tpu.memory_space<semaphore_mem>>
      %dma_wait3A_398 = tpu.memref_squeeze %dma_wait3A_397 : memref<1x!tpu.dma_semaphore, #tpu.memory_space<semaphore_mem>> -> memref<!tpu.dma_semaphore, #tpu.memory_space<semaphore_mem>>
      %dma_wait3A_399 = arith.constant 0 : i32
      %dma_wait3A_400 = arith.constant 0 : i32
      %dma_wait3A_401 = tpu.memref_slice %arg10[%dma_wait3A, %dma_wait3A_399, %dma_wait3A_400] : memref<2x64x128xf32, #tpu.memory_space<vmem>> -> memref<1x64x128xf32, #tpu.memory_space<vmem>>
      %dma_wait3A_402 = tpu.memref_squeeze %dma_wait3A_401 : memref<1x64x128xf32, #tpu.memory_space<vmem>> -> memref<64x128xf32, #tpu.memory_space<vmem>>
      %dma_wait3A_403 = arith.constant 0 : i32
      %dma_wait3A_404 = arith.constant 0 : i32
      %dma_wait3A_405 = tpu.memref_slice %arg3[%dma_wait3A_403, %dma_wait3A_404] : memref<2048x128xf32, #tpu.memory_space<hbm>> -> memref<64x128xf32, #tpu.memory_space<hbm>>
      tpu.wait_dma2 semaphore(%dma_wait3A_398 : memref<!tpu.dma_semaphore, #tpu.memory_space<semaphore_mem>>) src(%dma_wait3A_405 : memref<64x128xf32, #tpu.memory_space<hbm>>) dst(%dma_wait3A_402 : memref<64x128xf32, #tpu.memory_space<vmem>>)
      %dma_start3A_406 = arith.constant 0 : i32
      %dma_start3A_407 = arith.constant 0 : i32
      %dma_start3A_408 = arith.constant 0 : i32
      %dma_start3A_409 = arith.constant 0 : i32
      %dma_start3A_410 = arith.constant 0 : i32
      %dma_start3A_411 = tpu.memref_slice %arg10[%dma_start3A_406, %dma_start3A_409, %dma_start3A_410] : memref<2x64x128xf32, #tpu.memory_space<vmem>> -> memref<1x64x128xf32, #tpu.memory_space<vmem>>
      %dma_start3A_412 = tpu.memref_squeeze %dma_start3A_411 : memref<1x64x128xf32, #tpu.memory_space<vmem>> -> memref<64x128xf32, #tpu.memory_space<vmem>>
      %dma_start3A_413 = arith.constant 0 : i32
      %dma_start3A_414 = tpu.memref_slice %arg8[%dma_start3A_407, %dma_start3A_413] : memref<2x64xi32, #tpu.memory_space<vmem>> -> memref<1x64xi32, #tpu.memory_space<vmem>>
      %dma_start3A_415 = tpu.memref_squeeze %dma_start3A_414 : memref<1x64xi32, #tpu.memory_space<vmem>> -> memref<64xi32, #tpu.memory_space<vmem>>
      %dma_start3A_416 = arith.constant 0 : i32
      %dma_start3A_417 = arith.constant 0 : i32
      %dma_start3A_418 = tpu.memref_slice %arg11[%dma_start3A_416, %dma_start3A_417] : memref<12545x128xf32, #tpu.memory_space<vmem_shared>> -> memref<12545x128xf32, #tpu.memory_space<vmem_shared>>
      %dma_start3A_419 = tpu.memref_slice %arg13[%dma_start3A_408] : memref<2x!tpu.dma_semaphore, #tpu.memory_space<semaphore_mem>> -> memref<1x!tpu.dma_semaphore, #tpu.memory_space<semaphore_mem>>
      %dma_start3A_420 = tpu.memref_squeeze %dma_start3A_419 : memref<1x!tpu.dma_semaphore, #tpu.memory_space<semaphore_mem>> -> memref<!tpu.dma_semaphore, #tpu.memory_space<semaphore_mem>>
      tpu.enqueue_indirect_dma source(%dma_start3A_412 : memref<64x128xf32, #tpu.memory_space<vmem>>) target(%dma_start3A_418 : memref<12545x128xf32, #tpu.memory_space<vmem_shared>>) offsets(%dma_start3A_415 : memref<64xi32, #tpu.memory_space<vmem>>) semaphore(%dma_start3A_420 : memref<!tpu.dma_semaphore, #tpu.memory_space<semaphore_mem>>) {add = true}
      %dma_wait3A_421 = arith.constant 1 : i32
      %dma_wait3A_422 = arith.constant 1 : i32
      %dma_wait3A_423 = arith.constant 0 : i32
      %dma_wait3A_424 = arith.constant 0 : i32
      %dma_wait3A_425 = tpu.memref_slice %arg10[%dma_wait3A_421, %dma_wait3A_423, %dma_wait3A_424] : memref<2x64x128xf32, #tpu.memory_space<vmem>> -> memref<1x64x128xf32, #tpu.memory_space<vmem>>
      %dma_wait3A_426 = tpu.memref_squeeze %dma_wait3A_425 : memref<1x64x128xf32, #tpu.memory_space<vmem>> -> memref<64x128xf32, #tpu.memory_space<vmem>>
      %dma_wait3A_427 = arith.constant 0 : i32
      %dma_wait3A_428 = arith.constant 0 : i32
      %dma_wait3A_429 = tpu.memref_slice %arg3[%dma_wait3A_427, %dma_wait3A_428] : memref<2048x128xf32, #tpu.memory_space<hbm>> -> memref<64x128xf32, #tpu.memory_space<hbm>>
      %dma_wait3A_430 = tpu.memref_slice %arg12[%dma_wait3A_422] : memref<2x!tpu.dma_semaphore, #tpu.memory_space<semaphore_mem>> -> memref<1x!tpu.dma_semaphore, #tpu.memory_space<semaphore_mem>>
      %dma_wait3A_431 = tpu.memref_squeeze %dma_wait3A_430 : memref<1x!tpu.dma_semaphore, #tpu.memory_space<semaphore_mem>> -> memref<!tpu.dma_semaphore, #tpu.memory_space<semaphore_mem>>
      %dma_wait3A_432 = arith.constant 0 : i32
      %dma_wait3A_433 = arith.constant 0 : i32
      %dma_wait3A_434 = tpu.memref_slice %arg10[%dma_wait3A_421, %dma_wait3A_432, %dma_wait3A_433] : memref<2x64x128xf32, #tpu.memory_space<vmem>> -> memref<1x64x128xf32, #tpu.memory_space<vmem>>
      %dma_wait3A_435 = tpu.memref_squeeze %dma_wait3A_434 : memref<1x64x128xf32, #tpu.memory_space<vmem>> -> memref<64x128xf32, #tpu.memory_space<vmem>>
      %dma_wait3A_436 = arith.constant 0 : i32
      %dma_wait3A_437 = arith.constant 0 : i32
      %dma_wait3A_438 = tpu.memref_slice %arg3[%dma_wait3A_436, %dma_wait3A_437] : memref<2048x128xf32, #tpu.memory_space<hbm>> -> memref<64x128xf32, #tpu.memory_space<hbm>>
      tpu.wait_dma2 semaphore(%dma_wait3A_431 : memref<!tpu.dma_semaphore, #tpu.memory_space<semaphore_mem>>) src(%dma_wait3A_438 : memref<64x128xf32, #tpu.memory_space<hbm>>) dst(%dma_wait3A_435 : memref<64x128xf32, #tpu.memory_space<vmem>>)
      %dma_start3A_439 = arith.constant 1 : i32
      %dma_start3A_440 = arith.constant 1 : i32
      %dma_start3A_441 = arith.constant 1 : i32
      %dma_start3A_442 = arith.constant 0 : i32
      %dma_start3A_443 = arith.constant 0 : i32
      %dma_start3A_444 = tpu.memref_slice %arg10[%dma_start3A_439, %dma_start3A_442, %dma_start3A_443] : memref<2x64x128xf32, #tpu.memory_space<vmem>> -> memref<1x64x128xf32, #tpu.memory_space<vmem>>
      %dma_start3A_445 = tpu.memref_squeeze %dma_start3A_444 : memref<1x64x128xf32, #tpu.memory_space<vmem>> -> memref<64x128xf32, #tpu.memory_space<vmem>>
      %dma_start3A_446 = arith.constant 0 : i32
      %dma_start3A_447 = tpu.memref_slice %arg8[%dma_start3A_440, %dma_start3A_446] : memref<2x64xi32, #tpu.memory_space<vmem>> -> memref<1x64xi32, #tpu.memory_space<vmem>>
      %dma_start3A_448 = tpu.memref_squeeze %dma_start3A_447 : memref<1x64xi32, #tpu.memory_space<vmem>> -> memref<64xi32, #tpu.memory_space<vmem>>
      %dma_start3A_449 = arith.constant 0 : i32
      %dma_start3A_450 = arith.constant 0 : i32
      %dma_start3A_451 = tpu.memref_slice %arg11[%dma_start3A_449, %dma_start3A_450] : memref<12545x128xf32, #tpu.memory_space<vmem_shared>> -> memref<12545x128xf32, #tpu.memory_space<vmem_shared>>
      %dma_start3A_452 = tpu.memref_slice %arg13[%dma_start3A_441] : memref<2x!tpu.dma_semaphore, #tpu.memory_space<semaphore_mem>> -> memref<1x!tpu.dma_semaphore, #tpu.memory_space<semaphore_mem>>
      %dma_start3A_453 = tpu.memref_squeeze %dma_start3A_452 : memref<1x!tpu.dma_semaphore, #tpu.memory_space<semaphore_mem>> -> memref<!tpu.dma_semaphore, #tpu.memory_space<semaphore_mem>>
      tpu.enqueue_indirect_dma source(%dma_start3A_445 : memref<64x128xf32, #tpu.memory_space<vmem>>) target(%dma_start3A_451 : memref<12545x128xf32, #tpu.memory_space<vmem_shared>>) offsets(%dma_start3A_448 : memref<64xi32, #tpu.memory_space<vmem>>) semaphore(%dma_start3A_453 : memref<!tpu.dma_semaphore, #tpu.memory_space<semaphore_mem>>) {add = true}
    }
    %while3A_166 = arith.constant 1 : i32
    scf.for %while3A_184 = %while3A_164 to %while3A_160 step %while3A_166  : i32 {
      %gt3A_185 = arith.constant 0 : i32
      %gt3A_186 = arith.cmpi sgt, %while3A_184, %gt3A_185 : i32
      %convert_element_type3A_187 = arith.extui %gt3A_186 : i1 to i32
      %cond3A_188 = arith.constant 0 : i32
      %cond3A_189 = arith.cmpi ne, %convert_element_type3A_187, %cond3A_188 : i32
      scf.if %cond3A_189 {
        %dma_wait3A_454 = arith.constant 0 : i32
        %dma_wait3A_455 = arith.constant 0 : i32
        %dma_wait3A_456 = arith.constant 0 : i32
        %dma_wait3A_457 = arith.constant 0 : i32
        %dma_wait3A_458 = tpu.memref_slice %arg10[%dma_wait3A_454, %dma_wait3A_456, %dma_wait3A_457] : memref<2x64x128xf32, #tpu.memory_space<vmem>> -> memref<1x64x128xf32, #tpu.memory_space<vmem>>
        %dma_wait3A_459 = tpu.memref_squeeze %dma_wait3A_458 : memref<1x64x128xf32, #tpu.memory_space<vmem>> -> memref<64x128xf32, #tpu.memory_space<vmem>>
        %dma_wait3A_460 = arith.constant 0 : i32
        %dma_wait3A_461 = arith.constant 0 : i32
        %dma_wait3A_462 = tpu.memref_slice %arg11[%dma_wait3A_460, %dma_wait3A_461] : memref<12545x128xf32, #tpu.memory_space<vmem_shared>> -> memref<64x128xf32, #tpu.memory_space<vmem_shared>>
        %dma_wait3A_463 = tpu.memref_slice %arg13[%dma_wait3A_455] : memref<2x!tpu.dma_semaphore, #tpu.memory_space<semaphore_mem>> -> memref<1x!tpu.dma_semaphore, #tpu.memory_space<semaphore_mem>>
        %dma_wait3A_464 = tpu.memref_squeeze %dma_wait3A_463 : memref<1x!tpu.dma_semaphore, #tpu.memory_space<semaphore_mem>> -> memref<!tpu.dma_semaphore, #tpu.memory_space<semaphore_mem>>
        %dma_wait3A_465 = arith.constant 0 : i32
        %dma_wait3A_466 = arith.constant 0 : i32
        %dma_wait3A_467 = tpu.memref_slice %arg11[%dma_wait3A_465, %dma_wait3A_466] : memref<12545x128xf32, #tpu.memory_space<vmem_shared>> -> memref<64x128xf32, #tpu.memory_space<vmem_shared>>
        %dma_wait3A_468 = arith.constant 0 : i32
        %dma_wait3A_469 = arith.constant 0 : i32
        %dma_wait3A_470 = tpu.memref_slice %arg10[%dma_wait3A_454, %dma_wait3A_468, %dma_wait3A_469] : memref<2x64x128xf32, #tpu.memory_space<vmem>> -> memref<1x64x128xf32, #tpu.memory_space<vmem>>
        %dma_wait3A_471 = tpu.memref_squeeze %dma_wait3A_470 : memref<1x64x128xf32, #tpu.memory_space<vmem>> -> memref<64x128xf32, #tpu.memory_space<vmem>>
        tpu.wait_dma2 semaphore(%dma_wait3A_464 : memref<!tpu.dma_semaphore, #tpu.memory_space<semaphore_mem>>) src(%dma_wait3A_471 : memref<64x128xf32, #tpu.memory_space<vmem>>) dst(%dma_wait3A_467 : memref<64x128xf32, #tpu.memory_space<vmem_shared>>)
      } else {
      }
      %mul3A_190 = arith.constant 2 : i32
      %mul3A_191 = arith.muli %while3A_184, %mul3A_190 : i32
      %add3A_192 = arith.constant 0 : i32
      %add3A_193 = arith.addi %mul3A_191, %add3A_192 : i32
      %mul3A_194 = arith.constant 64 : i32
      %mul3A_195 = arith.muli %add3A_193, %mul3A_194 : i32
      %add3A_196 = arith.constant 0 : i32
      %add3A_197 = arith.addi %mul3A_195, %add3A_196 : i32
      %get3A = arith.index_cast %add3A_197 : i32 to index
      %get3A_198 = tpu.vector_load %arg7[%get3A] {strides = array<i32>} : memref<8320xi32, #tpu.memory_space<vmem>>, vector<16xi32>,
      %and3A_199 = arith.constant 16383 : i32
      %and3A_200 = vector.broadcast %and3A_199 : i32 to vector<16xi32>
      %and3A_201 = arith.andi %get3A_198, %and3A_200 : vector<16xi32>
      %swap3A = arith.constant 0 : i32
      %swap3A_202 = arith.index_cast %swap3A : i32 to index
      %swap3A_203 = arith.constant 0 : index
      %swap3A_204 = tpu.vector_load %arg8[%swap3A_202, %swap3A_203] {strides = array<i32>} : memref<2x64xi32, #tpu.memory_space<vmem>>, vector<16xi32>,
      tpu.vector_store %arg8[%swap3A_202, %swap3A_203], %and3A_201 {strides = array<i32>} : memref<2x64xi32, #tpu.memory_space<vmem>>, vector<16xi32>,
      %shift_right_logical3A = arith.constant 14 : i32
      %shift_right_logical3A_205 = vector.broadcast %shift_right_logical3A : i32 to vector<16xi32>
      %shift_right_logical3A_206 = arith.shrui %get3A_198, %shift_right_logical3A_205 : vector<16xi32>
      %swap3A_207 = arith.constant 0 : i32
      %swap3A_208 = arith.index_cast %swap3A_207 : i32 to index
      %swap3A_209 = arith.constant 0 : index
      %swap3A_210 = tpu.vector_load %arg9[%swap3A_208, %swap3A_209] {strides = array<i32>} : memref<2x64xi32, #tpu.memory_space<vmem>>, vector<16xi32>,
      tpu.vector_store %arg9[%swap3A_208, %swap3A_209], %shift_right_logical3A_206 {strides = array<i32>} : memref<2x64xi32, #tpu.memory_space<vmem>>, vector<16xi32>,
      %mul3A_211 = arith.constant 64 : i32
      %mul3A_212 = arith.muli %add3A_193, %mul3A_211 : i32
      %add3A_213 = arith.constant 16 : i32
      %add3A_214 = arith.addi %mul3A_212, %add3A_213 : i32
      %get3A_215 = arith.index_cast %add3A_214 : i32 to index
      %get3A_216 = tpu.vector_load %arg7[%get3A_215] {strides = array<i32>} : memref<8320xi32, #tpu.memory_space<vmem>>, vector<16xi32>,
      %and3A_217 = arith.constant 16383 : i32
      %and3A_218 = vector.broadcast %and3A_217 : i32 to vector<16xi32>
      %and3A_219 = arith.andi %get3A_216, %and3A_218 : vector<16xi32>
      %swap3A_220 = arith.constant 0 : i32
      %swap3A_221 = arith.index_cast %swap3A_220 : i32 to index
      %swap3A_222 = arith.constant 16 : index
      %swap3A_223 = tpu.vector_load %arg8[%swap3A_221, %swap3A_222] {strides = array<i32>} : memref<2x64xi32, #tpu.memory_space<vmem>>, vector<16xi32>,
      tpu.vector_store %arg8[%swap3A_221, %swap3A_222], %and3A_219 {strides = array<i32>} : memref<2x64xi32, #tpu.memory_space<vmem>>, vector<16xi32>,
      %shift_right_logical3A_224 = arith.constant 14 : i32
      %shift_right_logical3A_225 = vector.broadcast %shift_right_logical3A_224 : i32 to vector<16xi32>
      %shift_right_logical3A_226 = arith.shrui %get3A_216, %shift_right_logical3A_225 : vector<16xi32>
      %swap3A_227 = arith.constant 0 : i32
      %swap3A_228 = arith.index_cast %swap3A_227 : i32 to index
      %swap3A_229 = arith.constant 16 : index
      %swap3A_230 = tpu.vector_load %arg9[%swap3A_228, %swap3A_229] {strides = array<i32>} : memref<2x64xi32, #tpu.memory_space<vmem>>, vector<16xi32>,
      tpu.vector_store %arg9[%swap3A_228, %swap3A_229], %shift_right_logical3A_226 {strides = array<i32>} : memref<2x64xi32, #tpu.memory_space<vmem>>, vector<16xi32>,
      %mul3A_231 = arith.constant 64 : i32
      %mul3A_232 = arith.muli %add3A_193, %mul3A_231 : i32
      %add3A_233 = arith.constant 32 : i32
      %add3A_234 = arith.addi %mul3A_232, %add3A_233 : i32
      %get3A_235 = arith.index_cast %add3A_234 : i32 to index
      %get3A_236 = tpu.vector_load %arg7[%get3A_235] {strides = array<i32>} : memref<8320xi32, #tpu.memory_space<vmem>>, vector<16xi32>,
      %and3A_237 = arith.constant 16383 : i32
      %and3A_238 = vector.broadcast %and3A_237 : i32 to vector<16xi32>
      %and3A_239 = arith.andi %get3A_236, %and3A_238 : vector<16xi32>
      %swap3A_240 = arith.constant 0 : i32
      %swap3A_241 = arith.index_cast %swap3A_240 : i32 to index
      %swap3A_242 = arith.constant 32 : index
      %swap3A_243 = tpu.vector_load %arg8[%swap3A_241, %swap3A_242] {strides = array<i32>} : memref<2x64xi32, #tpu.memory_space<vmem>>, vector<16xi32>,
      tpu.vector_store %arg8[%swap3A_241, %swap3A_242], %and3A_239 {strides = array<i32>} : memref<2x64xi32, #tpu.memory_space<vmem>>, vector<16xi32>,
      %shift_right_logical3A_244 = arith.constant 14 : i32
      %shift_right_logical3A_245 = vector.broadcast %shift_right_logical3A_244 : i32 to vector<16xi32>
      %shift_right_logical3A_246 = arith.shrui %get3A_236, %shift_right_logical3A_245 : vector<16xi32>
      %swap3A_247 = arith.constant 0 : i32
      %swap3A_248 = arith.index_cast %swap3A_247 : i32 to index
      %swap3A_249 = arith.constant 32 : index
      %swap3A_250 = tpu.vector_load %arg9[%swap3A_248, %swap3A_249] {strides = array<i32>} : memref<2x64xi32, #tpu.memory_space<vmem>>, vector<16xi32>,
      tpu.vector_store %arg9[%swap3A_248, %swap3A_249], %shift_right_logical3A_246 {strides = array<i32>} : memref<2x64xi32, #tpu.memory_space<vmem>>, vector<16xi32>,
      %mul3A_251 = arith.constant 64 : i32
      %mul3A_252 = arith.muli %add3A_193, %mul3A_251 : i32
      %add3A_253 = arith.constant 48 : i32
      %add3A_254 = arith.addi %mul3A_252, %add3A_253 : i32
      %get3A_255 = arith.index_cast %add3A_254 : i32 to index
      %get3A_256 = tpu.vector_load %arg7[%get3A_255] {strides = array<i32>} : memref<8320xi32, #tpu.memory_space<vmem>>, vector<16xi32>,
      %and3A_257 = arith.constant 16383 : i32
      %and3A_258 = vector.broadcast %and3A_257 : i32 to vector<16xi32>
      %and3A_259 = arith.andi %get3A_256, %and3A_258 : vector<16xi32>
      %swap3A_260 = arith.constant 0 : i32
      %swap3A_261 = arith.index_cast %swap3A_260 : i32 to index
      %swap3A_262 = arith.constant 48 : index
      %swap3A_263 = tpu.vector_load %arg8[%swap3A_261, %swap3A_262] {strides = array<i32>} : memref<2x64xi32, #tpu.memory_space<vmem>>, vector<16xi32>,
      tpu.vector_store %arg8[%swap3A_261, %swap3A_262], %and3A_259 {strides = array<i32>} : memref<2x64xi32, #tpu.memory_space<vmem>>, vector<16xi32>,
      %shift_right_logical3A_264 = arith.constant 14 : i32
      %shift_right_logical3A_265 = vector.broadcast %shift_right_logical3A_264 : i32 to vector<16xi32>
      %shift_right_logical3A_266 = arith.shrui %get3A_256, %shift_right_logical3A_265 : vector<16xi32>
      %swap3A_267 = arith.constant 0 : i32
      %swap3A_268 = arith.index_cast %swap3A_267 : i32 to index
      %swap3A_269 = arith.constant 48 : index
      %swap3A_270 = tpu.vector_load %arg9[%swap3A_268, %swap3A_269] {strides = array<i32>} : memref<2x64xi32, #tpu.memory_space<vmem>>, vector<16xi32>,
      tpu.vector_store %arg9[%swap3A_268, %swap3A_269], %shift_right_logical3A_266 {strides = array<i32>} : memref<2x64xi32, #tpu.memory_space<vmem>>, vector<16xi32>,
      %dma_start3A = arith.constant 0 : i32
      %dma_start3A_271 = arith.constant 0 : i32
      %dma_start3A_272 = arith.constant 0 : i32
      %dma_start3A_273 = arith.constant 0 : i32
      %dma_start3A_274 = arith.constant 0 : i32
      %dma_start3A_275 = tpu.memref_slice %arg10[%dma_start3A_271, %dma_start3A_273, %dma_start3A_274] : memref<2x64x128xf32, #tpu.memory_space<vmem>> -> memref<1x64x128xf32, #tpu.memory_space<vmem>>
      %dma_start3A_276 = tpu.memref_squeeze %dma_start3A_275 : memref<1x64x128xf32, #tpu.memory_space<vmem>> -> memref<64x128xf32, #tpu.memory_space<vmem>>
      %dma_start3A_277 = arith.constant 0 : i32
      %dma_start3A_278 = tpu.memref_slice %arg9[%dma_start3A, %dma_start3A_277] : memref<2x64xi32, #tpu.memory_space<vmem>> -> memref<1x64xi32, #tpu.memory_space<vmem>>
      %dma_start3A_279 = tpu.memref_squeeze %dma_start3A_278 : memref<1x64xi32, #tpu.memory_space<vmem>> -> memref<64xi32, #tpu.memory_space<vmem>>
      %dma_start3A_280 = arith.constant 0 : i32
      %dma_start3A_281 = arith.constant 0 : i32
      %dma_start3A_282 = tpu.memref_slice %arg3[%dma_start3A_280, %dma_start3A_281] : memref<2048x128xf32, #tpu.memory_space<hbm>> -> memref<2048x128xf32, #tpu.memory_space<hbm>>
      %dma_start3A_283 = tpu.memref_slice %arg12[%dma_start3A_272] : memref<2x!tpu.dma_semaphore, #tpu.memory_space<semaphore_mem>> -> memref<1x!tpu.dma_semaphore, #tpu.memory_space<semaphore_mem>>
      %dma_start3A_284 = tpu.memref_squeeze %dma_start3A_283 : memref<1x!tpu.dma_semaphore, #tpu.memory_space<semaphore_mem>> -> memref<!tpu.dma_semaphore, #tpu.memory_space<semaphore_mem>>
      tpu.enqueue_indirect_dma source(%dma_start3A_282 : memref<2048x128xf32, #tpu.memory_space<hbm>>) target(%dma_start3A_276 : memref<64x128xf32, #tpu.memory_space<vmem>>) offsets(%dma_start3A_279 : memref<64xi32, #tpu.memory_space<vmem>>) semaphore(%dma_start3A_284 : memref<!tpu.dma_semaphore, #tpu.memory_space<semaphore_mem>>)
      %gt3A_285 = arith.constant 0 : i32
      %gt3A_286 = arith.cmpi sgt, %while3A_184, %gt3A_285 : i32
      %convert_element_type3A_287 = arith.extui %gt3A_286 : i1 to i32
      %cond3A_288 = arith.constant 0 : i32
      %cond3A_289 = arith.cmpi ne, %convert_element_type3A_287, %cond3A_288 : i32
      scf.if %cond3A_289 {
        %dma_wait3A_454 = arith.constant 1 : i32
        %dma_wait3A_455 = arith.constant 1 : i32
        %dma_wait3A_456 = arith.constant 0 : i32
        %dma_wait3A_457 = arith.constant 0 : i32
        %dma_wait3A_458 = tpu.memref_slice %arg10[%dma_wait3A_454, %dma_wait3A_456, %dma_wait3A_457] : memref<2x64x128xf32, #tpu.memory_space<vmem>> -> memref<1x64x128xf32, #tpu.memory_space<vmem>>
        %dma_wait3A_459 = tpu.memref_squeeze %dma_wait3A_458 : memref<1x64x128xf32, #tpu.memory_space<vmem>> -> memref<64x128xf32, #tpu.memory_space<vmem>>
        %dma_wait3A_460 = arith.constant 0 : i32
        %dma_wait3A_461 = arith.constant 0 : i32
        %dma_wait3A_462 = tpu.memref_slice %arg11[%dma_wait3A_460, %dma_wait3A_461] : memref<12545x128xf32, #tpu.memory_space<vmem_shared>> -> memref<64x128xf32, #tpu.memory_space<vmem_shared>>
        %dma_wait3A_463 = tpu.memref_slice %arg13[%dma_wait3A_455] : memref<2x!tpu.dma_semaphore, #tpu.memory_space<semaphore_mem>> -> memref<1x!tpu.dma_semaphore, #tpu.memory_space<semaphore_mem>>
        %dma_wait3A_464 = tpu.memref_squeeze %dma_wait3A_463 : memref<1x!tpu.dma_semaphore, #tpu.memory_space<semaphore_mem>> -> memref<!tpu.dma_semaphore, #tpu.memory_space<semaphore_mem>>
        %dma_wait3A_465 = arith.constant 0 : i32
        %dma_wait3A_466 = arith.constant 0 : i32
        %dma_wait3A_467 = tpu.memref_slice %arg11[%dma_wait3A_465, %dma_wait3A_466] : memref<12545x128xf32, #tpu.memory_space<vmem_shared>> -> memref<64x128xf32, #tpu.memory_space<vmem_shared>>
        %dma_wait3A_468 = arith.constant 0 : i32
        %dma_wait3A_469 = arith.constant 0 : i32
        %dma_wait3A_470 = tpu.memref_slice %arg10[%dma_wait3A_454, %dma_wait3A_468, %dma_wait3A_469] : memref<2x64x128xf32, #tpu.memory_space<vmem>> -> memref<1x64x128xf32, #tpu.memory_space<vmem>>
        %dma_wait3A_471 = tpu.memref_squeeze %dma_wait3A_470 : memref<1x64x128xf32, #tpu.memory_space<vmem>> -> memref<64x128xf32, #tpu.memory_space<vmem>>
        tpu.wait_dma2 semaphore(%dma_wait3A_464 : memref<!tpu.dma_semaphore, #tpu.memory_space<semaphore_mem>>) src(%dma_wait3A_471 : memref<64x128xf32, #tpu.memory_space<vmem>>) dst(%dma_wait3A_467 : memref<64x128xf32, #tpu.memory_space<vmem_shared>>)
      } else {
      }
      %mul3A_290 = arith.constant 2 : i32
      %mul3A_291 = arith.muli %while3A_184, %mul3A_290 : i32
      %add3A_292 = arith.constant 1 : i32
      %add3A_293 = arith.addi %mul3A_291, %add3A_292 : i32
      %mul3A_294 = arith.constant 64 : i32
      %mul3A_295 = arith.muli %add3A_293, %mul3A_294 : i32
      %add3A_296 = arith.constant 0 : i32
      %add3A_297 = arith.addi %mul3A_295, %add3A_296 : i32
      %get3A_298 = arith.index_cast %add3A_297 : i32 to index
      %get3A_299 = tpu.vector_load %arg7[%get3A_298] {strides = array<i32>} : memref<8320xi32, #tpu.memory_space<vmem>>, vector<16xi32>,
      %and3A_300 = arith.constant 16383 : i32
      %and3A_301 = vector.broadcast %and3A_300 : i32 to vector<16xi32>
      %and3A_302 = arith.andi %get3A_299, %and3A_301 : vector<16xi32>
      %swap3A_303 = arith.constant 1 : i32
      %swap3A_304 = arith.index_cast %swap3A_303 : i32 to index
      %swap3A_305 = arith.constant 0 : index
      %swap3A_306 = tpu.vector_load %arg8[%swap3A_304, %swap3A_305] {strides = array<i32>} : memref<2x64xi32, #tpu.memory_space<vmem>>, vector<16xi32>,
      tpu.vector_store %arg8[%swap3A_304, %swap3A_305], %and3A_302 {strides = array<i32>} : memref<2x64xi32, #tpu.memory_space<vmem>>, vector<16xi32>,
      %shift_right_logical3A_307 = arith.constant 14 : i32
      %shift_right_logical3A_308 = vector.broadcast %shift_right_logical3A_307 : i32 to vector<16xi32>
      %shift_right_logical3A_309 = arith.shrui %get3A_299, %shift_right_logical3A_308 : vector<16xi32>
      %swap3A_310 = arith.constant 1 : i32
      %swap3A_311 = arith.index_cast %swap3A_310 : i32 to index
      %swap3A_312 = arith.constant 0 : index
      %swap3A_313 = tpu.vector_load %arg9[%swap3A_311, %swap3A_312] {strides = array<i32>} : memref<2x64xi32, #tpu.memory_space<vmem>>, vector<16xi32>,
      tpu.vector_store %arg9[%swap3A_311, %swap3A_312], %shift_right_logical3A_309 {strides = array<i32>} : memref<2x64xi32, #tpu.memory_space<vmem>>, vector<16xi32>,
      %mul3A_314 = arith.constant 64 : i32
      %mul3A_315 = arith.muli %add3A_293, %mul3A_314 : i32
      %add3A_316 = arith.constant 16 : i32
      %add3A_317 = arith.addi %mul3A_315, %add3A_316 : i32
      %get3A_318 = arith.index_cast %add3A_317 : i32 to index
      %get3A_319 = tpu.vector_load %arg7[%get3A_318] {strides = array<i32>} : memref<8320xi32, #tpu.memory_space<vmem>>, vector<16xi32>,
      %and3A_320 = arith.constant 16383 : i32
      %and3A_321 = vector.broadcast %and3A_320 : i32 to vector<16xi32>
      %and3A_322 = arith.andi %get3A_319, %and3A_321 : vector<16xi32>
      %swap3A_323 = arith.constant 1 : i32
      %swap3A_324 = arith.index_cast %swap3A_323 : i32 to index
      %swap3A_325 = arith.constant 16 : index
      %swap3A_326 = tpu.vector_load %arg8[%swap3A_324, %swap3A_325] {strides = array<i32>} : memref<2x64xi32, #tpu.memory_space<vmem>>, vector<16xi32>,
      tpu.vector_store %arg8[%swap3A_324, %swap3A_325], %and3A_322 {strides = array<i32>} : memref<2x64xi32, #tpu.memory_space<vmem>>, vector<16xi32>,
      %shift_right_logical3A_327 = arith.constant 14 : i32
      %shift_right_logical3A_328 = vector.broadcast %shift_right_logical3A_327 : i32 to vector<16xi32>
      %shift_right_logical3A_329 = arith.shrui %get3A_319, %shift_right_logical3A_328 : vector<16xi32>
      %swap3A_330 = arith.constant 1 : i32
      %swap3A_331 = arith.index_cast %swap3A_330 : i32 to index
      %swap3A_332 = arith.constant 16 : index
      %swap3A_333 = tpu.vector_load %arg9[%swap3A_331, %swap3A_332] {strides = array<i32>} : memref<2x64xi32, #tpu.memory_space<vmem>>, vector<16xi32>,
      tpu.vector_store %arg9[%swap3A_331, %swap3A_332], %shift_right_logical3A_329 {strides = array<i32>} : memref<2x64xi32, #tpu.memory_space<vmem>>, vector<16xi32>,
      %mul3A_334 = arith.constant 64 : i32
      %mul3A_335 = arith.muli %add3A_293, %mul3A_334 : i32
      %add3A_336 = arith.constant 32 : i32
      %add3A_337 = arith.addi %mul3A_335, %add3A_336 : i32
      %get3A_338 = arith.index_cast %add3A_337 : i32 to index
      %get3A_339 = tpu.vector_load %arg7[%get3A_338] {strides = array<i32>} : memref<8320xi32, #tpu.memory_space<vmem>>, vector<16xi32>,
      %and3A_340 = arith.constant 16383 : i32
      %and3A_341 = vector.broadcast %and3A_340 : i32 to vector<16xi32>
      %and3A_342 = arith.andi %get3A_339, %and3A_341 : vector<16xi32>
      %swap3A_343 = arith.constant 1 : i32
      %swap3A_344 = arith.index_cast %swap3A_343 : i32 to index
      %swap3A_345 = arith.constant 32 : index
      %swap3A_346 = tpu.vector_load %arg8[%swap3A_344, %swap3A_345] {strides = array<i32>} : memref<2x64xi32, #tpu.memory_space<vmem>>, vector<16xi32>,
      tpu.vector_store %arg8[%swap3A_344, %swap3A_345], %and3A_342 {strides = array<i32>} : memref<2x64xi32, #tpu.memory_space<vmem>>, vector<16xi32>,
      %shift_right_logical3A_347 = arith.constant 14 : i32
      %shift_right_logical3A_348 = vector.broadcast %shift_right_logical3A_347 : i32 to vector<16xi32>
      %shift_right_logical3A_349 = arith.shrui %get3A_339, %shift_right_logical3A_348 : vector<16xi32>
      %swap3A_350 = arith.constant 1 : i32
      %swap3A_351 = arith.index_cast %swap3A_350 : i32 to index
      %swap3A_352 = arith.constant 32 : index
      %swap3A_353 = tpu.vector_load %arg9[%swap3A_351, %swap3A_352] {strides = array<i32>} : memref<2x64xi32, #tpu.memory_space<vmem>>, vector<16xi32>,
      tpu.vector_store %arg9[%swap3A_351, %swap3A_352], %shift_right_logical3A_349 {strides = array<i32>} : memref<2x64xi32, #tpu.memory_space<vmem>>, vector<16xi32>,
      %mul3A_354 = arith.constant 64 : i32
      %mul3A_355 = arith.muli %add3A_293, %mul3A_354 : i32
      %add3A_356 = arith.constant 48 : i32
      %add3A_357 = arith.addi %mul3A_355, %add3A_356 : i32
      %get3A_358 = arith.index_cast %add3A_357 : i32 to index
      %get3A_359 = tpu.vector_load %arg7[%get3A_358] {strides = array<i32>} : memref<8320xi32, #tpu.memory_space<vmem>>, vector<16xi32>,
      %and3A_360 = arith.constant 16383 : i32
      %and3A_361 = vector.broadcast %and3A_360 : i32 to vector<16xi32>
      %and3A_362 = arith.andi %get3A_359, %and3A_361 : vector<16xi32>
      %swap3A_363 = arith.constant 1 : i32
      %swap3A_364 = arith.index_cast %swap3A_363 : i32 to index
      %swap3A_365 = arith.constant 48 : index
      %swap3A_366 = tpu.vector_load %arg8[%swap3A_364, %swap3A_365] {strides = array<i32>} : memref<2x64xi32, #tpu.memory_space<vmem>>, vector<16xi32>,
      tpu.vector_store %arg8[%swap3A_364, %swap3A_365], %and3A_362 {strides = array<i32>} : memref<2x64xi32, #tpu.memory_space<vmem>>, vector<16xi32>,
      %shift_right_logical3A_367 = arith.constant 14 : i32
      %shift_right_logical3A_368 = vector.broadcast %shift_right_logical3A_367 : i32 to vector<16xi32>
      %shift_right_logical3A_369 = arith.shrui %get3A_359, %shift_right_logical3A_368 : vector<16xi32>
      %swap3A_370 = arith.constant 1 : i32
      %swap3A_371 = arith.index_cast %swap3A_370 : i32 to index
      %swap3A_372 = arith.constant 48 : index
      %swap3A_373 = tpu.vector_load %arg9[%swap3A_371, %swap3A_372] {strides = array<i32>} : memref<2x64xi32, #tpu.memory_space<vmem>>, vector<16xi32>,
      tpu.vector_store %arg9[%swap3A_371, %swap3A_372], %shift_right_logical3A_369 {strides = array<i32>} : memref<2x64xi32, #tpu.memory_space<vmem>>, vector<16xi32>,
      %dma_start3A_374 = arith.constant 1 : i32
      %dma_start3A_375 = arith.constant 1 : i32
      %dma_start3A_376 = arith.constant 1 : i32
      %dma_start3A_377 = arith.constant 0 : i32
      %dma_start3A_378 = arith.constant 0 : i32
      %dma_start3A_379 = tpu.memref_slice %arg10[%dma_start3A_375, %dma_start3A_377, %dma_start3A_378] : memref<2x64x128xf32, #tpu.memory_space<vmem>> -> memref<1x64x128xf32, #tpu.memory_space<vmem>>
      %dma_start3A_380 = tpu.memref_squeeze %dma_start3A_379 : memref<1x64x128xf32, #tpu.memory_space<vmem>> -> memref<64x128xf32, #tpu.memory_space<vmem>>
      %dma_start3A_381 = arith.constant 0 : i32
      %dma_start3A_382 = tpu.memref_slice %arg9[%dma_start3A_374, %dma_start3A_381] : memref<2x64xi32, #tpu.memory_space<vmem>> -> memref<1x64xi32, #tpu.memory_space<vmem>>
      %dma_start3A_383 = tpu.memref_squeeze %dma_start3A_382 : memref<1x64xi32, #tpu.memory_space<vmem>> -> memref<64xi32, #tpu.memory_space<vmem>>
      %dma_start3A_384 = arith.constant 0 : i32
      %dma_start3A_385 = arith.constant 0 : i32
      %dma_start3A_386 = tpu.memref_slice %arg3[%dma_start3A_384, %dma_start3A_385] : memref<2048x128xf32, #tpu.memory_space<hbm>> -> memref<2048x128xf32, #tpu.memory_space<hbm>>
      %dma_start3A_387 = tpu.memref_slice %arg12[%dma_start3A_376] : memref<2x!tpu.dma_semaphore, #tpu.memory_space<semaphore_mem>> -> memref<1x!tpu.dma_semaphore, #tpu.memory_space<semaphore_mem>>
      %dma_start3A_388 = tpu.memref_squeeze %dma_start3A_387 : memref<1x!tpu.dma_semaphore, #tpu.memory_space<semaphore_mem>> -> memref<!tpu.dma_semaphore, #tpu.memory_space<semaphore_mem>>
      tpu.enqueue_indirect_dma source(%dma_start3A_386 : memref<2048x128xf32, #tpu.memory_space<hbm>>) target(%dma_start3A_380 : memref<64x128xf32, #tpu.memory_space<vmem>>) offsets(%dma_start3A_383 : memref<64xi32, #tpu.memory_space<vmem>>) semaphore(%dma_start3A_388 : memref<!tpu.dma_semaphore, #tpu.memory_space<semaphore_mem>>)
      %dma_wait3A = arith.constant 0 : i32
      %dma_wait3A_389 = arith.constant 0 : i32
      %dma_wait3A_390 = arith.constant 0 : i32
      %dma_wait3A_391 = arith.constant 0 : i32
      %dma_wait3A_392 = tpu.memref_slice %arg10[%dma_wait3A, %dma_wait3A_390, %dma_wait3A_391] : memref<2x64x128xf32, #tpu.memory_space<vmem>> -> memref<1x64x128xf32, #tpu.memory_space<vmem>>
      %dma_wait3A_393 = tpu.memref_squeeze %dma_wait3A_392 : memref<1x64x128xf32, #tpu.memory_space<vmem>> -> memref<64x128xf32, #tpu.memory_space<vmem>>
      %dma_wait3A_394 = arith.constant 0 : i32
      %dma_wait3A_395 = arith.constant 0 : i32
      %dma_wait3A_396 = tpu.memref_slice %arg3[%dma_wait3A_394, %dma_wait3A_395] : memref<2048x128xf32, #tpu.memory_space<hbm>> -> memref<64x128xf32, #tpu.memory_space<hbm>>
      %dma_wait3A_397 = tpu.memref_slice %arg12[%dma_wait3A_389] : memref<2x!tpu.dma_semaphore, #tpu.memory_space<semaphore_mem>> -> memref<1x!tpu.dma_semaphore, #tpu.memory_space<semaphore_mem>>
      %dma_wait3A_398 = tpu.memref_squeeze %dma_wait3A_397 : memref<1x!tpu.dma_semaphore, #tpu.memory_space<semaphore_mem>> -> memref<!tpu.dma_semaphore, #tpu.memory_space<semaphore_mem>>
      %dma_wait3A_399 = arith.constant 0 : i32
      %dma_wait3A_400 = arith.constant 0 : i32
      %dma_wait3A_401 = tpu.memref_slice %arg10[%dma_wait3A, %dma_wait3A_399, %dma_wait3A_400] : memref<2x64x128xf32, #tpu.memory_space<vmem>> -> memref<1x64x128xf32, #tpu.memory_space<vmem>>
      %dma_wait3A_402 = tpu.memref_squeeze %dma_wait3A_401 : memref<1x64x128xf32, #tpu.memory_space<vmem>> -> memref<64x128xf32, #tpu.memory_space<vmem>>
      %dma_wait3A_403 = arith.constant 0 : i32
      %dma_wait3A_404 = arith.constant 0 : i32
      %dma_wait3A_405 = tpu.memref_slice %arg3[%dma_wait3A_403, %dma_wait3A_404] : memref<2048x128xf32, #tpu.memory_space<hbm>> -> memref<64x128xf32, #tpu.memory_space<hbm>>
      tpu.wait_dma2 semaphore(%dma_wait3A_398 : memref<!tpu.dma_semaphore, #tpu.memory_space<semaphore_mem>>) src(%dma_wait3A_405 : memref<64x128xf32, #tpu.memory_space<hbm>>) dst(%dma_wait3A_402 : memref<64x128xf32, #tpu.memory_space<vmem>>)
      %dma_start3A_406 = arith.constant 0 : i32
      %dma_start3A_407 = arith.constant 0 : i32
      %dma_start3A_408 = arith.constant 0 : i32
      %dma_start3A_409 = arith.constant 0 : i32
      %dma_start3A_410 = arith.constant 0 : i32
      %dma_start3A_411 = tpu.memref_slice %arg10[%dma_start3A_406, %dma_start3A_409, %dma_start3A_410] : memref<2x64x128xf32, #tpu.memory_space<vmem>> -> memref<1x64x128xf32, #tpu.memory_space<vmem>>
      %dma_start3A_412 = tpu.memref_squeeze %dma_start3A_411 : memref<1x64x128xf32, #tpu.memory_space<vmem>> -> memref<64x128xf32, #tpu.memory_space<vmem>>
      %dma_start3A_413 = arith.constant 0 : i32
      %dma_start3A_414 = tpu.memref_slice %arg8[%dma_start3A_407, %dma_start3A_413] : memref<2x64xi32, #tpu.memory_space<vmem>> -> memref<1x64xi32, #tpu.memory_space<vmem>>
      %dma_start3A_415 = tpu.memref_squeeze %dma_start3A_414 : memref<1x64xi32, #tpu.memory_space<vmem>> -> memref<64xi32, #tpu.memory_space<vmem>>
      %dma_start3A_416 = arith.constant 0 : i32
      %dma_start3A_417 = arith.constant 0 : i32
      %dma_start3A_418 = tpu.memref_slice %arg11[%dma_start3A_416, %dma_start3A_417] : memref<12545x128xf32, #tpu.memory_space<vmem_shared>> -> memref<12545x128xf32, #tpu.memory_space<vmem_shared>>
      %dma_start3A_419 = tpu.memref_slice %arg13[%dma_start3A_408] : memref<2x!tpu.dma_semaphore, #tpu.memory_space<semaphore_mem>> -> memref<1x!tpu.dma_semaphore, #tpu.memory_space<semaphore_mem>>
      %dma_start3A_420 = tpu.memref_squeeze %dma_start3A_419 : memref<1x!tpu.dma_semaphore, #tpu.memory_space<semaphore_mem>> -> memref<!tpu.dma_semaphore, #tpu.memory_space<semaphore_mem>>
      tpu.enqueue_indirect_dma source(%dma_start3A_412 : memref<64x128xf32, #tpu.memory_space<vmem>>) target(%dma_start3A_418 : memref<12545x128xf32, #tpu.memory_space<vmem_shared>>) offsets(%dma_start3A_415 : memref<64xi32, #tpu.memory_space<vmem>>) semaphore(%dma_start3A_420 : memref<!tpu.dma_semaphore, #tpu.memory_space<semaphore_mem>>) {add = true}
      %dma_wait3A_421 = arith.constant 1 : i32
      %dma_wait3A_422 = arith.constant 1 : i32
      %dma_wait3A_423 = arith.constant 0 : i32
      %dma_wait3A_424 = arith.constant 0 : i32
      %dma_wait3A_425 = tpu.memref_slice %arg10[%dma_wait3A_421, %dma_wait3A_423, %dma_wait3A_424] : memref<2x64x128xf32, #tpu.memory_space<vmem>> -> memref<1x64x128xf32, #tpu.memory_space<vmem>>
      %dma_wait3A_426 = tpu.memref_squeeze %dma_wait3A_425 : memref<1x64x128xf32, #tpu.memory_space<vmem>> -> memref<64x128xf32, #tpu.memory_space<vmem>>
      %dma_wait3A_427 = arith.constant 0 : i32
      %dma_wait3A_428 = arith.constant 0 : i32
      %dma_wait3A_429 = tpu.memref_slice %arg3[%dma_wait3A_427, %dma_wait3A_428] : memref<2048x128xf32, #tpu.memory_space<hbm>> -> memref<64x128xf32, #tpu.memory_space<hbm>>
      %dma_wait3A_430 = tpu.memref_slice %arg12[%dma_wait3A_422] : memref<2x!tpu.dma_semaphore, #tpu.memory_space<semaphore_mem>> -> memref<1x!tpu.dma_semaphore, #tpu.memory_space<semaphore_mem>>
      %dma_wait3A_431 = tpu.memref_squeeze %dma_wait3A_430 : memref<1x!tpu.dma_semaphore, #tpu.memory_space<semaphore_mem>> -> memref<!tpu.dma_semaphore, #tpu.memory_space<semaphore_mem>>
      %dma_wait3A_432 = arith.constant 0 : i32
      %dma_wait3A_433 = arith.constant 0 : i32
      %dma_wait3A_434 = tpu.memref_slice %arg10[%dma_wait3A_421, %dma_wait3A_432, %dma_wait3A_433] : memref<2x64x128xf32, #tpu.memory_space<vmem>> -> memref<1x64x128xf32, #tpu.memory_space<vmem>>
      %dma_wait3A_435 = tpu.memref_squeeze %dma_wait3A_434 : memref<1x64x128xf32, #tpu.memory_space<vmem>> -> memref<64x128xf32, #tpu.memory_space<vmem>>
      %dma_wait3A_436 = arith.constant 0 : i32
      %dma_wait3A_437 = arith.constant 0 : i32
      %dma_wait3A_438 = tpu.memref_slice %arg3[%dma_wait3A_436, %dma_wait3A_437] : memref<2048x128xf32, #tpu.memory_space<hbm>> -> memref<64x128xf32, #tpu.memory_space<hbm>>
      tpu.wait_dma2 semaphore(%dma_wait3A_431 : memref<!tpu.dma_semaphore, #tpu.memory_space<semaphore_mem>>) src(%dma_wait3A_438 : memref<64x128xf32, #tpu.memory_space<hbm>>) dst(%dma_wait3A_435 : memref<64x128xf32, #tpu.memory_space<vmem>>)
      %dma_start3A_439 = arith.constant 1 : i32
      %dma_start3A_440 = arith.constant 1 : i32
      %dma_start3A_441 = arith.constant 1 : i32
      %dma_start3A_442 = arith.constant 0 : i32
      %dma_start3A_443 = arith.constant 0 : i32
      %dma_start3A_444 = tpu.memref_slice %arg10[%dma_start3A_439, %dma_start3A_442, %dma_start3A_443] : memref<2x64x128xf32, #tpu.memory_space<vmem>> -> memref<1x64x128xf32, #tpu.memory_space<vmem>>
      %dma_start3A_445 = tpu.memref_squeeze %dma_start3A_444 : memref<1x64x128xf32, #tpu.memory_space<vmem>> -> memref<64x128xf32, #tpu.memory_space<vmem>>
      %dma_start3A_446 = arith.constant 0 : i32
      %dma_start3A_447 = tpu.memref_slice %arg8[%dma_start3A_440, %dma_start3A_446] : memref<2x64xi32, #tpu.memory_space<vmem>> -> memref<1x64xi32, #tpu.memory_space<vmem>>
      %dma_start3A_448 = tpu.memref_squeeze %dma_start3A_447 : memref<1x64xi32, #tpu.memory_space<vmem>> -> memref<64xi32, #tpu.memory_space<vmem>>
      %dma_start3A_449 = arith.constant 0 : i32
      %dma_start3A_450 = arith.constant 0 : i32
      %dma_start3A_451 = tpu.memref_slice %arg11[%dma_start3A_449, %dma_start3A_450] : memref<12545x128xf32, #tpu.memory_space<vmem_shared>> -> memref<12545x128xf32, #tpu.memory_space<vmem_shared>>
      %dma_start3A_452 = tpu.memref_slice %arg13[%dma_start3A_441] : memref<2x!tpu.dma_semaphore, #tpu.memory_space<semaphore_mem>> -> memref<1x!tpu.dma_semaphore, #tpu.memory_space<semaphore_mem>>
      %dma_start3A_453 = tpu.memref_squeeze %dma_start3A_452 : memref<1x!tpu.dma_semaphore, #tpu.memory_space<semaphore_mem>> -> memref<!tpu.dma_semaphore, #tpu.memory_space<semaphore_mem>>
      tpu.enqueue_indirect_dma source(%dma_start3A_445 : memref<64x128xf32, #tpu.memory_space<vmem>>) target(%dma_start3A_451 : memref<12545x128xf32, #tpu.memory_space<vmem_shared>>) offsets(%dma_start3A_448 : memref<64xi32, #tpu.memory_space<vmem>>) semaphore(%dma_start3A_453 : memref<!tpu.dma_semaphore, #tpu.memory_space<semaphore_mem>>) {add = true}
    }
    %gt3A_167 = arith.constant 0 : i32
    %gt3A_168 = arith.cmpi sgt, %select_n3A_156, %gt3A_167 : i32
    %convert_element_type3A_169 = arith.extui %gt3A_168 : i1 to i32
    %cond3A_170 = arith.constant 0 : i32
    %cond3A_171 = arith.cmpi ne, %convert_element_type3A_169, %cond3A_170 : i32
    scf.if %cond3A_171 {
      %dma_wait3A = arith.constant 0 : i32
      %dma_wait3A_184 = arith.constant 0 : i32
      %dma_wait3A_185 = arith.constant 0 : i32
      %dma_wait3A_186 = arith.constant 0 : i32
      %dma_wait3A_187 = tpu.memref_slice %arg10[%dma_wait3A, %dma_wait3A_185, %dma_wait3A_186] : memref<2x64x128xf32, #tpu.memory_space<vmem>> -> memref<1x64x128xf32, #tpu.memory_space<vmem>>
      %dma_wait3A_188 = tpu.memref_squeeze %dma_wait3A_187 : memref<1x64x128xf32, #tpu.memory_space<vmem>> -> memref<64x128xf32, #tpu.memory_space<vmem>>
      %dma_wait3A_189 = arith.constant 0 : i32
      %dma_wait3A_190 = arith.constant 0 : i32
      %dma_wait3A_191 = tpu.memref_slice %arg11[%dma_wait3A_189, %dma_wait3A_190] : memref<12545x128xf32, #tpu.memory_space<vmem_shared>> -> memref<64x128xf32, #tpu.memory_space<vmem_shared>>
      %dma_wait3A_192 = tpu.memref_slice %arg13[%dma_wait3A_184] : memref<2x!tpu.dma_semaphore, #tpu.memory_space<semaphore_mem>> -> memref<1x!tpu.dma_semaphore, #tpu.memory_space<semaphore_mem>>
      %dma_wait3A_193 = tpu.memref_squeeze %dma_wait3A_192 : memref<1x!tpu.dma_semaphore, #tpu.memory_space<semaphore_mem>> -> memref<!tpu.dma_semaphore, #tpu.memory_space<semaphore_mem>>
      %dma_wait3A_194 = arith.constant 0 : i32
      %dma_wait3A_195 = arith.constant 0 : i32
      %dma_wait3A_196 = tpu.memref_slice %arg11[%dma_wait3A_194, %dma_wait3A_195] : memref<12545x128xf32, #tpu.memory_space<vmem_shared>> -> memref<64x128xf32, #tpu.memory_space<vmem_shared>>
      %dma_wait3A_197 = arith.constant 0 : i32
      %dma_wait3A_198 = arith.constant 0 : i32
      %dma_wait3A_199 = tpu.memref_slice %arg10[%dma_wait3A, %dma_wait3A_197, %dma_wait3A_198] : memref<2x64x128xf32, #tpu.memory_space<vmem>> -> memref<1x64x128xf32, #tpu.memory_space<vmem>>
      %dma_wait3A_200 = tpu.memref_squeeze %dma_wait3A_199 : memref<1x64x128xf32, #tpu.memory_space<vmem>> -> memref<64x128xf32, #tpu.memory_space<vmem>>
      tpu.wait_dma2 semaphore(%dma_wait3A_193 : memref<!tpu.dma_semaphore, #tpu.memory_space<semaphore_mem>>) src(%dma_wait3A_200 : memref<64x128xf32, #tpu.memory_space<vmem>>) dst(%dma_wait3A_196 : memref<64x128xf32, #tpu.memory_space<vmem_shared>>)
    } else {
    }
    %gt3A_172 = arith.constant 0 : i32
    %gt3A_173 = arith.cmpi sgt, %select_n3A_156, %gt3A_172 : i32
    %convert_element_type3A_174 = arith.extui %gt3A_173 : i1 to i32
    %cond3A_175 = arith.constant 0 : i32
    %cond3A_176 = arith.cmpi ne, %convert_element_type3A_174, %cond3A_175 : i32
    scf.if %cond3A_176 {
      %dma_wait3A = arith.constant 1 : i32
      %dma_wait3A_184 = arith.constant 1 : i32
      %dma_wait3A_185 = arith.constant 0 : i32
      %dma_wait3A_186 = arith.constant 0 : i32
      %dma_wait3A_187 = tpu.memref_slice %arg10[%dma_wait3A, %dma_wait3A_185, %dma_wait3A_186] : memref<2x64x128xf32, #tpu.memory_space<vmem>> -> memref<1x64x128xf32, #tpu.memory_space<vmem>>
      %dma_wait3A_188 = tpu.memref_squeeze %dma_wait3A_187 : memref<1x64x128xf32, #tpu.memory_space<vmem>> -> memref<64x128xf32, #tpu.memory_space<vmem>>
      %dma_wait3A_189 = arith.constant 0 : i32
      %dma_wait3A_190 = arith.constant 0 : i32
      %dma_wait3A_191 = tpu.memref_slice %arg11[%dma_wait3A_189, %dma_wait3A_190] : memref<12545x128xf32, #tpu.memory_space<vmem_shared>> -> memref<64x128xf32, #tpu.memory_space<vmem_shared>>
      %dma_wait3A_192 = tpu.memref_slice %arg13[%dma_wait3A_184] : memref<2x!tpu.dma_semaphore, #tpu.memory_space<semaphore_mem>> -> memref<1x!tpu.dma_semaphore, #tpu.memory_space<semaphore_mem>>
      %dma_wait3A_193 = tpu.memref_squeeze %dma_wait3A_192 : memref<1x!tpu.dma_semaphore, #tpu.memory_space<semaphore_mem>> -> memref<!tpu.dma_semaphore, #tpu.memory_space<semaphore_mem>>
      %dma_wait3A_194 = arith.constant 0 : i32
      %dma_wait3A_195 = arith.constant 0 : i32
      %dma_wait3A_196 = tpu.memref_slice %arg11[%dma_wait3A_194, %dma_wait3A_195] : memref<12545x128xf32, #tpu.memory_space<vmem_shared>> -> memref<64x128xf32, #tpu.memory_space<vmem_shared>>
      %dma_wait3A_197 = arith.constant 0 : i32
      %dma_wait3A_198 = arith.constant 0 : i32
      %dma_wait3A_199 = tpu.memref_slice %arg10[%dma_wait3A, %dma_wait3A_197, %dma_wait3A_198] : memref<2x64x128xf32, #tpu.memory_space<vmem>> -> memref<1x64x128xf32, #tpu.memory_space<vmem>>
      %dma_wait3A_200 = tpu.memref_squeeze %dma_wait3A_199 : memref<1x64x128xf32, #tpu.memory_space<vmem>> -> memref<64x128xf32, #tpu.memory_space<vmem>>
      tpu.wait_dma2 semaphore(%dma_wait3A_193 : memref<!tpu.dma_semaphore, #tpu.memory_space<semaphore_mem>>) src(%dma_wait3A_200 : memref<64x128xf32, #tpu.memory_space<vmem>>) dst(%dma_wait3A_196 : memref<64x128xf32, #tpu.memory_space<vmem_shared>>)
    } else {
    }
    %barrier3A_177 = arith.constant 0 : index
    tpu.barrier barrier_id(%barrier3A_177)
    %mul3A_178 = arith.constant 784 : i32
    %mul3A_179 = arith.muli %arg1, %mul3A_178 : i32
    %mul3A_180 = arith.constant 784 : i32
    %mul3A_181 = arith.muli %arg1, %mul3A_180 : i32
    %add3A_182 = arith.addi %mul3A_89, %mul3A_181 : i32
    "tpu.region"() ({
      %run_scoped3A = tpu.sem_alloc : memref<!tpu.dma_semaphore, #tpu.memory_space<semaphore_mem>>
      %dma_start3A = arith.constant 0 : i32
      %dma_start3A_184 = tpu.memref_slice %arg5[%add3A_182, %dma_start3A] : memref<50176x128xf32, #tpu.memory_space<hbm>> -> memref<784x128xf32, #tpu.memory_space<hbm>>
      %dma_start3A_185 = arith.constant 0 : i32
      %dma_start3A_186 = tpu.memref_slice %arg11[%mul3A_179, %dma_start3A_185] : memref<12545x128xf32, #tpu.memory_space<vmem_shared>> -> memref<784x128xf32, #tpu.memory_space<vmem_shared>>
      tpu.enqueue_dma source(%dma_start3A_186 : memref<784x128xf32, #tpu.memory_space<vmem_shared>>) target(%dma_start3A_184 : memref<784x128xf32, #tpu.memory_space<hbm>>) target_semaphore(%run_scoped3A : memref<!tpu.dma_semaphore, #tpu.memory_space<semaphore_mem>>)
      %dma_wait3A = arith.constant 0 : i32
      %dma_wait3A_187 = tpu.memref_slice %arg5[%add3A_182, %dma_wait3A] : memref<50176x128xf32, #tpu.memory_space<hbm>> -> memref<784x128xf32, #tpu.memory_space<hbm>>
      %dma_wait3A_188 = arith.constant 0 : i32
      %dma_wait3A_189 = tpu.memref_slice %arg11[%mul3A_179, %dma_wait3A_188] : memref<12545x128xf32, #tpu.memory_space<vmem_shared>> -> memref<784x128xf32, #tpu.memory_space<vmem_shared>>
      tpu.wait_dma2 semaphore(%run_scoped3A : memref<!tpu.dma_semaphore, #tpu.memory_space<semaphore_mem>>) src(%dma_wait3A_189 : memref<784x128xf32, #tpu.memory_space<vmem_shared>>) dst(%dma_wait3A_187 : memref<784x128xf32, #tpu.memory_space<hbm>>)
      tpu.yield
    }) : () -> ()
    %barrier3A_183 = arith.constant 0 : index
    tpu.barrier barrier_id(%barrier3A_183)
    return
  }
}

#map = affine_map<(d0, d1) -> (0)>
#map1 = affine_map<(d0, d1) -> (0, 0)>
module attributes {stable_mosaic.version = 14 : i64} {
  func.func @_gather_mean_body(%arg0: i32, %arg1: i32, %arg2: memref<131072xi32, #tpu.memory_space<hbm>>, %arg3: memref<50000x128xf32, #tpu.memory_space<hbm>>, %arg4: memref<131072xi32, #tpu.memory_space<hbm>>, %arg5: memref<2048x128xf32, #tpu.memory_space<hbm>>, %arg6: memref<32x50176xf32, #tpu.memory_space<hbm>>, %arg7: memref<4096xi32, #tpu.memory_space<vmem>>, %arg8: memref<64x128xf32, #tpu.memory_space<vmem>>, %arg9: memref<64x128xf32, #tpu.memory_space<vmem>>, %arg10: memref<64x128xf32, #tpu.memory_space<vmem>>, %arg11: memref<50176xf32, #tpu.memory_space<vmem>>, %arg12: memref<!tpu.dma_semaphore, #tpu.memory_space<semaphore_mem>>, %arg13: memref<!tpu.dma_semaphore, #tpu.memory_space<semaphore_mem>>) attributes {dimension_semantics = [#tpu.dimension_semantics<core_parallel>, #tpu.dimension_semantics<subcore_parallel>], iteration_bounds = array<i64: 2, 16>, scalar_prefetch = 0 : i64, scratch_operands = 7 : i64, tpu.core_type = #tpu.core_type<sc_vector_subcore>, window_params = [{transform_indices = #map}, {transform_indices = #map1}, {transform_indices = #map}, {transform_indices = #map1}, {transform_indices = #map1}]} {
    %mul3A = arith.constant 2 : i32
    %mul3A_0 = arith.muli %arg1, %mul3A : i32
    %add3A = arith.addi %mul3A_0, %arg0 : i32
    %mul3A_1 = arith.constant 64 : i32
    %mul3A_2 = arith.muli %add3A, %mul3A_1 : i32
    %mul3A_3 = arith.constant 64 : i32
    %mul3A_4 = arith.muli %mul3A_2, %mul3A_3 : i32
    "tpu.region"() ({
      %run_scoped3A = tpu.sem_alloc : memref<!tpu.dma_semaphore, #tpu.memory_space<semaphore_mem>>
      %dma_start3A_26 = tpu.memref_slice %arg2[%mul3A_4] : memref<131072xi32, #tpu.memory_space<hbm>> -> memref<4096xi32, #tpu.memory_space<hbm>>
      %dma_start3A_27 = tpu.memref_slice %arg2[%mul3A_4] : memref<131072xi32, #tpu.memory_space<hbm>> -> memref<4096xi32, #tpu.memory_space<hbm>>
      tpu.enqueue_dma source(%dma_start3A_27 : memref<4096xi32, #tpu.memory_space<hbm>>) target(%arg7 : memref<4096xi32, #tpu.memory_space<vmem>>) target_semaphore(%run_scoped3A : memref<!tpu.dma_semaphore, #tpu.memory_space<semaphore_mem>>)
      %dma_wait3A = tpu.memref_slice %arg2[%mul3A_4] : memref<131072xi32, #tpu.memory_space<hbm>> -> memref<4096xi32, #tpu.memory_space<hbm>>
      %dma_wait3A_28 = tpu.memref_slice %arg2[%mul3A_4] : memref<131072xi32, #tpu.memory_space<hbm>> -> memref<4096xi32, #tpu.memory_space<hbm>>
      tpu.wait_dma2 semaphore(%run_scoped3A : memref<!tpu.dma_semaphore, #tpu.memory_space<semaphore_mem>>) src(%dma_wait3A_28 : memref<4096xi32, #tpu.memory_space<hbm>>) dst(%arg7 : memref<4096xi32, #tpu.memory_space<vmem>>)
      tpu.yield
    }) : () -> ()
    %dma_start3A = arith.constant 0 : i32
    %dma_start3A_5 = tpu.memref_slice %arg7[%dma_start3A] : memref<4096xi32, #tpu.memory_space<vmem>> -> memref<64xi32, #tpu.memory_space<vmem>>
    %dma_start3A_6 = arith.constant 0 : i32
    %dma_start3A_7 = arith.constant 0 : i32
    %dma_start3A_8 = tpu.memref_slice %arg3[%dma_start3A_6, %dma_start3A_7] : memref<50000x128xf32, #tpu.memory_space<hbm>> -> memref<50000x128xf32, #tpu.memory_space<hbm>>
    tpu.enqueue_indirect_dma source(%dma_start3A_8 : memref<50000x128xf32, #tpu.memory_space<hbm>>) target(%arg8 : memref<64x128xf32, #tpu.memory_space<vmem>>) offsets(%dma_start3A_5 : memref<64xi32, #tpu.memory_space<vmem>>) semaphore(%arg12 : memref<!tpu.dma_semaphore, #tpu.memory_space<semaphore_mem>>)
    %scan3A = arith.constant 0 : i32
    %scan3A_9 = arith.constant 32 : i32
    %scan3A_10 = arith.addi %scan3A, %scan3A_9 : i32
    %scan3A_11 = arith.constant 1 : i32
    scf.for %scan3A_26 = %scan3A to %scan3A_10 step %scan3A_11  : i32 {
      %mul3A_27 = arith.constant 2 : i32
      %mul3A_28 = arith.muli %scan3A_26, %mul3A_27 : i32
      %add3A_29 = arith.constant 0 : i32
      %add3A_30 = arith.addi %add3A_29, %mul3A_28 : i32
      %add3A_31 = arith.constant 1 : i32
      %add3A_32 = arith.addi %add3A_30, %add3A_31 : i32
      %mul3A_33 = arith.constant 64 : i32
      %mul3A_34 = arith.muli %add3A_32, %mul3A_33 : i32
      %dma_start3A_35 = tpu.memref_slice %arg7[%mul3A_34] : memref<4096xi32, #tpu.memory_space<vmem>> -> memref<64xi32, #tpu.memory_space<vmem>>
      %dma_start3A_36 = arith.constant 0 : i32
      %dma_start3A_37 = arith.constant 0 : i32
      %dma_start3A_38 = tpu.memref_slice %arg3[%dma_start3A_36, %dma_start3A_37] : memref<50000x128xf32, #tpu.memory_space<hbm>> -> memref<50000x128xf32, #tpu.memory_space<hbm>>
      tpu.enqueue_indirect_dma source(%dma_start3A_38 : memref<50000x128xf32, #tpu.memory_space<hbm>>) target(%arg9 : memref<64x128xf32, #tpu.memory_space<vmem>>) offsets(%dma_start3A_35 : memref<64xi32, #tpu.memory_space<vmem>>) semaphore(%arg13 : memref<!tpu.dma_semaphore, #tpu.memory_space<semaphore_mem>>)
      %dma_wait3A = arith.constant 0 : i32
      %dma_wait3A_39 = arith.constant 0 : i32
      %dma_wait3A_40 = tpu.memref_slice %arg3[%dma_wait3A, %dma_wait3A_39] : memref<50000x128xf32, #tpu.memory_space<hbm>> -> memref<64x128xf32, #tpu.memory_space<hbm>>
      %dma_wait3A_41 = arith.constant 0 : i32
      %dma_wait3A_42 = arith.constant 0 : i32
      %dma_wait3A_43 = tpu.memref_slice %arg3[%dma_wait3A_41, %dma_wait3A_42] : memref<50000x128xf32, #tpu.memory_space<hbm>> -> memref<64x128xf32, #tpu.memory_space<hbm>>
      tpu.wait_dma2 semaphore(%arg12 : memref<!tpu.dma_semaphore, #tpu.memory_space<semaphore_mem>>) src(%dma_wait3A_43 : memref<64x128xf32, #tpu.memory_space<hbm>>) dst(%arg8 : memref<64x128xf32, #tpu.memory_space<vmem>>)
      %broadcast_in_dim3A_44 = arith.constant 0.000000e+00 : f32
      %broadcast_in_dim3A_45 = vector.broadcast %broadcast_in_dim3A_44 : f32 to vector<16xf32>
      %broadcast_in_dim3A_46 = arith.constant 0.000000e+00 : f32
      %broadcast_in_dim3A_47 = vector.broadcast %broadcast_in_dim3A_46 : f32 to vector<16xf32>
      %broadcast_in_dim3A_48 = arith.constant 0.000000e+00 : f32
      %broadcast_in_dim3A_49 = vector.broadcast %broadcast_in_dim3A_48 : f32 to vector<16xf32>
      %broadcast_in_dim3A_50 = arith.constant 0.000000e+00 : f32
      %broadcast_in_dim3A_51 = vector.broadcast %broadcast_in_dim3A_50 : f32 to vector<16xf32>
      %broadcast_in_dim3A_52 = arith.constant 0.000000e+00 : f32
      %broadcast_in_dim3A_53 = vector.broadcast %broadcast_in_dim3A_52 : f32 to vector<16xf32>
      %broadcast_in_dim3A_54 = arith.constant 0.000000e+00 : f32
      %broadcast_in_dim3A_55 = vector.broadcast %broadcast_in_dim3A_54 : f32 to vector<16xf32>
      %broadcast_in_dim3A_56 = arith.constant 0.000000e+00 : f32
      %broadcast_in_dim3A_57 = vector.broadcast %broadcast_in_dim3A_56 : f32 to vector<16xf32>
      %broadcast_in_dim3A_58 = arith.constant 0.000000e+00 : f32
      %broadcast_in_dim3A_59 = vector.broadcast %broadcast_in_dim3A_58 : f32 to vector<16xf32>
      %scan3A_60 = arith.constant 0 : i32
      %scan3A_61 = arith.constant 64 : i32
      %scan3A_62 = arith.addi %scan3A_60, %scan3A_61 : i32
      %scan3A_63 = arith.constant 1 : i32
      %scan3A_64:8 = scf.for %scan3A_195 = %scan3A_60 to %scan3A_62 step %scan3A_63 iter_args(%scan3A_196 = %broadcast_in_dim3A_45, %scan3A_197 = %broadcast_in_dim3A_47, %scan3A_198 = %broadcast_in_dim3A_49, %scan3A_199 = %broadcast_in_dim3A_51, %scan3A_200 = %broadcast_in_dim3A_53, %scan3A_201 = %broadcast_in_dim3A_55, %scan3A_202 = %broadcast_in_dim3A_57, %scan3A_203 = %broadcast_in_dim3A_59) -> (vector<16xf32>, vector<16xf32>, vector<16xf32>, vector<16xf32>, vector<16xf32>, vector<16xf32>, vector<16xf32>, vector<16xf32>)  : i32 {
        %get3A = arith.index_cast %scan3A_195 : i32 to index
        %get3A_204 = arith.constant 0 : index
        %get3A_205 = tpu.vector_load %arg8[%get3A, %get3A_204] {strides = array<i32>} : memref<64x128xf32, #tpu.memory_space<vmem>>, vector<16xf32>,
        %add3A_206 = arith.addf %scan3A_196, %get3A_205 : vector<16xf32>
        %get3A_207 = arith.index_cast %scan3A_195 : i32 to index
        %get3A_208 = arith.constant 16 : index
        %get3A_209 = tpu.vector_load %arg8[%get3A_207, %get3A_208] {strides = array<i32>} : memref<64x128xf32, #tpu.memory_space<vmem>>, vector<16xf32>,
        %add3A_210 = arith.addf %scan3A_197, %get3A_209 : vector<16xf32>
        %get3A_211 = arith.index_cast %scan3A_195 : i32 to index
        %get3A_212 = arith.constant 32 : index
        %get3A_213 = tpu.vector_load %arg8[%get3A_211, %get3A_212] {strides = array<i32>} : memref<64x128xf32, #tpu.memory_space<vmem>>, vector<16xf32>,
        %add3A_214 = arith.addf %scan3A_198, %get3A_213 : vector<16xf32>
        %get3A_215 = arith.index_cast %scan3A_195 : i32 to index
        %get3A_216 = arith.constant 48 : index
        %get3A_217 = tpu.vector_load %arg8[%get3A_215, %get3A_216] {strides = array<i32>} : memref<64x128xf32, #tpu.memory_space<vmem>>, vector<16xf32>,
        %add3A_218 = arith.addf %scan3A_199, %get3A_217 : vector<16xf32>
        %get3A_219 = arith.index_cast %scan3A_195 : i32 to index
        %get3A_220 = arith.constant 64 : index
        %get3A_221 = tpu.vector_load %arg8[%get3A_219, %get3A_220] {strides = array<i32>} : memref<64x128xf32, #tpu.memory_space<vmem>>, vector<16xf32>,
        %add3A_222 = arith.addf %scan3A_200, %get3A_221 : vector<16xf32>
        %get3A_223 = arith.index_cast %scan3A_195 : i32 to index
        %get3A_224 = arith.constant 80 : index
        %get3A_225 = tpu.vector_load %arg8[%get3A_223, %get3A_224] {strides = array<i32>} : memref<64x128xf32, #tpu.memory_space<vmem>>, vector<16xf32>,
        %add3A_226 = arith.addf %scan3A_201, %get3A_225 : vector<16xf32>
        %get3A_227 = arith.index_cast %scan3A_195 : i32 to index
        %get3A_228 = arith.constant 96 : index
        %get3A_229 = tpu.vector_load %arg8[%get3A_227, %get3A_228] {strides = array<i32>} : memref<64x128xf32, #tpu.memory_space<vmem>>, vector<16xf32>,
        %add3A_230 = arith.addf %scan3A_202, %get3A_229 : vector<16xf32>
        %get3A_231 = arith.index_cast %scan3A_195 : i32 to index
        %get3A_232 = arith.constant 112 : index
        %get3A_233 = tpu.vector_load %arg8[%get3A_231, %get3A_232] {strides = array<i32>} : memref<64x128xf32, #tpu.memory_space<vmem>>, vector<16xf32>,
        %add3A_234 = arith.addf %scan3A_203, %get3A_233 : vector<16xf32>
        scf.yield %add3A_206, %add3A_210, %add3A_214, %add3A_218, %add3A_222, %add3A_226, %add3A_230, %add3A_234 : vector<16xf32>, vector<16xf32>, vector<16xf32>, vector<16xf32>, vector<16xf32>, vector<16xf32>, vector<16xf32>, vector<16xf32>
      }
      %scan3A_65 = arith.constant 64 : i32
      %mul3A_66 = arith.constant 1.562500e-02 : f32
      %mul3A_67 = vector.broadcast %mul3A_66 : f32 to vector<16xf32>
      %mul3A_68 = arith.mulf %scan3A_64#0, %mul3A_67 : vector<16xf32>
      %swap3A = arith.index_cast %add3A_30 : i32 to index
      %swap3A_69 = arith.constant 0 : index
      %swap3A_70 = tpu.vector_load %arg10[%swap3A, %swap3A_69] {strides = array<i32>} : memref<64x128xf32, #tpu.memory_space<vmem>>, vector<16xf32>,
      tpu.vector_store %arg10[%swap3A, %swap3A_69], %mul3A_68 {strides = array<i32>} : memref<64x128xf32, #tpu.memory_space<vmem>>, vector<16xf32>,
      %mul3A_71 = arith.constant 1.562500e-02 : f32
      %mul3A_72 = vector.broadcast %mul3A_71 : f32 to vector<16xf32>
      %mul3A_73 = arith.mulf %scan3A_64#1, %mul3A_72 : vector<16xf32>
      %swap3A_74 = arith.index_cast %add3A_30 : i32 to index
      %swap3A_75 = arith.constant 16 : index
      %swap3A_76 = tpu.vector_load %arg10[%swap3A_74, %swap3A_75] {strides = array<i32>} : memref<64x128xf32, #tpu.memory_space<vmem>>, vector<16xf32>,
      tpu.vector_store %arg10[%swap3A_74, %swap3A_75], %mul3A_73 {strides = array<i32>} : memref<64x128xf32, #tpu.memory_space<vmem>>, vector<16xf32>,
      %mul3A_77 = arith.constant 1.562500e-02 : f32
      %mul3A_78 = vector.broadcast %mul3A_77 : f32 to vector<16xf32>
      %mul3A_79 = arith.mulf %scan3A_64#2, %mul3A_78 : vector<16xf32>
      %swap3A_80 = arith.index_cast %add3A_30 : i32 to index
      %swap3A_81 = arith.constant 32 : index
      %swap3A_82 = tpu.vector_load %arg10[%swap3A_80, %swap3A_81] {strides = array<i32>} : memref<64x128xf32, #tpu.memory_space<vmem>>, vector<16xf32>,
      tpu.vector_store %arg10[%swap3A_80, %swap3A_81], %mul3A_79 {strides = array<i32>} : memref<64x128xf32, #tpu.memory_space<vmem>>, vector<16xf32>,
      %mul3A_83 = arith.constant 1.562500e-02 : f32
      %mul3A_84 = vector.broadcast %mul3A_83 : f32 to vector<16xf32>
      %mul3A_85 = arith.mulf %scan3A_64#3, %mul3A_84 : vector<16xf32>
      %swap3A_86 = arith.index_cast %add3A_30 : i32 to index
      %swap3A_87 = arith.constant 48 : index
      %swap3A_88 = tpu.vector_load %arg10[%swap3A_86, %swap3A_87] {strides = array<i32>} : memref<64x128xf32, #tpu.memory_space<vmem>>, vector<16xf32>,
      tpu.vector_store %arg10[%swap3A_86, %swap3A_87], %mul3A_85 {strides = array<i32>} : memref<64x128xf32, #tpu.memory_space<vmem>>, vector<16xf32>,
      %mul3A_89 = arith.constant 1.562500e-02 : f32
      %mul3A_90 = vector.broadcast %mul3A_89 : f32 to vector<16xf32>
      %mul3A_91 = arith.mulf %scan3A_64#4, %mul3A_90 : vector<16xf32>
      %swap3A_92 = arith.index_cast %add3A_30 : i32 to index
      %swap3A_93 = arith.constant 64 : index
      %swap3A_94 = tpu.vector_load %arg10[%swap3A_92, %swap3A_93] {strides = array<i32>} : memref<64x128xf32, #tpu.memory_space<vmem>>, vector<16xf32>,
      tpu.vector_store %arg10[%swap3A_92, %swap3A_93], %mul3A_91 {strides = array<i32>} : memref<64x128xf32, #tpu.memory_space<vmem>>, vector<16xf32>,
      %mul3A_95 = arith.constant 1.562500e-02 : f32
      %mul3A_96 = vector.broadcast %mul3A_95 : f32 to vector<16xf32>
      %mul3A_97 = arith.mulf %scan3A_64#5, %mul3A_96 : vector<16xf32>
      %swap3A_98 = arith.index_cast %add3A_30 : i32 to index
      %swap3A_99 = arith.constant 80 : index
      %swap3A_100 = tpu.vector_load %arg10[%swap3A_98, %swap3A_99] {strides = array<i32>} : memref<64x128xf32, #tpu.memory_space<vmem>>, vector<16xf32>,
      tpu.vector_store %arg10[%swap3A_98, %swap3A_99], %mul3A_97 {strides = array<i32>} : memref<64x128xf32, #tpu.memory_space<vmem>>, vector<16xf32>,
      %mul3A_101 = arith.constant 1.562500e-02 : f32
      %mul3A_102 = vector.broadcast %mul3A_101 : f32 to vector<16xf32>
      %mul3A_103 = arith.mulf %scan3A_64#6, %mul3A_102 : vector<16xf32>
      %swap3A_104 = arith.index_cast %add3A_30 : i32 to index
      %swap3A_105 = arith.constant 96 : index
      %swap3A_106 = tpu.vector_load %arg10[%swap3A_104, %swap3A_105] {strides = array<i32>} : memref<64x128xf32, #tpu.memory_space<vmem>>, vector<16xf32>,
      tpu.vector_store %arg10[%swap3A_104, %swap3A_105], %mul3A_103 {strides = array<i32>} : memref<64x128xf32, #tpu.memory_space<vmem>>, vector<16xf32>,
      %mul3A_107 = arith.constant 1.562500e-02 : f32
      %mul3A_108 = vector.broadcast %mul3A_107 : f32 to vector<16xf32>
      %mul3A_109 = arith.mulf %scan3A_64#7, %mul3A_108 : vector<16xf32>
      %swap3A_110 = arith.index_cast %add3A_30 : i32 to index
      %swap3A_111 = arith.constant 112 : index
      %swap3A_112 = tpu.vector_load %arg10[%swap3A_110, %swap3A_111] {strides = array<i32>} : memref<64x128xf32, #tpu.memory_space<vmem>>, vector<16xf32>,
      tpu.vector_store %arg10[%swap3A_110, %swap3A_111], %mul3A_109 {strides = array<i32>} : memref<64x128xf32, #tpu.memory_space<vmem>>, vector<16xf32>,
      %add3A_113 = arith.constant 2 : i32
      %add3A_114 = arith.addi %add3A_30, %add3A_113 : i32
      %lt3A = arith.constant 64 : i32
      %lt3A_115 = arith.cmpi slt, %add3A_114, %lt3A : i32
      %convert_element_type3A = arith.extui %lt3A_115 : i1 to i32
      %cond3A = arith.constant 0 : i32
      %cond3A_116 = arith.cmpi ne, %convert_element_type3A, %cond3A : i32
      scf.if %cond3A_116 {
        %add3A_195 = arith.constant 2 : i32
        %add3A_196 = arith.addi %add3A_30, %add3A_195 : i32
        %mul3A_197 = arith.constant 64 : i32
        %mul3A_198 = arith.muli %add3A_196, %mul3A_197 : i32
        %dma_start3A_199 = tpu.memref_slice %arg7[%mul3A_198] : memref<4096xi32, #tpu.memory_space<vmem>> -> memref<64xi32, #tpu.memory_space<vmem>>
        %dma_start3A_200 = arith.constant 0 : i32
        %dma_start3A_201 = arith.constant 0 : i32
        %dma_start3A_202 = tpu.memref_slice %arg3[%dma_start3A_200, %dma_start3A_201] : memref<50000x128xf32, #tpu.memory_space<hbm>> -> memref<50000x128xf32, #tpu.memory_space<hbm>>
        tpu.enqueue_indirect_dma source(%dma_start3A_202 : memref<50000x128xf32, #tpu.memory_space<hbm>>) target(%arg8 : memref<64x128xf32, #tpu.memory_space<vmem>>) offsets(%dma_start3A_199 : memref<64xi32, #tpu.memory_space<vmem>>) semaphore(%arg12 : memref<!tpu.dma_semaphore, #tpu.memory_space<semaphore_mem>>)
      } else {
      }
      %dma_wait3A_117 = arith.constant 0 : i32
      %dma_wait3A_118 = arith.constant 0 : i32
      %dma_wait3A_119 = tpu.memref_slice %arg3[%dma_wait3A_117, %dma_wait3A_118] : memref<50000x128xf32, #tpu.memory_space<hbm>> -> memref<64x128xf32, #tpu.memory_space<hbm>>
      %dma_wait3A_120 = arith.constant 0 : i32
      %dma_wait3A_121 = arith.constant 0 : i32
      %dma_wait3A_122 = tpu.memref_slice %arg3[%dma_wait3A_120, %dma_wait3A_121] : memref<50000x128xf32, #tpu.memory_space<hbm>> -> memref<64x128xf32, #tpu.memory_space<hbm>>
      tpu.wait_dma2 semaphore(%arg13 : memref<!tpu.dma_semaphore, #tpu.memory_space<semaphore_mem>>) src(%dma_wait3A_122 : memref<64x128xf32, #tpu.memory_space<hbm>>) dst(%arg9 : memref<64x128xf32, #tpu.memory_space<vmem>>)
      %add3A_123 = arith.constant 1 : i32
      %add3A_124 = arith.addi %add3A_30, %add3A_123 : i32
      %broadcast_in_dim3A_125 = arith.constant 0.000000e+00 : f32
      %broadcast_in_dim3A_126 = vector.broadcast %broadcast_in_dim3A_125 : f32 to vector<16xf32>
      %broadcast_in_dim3A_127 = arith.constant 0.000000e+00 : f32
      %broadcast_in_dim3A_128 = vector.broadcast %broadcast_in_dim3A_127 : f32 to vector<16xf32>
      %broadcast_in_dim3A_129 = arith.constant 0.000000e+00 : f32
      %broadcast_in_dim3A_130 = vector.broadcast %broadcast_in_dim3A_129 : f32 to vector<16xf32>
      %broadcast_in_dim3A_131 = arith.constant 0.000000e+00 : f32
      %broadcast_in_dim3A_132 = vector.broadcast %broadcast_in_dim3A_131 : f32 to vector<16xf32>
      %broadcast_in_dim3A_133 = arith.constant 0.000000e+00 : f32
      %broadcast_in_dim3A_134 = vector.broadcast %broadcast_in_dim3A_133 : f32 to vector<16xf32>
      %broadcast_in_dim3A_135 = arith.constant 0.000000e+00 : f32
      %broadcast_in_dim3A_136 = vector.broadcast %broadcast_in_dim3A_135 : f32 to vector<16xf32>
      %broadcast_in_dim3A_137 = arith.constant 0.000000e+00 : f32
      %broadcast_in_dim3A_138 = vector.broadcast %broadcast_in_dim3A_137 : f32 to vector<16xf32>
      %broadcast_in_dim3A_139 = arith.constant 0.000000e+00 : f32
      %broadcast_in_dim3A_140 = vector.broadcast %broadcast_in_dim3A_139 : f32 to vector<16xf32>
      %scan3A_141 = arith.constant 0 : i32
      %scan3A_142 = arith.constant 64 : i32
      %scan3A_143 = arith.addi %scan3A_141, %scan3A_142 : i32
      %scan3A_144 = arith.constant 1 : i32
      %scan3A_145:8 = scf.for %scan3A_195 = %scan3A_141 to %scan3A_143 step %scan3A_144 iter_args(%scan3A_196 = %broadcast_in_dim3A_126, %scan3A_197 = %broadcast_in_dim3A_128, %scan3A_198 = %broadcast_in_dim3A_130, %scan3A_199 = %broadcast_in_dim3A_132, %scan3A_200 = %broadcast_in_dim3A_134, %scan3A_201 = %broadcast_in_dim3A_136, %scan3A_202 = %broadcast_in_dim3A_138, %scan3A_203 = %broadcast_in_dim3A_140) -> (vector<16xf32>, vector<16xf32>, vector<16xf32>, vector<16xf32>, vector<16xf32>, vector<16xf32>, vector<16xf32>, vector<16xf32>)  : i32 {
        %get3A = arith.index_cast %scan3A_195 : i32 to index
        %get3A_204 = arith.constant 0 : index
        %get3A_205 = tpu.vector_load %arg9[%get3A, %get3A_204] {strides = array<i32>} : memref<64x128xf32, #tpu.memory_space<vmem>>, vector<16xf32>,
        %add3A_206 = arith.addf %scan3A_196, %get3A_205 : vector<16xf32>
        %get3A_207 = arith.index_cast %scan3A_195 : i32 to index
        %get3A_208 = arith.constant 16 : index
        %get3A_209 = tpu.vector_load %arg9[%get3A_207, %get3A_208] {strides = array<i32>} : memref<64x128xf32, #tpu.memory_space<vmem>>, vector<16xf32>,
        %add3A_210 = arith.addf %scan3A_197, %get3A_209 : vector<16xf32>
        %get3A_211 = arith.index_cast %scan3A_195 : i32 to index
        %get3A_212 = arith.constant 32 : index
        %get3A_213 = tpu.vector_load %arg9[%get3A_211, %get3A_212] {strides = array<i32>} : memref<64x128xf32, #tpu.memory_space<vmem>>, vector<16xf32>,
        %add3A_214 = arith.addf %scan3A_198, %get3A_213 : vector<16xf32>
        %get3A_215 = arith.index_cast %scan3A_195 : i32 to index
        %get3A_216 = arith.constant 48 : index
        %get3A_217 = tpu.vector_load %arg9[%get3A_215, %get3A_216] {strides = array<i32>} : memref<64x128xf32, #tpu.memory_space<vmem>>, vector<16xf32>,
        %add3A_218 = arith.addf %scan3A_199, %get3A_217 : vector<16xf32>
        %get3A_219 = arith.index_cast %scan3A_195 : i32 to index
        %get3A_220 = arith.constant 64 : index
        %get3A_221 = tpu.vector_load %arg9[%get3A_219, %get3A_220] {strides = array<i32>} : memref<64x128xf32, #tpu.memory_space<vmem>>, vector<16xf32>,
        %add3A_222 = arith.addf %scan3A_200, %get3A_221 : vector<16xf32>
        %get3A_223 = arith.index_cast %scan3A_195 : i32 to index
        %get3A_224 = arith.constant 80 : index
        %get3A_225 = tpu.vector_load %arg9[%get3A_223, %get3A_224] {strides = array<i32>} : memref<64x128xf32, #tpu.memory_space<vmem>>, vector<16xf32>,
        %add3A_226 = arith.addf %scan3A_201, %get3A_225 : vector<16xf32>
        %get3A_227 = arith.index_cast %scan3A_195 : i32 to index
        %get3A_228 = arith.constant 96 : index
        %get3A_229 = tpu.vector_load %arg9[%get3A_227, %get3A_228] {strides = array<i32>} : memref<64x128xf32, #tpu.memory_space<vmem>>, vector<16xf32>,
        %add3A_230 = arith.addf %scan3A_202, %get3A_229 : vector<16xf32>
        %get3A_231 = arith.index_cast %scan3A_195 : i32 to index
        %get3A_232 = arith.constant 112 : index
        %get3A_233 = tpu.vector_load %arg9[%get3A_231, %get3A_232] {strides = array<i32>} : memref<64x128xf32, #tpu.memory_space<vmem>>, vector<16xf32>,
        %add3A_234 = arith.addf %scan3A_203, %get3A_233 : vector<16xf32>
        scf.yield %add3A_206, %add3A_210, %add3A_214, %add3A_218, %add3A_222, %add3A_226, %add3A_230, %add3A_234 : vector<16xf32>, vector<16xf32>, vector<16xf32>, vector<16xf32>, vector<16xf32>, vector<16xf32>, vector<16xf32>, vector<16xf32>
      }
      %scan3A_146 = arith.constant 64 : i32
      %mul3A_147 = arith.constant 1.562500e-02 : f32
      %mul3A_148 = vector.broadcast %mul3A_147 : f32 to vector<16xf32>
      %mul3A_149 = arith.mulf %scan3A_145#0, %mul3A_148 : vector<16xf32>
      %swap3A_150 = arith.index_cast %add3A_124 : i32 to index
      %swap3A_151 = arith.constant 0 : index
      %swap3A_152 = tpu.vector_load %arg10[%swap3A_150, %swap3A_151] {strides = array<i32>} : memref<64x128xf32, #tpu.memory_space<vmem>>, vector<16xf32>,
      tpu.vector_store %arg10[%swap3A_150, %swap3A_151], %mul3A_149 {strides = array<i32>} : memref<64x128xf32, #tpu.memory_space<vmem>>, vector<16xf32>,
      %mul3A_153 = arith.constant 1.562500e-02 : f32
      %mul3A_154 = vector.broadcast %mul3A_153 : f32 to vector<16xf32>
      %mul3A_155 = arith.mulf %scan3A_145#1, %mul3A_154 : vector<16xf32>
      %swap3A_156 = arith.index_cast %add3A_124 : i32 to index
      %swap3A_157 = arith.constant 16 : index
      %swap3A_158 = tpu.vector_load %arg10[%swap3A_156, %swap3A_157] {strides = array<i32>} : memref<64x128xf32, #tpu.memory_space<vmem>>, vector<16xf32>,
      tpu.vector_store %arg10[%swap3A_156, %swap3A_157], %mul3A_155 {strides = array<i32>} : memref<64x128xf32, #tpu.memory_space<vmem>>, vector<16xf32>,
      %mul3A_159 = arith.constant 1.562500e-02 : f32
      %mul3A_160 = vector.broadcast %mul3A_159 : f32 to vector<16xf32>
      %mul3A_161 = arith.mulf %scan3A_145#2, %mul3A_160 : vector<16xf32>
      %swap3A_162 = arith.index_cast %add3A_124 : i32 to index
      %swap3A_163 = arith.constant 32 : index
      %swap3A_164 = tpu.vector_load %arg10[%swap3A_162, %swap3A_163] {strides = array<i32>} : memref<64x128xf32, #tpu.memory_space<vmem>>, vector<16xf32>,
      tpu.vector_store %arg10[%swap3A_162, %swap3A_163], %mul3A_161 {strides = array<i32>} : memref<64x128xf32, #tpu.memory_space<vmem>>, vector<16xf32>,
      %mul3A_165 = arith.constant 1.562500e-02 : f32
      %mul3A_166 = vector.broadcast %mul3A_165 : f32 to vector<16xf32>
      %mul3A_167 = arith.mulf %scan3A_145#3, %mul3A_166 : vector<16xf32>
      %swap3A_168 = arith.index_cast %add3A_124 : i32 to index
      %swap3A_169 = arith.constant 48 : index
      %swap3A_170 = tpu.vector_load %arg10[%swap3A_168, %swap3A_169] {strides = array<i32>} : memref<64x128xf32, #tpu.memory_space<vmem>>, vector<16xf32>,
      tpu.vector_store %arg10[%swap3A_168, %swap3A_169], %mul3A_167 {strides = array<i32>} : memref<64x128xf32, #tpu.memory_space<vmem>>, vector<16xf32>,
      %mul3A_171 = arith.constant 1.562500e-02 : f32
      %mul3A_172 = vector.broadcast %mul3A_171 : f32 to vector<16xf32>
      %mul3A_173 = arith.mulf %scan3A_145#4, %mul3A_172 : vector<16xf32>
      %swap3A_174 = arith.index_cast %add3A_124 : i32 to index
      %swap3A_175 = arith.constant 64 : index
      %swap3A_176 = tpu.vector_load %arg10[%swap3A_174, %swap3A_175] {strides = array<i32>} : memref<64x128xf32, #tpu.memory_space<vmem>>, vector<16xf32>,
      tpu.vector_store %arg10[%swap3A_174, %swap3A_175], %mul3A_173 {strides = array<i32>} : memref<64x128xf32, #tpu.memory_space<vmem>>, vector<16xf32>,
      %mul3A_177 = arith.constant 1.562500e-02 : f32
      %mul3A_178 = vector.broadcast %mul3A_177 : f32 to vector<16xf32>
      %mul3A_179 = arith.mulf %scan3A_145#5, %mul3A_178 : vector<16xf32>
      %swap3A_180 = arith.index_cast %add3A_124 : i32 to index
      %swap3A_181 = arith.constant 80 : index
      %swap3A_182 = tpu.vector_load %arg10[%swap3A_180, %swap3A_181] {strides = array<i32>} : memref<64x128xf32, #tpu.memory_space<vmem>>, vector<16xf32>,
      tpu.vector_store %arg10[%swap3A_180, %swap3A_181], %mul3A_179 {strides = array<i32>} : memref<64x128xf32, #tpu.memory_space<vmem>>, vector<16xf32>,
      %mul3A_183 = arith.constant 1.562500e-02 : f32
      %mul3A_184 = vector.broadcast %mul3A_183 : f32 to vector<16xf32>
      %mul3A_185 = arith.mulf %scan3A_145#6, %mul3A_184 : vector<16xf32>
      %swap3A_186 = arith.index_cast %add3A_124 : i32 to index
      %swap3A_187 = arith.constant 96 : index
      %swap3A_188 = tpu.vector_load %arg10[%swap3A_186, %swap3A_187] {strides = array<i32>} : memref<64x128xf32, #tpu.memory_space<vmem>>, vector<16xf32>,
      tpu.vector_store %arg10[%swap3A_186, %swap3A_187], %mul3A_185 {strides = array<i32>} : memref<64x128xf32, #tpu.memory_space<vmem>>, vector<16xf32>,
      %mul3A_189 = arith.constant 1.562500e-02 : f32
      %mul3A_190 = vector.broadcast %mul3A_189 : f32 to vector<16xf32>
      %mul3A_191 = arith.mulf %scan3A_145#7, %mul3A_190 : vector<16xf32>
      %swap3A_192 = arith.index_cast %add3A_124 : i32 to index
      %swap3A_193 = arith.constant 112 : index
      %swap3A_194 = tpu.vector_load %arg10[%swap3A_192, %swap3A_193] {strides = array<i32>} : memref<64x128xf32, #tpu.memory_space<vmem>>, vector<16xf32>,
      tpu.vector_store %arg10[%swap3A_192, %swap3A_193], %mul3A_191 {strides = array<i32>} : memref<64x128xf32, #tpu.memory_space<vmem>>, vector<16xf32>,
    }
    %scan3A_12 = arith.constant 32 : i32
    "tpu.region"() ({
      %run_scoped3A = tpu.sem_alloc : memref<!tpu.dma_semaphore, #tpu.memory_space<semaphore_mem>>
      %dma_start3A_26 = arith.constant 0 : i32
      %dma_start3A_27 = tpu.memref_slice %arg5[%mul3A_2, %dma_start3A_26] : memref<2048x128xf32, #tpu.memory_space<hbm>> -> memref<64x128xf32, #tpu.memory_space<hbm>>
      %dma_start3A_28 = arith.constant 0 : i32
      %dma_start3A_29 = tpu.memref_slice %arg5[%mul3A_2, %dma_start3A_28] : memref<2048x128xf32, #tpu.memory_space<hbm>> -> memref<64x128xf32, #tpu.memory_space<hbm>>
      tpu.enqueue_dma source(%arg10 : memref<64x128xf32, #tpu.memory_space<vmem>>) target(%dma_start3A_29 : memref<64x128xf32, #tpu.memory_space<hbm>>) target_semaphore(%run_scoped3A : memref<!tpu.dma_semaphore, #tpu.memory_space<semaphore_mem>>)
      %dma_wait3A = arith.constant 0 : i32
      %dma_wait3A_30 = tpu.memref_slice %arg5[%mul3A_2, %dma_wait3A] : memref<2048x128xf32, #tpu.memory_space<hbm>> -> memref<64x128xf32, #tpu.memory_space<hbm>>
      %dma_wait3A_31 = arith.constant 0 : i32
      %dma_wait3A_32 = tpu.memref_slice %arg5[%mul3A_2, %dma_wait3A_31] : memref<2048x128xf32, #tpu.memory_space<hbm>> -> memref<64x128xf32, #tpu.memory_space<hbm>>
      tpu.wait_dma2 semaphore(%run_scoped3A : memref<!tpu.dma_semaphore, #tpu.memory_space<semaphore_mem>>) src(%arg10 : memref<64x128xf32, #tpu.memory_space<vmem>>) dst(%dma_wait3A_32 : memref<64x128xf32, #tpu.memory_space<hbm>>)
      tpu.yield
    }) : () -> ()
    %scan3A_13 = arith.constant 0 : i32
    %scan3A_14 = arith.constant 3136 : i32
    %scan3A_15 = arith.addi %scan3A_13, %scan3A_14 : i32
    %scan3A_16 = arith.constant 1 : i32
    scf.for %scan3A_26 = %scan3A_13 to %scan3A_15 step %scan3A_16  : i32 {
      %mul3A_27 = arith.constant 1 : i32
      %mul3A_28 = arith.muli %scan3A_26, %mul3A_27 : i32
      %add3A_29 = arith.constant 0 : i32
      %add3A_30 = arith.addi %add3A_29, %mul3A_28 : i32
      %broadcast_in_dim3A_31 = arith.constant 0.000000e+00 : f32
      %broadcast_in_dim3A_32 = vector.broadcast %broadcast_in_dim3A_31 : f32 to vector<16xf32>
      %mul3A_33 = arith.constant 16 : i32
      %mul3A_34 = arith.muli %add3A_30, %mul3A_33 : i32
      %swap3A = arith.index_cast %mul3A_34 : i32 to index
      %swap3A_35 = tpu.vector_load %arg11[%swap3A] {strides = array<i32>} : memref<50176xf32, #tpu.memory_space<vmem>>, vector<16xf32>,
      tpu.vector_store %arg11[%swap3A], %broadcast_in_dim3A_32 {strides = array<i32>} : memref<50176xf32, #tpu.memory_space<vmem>>, vector<16xf32>,
    }
    %scan3A_17 = arith.constant 3136 : i32
    %mul3A_18 = arith.constant 64 : i32
    %mul3A_19 = arith.muli %mul3A_2, %mul3A_18 : i32
    "tpu.region"() ({
      %run_scoped3A = tpu.sem_alloc : memref<!tpu.dma_semaphore, #tpu.memory_space<semaphore_mem>>
      %dma_start3A_26 = tpu.memref_slice %arg4[%mul3A_19] : memref<131072xi32, #tpu.memory_space<hbm>> -> memref<4096xi32, #tpu.memory_space<hbm>>
      %dma_start3A_27 = tpu.memref_slice %arg4[%mul3A_19] : memref<131072xi32, #tpu.memory_space<hbm>> -> memref<4096xi32, #tpu.memory_space<hbm>>
      tpu.enqueue_dma source(%dma_start3A_27 : memref<4096xi32, #tpu.memory_space<hbm>>) target(%arg7 : memref<4096xi32, #tpu.memory_space<vmem>>) target_semaphore(%run_scoped3A : memref<!tpu.dma_semaphore, #tpu.memory_space<semaphore_mem>>)
      %dma_wait3A = tpu.memref_slice %arg4[%mul3A_19] : memref<131072xi32, #tpu.memory_space<hbm>> -> memref<4096xi32, #tpu.memory_space<hbm>>
      %dma_wait3A_28 = tpu.memref_slice %arg4[%mul3A_19] : memref<131072xi32, #tpu.memory_space<hbm>> -> memref<4096xi32, #tpu.memory_space<hbm>>
      tpu.wait_dma2 semaphore(%run_scoped3A : memref<!tpu.dma_semaphore, #tpu.memory_space<semaphore_mem>>) src(%dma_wait3A_28 : memref<4096xi32, #tpu.memory_space<hbm>>) dst(%arg7 : memref<4096xi32, #tpu.memory_space<vmem>>)
      tpu.yield
    }) : () -> ()
    %broadcast_in_dim3A = arith.constant 1.000000e+00 : f32
    %broadcast_in_dim3A_20 = vector.broadcast %broadcast_in_dim3A : f32 to vector<16xf32>
    %scan3A_21 = arith.constant 0 : i32
    %scan3A_22 = arith.constant 256 : i32
    %scan3A_23 = arith.addi %scan3A_21, %scan3A_22 : i32
    %scan3A_24 = arith.constant 1 : i32
    scf.for %scan3A_26 = %scan3A_21 to %scan3A_23 step %scan3A_24  : i32 {
      %mul3A_27 = arith.constant 1 : i32
      %mul3A_28 = arith.muli %scan3A_26, %mul3A_27 : i32
      %add3A_29 = arith.constant 0 : i32
      %add3A_30 = arith.addi %add3A_29, %mul3A_28 : i32
      %mul3A_31 = arith.constant 16 : i32
      %mul3A_32 = arith.muli %add3A_30, %mul3A_31 : i32
      %get3A = arith.index_cast %mul3A_32 : i32 to index
      %get3A_33 = tpu.vector_load %arg7[%get3A] {strides = array<i32>} : memref<4096xi32, #tpu.memory_space<vmem>>, vector<16xi32>,
      tpu.vector_store_idx %arg11[%get3A_33], %broadcast_in_dim3A_20 {add = true} : memref<50176xf32, #tpu.memory_space<vmem>>[vector<16xi32>], vector<16xf32>,
    }
    %scan3A_25 = arith.constant 256 : i32
    "tpu.region"() ({
      %run_scoped3A = tpu.sem_alloc : memref<!tpu.dma_semaphore, #tpu.memory_space<semaphore_mem>>
      %dma_start3A_26 = arith.constant 0 : i32
      %dma_start3A_27 = tpu.memref_slice %arg6[%add3A, %dma_start3A_26] : memref<32x50176xf32, #tpu.memory_space<hbm>> -> memref<1x50176xf32, #tpu.memory_space<hbm>>
      %dma_start3A_28 = tpu.memref_squeeze %dma_start3A_27 : memref<1x50176xf32, #tpu.memory_space<hbm>> -> memref<50176xf32, #tpu.memory_space<hbm>>
      %dma_start3A_29 = arith.constant 0 : i32
      %dma_start3A_30 = tpu.memref_slice %arg6[%add3A, %dma_start3A_29] : memref<32x50176xf32, #tpu.memory_space<hbm>> -> memref<1x50176xf32, #tpu.memory_space<hbm>>
      %dma_start3A_31 = tpu.memref_squeeze %dma_start3A_30 : memref<1x50176xf32, #tpu.memory_space<hbm>> -> memref<50176xf32, #tpu.memory_space<hbm>>
      tpu.enqueue_dma source(%arg11 : memref<50176xf32, #tpu.memory_space<vmem>>) target(%dma_start3A_31 : memref<50176xf32, #tpu.memory_space<hbm>>) target_semaphore(%run_scoped3A : memref<!tpu.dma_semaphore, #tpu.memory_space<semaphore_mem>>)
      %dma_wait3A = arith.constant 0 : i32
      %dma_wait3A_32 = tpu.memref_slice %arg6[%add3A, %dma_wait3A] : memref<32x50176xf32, #tpu.memory_space<hbm>> -> memref<1x50176xf32, #tpu.memory_space<hbm>>
      %dma_wait3A_33 = tpu.memref_squeeze %dma_wait3A_32 : memref<1x50176xf32, #tpu.memory_space<hbm>> -> memref<50176xf32, #tpu.memory_space<hbm>>
      %dma_wait3A_34 = arith.constant 0 : i32
      %dma_wait3A_35 = tpu.memref_slice %arg6[%add3A, %dma_wait3A_34] : memref<32x50176xf32, #tpu.memory_space<hbm>> -> memref<1x50176xf32, #tpu.memory_space<hbm>>
      %dma_wait3A_36 = tpu.memref_squeeze %dma_wait3A_35 : memref<1x50176xf32, #tpu.memory_space<hbm>> -> memref<50176xf32, #tpu.memory_space<hbm>>
      tpu.wait_dma2 semaphore(%run_scoped3A : memref<!tpu.dma_semaphore, #tpu.memory_space<semaphore_mem>>) src(%arg11 : memref<50176xf32, #tpu.memory_space<vmem>>) dst(%dma_wait3A_36 : memref<50176xf32, #tpu.memory_space<hbm>>)
      tpu.yield
    }) : () -> ()
    return
  }
}

module attributes {stable_mosaic.version = 14 : i64} {
  func.func @_norm_body(%arg0: i32, %arg1: memref<1024x128xf32, #tpu.memory_space<vmem>>, %arg2: memref<1024x32xf32, #tpu.memory_space<vmem>>, %arg3: memref<128x128xf32, #tpu.memory_space<vmem>>, %arg4: memref<1x128xf32, #tpu.memory_space<vmem>>, %arg5: memref<1x1024x128xf32, #tpu.memory_space<vmem>>) attributes {dimension_semantics = [#tpu.dimension_semantics<arbitrary>], iteration_bounds = array<i64: 49>, scalar_prefetch = 0 : i64, scratch_operands = 0 : i64, tpu.core_type = #tpu.core_type<tc>, window_params = [{transform_indices = @transform_0, window_bounds = array<i64: 1024, 128>}, {transform_indices = @transform_1, window_bounds = array<i64: 1024, 32>}, {pipeline_mode = #tpu.pipeline_mode<synchronous>, transform_indices = @transform_2, window_bounds = array<i64: 128, 128>}, {pipeline_mode = #tpu.pipeline_mode<synchronous>, transform_indices = @transform_3, window_bounds = array<i64: 1, 128>}, {transform_indices = @transform_4, window_bounds = array<i64: 1, 1024, 128>}]} {
    %get3A = arith.constant 0 : index
    %get3A_0 = arith.constant 0 : index
    %get3A_1 = vector.load %arg1[%get3A, %get3A_0] : memref<1024x128xf32, #tpu.memory_space<vmem>>, vector<1024x128xf32>
    %get3A_2 = arith.constant 0 : index
    %get3A_3 = arith.constant 0 : index
    %get3A_4 = vector.load %arg2[%get3A_2, %get3A_3] : memref<1024x32xf32, #tpu.memory_space<vmem>>, vector<1024x32xf32>
    %reduce_sum3A = arith.constant dense<0.000000e+00> : vector<1024xf32>
    %reduce_sum3A_5 = vector.multi_reduction <add>, %get3A_4, %reduce_sum3A [1] : vector<1024x32xf32> to vector<1024xf32>
    %broadcast_in_dim3A = vector.shape_cast %reduce_sum3A_5 : vector<1024xf32> to vector<1024x1xf32>
    %max3A = arith.constant 1.000000e+00 : f32
    %max3A_6 = vector.broadcast %max3A : f32 to vector<1024x1xf32>
    %max3A_7 = arith.maximumf %broadcast_in_dim3A, %max3A_6 : vector<1024x1xf32>
    %div3A = vector.broadcast %max3A_7 : vector<1024x1xf32> to vector<1024x128xf32>
    %div3A_8 = arith.divf %get3A_1, %div3A : vector<1024x128xf32>
    %convert_element_type3A = arith.truncf %div3A_8 : vector<1024x128xf32> to vector<1024x128xbf16>
    %get3A_9 = arith.constant 0 : index
    %get3A_10 = arith.constant 0 : index
    %get3A_11 = vector.load %arg3[%get3A_9, %get3A_10] : memref<128x128xf32, #tpu.memory_space<vmem>>, vector<128x128xf32>
    %convert_element_type3A_12 = arith.truncf %get3A_11 : vector<128x128xf32> to vector<128x128xbf16>
    %dot_general3A = arith.constant dense<0.000000e+00> : vector<1024x128xf32>
    %dot_general3A_13 = tpu.matmul %convert_element_type3A, %convert_element_type3A_12, %dot_general3A {dimension_numbers = #tpu.dot_dimension_numbers<[1], [1], [0], [0], [0, 0, 1, 0], [], []>, transpose_lhs_hint = false} : vector<1024x128xbf16>, vector<128x128xbf16>, vector<1024x128xf32> -> vector<1024x128xf32>
    %get3A_14 = arith.constant 0 : index
    %get3A_15 = arith.constant 0 : index
    %get3A_16 = vector.load %arg4[%get3A_14, %get3A_15] : memref<1x128xf32, #tpu.memory_space<vmem>>, vector<1x128xf32>
    %add3A = vector.broadcast %get3A_16 : vector<1x128xf32> to vector<1024x128xf32>
    %add3A_17 = arith.addf %dot_general3A_13, %add3A : vector<1024x128xf32>
    %broadcast_in_dim3A_18 = vector.shape_cast %add3A_17 : vector<1024x128xf32> to vector<1x1024x128xf32>
    %swap3A = arith.constant 0 : index
    %swap3A_19 = arith.constant 0 : index
    %swap3A_20 = arith.constant 0 : index
    %swap3A_21 = vector.load %arg5[%swap3A, %swap3A_19, %swap3A_20] : memref<1x1024x128xf32, #tpu.memory_space<vmem>>, vector<1x1024x128xf32>
    tpu.vector_store %arg5[%swap3A, %swap3A_19, %swap3A_20], %broadcast_in_dim3A_18 {strides = array<i32>} : memref<1x1024x128xf32, #tpu.memory_space<vmem>>, vector<1x1024x128xf32>,
    return
  }
  func.func @transform_0(%arg0: i32) -> (i32, i32) {
    %c0_i32 = arith.constant 0 : i32
    %c0_i32_0 = arith.constant 0 : i32
    return %arg0, %c0_i32 : i32, i32
  }
  func.func @transform_1(%arg0: i32) -> (i32, i32) {
    %c0_i32 = arith.constant 0 : i32
    %c0_i32_0 = arith.constant 0 : i32
    return %arg0, %c0_i32 : i32, i32
  }
  func.func @transform_2(%arg0: i32) -> (i32, i32) {
    %c0_i32 = arith.constant 0 : i32
    %c0_i32_0 = arith.constant 0 : i32
    %c0_i32_1 = arith.constant 0 : i32
    return %c0_i32, %c0_i32_0 : i32, i32
  }
  func.func @transform_3(%arg0: i32) -> (i32, i32) {
    %c0_i32 = arith.constant 0 : i32
    %c0_i32_0 = arith.constant 0 : i32
    %c0_i32_1 = arith.constant 0 : i32
    return %c0_i32, %c0_i32_0 : i32, i32
  }
  func.func @transform_4(%arg0: i32) -> (i32, i32, i32) {
    %c0_i32 = arith.constant 0 : i32
    %c0_i32_0 = arith.constant 0 : i32
    %c0_i32_1 = arith.constant 0 : i32
    return %c0_i32, %arg0, %c0_i32_0 : i32, i32, i32
  }
}

module attributes {stable_mosaic.version = 14 : i64} {
  func.func @_dedup_body(%arg0: i32, %arg1: memref<256x64xi32, #tpu.memory_space<vmem>>, %arg2: memref<256x64xi32, #tpu.memory_space<vmem>>) attributes {dimension_semantics = [#tpu.dimension_semantics<arbitrary>], iteration_bounds = array<i64: 8>, scalar_prefetch = 0 : i64, scratch_operands = 0 : i64, tpu.core_type = #tpu.core_type<tc>, window_params = [{transform_indices = @transform_0, window_bounds = array<i64: 256, 64>}, {transform_indices = @transform_1, window_bounds = array<i64: 256, 64>}]} {
    %get3A = arith.constant 0 : index
    %get3A_0 = arith.constant 0 : index
    %get3A_1 = vector.load %arg1[%get3A, %get3A_0] : memref<256x64xi32, #tpu.memory_space<vmem>>, vector<256x64xi32>
    %iota3A = tpu.iota {dimensions = array<i32: 1>} : vector<256x64xi32>
    %broadcast_in_dim3A = arith.constant false
    %broadcast_in_dim3A_2 = vector.broadcast %broadcast_in_dim3A : i1 to vector<256x64xi1>
    %slice3A = vector.extract_strided_slice %get3A_1 {offsets = [0, 0], sizes = [256, 63], strides = [1, 1]} : vector<256x64xi32> to vector<256x63xi32>
    %pad3A = arith.constant -1 : i32
    %pad3A_3 = vector.broadcast %pad3A : i32 to vector<256x1xi32>
    %pad3A_4 = tpu.concatenate %pad3A_3, %slice3A in 1 : vector<256x1xi32>, vector<256x63xi32> -> vector<256x64xi32>
    %eq3A = arith.cmpi eq, %get3A_1, %pad3A_4 : vector<256x64xi32>
    %ge3A = arith.constant 1 : i32
    %ge3A_5 = vector.broadcast %ge3A : i32 to vector<256x64xi32>
    %ge3A_6 = arith.cmpi sge, %iota3A, %ge3A_5 : vector<256x64xi32>
    %and3A = arith.andi %eq3A, %ge3A_6 : vector<256x64xi1>
    %or3A = arith.ori %broadcast_in_dim3A_2, %and3A : vector<256x64xi1>
    %slice3A_7 = vector.extract_strided_slice %get3A_1 {offsets = [0, 0], sizes = [256, 62], strides = [1, 1]} : vector<256x64xi32> to vector<256x62xi32>
    %pad3A_8 = arith.constant -1 : i32
    %pad3A_9 = vector.broadcast %pad3A_8 : i32 to vector<256x2xi32>
    %pad3A_10 = tpu.concatenate %pad3A_9, %slice3A_7 in 1 : vector<256x2xi32>, vector<256x62xi32> -> vector<256x64xi32>
    %eq3A_11 = arith.cmpi eq, %get3A_1, %pad3A_10 : vector<256x64xi32>
    %ge3A_12 = arith.constant 2 : i32
    %ge3A_13 = vector.broadcast %ge3A_12 : i32 to vector<256x64xi32>
    %ge3A_14 = arith.cmpi sge, %iota3A, %ge3A_13 : vector<256x64xi32>
    %and3A_15 = arith.andi %eq3A_11, %ge3A_14 : vector<256x64xi1>
    %or3A_16 = arith.ori %or3A, %and3A_15 : vector<256x64xi1>
    %slice3A_17 = vector.extract_strided_slice %get3A_1 {offsets = [0, 0], sizes = [256, 61], strides = [1, 1]} : vector<256x64xi32> to vector<256x61xi32>
    %pad3A_18 = arith.constant -1 : i32
    %pad3A_19 = vector.broadcast %pad3A_18 : i32 to vector<256x3xi32>
    %pad3A_20 = tpu.concatenate %pad3A_19, %slice3A_17 in 1 : vector<256x3xi32>, vector<256x61xi32> -> vector<256x64xi32>
    %eq3A_21 = arith.cmpi eq, %get3A_1, %pad3A_20 : vector<256x64xi32>
    %ge3A_22 = arith.constant 3 : i32
    %ge3A_23 = vector.broadcast %ge3A_22 : i32 to vector<256x64xi32>
    %ge3A_24 = arith.cmpi sge, %iota3A, %ge3A_23 : vector<256x64xi32>
    %and3A_25 = arith.andi %eq3A_21, %ge3A_24 : vector<256x64xi1>
    %or3A_26 = arith.ori %or3A_16, %and3A_25 : vector<256x64xi1>
    %slice3A_27 = vector.extract_strided_slice %get3A_1 {offsets = [0, 0], sizes = [256, 60], strides = [1, 1]} : vector<256x64xi32> to vector<256x60xi32>
    %pad3A_28 = arith.constant -1 : i32
    %pad3A_29 = vector.broadcast %pad3A_28 : i32 to vector<256x4xi32>
    %pad3A_30 = tpu.concatenate %pad3A_29, %slice3A_27 in 1 : vector<256x4xi32>, vector<256x60xi32> -> vector<256x64xi32>
    %eq3A_31 = arith.cmpi eq, %get3A_1, %pad3A_30 : vector<256x64xi32>
    %ge3A_32 = arith.constant 4 : i32
    %ge3A_33 = vector.broadcast %ge3A_32 : i32 to vector<256x64xi32>
    %ge3A_34 = arith.cmpi sge, %iota3A, %ge3A_33 : vector<256x64xi32>
    %and3A_35 = arith.andi %eq3A_31, %ge3A_34 : vector<256x64xi1>
    %or3A_36 = arith.ori %or3A_26, %and3A_35 : vector<256x64xi1>
    %slice3A_37 = vector.extract_strided_slice %get3A_1 {offsets = [0, 0], sizes = [256, 59], strides = [1, 1]} : vector<256x64xi32> to vector<256x59xi32>
    %pad3A_38 = arith.constant -1 : i32
    %pad3A_39 = vector.broadcast %pad3A_38 : i32 to vector<256x5xi32>
    %pad3A_40 = tpu.concatenate %pad3A_39, %slice3A_37 in 1 : vector<256x5xi32>, vector<256x59xi32> -> vector<256x64xi32>
    %eq3A_41 = arith.cmpi eq, %get3A_1, %pad3A_40 : vector<256x64xi32>
    %ge3A_42 = arith.constant 5 : i32
    %ge3A_43 = vector.broadcast %ge3A_42 : i32 to vector<256x64xi32>
    %ge3A_44 = arith.cmpi sge, %iota3A, %ge3A_43 : vector<256x64xi32>
    %and3A_45 = arith.andi %eq3A_41, %ge3A_44 : vector<256x64xi1>
    %or3A_46 = arith.ori %or3A_36, %and3A_45 : vector<256x64xi1>
    %slice3A_47 = vector.extract_strided_slice %get3A_1 {offsets = [0, 0], sizes = [256, 58], strides = [1, 1]} : vector<256x64xi32> to vector<256x58xi32>
    %pad3A_48 = arith.constant -1 : i32
    %pad3A_49 = vector.broadcast %pad3A_48 : i32 to vector<256x6xi32>
    %pad3A_50 = tpu.concatenate %pad3A_49, %slice3A_47 in 1 : vector<256x6xi32>, vector<256x58xi32> -> vector<256x64xi32>
    %eq3A_51 = arith.cmpi eq, %get3A_1, %pad3A_50 : vector<256x64xi32>
    %ge3A_52 = arith.constant 6 : i32
    %ge3A_53 = vector.broadcast %ge3A_52 : i32 to vector<256x64xi32>
    %ge3A_54 = arith.cmpi sge, %iota3A, %ge3A_53 : vector<256x64xi32>
    %and3A_55 = arith.andi %eq3A_51, %ge3A_54 : vector<256x64xi1>
    %or3A_56 = arith.ori %or3A_46, %and3A_55 : vector<256x64xi1>
    %slice3A_57 = vector.extract_strided_slice %get3A_1 {offsets = [0, 0], sizes = [256, 57], strides = [1, 1]} : vector<256x64xi32> to vector<256x57xi32>
    %pad3A_58 = arith.constant -1 : i32
    %pad3A_59 = vector.broadcast %pad3A_58 : i32 to vector<256x7xi32>
    %pad3A_60 = tpu.concatenate %pad3A_59, %slice3A_57 in 1 : vector<256x7xi32>, vector<256x57xi32> -> vector<256x64xi32>
    %eq3A_61 = arith.cmpi eq, %get3A_1, %pad3A_60 : vector<256x64xi32>
    %ge3A_62 = arith.constant 7 : i32
    %ge3A_63 = vector.broadcast %ge3A_62 : i32 to vector<256x64xi32>
    %ge3A_64 = arith.cmpi sge, %iota3A, %ge3A_63 : vector<256x64xi32>
    %and3A_65 = arith.andi %eq3A_61, %ge3A_64 : vector<256x64xi1>
    %or3A_66 = arith.ori %or3A_56, %and3A_65 : vector<256x64xi1>
    %slice3A_67 = vector.extract_strided_slice %get3A_1 {offsets = [0, 0], sizes = [256, 56], strides = [1, 1]} : vector<256x64xi32> to vector<256x56xi32>
    %pad3A_68 = arith.constant -1 : i32
    %pad3A_69 = vector.broadcast %pad3A_68 : i32 to vector<256x8xi32>
    %pad3A_70 = tpu.concatenate %pad3A_69, %slice3A_67 in 1 : vector<256x8xi32>, vector<256x56xi32> -> vector<256x64xi32>
    %eq3A_71 = arith.cmpi eq, %get3A_1, %pad3A_70 : vector<256x64xi32>
    %ge3A_72 = arith.constant 8 : i32
    %ge3A_73 = vector.broadcast %ge3A_72 : i32 to vector<256x64xi32>
    %ge3A_74 = arith.cmpi sge, %iota3A, %ge3A_73 : vector<256x64xi32>
    %and3A_75 = arith.andi %eq3A_71, %ge3A_74 : vector<256x64xi1>
    %or3A_76 = arith.ori %or3A_66, %and3A_75 : vector<256x64xi1>
    %slice3A_77 = vector.extract_strided_slice %get3A_1 {offsets = [0, 0], sizes = [256, 55], strides = [1, 1]} : vector<256x64xi32> to vector<256x55xi32>
    %pad3A_78 = arith.constant -1 : i32
    %pad3A_79 = vector.broadcast %pad3A_78 : i32 to vector<256x9xi32>
    %pad3A_80 = tpu.concatenate %pad3A_79, %slice3A_77 in 1 : vector<256x9xi32>, vector<256x55xi32> -> vector<256x64xi32>
    %eq3A_81 = arith.cmpi eq, %get3A_1, %pad3A_80 : vector<256x64xi32>
    %ge3A_82 = arith.constant 9 : i32
    %ge3A_83 = vector.broadcast %ge3A_82 : i32 to vector<256x64xi32>
    %ge3A_84 = arith.cmpi sge, %iota3A, %ge3A_83 : vector<256x64xi32>
    %and3A_85 = arith.andi %eq3A_81, %ge3A_84 : vector<256x64xi1>
    %or3A_86 = arith.ori %or3A_76, %and3A_85 : vector<256x64xi1>
    %slice3A_87 = vector.extract_strided_slice %get3A_1 {offsets = [0, 0], sizes = [256, 54], strides = [1, 1]} : vector<256x64xi32> to vector<256x54xi32>
    %pad3A_88 = arith.constant -1 : i32
    %pad3A_89 = vector.broadcast %pad3A_88 : i32 to vector<256x10xi32>
    %pad3A_90 = tpu.concatenate %pad3A_89, %slice3A_87 in 1 : vector<256x10xi32>, vector<256x54xi32> -> vector<256x64xi32>
    %eq3A_91 = arith.cmpi eq, %get3A_1, %pad3A_90 : vector<256x64xi32>
    %ge3A_92 = arith.constant 10 : i32
    %ge3A_93 = vector.broadcast %ge3A_92 : i32 to vector<256x64xi32>
    %ge3A_94 = arith.cmpi sge, %iota3A, %ge3A_93 : vector<256x64xi32>
    %and3A_95 = arith.andi %eq3A_91, %ge3A_94 : vector<256x64xi1>
    %or3A_96 = arith.ori %or3A_86, %and3A_95 : vector<256x64xi1>
    %slice3A_97 = vector.extract_strided_slice %get3A_1 {offsets = [0, 0], sizes = [256, 53], strides = [1, 1]} : vector<256x64xi32> to vector<256x53xi32>
    %pad3A_98 = arith.constant -1 : i32
    %pad3A_99 = vector.broadcast %pad3A_98 : i32 to vector<256x11xi32>
    %pad3A_100 = tpu.concatenate %pad3A_99, %slice3A_97 in 1 : vector<256x11xi32>, vector<256x53xi32> -> vector<256x64xi32>
    %eq3A_101 = arith.cmpi eq, %get3A_1, %pad3A_100 : vector<256x64xi32>
    %ge3A_102 = arith.constant 11 : i32
    %ge3A_103 = vector.broadcast %ge3A_102 : i32 to vector<256x64xi32>
    %ge3A_104 = arith.cmpi sge, %iota3A, %ge3A_103 : vector<256x64xi32>
    %and3A_105 = arith.andi %eq3A_101, %ge3A_104 : vector<256x64xi1>
    %or3A_106 = arith.ori %or3A_96, %and3A_105 : vector<256x64xi1>
    %slice3A_107 = vector.extract_strided_slice %get3A_1 {offsets = [0, 0], sizes = [256, 52], strides = [1, 1]} : vector<256x64xi32> to vector<256x52xi32>
    %pad3A_108 = arith.constant -1 : i32
    %pad3A_109 = vector.broadcast %pad3A_108 : i32 to vector<256x12xi32>
    %pad3A_110 = tpu.concatenate %pad3A_109, %slice3A_107 in 1 : vector<256x12xi32>, vector<256x52xi32> -> vector<256x64xi32>
    %eq3A_111 = arith.cmpi eq, %get3A_1, %pad3A_110 : vector<256x64xi32>
    %ge3A_112 = arith.constant 12 : i32
    %ge3A_113 = vector.broadcast %ge3A_112 : i32 to vector<256x64xi32>
    %ge3A_114 = arith.cmpi sge, %iota3A, %ge3A_113 : vector<256x64xi32>
    %and3A_115 = arith.andi %eq3A_111, %ge3A_114 : vector<256x64xi1>
    %or3A_116 = arith.ori %or3A_106, %and3A_115 : vector<256x64xi1>
    %slice3A_117 = vector.extract_strided_slice %get3A_1 {offsets = [0, 0], sizes = [256, 51], strides = [1, 1]} : vector<256x64xi32> to vector<256x51xi32>
    %pad3A_118 = arith.constant -1 : i32
    %pad3A_119 = vector.broadcast %pad3A_118 : i32 to vector<256x13xi32>
    %pad3A_120 = tpu.concatenate %pad3A_119, %slice3A_117 in 1 : vector<256x13xi32>, vector<256x51xi32> -> vector<256x64xi32>
    %eq3A_121 = arith.cmpi eq, %get3A_1, %pad3A_120 : vector<256x64xi32>
    %ge3A_122 = arith.constant 13 : i32
    %ge3A_123 = vector.broadcast %ge3A_122 : i32 to vector<256x64xi32>
    %ge3A_124 = arith.cmpi sge, %iota3A, %ge3A_123 : vector<256x64xi32>
    %and3A_125 = arith.andi %eq3A_121, %ge3A_124 : vector<256x64xi1>
    %or3A_126 = arith.ori %or3A_116, %and3A_125 : vector<256x64xi1>
    %slice3A_127 = vector.extract_strided_slice %get3A_1 {offsets = [0, 0], sizes = [256, 50], strides = [1, 1]} : vector<256x64xi32> to vector<256x50xi32>
    %pad3A_128 = arith.constant -1 : i32
    %pad3A_129 = vector.broadcast %pad3A_128 : i32 to vector<256x14xi32>
    %pad3A_130 = tpu.concatenate %pad3A_129, %slice3A_127 in 1 : vector<256x14xi32>, vector<256x50xi32> -> vector<256x64xi32>
    %eq3A_131 = arith.cmpi eq, %get3A_1, %pad3A_130 : vector<256x64xi32>
    %ge3A_132 = arith.constant 14 : i32
    %ge3A_133 = vector.broadcast %ge3A_132 : i32 to vector<256x64xi32>
    %ge3A_134 = arith.cmpi sge, %iota3A, %ge3A_133 : vector<256x64xi32>
    %and3A_135 = arith.andi %eq3A_131, %ge3A_134 : vector<256x64xi1>
    %or3A_136 = arith.ori %or3A_126, %and3A_135 : vector<256x64xi1>
    %slice3A_137 = vector.extract_strided_slice %get3A_1 {offsets = [0, 0], sizes = [256, 49], strides = [1, 1]} : vector<256x64xi32> to vector<256x49xi32>
    %pad3A_138 = arith.constant -1 : i32
    %pad3A_139 = vector.broadcast %pad3A_138 : i32 to vector<256x15xi32>
    %pad3A_140 = tpu.concatenate %pad3A_139, %slice3A_137 in 1 : vector<256x15xi32>, vector<256x49xi32> -> vector<256x64xi32>
    %eq3A_141 = arith.cmpi eq, %get3A_1, %pad3A_140 : vector<256x64xi32>
    %ge3A_142 = arith.constant 15 : i32
    %ge3A_143 = vector.broadcast %ge3A_142 : i32 to vector<256x64xi32>
    %ge3A_144 = arith.cmpi sge, %iota3A, %ge3A_143 : vector<256x64xi32>
    %and3A_145 = arith.andi %eq3A_141, %ge3A_144 : vector<256x64xi1>
    %or3A_146 = arith.ori %or3A_136, %and3A_145 : vector<256x64xi1>
    %slice3A_147 = vector.extract_strided_slice %get3A_1 {offsets = [0, 0], sizes = [256, 48], strides = [1, 1]} : vector<256x64xi32> to vector<256x48xi32>
    %pad3A_148 = arith.constant -1 : i32
    %pad3A_149 = vector.broadcast %pad3A_148 : i32 to vector<256x16xi32>
    %pad3A_150 = tpu.concatenate %pad3A_149, %slice3A_147 in 1 : vector<256x16xi32>, vector<256x48xi32> -> vector<256x64xi32>
    %eq3A_151 = arith.cmpi eq, %get3A_1, %pad3A_150 : vector<256x64xi32>
    %ge3A_152 = arith.constant 16 : i32
    %ge3A_153 = vector.broadcast %ge3A_152 : i32 to vector<256x64xi32>
    %ge3A_154 = arith.cmpi sge, %iota3A, %ge3A_153 : vector<256x64xi32>
    %and3A_155 = arith.andi %eq3A_151, %ge3A_154 : vector<256x64xi1>
    %or3A_156 = arith.ori %or3A_146, %and3A_155 : vector<256x64xi1>
    %slice3A_157 = vector.extract_strided_slice %get3A_1 {offsets = [0, 0], sizes = [256, 47], strides = [1, 1]} : vector<256x64xi32> to vector<256x47xi32>
    %pad3A_158 = arith.constant -1 : i32
    %pad3A_159 = vector.broadcast %pad3A_158 : i32 to vector<256x17xi32>
    %pad3A_160 = tpu.concatenate %pad3A_159, %slice3A_157 in 1 : vector<256x17xi32>, vector<256x47xi32> -> vector<256x64xi32>
    %eq3A_161 = arith.cmpi eq, %get3A_1, %pad3A_160 : vector<256x64xi32>
    %ge3A_162 = arith.constant 17 : i32
    %ge3A_163 = vector.broadcast %ge3A_162 : i32 to vector<256x64xi32>
    %ge3A_164 = arith.cmpi sge, %iota3A, %ge3A_163 : vector<256x64xi32>
    %and3A_165 = arith.andi %eq3A_161, %ge3A_164 : vector<256x64xi1>
    %or3A_166 = arith.ori %or3A_156, %and3A_165 : vector<256x64xi1>
    %slice3A_167 = vector.extract_strided_slice %get3A_1 {offsets = [0, 0], sizes = [256, 46], strides = [1, 1]} : vector<256x64xi32> to vector<256x46xi32>
    %pad3A_168 = arith.constant -1 : i32
    %pad3A_169 = vector.broadcast %pad3A_168 : i32 to vector<256x18xi32>
    %pad3A_170 = tpu.concatenate %pad3A_169, %slice3A_167 in 1 : vector<256x18xi32>, vector<256x46xi32> -> vector<256x64xi32>
    %eq3A_171 = arith.cmpi eq, %get3A_1, %pad3A_170 : vector<256x64xi32>
    %ge3A_172 = arith.constant 18 : i32
    %ge3A_173 = vector.broadcast %ge3A_172 : i32 to vector<256x64xi32>
    %ge3A_174 = arith.cmpi sge, %iota3A, %ge3A_173 : vector<256x64xi32>
    %and3A_175 = arith.andi %eq3A_171, %ge3A_174 : vector<256x64xi1>
    %or3A_176 = arith.ori %or3A_166, %and3A_175 : vector<256x64xi1>
    %slice3A_177 = vector.extract_strided_slice %get3A_1 {offsets = [0, 0], sizes = [256, 45], strides = [1, 1]} : vector<256x64xi32> to vector<256x45xi32>
    %pad3A_178 = arith.constant -1 : i32
    %pad3A_179 = vector.broadcast %pad3A_178 : i32 to vector<256x19xi32>
    %pad3A_180 = tpu.concatenate %pad3A_179, %slice3A_177 in 1 : vector<256x19xi32>, vector<256x45xi32> -> vector<256x64xi32>
    %eq3A_181 = arith.cmpi eq, %get3A_1, %pad3A_180 : vector<256x64xi32>
    %ge3A_182 = arith.constant 19 : i32
    %ge3A_183 = vector.broadcast %ge3A_182 : i32 to vector<256x64xi32>
    %ge3A_184 = arith.cmpi sge, %iota3A, %ge3A_183 : vector<256x64xi32>
    %and3A_185 = arith.andi %eq3A_181, %ge3A_184 : vector<256x64xi1>
    %or3A_186 = arith.ori %or3A_176, %and3A_185 : vector<256x64xi1>
    %slice3A_187 = vector.extract_strided_slice %get3A_1 {offsets = [0, 0], sizes = [256, 44], strides = [1, 1]} : vector<256x64xi32> to vector<256x44xi32>
    %pad3A_188 = arith.constant -1 : i32
    %pad3A_189 = vector.broadcast %pad3A_188 : i32 to vector<256x20xi32>
    %pad3A_190 = tpu.concatenate %pad3A_189, %slice3A_187 in 1 : vector<256x20xi32>, vector<256x44xi32> -> vector<256x64xi32>
    %eq3A_191 = arith.cmpi eq, %get3A_1, %pad3A_190 : vector<256x64xi32>
    %ge3A_192 = arith.constant 20 : i32
    %ge3A_193 = vector.broadcast %ge3A_192 : i32 to vector<256x64xi32>
    %ge3A_194 = arith.cmpi sge, %iota3A, %ge3A_193 : vector<256x64xi32>
    %and3A_195 = arith.andi %eq3A_191, %ge3A_194 : vector<256x64xi1>
    %or3A_196 = arith.ori %or3A_186, %and3A_195 : vector<256x64xi1>
    %slice3A_197 = vector.extract_strided_slice %get3A_1 {offsets = [0, 0], sizes = [256, 43], strides = [1, 1]} : vector<256x64xi32> to vector<256x43xi32>
    %pad3A_198 = arith.constant -1 : i32
    %pad3A_199 = vector.broadcast %pad3A_198 : i32 to vector<256x21xi32>
    %pad3A_200 = tpu.concatenate %pad3A_199, %slice3A_197 in 1 : vector<256x21xi32>, vector<256x43xi32> -> vector<256x64xi32>
    %eq3A_201 = arith.cmpi eq, %get3A_1, %pad3A_200 : vector<256x64xi32>
    %ge3A_202 = arith.constant 21 : i32
    %ge3A_203 = vector.broadcast %ge3A_202 : i32 to vector<256x64xi32>
    %ge3A_204 = arith.cmpi sge, %iota3A, %ge3A_203 : vector<256x64xi32>
    %and3A_205 = arith.andi %eq3A_201, %ge3A_204 : vector<256x64xi1>
    %or3A_206 = arith.ori %or3A_196, %and3A_205 : vector<256x64xi1>
    %slice3A_207 = vector.extract_strided_slice %get3A_1 {offsets = [0, 0], sizes = [256, 42], strides = [1, 1]} : vector<256x64xi32> to vector<256x42xi32>
    %pad3A_208 = arith.constant -1 : i32
    %pad3A_209 = vector.broadcast %pad3A_208 : i32 to vector<256x22xi32>
    %pad3A_210 = tpu.concatenate %pad3A_209, %slice3A_207 in 1 : vector<256x22xi32>, vector<256x42xi32> -> vector<256x64xi32>
    %eq3A_211 = arith.cmpi eq, %get3A_1, %pad3A_210 : vector<256x64xi32>
    %ge3A_212 = arith.constant 22 : i32
    %ge3A_213 = vector.broadcast %ge3A_212 : i32 to vector<256x64xi32>
    %ge3A_214 = arith.cmpi sge, %iota3A, %ge3A_213 : vector<256x64xi32>
    %and3A_215 = arith.andi %eq3A_211, %ge3A_214 : vector<256x64xi1>
    %or3A_216 = arith.ori %or3A_206, %and3A_215 : vector<256x64xi1>
    %slice3A_217 = vector.extract_strided_slice %get3A_1 {offsets = [0, 0], sizes = [256, 41], strides = [1, 1]} : vector<256x64xi32> to vector<256x41xi32>
    %pad3A_218 = arith.constant -1 : i32
    %pad3A_219 = vector.broadcast %pad3A_218 : i32 to vector<256x23xi32>
    %pad3A_220 = tpu.concatenate %pad3A_219, %slice3A_217 in 1 : vector<256x23xi32>, vector<256x41xi32> -> vector<256x64xi32>
    %eq3A_221 = arith.cmpi eq, %get3A_1, %pad3A_220 : vector<256x64xi32>
    %ge3A_222 = arith.constant 23 : i32
    %ge3A_223 = vector.broadcast %ge3A_222 : i32 to vector<256x64xi32>
    %ge3A_224 = arith.cmpi sge, %iota3A, %ge3A_223 : vector<256x64xi32>
    %and3A_225 = arith.andi %eq3A_221, %ge3A_224 : vector<256x64xi1>
    %or3A_226 = arith.ori %or3A_216, %and3A_225 : vector<256x64xi1>
    %slice3A_227 = vector.extract_strided_slice %get3A_1 {offsets = [0, 0], sizes = [256, 40], strides = [1, 1]} : vector<256x64xi32> to vector<256x40xi32>
    %pad3A_228 = arith.constant -1 : i32
    %pad3A_229 = vector.broadcast %pad3A_228 : i32 to vector<256x24xi32>
    %pad3A_230 = tpu.concatenate %pad3A_229, %slice3A_227 in 1 : vector<256x24xi32>, vector<256x40xi32> -> vector<256x64xi32>
    %eq3A_231 = arith.cmpi eq, %get3A_1, %pad3A_230 : vector<256x64xi32>
    %ge3A_232 = arith.constant 24 : i32
    %ge3A_233 = vector.broadcast %ge3A_232 : i32 to vector<256x64xi32>
    %ge3A_234 = arith.cmpi sge, %iota3A, %ge3A_233 : vector<256x64xi32>
    %and3A_235 = arith.andi %eq3A_231, %ge3A_234 : vector<256x64xi1>
    %or3A_236 = arith.ori %or3A_226, %and3A_235 : vector<256x64xi1>
    %slice3A_237 = vector.extract_strided_slice %get3A_1 {offsets = [0, 0], sizes = [256, 39], strides = [1, 1]} : vector<256x64xi32> to vector<256x39xi32>
    %pad3A_238 = arith.constant -1 : i32
    %pad3A_239 = vector.broadcast %pad3A_238 : i32 to vector<256x25xi32>
    %pad3A_240 = tpu.concatenate %pad3A_239, %slice3A_237 in 1 : vector<256x25xi32>, vector<256x39xi32> -> vector<256x64xi32>
    %eq3A_241 = arith.cmpi eq, %get3A_1, %pad3A_240 : vector<256x64xi32>
    %ge3A_242 = arith.constant 25 : i32
    %ge3A_243 = vector.broadcast %ge3A_242 : i32 to vector<256x64xi32>
    %ge3A_244 = arith.cmpi sge, %iota3A, %ge3A_243 : vector<256x64xi32>
    %and3A_245 = arith.andi %eq3A_241, %ge3A_244 : vector<256x64xi1>
    %or3A_246 = arith.ori %or3A_236, %and3A_245 : vector<256x64xi1>
    %slice3A_247 = vector.extract_strided_slice %get3A_1 {offsets = [0, 0], sizes = [256, 38], strides = [1, 1]} : vector<256x64xi32> to vector<256x38xi32>
    %pad3A_248 = arith.constant -1 : i32
    %pad3A_249 = vector.broadcast %pad3A_248 : i32 to vector<256x26xi32>
    %pad3A_250 = tpu.concatenate %pad3A_249, %slice3A_247 in 1 : vector<256x26xi32>, vector<256x38xi32> -> vector<256x64xi32>
    %eq3A_251 = arith.cmpi eq, %get3A_1, %pad3A_250 : vector<256x64xi32>
    %ge3A_252 = arith.constant 26 : i32
    %ge3A_253 = vector.broadcast %ge3A_252 : i32 to vector<256x64xi32>
    %ge3A_254 = arith.cmpi sge, %iota3A, %ge3A_253 : vector<256x64xi32>
    %and3A_255 = arith.andi %eq3A_251, %ge3A_254 : vector<256x64xi1>
    %or3A_256 = arith.ori %or3A_246, %and3A_255 : vector<256x64xi1>
    %slice3A_257 = vector.extract_strided_slice %get3A_1 {offsets = [0, 0], sizes = [256, 37], strides = [1, 1]} : vector<256x64xi32> to vector<256x37xi32>
    %pad3A_258 = arith.constant -1 : i32
    %pad3A_259 = vector.broadcast %pad3A_258 : i32 to vector<256x27xi32>
    %pad3A_260 = tpu.concatenate %pad3A_259, %slice3A_257 in 1 : vector<256x27xi32>, vector<256x37xi32> -> vector<256x64xi32>
    %eq3A_261 = arith.cmpi eq, %get3A_1, %pad3A_260 : vector<256x64xi32>
    %ge3A_262 = arith.constant 27 : i32
    %ge3A_263 = vector.broadcast %ge3A_262 : i32 to vector<256x64xi32>
    %ge3A_264 = arith.cmpi sge, %iota3A, %ge3A_263 : vector<256x64xi32>
    %and3A_265 = arith.andi %eq3A_261, %ge3A_264 : vector<256x64xi1>
    %or3A_266 = arith.ori %or3A_256, %and3A_265 : vector<256x64xi1>
    %slice3A_267 = vector.extract_strided_slice %get3A_1 {offsets = [0, 0], sizes = [256, 36], strides = [1, 1]} : vector<256x64xi32> to vector<256x36xi32>
    %pad3A_268 = arith.constant -1 : i32
    %pad3A_269 = vector.broadcast %pad3A_268 : i32 to vector<256x28xi32>
    %pad3A_270 = tpu.concatenate %pad3A_269, %slice3A_267 in 1 : vector<256x28xi32>, vector<256x36xi32> -> vector<256x64xi32>
    %eq3A_271 = arith.cmpi eq, %get3A_1, %pad3A_270 : vector<256x64xi32>
    %ge3A_272 = arith.constant 28 : i32
    %ge3A_273 = vector.broadcast %ge3A_272 : i32 to vector<256x64xi32>
    %ge3A_274 = arith.cmpi sge, %iota3A, %ge3A_273 : vector<256x64xi32>
    %and3A_275 = arith.andi %eq3A_271, %ge3A_274 : vector<256x64xi1>
    %or3A_276 = arith.ori %or3A_266, %and3A_275 : vector<256x64xi1>
    %slice3A_277 = vector.extract_strided_slice %get3A_1 {offsets = [0, 0], sizes = [256, 35], strides = [1, 1]} : vector<256x64xi32> to vector<256x35xi32>
    %pad3A_278 = arith.constant -1 : i32
    %pad3A_279 = vector.broadcast %pad3A_278 : i32 to vector<256x29xi32>
    %pad3A_280 = tpu.concatenate %pad3A_279, %slice3A_277 in 1 : vector<256x29xi32>, vector<256x35xi32> -> vector<256x64xi32>
    %eq3A_281 = arith.cmpi eq, %get3A_1, %pad3A_280 : vector<256x64xi32>
    %ge3A_282 = arith.constant 29 : i32
    %ge3A_283 = vector.broadcast %ge3A_282 : i32 to vector<256x64xi32>
    %ge3A_284 = arith.cmpi sge, %iota3A, %ge3A_283 : vector<256x64xi32>
    %and3A_285 = arith.andi %eq3A_281, %ge3A_284 : vector<256x64xi1>
    %or3A_286 = arith.ori %or3A_276, %and3A_285 : vector<256x64xi1>
    %slice3A_287 = vector.extract_strided_slice %get3A_1 {offsets = [0, 0], sizes = [256, 34], strides = [1, 1]} : vector<256x64xi32> to vector<256x34xi32>
    %pad3A_288 = arith.constant -1 : i32
    %pad3A_289 = vector.broadcast %pad3A_288 : i32 to vector<256x30xi32>
    %pad3A_290 = tpu.concatenate %pad3A_289, %slice3A_287 in 1 : vector<256x30xi32>, vector<256x34xi32> -> vector<256x64xi32>
    %eq3A_291 = arith.cmpi eq, %get3A_1, %pad3A_290 : vector<256x64xi32>
    %ge3A_292 = arith.constant 30 : i32
    %ge3A_293 = vector.broadcast %ge3A_292 : i32 to vector<256x64xi32>
    %ge3A_294 = arith.cmpi sge, %iota3A, %ge3A_293 : vector<256x64xi32>
    %and3A_295 = arith.andi %eq3A_291, %ge3A_294 : vector<256x64xi1>
    %or3A_296 = arith.ori %or3A_286, %and3A_295 : vector<256x64xi1>
    %slice3A_297 = vector.extract_strided_slice %get3A_1 {offsets = [0, 0], sizes = [256, 33], strides = [1, 1]} : vector<256x64xi32> to vector<256x33xi32>
    %pad3A_298 = arith.constant -1 : i32
    %pad3A_299 = vector.broadcast %pad3A_298 : i32 to vector<256x31xi32>
    %pad3A_300 = tpu.concatenate %pad3A_299, %slice3A_297 in 1 : vector<256x31xi32>, vector<256x33xi32> -> vector<256x64xi32>
    %eq3A_301 = arith.cmpi eq, %get3A_1, %pad3A_300 : vector<256x64xi32>
    %ge3A_302 = arith.constant 31 : i32
    %ge3A_303 = vector.broadcast %ge3A_302 : i32 to vector<256x64xi32>
    %ge3A_304 = arith.cmpi sge, %iota3A, %ge3A_303 : vector<256x64xi32>
    %and3A_305 = arith.andi %eq3A_301, %ge3A_304 : vector<256x64xi1>
    %or3A_306 = arith.ori %or3A_296, %and3A_305 : vector<256x64xi1>
    %slice3A_307 = vector.extract_strided_slice %get3A_1 {offsets = [0, 0], sizes = [256, 32], strides = [1, 1]} : vector<256x64xi32> to vector<256x32xi32>
    %pad3A_308 = arith.constant -1 : i32
    %pad3A_309 = vector.broadcast %pad3A_308 : i32 to vector<256x32xi32>
    %pad3A_310 = tpu.concatenate %pad3A_309, %slice3A_307 in 1 : vector<256x32xi32>, vector<256x32xi32> -> vector<256x64xi32>
    %eq3A_311 = arith.cmpi eq, %get3A_1, %pad3A_310 : vector<256x64xi32>
    %ge3A_312 = arith.constant 32 : i32
    %ge3A_313 = vector.broadcast %ge3A_312 : i32 to vector<256x64xi32>
    %ge3A_314 = arith.cmpi sge, %iota3A, %ge3A_313 : vector<256x64xi32>
    %and3A_315 = arith.andi %eq3A_311, %ge3A_314 : vector<256x64xi1>
    %or3A_316 = arith.ori %or3A_306, %and3A_315 : vector<256x64xi1>
    %slice3A_317 = vector.extract_strided_slice %get3A_1 {offsets = [0, 0], sizes = [256, 31], strides = [1, 1]} : vector<256x64xi32> to vector<256x31xi32>
    %pad3A_318 = arith.constant -1 : i32
    %pad3A_319 = vector.broadcast %pad3A_318 : i32 to vector<256x33xi32>
    %pad3A_320 = tpu.concatenate %pad3A_319, %slice3A_317 in 1 : vector<256x33xi32>, vector<256x31xi32> -> vector<256x64xi32>
    %eq3A_321 = arith.cmpi eq, %get3A_1, %pad3A_320 : vector<256x64xi32>
    %ge3A_322 = arith.constant 33 : i32
    %ge3A_323 = vector.broadcast %ge3A_322 : i32 to vector<256x64xi32>
    %ge3A_324 = arith.cmpi sge, %iota3A, %ge3A_323 : vector<256x64xi32>
    %and3A_325 = arith.andi %eq3A_321, %ge3A_324 : vector<256x64xi1>
    %or3A_326 = arith.ori %or3A_316, %and3A_325 : vector<256x64xi1>
    %slice3A_327 = vector.extract_strided_slice %get3A_1 {offsets = [0, 0], sizes = [256, 30], strides = [1, 1]} : vector<256x64xi32> to vector<256x30xi32>
    %pad3A_328 = arith.constant -1 : i32
    %pad3A_329 = vector.broadcast %pad3A_328 : i32 to vector<256x34xi32>
    %pad3A_330 = tpu.concatenate %pad3A_329, %slice3A_327 in 1 : vector<256x34xi32>, vector<256x30xi32> -> vector<256x64xi32>
    %eq3A_331 = arith.cmpi eq, %get3A_1, %pad3A_330 : vector<256x64xi32>
    %ge3A_332 = arith.constant 34 : i32
    %ge3A_333 = vector.broadcast %ge3A_332 : i32 to vector<256x64xi32>
    %ge3A_334 = arith.cmpi sge, %iota3A, %ge3A_333 : vector<256x64xi32>
    %and3A_335 = arith.andi %eq3A_331, %ge3A_334 : vector<256x64xi1>
    %or3A_336 = arith.ori %or3A_326, %and3A_335 : vector<256x64xi1>
    %slice3A_337 = vector.extract_strided_slice %get3A_1 {offsets = [0, 0], sizes = [256, 29], strides = [1, 1]} : vector<256x64xi32> to vector<256x29xi32>
    %pad3A_338 = arith.constant -1 : i32
    %pad3A_339 = vector.broadcast %pad3A_338 : i32 to vector<256x35xi32>
    %pad3A_340 = tpu.concatenate %pad3A_339, %slice3A_337 in 1 : vector<256x35xi32>, vector<256x29xi32> -> vector<256x64xi32>
    %eq3A_341 = arith.cmpi eq, %get3A_1, %pad3A_340 : vector<256x64xi32>
    %ge3A_342 = arith.constant 35 : i32
    %ge3A_343 = vector.broadcast %ge3A_342 : i32 to vector<256x64xi32>
    %ge3A_344 = arith.cmpi sge, %iota3A, %ge3A_343 : vector<256x64xi32>
    %and3A_345 = arith.andi %eq3A_341, %ge3A_344 : vector<256x64xi1>
    %or3A_346 = arith.ori %or3A_336, %and3A_345 : vector<256x64xi1>
    %slice3A_347 = vector.extract_strided_slice %get3A_1 {offsets = [0, 0], sizes = [256, 28], strides = [1, 1]} : vector<256x64xi32> to vector<256x28xi32>
    %pad3A_348 = arith.constant -1 : i32
    %pad3A_349 = vector.broadcast %pad3A_348 : i32 to vector<256x36xi32>
    %pad3A_350 = tpu.concatenate %pad3A_349, %slice3A_347 in 1 : vector<256x36xi32>, vector<256x28xi32> -> vector<256x64xi32>
    %eq3A_351 = arith.cmpi eq, %get3A_1, %pad3A_350 : vector<256x64xi32>
    %ge3A_352 = arith.constant 36 : i32
    %ge3A_353 = vector.broadcast %ge3A_352 : i32 to vector<256x64xi32>
    %ge3A_354 = arith.cmpi sge, %iota3A, %ge3A_353 : vector<256x64xi32>
    %and3A_355 = arith.andi %eq3A_351, %ge3A_354 : vector<256x64xi1>
    %or3A_356 = arith.ori %or3A_346, %and3A_355 : vector<256x64xi1>
    %slice3A_357 = vector.extract_strided_slice %get3A_1 {offsets = [0, 0], sizes = [256, 27], strides = [1, 1]} : vector<256x64xi32> to vector<256x27xi32>
    %pad3A_358 = arith.constant -1 : i32
    %pad3A_359 = vector.broadcast %pad3A_358 : i32 to vector<256x37xi32>
    %pad3A_360 = tpu.concatenate %pad3A_359, %slice3A_357 in 1 : vector<256x37xi32>, vector<256x27xi32> -> vector<256x64xi32>
    %eq3A_361 = arith.cmpi eq, %get3A_1, %pad3A_360 : vector<256x64xi32>
    %ge3A_362 = arith.constant 37 : i32
    %ge3A_363 = vector.broadcast %ge3A_362 : i32 to vector<256x64xi32>
    %ge3A_364 = arith.cmpi sge, %iota3A, %ge3A_363 : vector<256x64xi32>
    %and3A_365 = arith.andi %eq3A_361, %ge3A_364 : vector<256x64xi1>
    %or3A_366 = arith.ori %or3A_356, %and3A_365 : vector<256x64xi1>
    %slice3A_367 = vector.extract_strided_slice %get3A_1 {offsets = [0, 0], sizes = [256, 26], strides = [1, 1]} : vector<256x64xi32> to vector<256x26xi32>
    %pad3A_368 = arith.constant -1 : i32
    %pad3A_369 = vector.broadcast %pad3A_368 : i32 to vector<256x38xi32>
    %pad3A_370 = tpu.concatenate %pad3A_369, %slice3A_367 in 1 : vector<256x38xi32>, vector<256x26xi32> -> vector<256x64xi32>
    %eq3A_371 = arith.cmpi eq, %get3A_1, %pad3A_370 : vector<256x64xi32>
    %ge3A_372 = arith.constant 38 : i32
    %ge3A_373 = vector.broadcast %ge3A_372 : i32 to vector<256x64xi32>
    %ge3A_374 = arith.cmpi sge, %iota3A, %ge3A_373 : vector<256x64xi32>
    %and3A_375 = arith.andi %eq3A_371, %ge3A_374 : vector<256x64xi1>
    %or3A_376 = arith.ori %or3A_366, %and3A_375 : vector<256x64xi1>
    %slice3A_377 = vector.extract_strided_slice %get3A_1 {offsets = [0, 0], sizes = [256, 25], strides = [1, 1]} : vector<256x64xi32> to vector<256x25xi32>
    %pad3A_378 = arith.constant -1 : i32
    %pad3A_379 = vector.broadcast %pad3A_378 : i32 to vector<256x39xi32>
    %pad3A_380 = tpu.concatenate %pad3A_379, %slice3A_377 in 1 : vector<256x39xi32>, vector<256x25xi32> -> vector<256x64xi32>
    %eq3A_381 = arith.cmpi eq, %get3A_1, %pad3A_380 : vector<256x64xi32>
    %ge3A_382 = arith.constant 39 : i32
    %ge3A_383 = vector.broadcast %ge3A_382 : i32 to vector<256x64xi32>
    %ge3A_384 = arith.cmpi sge, %iota3A, %ge3A_383 : vector<256x64xi32>
    %and3A_385 = arith.andi %eq3A_381, %ge3A_384 : vector<256x64xi1>
    %or3A_386 = arith.ori %or3A_376, %and3A_385 : vector<256x64xi1>
    %slice3A_387 = vector.extract_strided_slice %get3A_1 {offsets = [0, 0], sizes = [256, 24], strides = [1, 1]} : vector<256x64xi32> to vector<256x24xi32>
    %pad3A_388 = arith.constant -1 : i32
    %pad3A_389 = vector.broadcast %pad3A_388 : i32 to vector<256x40xi32>
    %pad3A_390 = tpu.concatenate %pad3A_389, %slice3A_387 in 1 : vector<256x40xi32>, vector<256x24xi32> -> vector<256x64xi32>
    %eq3A_391 = arith.cmpi eq, %get3A_1, %pad3A_390 : vector<256x64xi32>
    %ge3A_392 = arith.constant 40 : i32
    %ge3A_393 = vector.broadcast %ge3A_392 : i32 to vector<256x64xi32>
    %ge3A_394 = arith.cmpi sge, %iota3A, %ge3A_393 : vector<256x64xi32>
    %and3A_395 = arith.andi %eq3A_391, %ge3A_394 : vector<256x64xi1>
    %or3A_396 = arith.ori %or3A_386, %and3A_395 : vector<256x64xi1>
    %slice3A_397 = vector.extract_strided_slice %get3A_1 {offsets = [0, 0], sizes = [256, 23], strides = [1, 1]} : vector<256x64xi32> to vector<256x23xi32>
    %pad3A_398 = arith.constant -1 : i32
    %pad3A_399 = vector.broadcast %pad3A_398 : i32 to vector<256x41xi32>
    %pad3A_400 = tpu.concatenate %pad3A_399, %slice3A_397 in 1 : vector<256x41xi32>, vector<256x23xi32> -> vector<256x64xi32>
    %eq3A_401 = arith.cmpi eq, %get3A_1, %pad3A_400 : vector<256x64xi32>
    %ge3A_402 = arith.constant 41 : i32
    %ge3A_403 = vector.broadcast %ge3A_402 : i32 to vector<256x64xi32>
    %ge3A_404 = arith.cmpi sge, %iota3A, %ge3A_403 : vector<256x64xi32>
    %and3A_405 = arith.andi %eq3A_401, %ge3A_404 : vector<256x64xi1>
    %or3A_406 = arith.ori %or3A_396, %and3A_405 : vector<256x64xi1>
    %slice3A_407 = vector.extract_strided_slice %get3A_1 {offsets = [0, 0], sizes = [256, 22], strides = [1, 1]} : vector<256x64xi32> to vector<256x22xi32>
    %pad3A_408 = arith.constant -1 : i32
    %pad3A_409 = vector.broadcast %pad3A_408 : i32 to vector<256x42xi32>
    %pad3A_410 = tpu.concatenate %pad3A_409, %slice3A_407 in 1 : vector<256x42xi32>, vector<256x22xi32> -> vector<256x64xi32>
    %eq3A_411 = arith.cmpi eq, %get3A_1, %pad3A_410 : vector<256x64xi32>
    %ge3A_412 = arith.constant 42 : i32
    %ge3A_413 = vector.broadcast %ge3A_412 : i32 to vector<256x64xi32>
    %ge3A_414 = arith.cmpi sge, %iota3A, %ge3A_413 : vector<256x64xi32>
    %and3A_415 = arith.andi %eq3A_411, %ge3A_414 : vector<256x64xi1>
    %or3A_416 = arith.ori %or3A_406, %and3A_415 : vector<256x64xi1>
    %slice3A_417 = vector.extract_strided_slice %get3A_1 {offsets = [0, 0], sizes = [256, 21], strides = [1, 1]} : vector<256x64xi32> to vector<256x21xi32>
    %pad3A_418 = arith.constant -1 : i32
    %pad3A_419 = vector.broadcast %pad3A_418 : i32 to vector<256x43xi32>
    %pad3A_420 = tpu.concatenate %pad3A_419, %slice3A_417 in 1 : vector<256x43xi32>, vector<256x21xi32> -> vector<256x64xi32>
    %eq3A_421 = arith.cmpi eq, %get3A_1, %pad3A_420 : vector<256x64xi32>
    %ge3A_422 = arith.constant 43 : i32
    %ge3A_423 = vector.broadcast %ge3A_422 : i32 to vector<256x64xi32>
    %ge3A_424 = arith.cmpi sge, %iota3A, %ge3A_423 : vector<256x64xi32>
    %and3A_425 = arith.andi %eq3A_421, %ge3A_424 : vector<256x64xi1>
    %or3A_426 = arith.ori %or3A_416, %and3A_425 : vector<256x64xi1>
    %slice3A_427 = vector.extract_strided_slice %get3A_1 {offsets = [0, 0], sizes = [256, 20], strides = [1, 1]} : vector<256x64xi32> to vector<256x20xi32>
    %pad3A_428 = arith.constant -1 : i32
    %pad3A_429 = vector.broadcast %pad3A_428 : i32 to vector<256x44xi32>
    %pad3A_430 = tpu.concatenate %pad3A_429, %slice3A_427 in 1 : vector<256x44xi32>, vector<256x20xi32> -> vector<256x64xi32>
    %eq3A_431 = arith.cmpi eq, %get3A_1, %pad3A_430 : vector<256x64xi32>
    %ge3A_432 = arith.constant 44 : i32
    %ge3A_433 = vector.broadcast %ge3A_432 : i32 to vector<256x64xi32>
    %ge3A_434 = arith.cmpi sge, %iota3A, %ge3A_433 : vector<256x64xi32>
    %and3A_435 = arith.andi %eq3A_431, %ge3A_434 : vector<256x64xi1>
    %or3A_436 = arith.ori %or3A_426, %and3A_435 : vector<256x64xi1>
    %slice3A_437 = vector.extract_strided_slice %get3A_1 {offsets = [0, 0], sizes = [256, 19], strides = [1, 1]} : vector<256x64xi32> to vector<256x19xi32>
    %pad3A_438 = arith.constant -1 : i32
    %pad3A_439 = vector.broadcast %pad3A_438 : i32 to vector<256x45xi32>
    %pad3A_440 = tpu.concatenate %pad3A_439, %slice3A_437 in 1 : vector<256x45xi32>, vector<256x19xi32> -> vector<256x64xi32>
    %eq3A_441 = arith.cmpi eq, %get3A_1, %pad3A_440 : vector<256x64xi32>
    %ge3A_442 = arith.constant 45 : i32
    %ge3A_443 = vector.broadcast %ge3A_442 : i32 to vector<256x64xi32>
    %ge3A_444 = arith.cmpi sge, %iota3A, %ge3A_443 : vector<256x64xi32>
    %and3A_445 = arith.andi %eq3A_441, %ge3A_444 : vector<256x64xi1>
    %or3A_446 = arith.ori %or3A_436, %and3A_445 : vector<256x64xi1>
    %slice3A_447 = vector.extract_strided_slice %get3A_1 {offsets = [0, 0], sizes = [256, 18], strides = [1, 1]} : vector<256x64xi32> to vector<256x18xi32>
    %pad3A_448 = arith.constant -1 : i32
    %pad3A_449 = vector.broadcast %pad3A_448 : i32 to vector<256x46xi32>
    %pad3A_450 = tpu.concatenate %pad3A_449, %slice3A_447 in 1 : vector<256x46xi32>, vector<256x18xi32> -> vector<256x64xi32>
    %eq3A_451 = arith.cmpi eq, %get3A_1, %pad3A_450 : vector<256x64xi32>
    %ge3A_452 = arith.constant 46 : i32
    %ge3A_453 = vector.broadcast %ge3A_452 : i32 to vector<256x64xi32>
    %ge3A_454 = arith.cmpi sge, %iota3A, %ge3A_453 : vector<256x64xi32>
    %and3A_455 = arith.andi %eq3A_451, %ge3A_454 : vector<256x64xi1>
    %or3A_456 = arith.ori %or3A_446, %and3A_455 : vector<256x64xi1>
    %slice3A_457 = vector.extract_strided_slice %get3A_1 {offsets = [0, 0], sizes = [256, 17], strides = [1, 1]} : vector<256x64xi32> to vector<256x17xi32>
    %pad3A_458 = arith.constant -1 : i32
    %pad3A_459 = vector.broadcast %pad3A_458 : i32 to vector<256x47xi32>
    %pad3A_460 = tpu.concatenate %pad3A_459, %slice3A_457 in 1 : vector<256x47xi32>, vector<256x17xi32> -> vector<256x64xi32>
    %eq3A_461 = arith.cmpi eq, %get3A_1, %pad3A_460 : vector<256x64xi32>
    %ge3A_462 = arith.constant 47 : i32
    %ge3A_463 = vector.broadcast %ge3A_462 : i32 to vector<256x64xi32>
    %ge3A_464 = arith.cmpi sge, %iota3A, %ge3A_463 : vector<256x64xi32>
    %and3A_465 = arith.andi %eq3A_461, %ge3A_464 : vector<256x64xi1>
    %or3A_466 = arith.ori %or3A_456, %and3A_465 : vector<256x64xi1>
    %slice3A_467 = vector.extract_strided_slice %get3A_1 {offsets = [0, 0], sizes = [256, 16], strides = [1, 1]} : vector<256x64xi32> to vector<256x16xi32>
    %pad3A_468 = arith.constant -1 : i32
    %pad3A_469 = vector.broadcast %pad3A_468 : i32 to vector<256x48xi32>
    %pad3A_470 = tpu.concatenate %pad3A_469, %slice3A_467 in 1 : vector<256x48xi32>, vector<256x16xi32> -> vector<256x64xi32>
    %eq3A_471 = arith.cmpi eq, %get3A_1, %pad3A_470 : vector<256x64xi32>
    %ge3A_472 = arith.constant 48 : i32
    %ge3A_473 = vector.broadcast %ge3A_472 : i32 to vector<256x64xi32>
    %ge3A_474 = arith.cmpi sge, %iota3A, %ge3A_473 : vector<256x64xi32>
    %and3A_475 = arith.andi %eq3A_471, %ge3A_474 : vector<256x64xi1>
    %or3A_476 = arith.ori %or3A_466, %and3A_475 : vector<256x64xi1>
    %slice3A_477 = vector.extract_strided_slice %get3A_1 {offsets = [0, 0], sizes = [256, 15], strides = [1, 1]} : vector<256x64xi32> to vector<256x15xi32>
    %pad3A_478 = arith.constant -1 : i32
    %pad3A_479 = vector.broadcast %pad3A_478 : i32 to vector<256x49xi32>
    %pad3A_480 = tpu.concatenate %pad3A_479, %slice3A_477 in 1 : vector<256x49xi32>, vector<256x15xi32> -> vector<256x64xi32>
    %eq3A_481 = arith.cmpi eq, %get3A_1, %pad3A_480 : vector<256x64xi32>
    %ge3A_482 = arith.constant 49 : i32
    %ge3A_483 = vector.broadcast %ge3A_482 : i32 to vector<256x64xi32>
    %ge3A_484 = arith.cmpi sge, %iota3A, %ge3A_483 : vector<256x64xi32>
    %and3A_485 = arith.andi %eq3A_481, %ge3A_484 : vector<256x64xi1>
    %or3A_486 = arith.ori %or3A_476, %and3A_485 : vector<256x64xi1>
    %slice3A_487 = vector.extract_strided_slice %get3A_1 {offsets = [0, 0], sizes = [256, 14], strides = [1, 1]} : vector<256x64xi32> to vector<256x14xi32>
    %pad3A_488 = arith.constant -1 : i32
    %pad3A_489 = vector.broadcast %pad3A_488 : i32 to vector<256x50xi32>
    %pad3A_490 = tpu.concatenate %pad3A_489, %slice3A_487 in 1 : vector<256x50xi32>, vector<256x14xi32> -> vector<256x64xi32>
    %eq3A_491 = arith.cmpi eq, %get3A_1, %pad3A_490 : vector<256x64xi32>
    %ge3A_492 = arith.constant 50 : i32
    %ge3A_493 = vector.broadcast %ge3A_492 : i32 to vector<256x64xi32>
    %ge3A_494 = arith.cmpi sge, %iota3A, %ge3A_493 : vector<256x64xi32>
    %and3A_495 = arith.andi %eq3A_491, %ge3A_494 : vector<256x64xi1>
    %or3A_496 = arith.ori %or3A_486, %and3A_495 : vector<256x64xi1>
    %slice3A_497 = vector.extract_strided_slice %get3A_1 {offsets = [0, 0], sizes = [256, 13], strides = [1, 1]} : vector<256x64xi32> to vector<256x13xi32>
    %pad3A_498 = arith.constant -1 : i32
    %pad3A_499 = vector.broadcast %pad3A_498 : i32 to vector<256x51xi32>
    %pad3A_500 = tpu.concatenate %pad3A_499, %slice3A_497 in 1 : vector<256x51xi32>, vector<256x13xi32> -> vector<256x64xi32>
    %eq3A_501 = arith.cmpi eq, %get3A_1, %pad3A_500 : vector<256x64xi32>
    %ge3A_502 = arith.constant 51 : i32
    %ge3A_503 = vector.broadcast %ge3A_502 : i32 to vector<256x64xi32>
    %ge3A_504 = arith.cmpi sge, %iota3A, %ge3A_503 : vector<256x64xi32>
    %and3A_505 = arith.andi %eq3A_501, %ge3A_504 : vector<256x64xi1>
    %or3A_506 = arith.ori %or3A_496, %and3A_505 : vector<256x64xi1>
    %slice3A_507 = vector.extract_strided_slice %get3A_1 {offsets = [0, 0], sizes = [256, 12], strides = [1, 1]} : vector<256x64xi32> to vector<256x12xi32>
    %pad3A_508 = arith.constant -1 : i32
    %pad3A_509 = vector.broadcast %pad3A_508 : i32 to vector<256x52xi32>
    %pad3A_510 = tpu.concatenate %pad3A_509, %slice3A_507 in 1 : vector<256x52xi32>, vector<256x12xi32> -> vector<256x64xi32>
    %eq3A_511 = arith.cmpi eq, %get3A_1, %pad3A_510 : vector<256x64xi32>
    %ge3A_512 = arith.constant 52 : i32
    %ge3A_513 = vector.broadcast %ge3A_512 : i32 to vector<256x64xi32>
    %ge3A_514 = arith.cmpi sge, %iota3A, %ge3A_513 : vector<256x64xi32>
    %and3A_515 = arith.andi %eq3A_511, %ge3A_514 : vector<256x64xi1>
    %or3A_516 = arith.ori %or3A_506, %and3A_515 : vector<256x64xi1>
    %slice3A_517 = vector.extract_strided_slice %get3A_1 {offsets = [0, 0], sizes = [256, 11], strides = [1, 1]} : vector<256x64xi32> to vector<256x11xi32>
    %pad3A_518 = arith.constant -1 : i32
    %pad3A_519 = vector.broadcast %pad3A_518 : i32 to vector<256x53xi32>
    %pad3A_520 = tpu.concatenate %pad3A_519, %slice3A_517 in 1 : vector<256x53xi32>, vector<256x11xi32> -> vector<256x64xi32>
    %eq3A_521 = arith.cmpi eq, %get3A_1, %pad3A_520 : vector<256x64xi32>
    %ge3A_522 = arith.constant 53 : i32
    %ge3A_523 = vector.broadcast %ge3A_522 : i32 to vector<256x64xi32>
    %ge3A_524 = arith.cmpi sge, %iota3A, %ge3A_523 : vector<256x64xi32>
    %and3A_525 = arith.andi %eq3A_521, %ge3A_524 : vector<256x64xi1>
    %or3A_526 = arith.ori %or3A_516, %and3A_525 : vector<256x64xi1>
    %slice3A_527 = vector.extract_strided_slice %get3A_1 {offsets = [0, 0], sizes = [256, 10], strides = [1, 1]} : vector<256x64xi32> to vector<256x10xi32>
    %pad3A_528 = arith.constant -1 : i32
    %pad3A_529 = vector.broadcast %pad3A_528 : i32 to vector<256x54xi32>
    %pad3A_530 = tpu.concatenate %pad3A_529, %slice3A_527 in 1 : vector<256x54xi32>, vector<256x10xi32> -> vector<256x64xi32>
    %eq3A_531 = arith.cmpi eq, %get3A_1, %pad3A_530 : vector<256x64xi32>
    %ge3A_532 = arith.constant 54 : i32
    %ge3A_533 = vector.broadcast %ge3A_532 : i32 to vector<256x64xi32>
    %ge3A_534 = arith.cmpi sge, %iota3A, %ge3A_533 : vector<256x64xi32>
    %and3A_535 = arith.andi %eq3A_531, %ge3A_534 : vector<256x64xi1>
    %or3A_536 = arith.ori %or3A_526, %and3A_535 : vector<256x64xi1>
    %slice3A_537 = vector.extract_strided_slice %get3A_1 {offsets = [0, 0], sizes = [256, 9], strides = [1, 1]} : vector<256x64xi32> to vector<256x9xi32>
    %pad3A_538 = arith.constant -1 : i32
    %pad3A_539 = vector.broadcast %pad3A_538 : i32 to vector<256x55xi32>
    %pad3A_540 = tpu.concatenate %pad3A_539, %slice3A_537 in 1 : vector<256x55xi32>, vector<256x9xi32> -> vector<256x64xi32>
    %eq3A_541 = arith.cmpi eq, %get3A_1, %pad3A_540 : vector<256x64xi32>
    %ge3A_542 = arith.constant 55 : i32
    %ge3A_543 = vector.broadcast %ge3A_542 : i32 to vector<256x64xi32>
    %ge3A_544 = arith.cmpi sge, %iota3A, %ge3A_543 : vector<256x64xi32>
    %and3A_545 = arith.andi %eq3A_541, %ge3A_544 : vector<256x64xi1>
    %or3A_546 = arith.ori %or3A_536, %and3A_545 : vector<256x64xi1>
    %slice3A_547 = vector.extract_strided_slice %get3A_1 {offsets = [0, 0], sizes = [256, 8], strides = [1, 1]} : vector<256x64xi32> to vector<256x8xi32>
    %pad3A_548 = arith.constant -1 : i32
    %pad3A_549 = vector.broadcast %pad3A_548 : i32 to vector<256x56xi32>
    %pad3A_550 = tpu.concatenate %pad3A_549, %slice3A_547 in 1 : vector<256x56xi32>, vector<256x8xi32> -> vector<256x64xi32>
    %eq3A_551 = arith.cmpi eq, %get3A_1, %pad3A_550 : vector<256x64xi32>
    %ge3A_552 = arith.constant 56 : i32
    %ge3A_553 = vector.broadcast %ge3A_552 : i32 to vector<256x64xi32>
    %ge3A_554 = arith.cmpi sge, %iota3A, %ge3A_553 : vector<256x64xi32>
    %and3A_555 = arith.andi %eq3A_551, %ge3A_554 : vector<256x64xi1>
    %or3A_556 = arith.ori %or3A_546, %and3A_555 : vector<256x64xi1>
    %slice3A_557 = vector.extract_strided_slice %get3A_1 {offsets = [0, 0], sizes = [256, 7], strides = [1, 1]} : vector<256x64xi32> to vector<256x7xi32>
    %pad3A_558 = arith.constant -1 : i32
    %pad3A_559 = vector.broadcast %pad3A_558 : i32 to vector<256x57xi32>
    %pad3A_560 = tpu.concatenate %pad3A_559, %slice3A_557 in 1 : vector<256x57xi32>, vector<256x7xi32> -> vector<256x64xi32>
    %eq3A_561 = arith.cmpi eq, %get3A_1, %pad3A_560 : vector<256x64xi32>
    %ge3A_562 = arith.constant 57 : i32
    %ge3A_563 = vector.broadcast %ge3A_562 : i32 to vector<256x64xi32>
    %ge3A_564 = arith.cmpi sge, %iota3A, %ge3A_563 : vector<256x64xi32>
    %and3A_565 = arith.andi %eq3A_561, %ge3A_564 : vector<256x64xi1>
    %or3A_566 = arith.ori %or3A_556, %and3A_565 : vector<256x64xi1>
    %slice3A_567 = vector.extract_strided_slice %get3A_1 {offsets = [0, 0], sizes = [256, 6], strides = [1, 1]} : vector<256x64xi32> to vector<256x6xi32>
    %pad3A_568 = arith.constant -1 : i32
    %pad3A_569 = vector.broadcast %pad3A_568 : i32 to vector<256x58xi32>
    %pad3A_570 = tpu.concatenate %pad3A_569, %slice3A_567 in 1 : vector<256x58xi32>, vector<256x6xi32> -> vector<256x64xi32>
    %eq3A_571 = arith.cmpi eq, %get3A_1, %pad3A_570 : vector<256x64xi32>
    %ge3A_572 = arith.constant 58 : i32
    %ge3A_573 = vector.broadcast %ge3A_572 : i32 to vector<256x64xi32>
    %ge3A_574 = arith.cmpi sge, %iota3A, %ge3A_573 : vector<256x64xi32>
    %and3A_575 = arith.andi %eq3A_571, %ge3A_574 : vector<256x64xi1>
    %or3A_576 = arith.ori %or3A_566, %and3A_575 : vector<256x64xi1>
    %slice3A_577 = vector.extract_strided_slice %get3A_1 {offsets = [0, 0], sizes = [256, 5], strides = [1, 1]} : vector<256x64xi32> to vector<256x5xi32>
    %pad3A_578 = arith.constant -1 : i32
    %pad3A_579 = vector.broadcast %pad3A_578 : i32 to vector<256x59xi32>
    %pad3A_580 = tpu.concatenate %pad3A_579, %slice3A_577 in 1 : vector<256x59xi32>, vector<256x5xi32> -> vector<256x64xi32>
    %eq3A_581 = arith.cmpi eq, %get3A_1, %pad3A_580 : vector<256x64xi32>
    %ge3A_582 = arith.constant 59 : i32
    %ge3A_583 = vector.broadcast %ge3A_582 : i32 to vector<256x64xi32>
    %ge3A_584 = arith.cmpi sge, %iota3A, %ge3A_583 : vector<256x64xi32>
    %and3A_585 = arith.andi %eq3A_581, %ge3A_584 : vector<256x64xi1>
    %or3A_586 = arith.ori %or3A_576, %and3A_585 : vector<256x64xi1>
    %slice3A_587 = vector.extract_strided_slice %get3A_1 {offsets = [0, 0], sizes = [256, 4], strides = [1, 1]} : vector<256x64xi32> to vector<256x4xi32>
    %pad3A_588 = arith.constant -1 : i32
    %pad3A_589 = vector.broadcast %pad3A_588 : i32 to vector<256x60xi32>
    %pad3A_590 = tpu.concatenate %pad3A_589, %slice3A_587 in 1 : vector<256x60xi32>, vector<256x4xi32> -> vector<256x64xi32>
    %eq3A_591 = arith.cmpi eq, %get3A_1, %pad3A_590 : vector<256x64xi32>
    %ge3A_592 = arith.constant 60 : i32
    %ge3A_593 = vector.broadcast %ge3A_592 : i32 to vector<256x64xi32>
    %ge3A_594 = arith.cmpi sge, %iota3A, %ge3A_593 : vector<256x64xi32>
    %and3A_595 = arith.andi %eq3A_591, %ge3A_594 : vector<256x64xi1>
    %or3A_596 = arith.ori %or3A_586, %and3A_595 : vector<256x64xi1>
    %slice3A_597 = vector.extract_strided_slice %get3A_1 {offsets = [0, 0], sizes = [256, 3], strides = [1, 1]} : vector<256x64xi32> to vector<256x3xi32>
    %pad3A_598 = arith.constant -1 : i32
    %pad3A_599 = vector.broadcast %pad3A_598 : i32 to vector<256x61xi32>
    %pad3A_600 = tpu.concatenate %pad3A_599, %slice3A_597 in 1 : vector<256x61xi32>, vector<256x3xi32> -> vector<256x64xi32>
    %eq3A_601 = arith.cmpi eq, %get3A_1, %pad3A_600 : vector<256x64xi32>
    %ge3A_602 = arith.constant 61 : i32
    %ge3A_603 = vector.broadcast %ge3A_602 : i32 to vector<256x64xi32>
    %ge3A_604 = arith.cmpi sge, %iota3A, %ge3A_603 : vector<256x64xi32>
    %and3A_605 = arith.andi %eq3A_601, %ge3A_604 : vector<256x64xi1>
    %or3A_606 = arith.ori %or3A_596, %and3A_605 : vector<256x64xi1>
    %slice3A_607 = vector.extract_strided_slice %get3A_1 {offsets = [0, 0], sizes = [256, 2], strides = [1, 1]} : vector<256x64xi32> to vector<256x2xi32>
    %pad3A_608 = arith.constant -1 : i32
    %pad3A_609 = vector.broadcast %pad3A_608 : i32 to vector<256x62xi32>
    %pad3A_610 = tpu.concatenate %pad3A_609, %slice3A_607 in 1 : vector<256x62xi32>, vector<256x2xi32> -> vector<256x64xi32>
    %eq3A_611 = arith.cmpi eq, %get3A_1, %pad3A_610 : vector<256x64xi32>
    %ge3A_612 = arith.constant 62 : i32
    %ge3A_613 = vector.broadcast %ge3A_612 : i32 to vector<256x64xi32>
    %ge3A_614 = arith.cmpi sge, %iota3A, %ge3A_613 : vector<256x64xi32>
    %and3A_615 = arith.andi %eq3A_611, %ge3A_614 : vector<256x64xi1>
    %or3A_616 = arith.ori %or3A_606, %and3A_615 : vector<256x64xi1>
    %slice3A_617 = vector.extract_strided_slice %get3A_1 {offsets = [0, 0], sizes = [256, 1], strides = [1, 1]} : vector<256x64xi32> to vector<256x1xi32>
    %pad3A_618 = arith.constant -1 : i32
    %pad3A_619 = vector.broadcast %pad3A_618 : i32 to vector<256x63xi32>
    %pad3A_620 = tpu.concatenate %pad3A_619, %slice3A_617 in 1 : vector<256x63xi32>, vector<256x1xi32> -> vector<256x64xi32>
    %eq3A_621 = arith.cmpi eq, %get3A_1, %pad3A_620 : vector<256x64xi32>
    %ge3A_622 = arith.constant 63 : i32
    %ge3A_623 = vector.broadcast %ge3A_622 : i32 to vector<256x64xi32>
    %ge3A_624 = arith.cmpi sge, %iota3A, %ge3A_623 : vector<256x64xi32>
    %and3A_625 = arith.andi %eq3A_621, %ge3A_624 : vector<256x64xi1>
    %or3A_626 = arith.ori %or3A_616, %and3A_625 : vector<256x64xi1>
    %jit3A = arith.constant 50175 : i32
    %broadcast_in_dim3A_627 = vector.broadcast %jit3A : i32 to vector<256x64xi32>
    %select_n3A = arith.select %or3A_626, %broadcast_in_dim3A_627, %get3A_1 : vector<256x64xi1>, vector<256x64xi32>
    %swap3A = arith.constant 0 : index
    %swap3A_628 = arith.constant 0 : index
    %swap3A_629 = vector.load %arg2[%swap3A, %swap3A_628] : memref<256x64xi32, #tpu.memory_space<vmem>>, vector<256x64xi32>
    tpu.vector_store %arg2[%swap3A, %swap3A_628], %select_n3A {strides = array<i32>} : memref<256x64xi32, #tpu.memory_space<vmem>>, vector<256x64xi32>,
    return
  }
  func.func @transform_0(%arg0: i32) -> (i32, i32) {
    %c0_i32 = arith.constant 0 : i32
    %c0_i32_0 = arith.constant 0 : i32
    return %arg0, %c0_i32 : i32, i32
  }
  func.func @transform_1(%arg0: i32) -> (i32, i32) {
    %c0_i32 = arith.constant 0 : i32
    %c0_i32_0 = arith.constant 0 : i32
    return %arg0, %c0_i32 : i32, i32
  }
}

</mosaic_0001>

<sc_bundles>
// kernel: kernel.6.cloned.1.call-start
scs
__scs_entry_jumppad:
0x0: {  	(pc) =	sbr.rel $0x88, $3  }
0x1: {  	(tag) =	ssettag $0x0;
	lr =	simm.s32 $0x1  }
0x2: {  	[smem:$0x3F9D] =	sst lr;
	_ =	strace $0xD0000000  }
0x3: {  	_ = 	snop  }
0x4: {  	_ = 	snop  }
0x5: {  	_ = 	snop  }
0x6: {  	_ = 	snop  }
0x7: {  	_ = 	snop  }
__scs_overlays_trampoline_lowered:
0x8: {  	[smem:$0x3FAC] =	sst s0  }
0x9: {  	[smem:$0x3FAD] =	sst s1  }
0xa: {  	[smem:$0x3FAE] =	sst s2  }
0xb: {  	[smem:$0x3FAF] =	sst s3  }
0xc: {  	[smem:$0x3FB0] =	sst s4  }
0xd: {  	[smem:$0x3FB1] =	sst s5  }
0xe: {  	[smem:$0x3FB2] =	sst s6  }
0xf: {  	[smem:$0x3FB3] =	sst s7  }
0x10: {  	[smem:$0x3FB4] =	sst s8  }
0x11: {  	[smem:$0x3FB5] =	sst s9;
	s0 =	simm.s32 @!p0 $0x0  }
0x12: {  	s1 =	sld [smem:$0x3F9B];
	s0 =	simm.s32 @p0 $0x1  }
0x13: {  	[smem:$0x3FB6] =	sst s0;
	s0 =	simm.s32 @!p1 $0x0  }
0x14: {  	s2 =	sld [smem:$0x3F9A];
	s0 =	simm.s32 @p1 $0x1  }
0x15: {  	[smem:$0x3FB7] =	sst s0;
	s0 =	simm.s32 @!p2 $0x0  }
0x16: {  	s3 =	sld [smem:$0x3FDB];
	s0 =	simm.s32 @p2 $0x1  }
0x17: {  	s4 =	simm.s32 $0x1BF5;
	[smem:$0x3FB9] =	sst s0  }
0x18: {  	s0 =	sld [smem:$0x3F9C];
	_ =	swait.ge [sflag:s4], $0x0  }
0x19: {  	s7 =	sld [smem:$0x3F9D]  }
0x1a: {  	s8 =	sadd.s32 $0xFFFFE003, lr  }
0x1b: {  	s9 =	sadd.s32 $0xFFFFFEF7, lr;
	s5 =	simm.s32 $0xFFFFFFFF;
	p2 =	slt.u32 s8, $0xFFFFF086  }
0x1c: {  	p1 =	slt.u32 s9, $0xF7A;
	s5 =	simm.s32 @!p2 $0x0  }
0x1d: {  	s5 =	simm.s32 @p1 $0x1;
	p0 =	seq.s32 s7, s2  }
0x1e: {  	s7 =	smul.u32 @!p0 $0xF7A, s2;
	p2 =	seq.s32 @!p0 s5, $0x0  }
0x1f: {  	s9 =	smul.u32 $0xF7A, s1;
	s8 =	simm.s32 @!p0 $0x1BF5;
	p2 =	por !p2, p0  }
0x20: {  	[sflag:s8] =	ssyncset.s32 @!p0 $0xFFFFF086;
	s6 =	sadd.s32 @!p0 s3, s7;
	s7 =	simm.s32 @!p0 $0x108  }
0x21: {  	s3 =	sadd.s32 s3, s9;
	s6 =	sadd.s32 @!p0 $0x88, s6;
	s7 =	simm.s32 @p2 $0x1082  }
0x22: {  	[simem:s7], [sflag:s8] =	dma.local @!p0 [hbm:s6], $0xF7A  }
0x23: {  	s9 =	sor.u32 $0xD0000000, s2;
	s6 =	simm.s32 $0x108;
	_ =	swait.ge @!p0 [sflag:s8], $0x0  }
0x24: {  	s3 =	sadd.s32 $0x88, s3;
	s6 =	simm.s32 @!p1 $0x1082;
	[sflag:s4] =	ssyncset.s32 $0xFFFFF086  }
0x25: {  	[simem:s6], [sflag:s4] =	dma.local [hbm:s3], $0xF7A  }
0x26: {  	[smem:$0x3F9D] =	sst s1;
	(tag) =	ssettag s2;
	_ =	strace s9  }
0x27: {  	s1 =	sld [smem:$0x3FAD]  }
0x28: {  	s2 =	sld [smem:$0x3FAE]  }
0x29: {  	s4 =	sld [smem:$0x3FB0]  }
0x2a: {  	p0 =	seq.s32 s5, $0x0;
	s5 =	sld [smem:$0x3FB1]  }
0x2b: {  	s6 =	sld [smem:$0x3FB2]  }
0x2c: {  	s7 =	sld [smem:$0x3FB3]  }
0x2d: {  	s3 =	simm.s32 $0x108;
	s8 =	sld [smem:$0x3FB4]  }
0x2e: {  	s3 =	simm.s32 @!p0 $0x1082;
	s9 =	sld [smem:$0x3FB5]  }
0x2f: {  	lr =	sadd.s32 s0, s3;
	s0 =	sld [smem:$0x3FAC]  }
0x30: {  	s3 =	sld [smem:$0x3FAF]  }
0x31: {  	[smem:$0x3FB8] =	sst s10  }
0x32: {  	s10 =	sld [smem:$0x3FB6];
	_ =	sdelay $0x3  }
0x33: {  	p0 =	seq.s32 s10, $0x1;
	s10 =	sld [smem:$0x3FB8];
	_ =	sdelay $0x3  }
0x34: {  	[smem:$0x3FB8] =	sst s10  }
0x35: {  	s10 =	sld [smem:$0x3FB7];
	_ =	sdelay $0x3  }
0x36: {  	p1 =	seq.s32 s10, $0x1;
	s10 =	sld [smem:$0x3FB8];
	_ =	sdelay $0x3  }
0x37: {  	[smem:$0x3FB8] =	sst s10  }
0x38: {  	s10 =	sld [smem:$0x3FB9]  }
0x39: {  	_ = 	snop;
	(pc) =	sbr.ind lr, $3  }
0x3a: {  	_ = 	snop  }
0x3b: {  	_ = 	snop  }
0x3c: {  	p2 =	seq.s32 s10, $0x1;
	s10 =	sld [smem:$0x3FB8]  }
0x3d: {  	_ =	shalt  }
0x3e: {  	_ =	shalt  }
0x3f: {  	_ =	shalt  }
0x40: {  	_ =	shalt  }
0x41: {  	_ =	shalt  }
0x42: {  	_ =	shalt  }
0x43: {  	_ =	shalt  }
0x44: {  	_ =	shalt  }
0x45: {  	_ =	shalt  }
0x46: {  	_ =	shalt  }
0x47: {  	_ =	shalt  }
0x48: {  	_ =	shalt  }
0x49: {  	_ =	shalt  }
0x4a: {  	_ =	shalt  }
0x4b: {  	_ =	shalt  }
0x4c: {  	_ =	shalt  }
0x4d: {  	_ =	shalt  }
0x4e: {  	_ =	shalt  }
0x4f: {  	_ =	shalt  }
0x50: {  	_ =	shalt  }
0x51: {  	_ =	shalt  }
0x52: {  	_ =	shalt  }
0x53: {  	_ =	shalt  }
0x54: {  	_ =	shalt  }
0x55: {  	_ =	shalt  }
0x56: {  	_ =	shalt  }
0x57: {  	_ =	shalt  }
0x58: {  	_ =	shalt  }
0x59: {  	_ =	shalt  }
0x5a: {  	_ =	shalt  }
0x5b: {  	_ =	shalt  }
0x5c: {  	_ =	shalt  }
0x5d: {  	_ =	shalt  }
0x5e: {  	_ =	shalt  }
0x5f: {  	_ =	shalt  }
0x60: {  	_ =	shalt  }
0x61: {  	_ =	shalt  }
0x62: {  	_ =	shalt  }
0x63: {  	_ =	shalt  }
0x64: {  	_ =	shalt  }
0x65: {  	_ =	shalt  }
0x66: {  	_ =	shalt  }
0x67: {  	_ =	shalt  }
0x68: {  	_ =	shalt  }
0x69: {  	_ =	shalt  }
0x6a: {  	_ =	shalt  }
0x6b: {  	_ =	shalt  }
0x6c: {  	_ =	shalt  }
0x6d: {  	_ =	shalt  }
0x6e: {  	_ =	shalt  }
0x6f: {  	_ =	shalt  }
0x70: {  	_ =	shalt  }
0x71: {  	_ =	shalt  }
0x72: {  	_ =	shalt  }
0x73: {  	_ =	shalt  }
0x74: {  	_ =	shalt  }
0x75: {  	_ =	shalt  }
0x76: {  	_ =	shalt  }
0x77: {  	_ =	shalt  }
0x78: {  	_ =	shalt  }
0x79: {  	_ =	shalt  }
0x7a: {  	_ =	shalt  }
0x7b: {  	_ =	shalt  }
0x7c: {  	_ =	shalt  }
0x7d: {  	_ =	shalt  }
0x7e: {  	_ =	shalt  }
0x7f: {  	_ =	shalt  }
0x80: {  	_ =	shalt  }
0x81: {  	_ =	shalt  }
0x82: {  	_ =	shalt  }
0x83: {  	_ =	shalt  }
0x84: {  	_ =	shalt  }
0x85: {  	_ =	shalt  }
0x86: {  	_ =	shalt  }
0x87: {  	_ =	shalt  }
.Lfunc_end0:
.L_simem_size_0:
called_computation_lowered:
.L_overlay_start_0:
0x88: {  	s2 =	sld [smem:$0x3FD9]  }
0x89: {  	s3 =	sld [smem:$0x3FFE];
	_ =	sdelay $0x1  }
0x8a: {  	s1 =	srdreg.scid  }
0x8b: {  	s0 =	sand.u32 $0x1, s1  }
0x8c: {  	s17 =	sshll.u32 s0, $0xA;
	s2 =	sadd.s32 s3, s2  }
0x8d: {  	s2 =	sadd.s32 s2, s17  }
0x8e: {  	[smem:$0x3FC4] =	sst s2  }
0x8f: {  	_ = 	snop  }
0x90: {  	s2 =	sld [smem:$0x3FC9]  }
0x91: {  	s18 =	sld [smem:$0x3FD0];
	(tm) =	ssettm $0x1  }
0x92: {  	s4 =	sld [smem:$0x3FFB];
	_ =	sdelay $0x3  }
0x93: {  	_ =	strace s4  }
0x94: {  	s4 =	sld [smem:$0x3FFC];
	_ =	sdelay $0x3  }
0x95: {  	_ =	strace s4  }
0x96: {  	s4 =	sld [smem:$0x3FFD];
	_ =	sdelay $0x3  }
0x97: {  	_ =	strace s4  }
0x98: {  	_ =	strace $0x8FFFFFFF  }
0x99: {  	s19 =	sld [smem:$0x3FDB];
	_ =	sdelay $0x1  }
0x9a: {  	s5 =	simm.s32 $_scs_section_size  }
0x9b: {  	s6 =	simm.s32 $_size__tile_overlayer_lowered;
	s7 =	simm.s32 $_tile_overlayer_lowered  }
0x9c: {  	s22 =	simm.s32 $0x1BFF;
	s21 =	sshll.u32 s7, $0x1;
	s4 =	sadd.s32 s5, s19  }
0x9d: {  	s8 =	simm.s32 $0x0;
	s20 =	sshll.u32 s6, $0x1;
	s6 =	sadd.s32 s21, s4  }
0x9e: {  	[timem:s8], [sflag:s22] =	dma.local [hbm:s6], s20  }
0x9f: {  	_ =	swait.ge [sflag:s22], s20  }
0xa0: {  	s5 =	ssub.s32 $0x0, s20;
	[sflag:s22] =	ssyncset.done $0x0  }
0xa1: {  	[sflag:s22] =	ssyncadd.s32 s5;
	_ =	sdelay $0x1  }
0xa2: {  	s23 =	simm.s32 $0x1B8B  }
0xa3: {  	_ =	swait.ge [sflag:s23], $0x1  }
0xa4: {  	[sflag:s23] =	ssyncset.done $0x0  }
0xa5: {  	s25 =	simm.s32 $0x1B8E;
	s24 =	sld [smem:$0x3FFE];
	[sflag:s23] =	ssyncadd.s32 $0xFFFFFFFF  }
0xa6: {  	s26 =	simm.s32 $execute0_lowered;
	[smem:$0x3FD2] =	sst s25  }
0xa7: {  	s6 =	sshll.u32 s26, $0x1;
	_ =	strace $0x80000046;
	[dreg:$0x1] =	wrdreg $0xFFFFFFFF  }
0xa8: {  	s28 =	simm.s32 $_size_execute0_lowered;
	s4 =	sadd.s32 s4, s6;
	[dreg:$0x0] =	wrdreg $0x0  }
0xa9: {  	s6 =	sshll.u32 s28, $0x1;
	[dreg:$0x2] =	wrdreg s4  }
0xaa: {  	[dreg:$0x3] =	wrdreg s6  }
0xab: {  	[dreg:$0x4] =	wrdreg $0xC0  }
0xac: {  	_ =	task [dreg:s8], $0x5FFFF  }
0xad: {  	[dreg:$0x1] =	wrdreg $0xFFFFFFFF  }
0xae: {  	[dreg:$0x0] =	wrdreg $0x60  }
0xaf: {  	[dreg:$0x2] =	wrdreg s24  }
0xb0: {  	[dreg:$0x3] =	wrdreg s2  }
0xb1: {  	[dreg:$0x4] =	wrdreg s18  }
0xb2: {  	[dreg:$0x5] =	wrdreg $0x9  }
0xb3: {  	_ =	task.clear_ibuf [dreg:s8], $0x6FFFF;
	_ =	strace $0x90000046  }
0xb4: {  	s29 =	simm.s32 $0x9;
	_ =	strace $0x80000048  }
0xb5: {  	_ =	swait.ge [sflag:s29], $0x1  }
0xb6: {  	[sflag:s29] =	ssyncadd.s32 $0xFFFFFFFF  }
0xb7: {  	_ =	strace $0x90000048  }
0xb8: {  	_ =	sfence  }
0xb9: {  	s30 =	sld [smem:$0x0];
	_ =	sdelay $0x2  }
0xba: {  	s31 =	sshll.u32 s1, $0xD;
	s1 =	sshrl.u32 s1, $0x2  }
0xbb: {  	s3 =	sand.u32 $0x4000, s31;
	s1 =	sadd.s32 s1, s30  }
0xbc: {  	s0 =	sor.u32 s3, s0;
	s1 =	sshll.u32 s1, $0x11  }
0xbd: {  	s0 =	sor.u32 s1, s0  }
0xbe: {  	s0 =	sadd.s32 $0x8F2B, s0  }
0xbf: {  	[sflag:s0] =	ssyncadd.remote.s32 $0x1  }
0xc0: {  	_ =	sfence.sel $0xFFFF  }
0xc1: {  	[dreg:$0x0] =	wrdreg $0xFFFFFFFF;
	(pc) =	sbr.abs _section_cstart, $3  }
0xc2: {  	[dreg:$0x1] =	wrdreg $0xFFFFFFFF  }
0xc3: {  	_ =	task.clear_ibuf [dreg:s8], $0x2FFFF;
	_ =	strace $0x9FFFFFFF  }
0xc4: {  	(tm) =	ssettm $0x7FFFFFFF  }
0xc5: {  	_ =	shalt  }
tec
execute0_lowered:
.L_overlay_start_1:
0x0: {  	(tag) =	ssettag $0x1  }
0x1: {  	s4 =	rddreg [dreg:$0x0]  }
0x2: {  	s2 =	rddreg [dreg:$0x1]  }
0x3: {  	s7 =	rddreg [dreg:$0x2]  }
0x4: {  	s0 =	rddreg [dreg:$0x3];
	s5 =	srdreg.scid  }
0x5: {  	s1 =	stileid.u32;
	s3 =	simm.s32 $0x0;
	s11 =	simm.s32 $0x1000  }
0x6: {  	s12 =	simm.s32 $0x3000;
	s13 =	simm.s32 $0x1;
	s14 =	simm.s32 $0x2  }
0x7: {  	s15 =	simm.s32 $0x5000;
	s16 =	simm.s32 $0x7000;
	s17 =	simm.s32 $0x80  }
0x8: {  	s18 =	simm.s32 $0x400;
	s19 =	simm.s32 $0x0;
	s5 =	sand.u32 $0x1, s5  }
0x9: {  	s6 =	sshll.u32 s1, $0x1;
	[smem:$0x7FF] =	sst s3;
	s9 =	sshrl.u32 s1, $0x2  }
0xa: {  	s6 =	sor.u32 s5, s6;
	_ =	strace $0x80000047;
	s9 =	smul.u32 $0x62000, s9  }
0xb: {  	s5 =	ssub.s32 $0x2, s5;
	s8 =	sshll.u32 s6, $0x9;
	s10 =	sshll.u32 s6, $0x7  }
0xc: {  	s6 =	sshll.u32 s6, $0xA;
	s30 =	sshrl.u32 s5, $0x1;
	s8 =	sadd.s32 s8, s4  }
0xd: {  	s10 =	sand.u32 $0x380, s10;
	s6 =	sadd.s32 s6, s4;
	s31 =	ssub.s32 s5, s30  }
0xe: {  	s9 =	sor.u32 s9, s10;
	s4 =	sadd.s32 $0x1200, s8;
	s5 =	sadd.s32 $0x9200, s6  }
0xf: {  	s6 =	sadd.s32 $0x5200, s8;
	s8 =	smax.u32 s31, $0x1;
	s9 =	sshrl.u32 s9, $0x3  }
0x10: {  	v0 =	vimm.f32 $0.0e+00;
	v1 =	vimm.f32 $1.000000000e+00;
	s10 =	simm.s32 $0x40;
	s7 =	sadd.s32 s7, s9;
	s9 =	simm.s32 $0x3  }
.LBB2_1:
0x11: {  	[tilespmem:s3], [sflag:$0x3] =	stream.linear.gather [hbm4b:s4+s3], $0x1000, $0x38;
	[tilespmem:$0x13400] =	vst v63  }
0x12: {  	_ =	swait.ge [sflag:s9], $0x1000  }
0x13: {  	[sflag:s9] =	ssyncset.done $0x0  }
0x14: {  	s20 =	simm.s32 $0x0;
	[sflag:s9] =	ssyncadd.s32 $0xFFFFF000  }
0x15: {  	[tilespmem:s11], [sflag:$0x1] =	stream.indirect.gather [hbm4b:s2+s10], $0x80, s3, s10, $0xb8;
	[tilespmem:$0x13400] =	vst v63  }
.LBB2_2:
0x16: {  	s21 =	sshllo.u32 s20, $0x1  }
0x17: {  	s22 =	sshll.u32 s21, $0x6  }
0x18: {  	s22 =	sand.u32 $0x3FFFFFC0, s22  }
0x19: {  	[tilespmem:s12], [sflag:$0x2] =	stream.indirect.gather [hbm4b:s2+s10], $0x80, s22, s10, $0xb8;
	[tilespmem:$0x13400] =	vst v63  }
0x1a: {  	_ =	swait.ge [sflag:s13], $0x2000  }
0x1b: {  	[sflag:s13] =	ssyncset.done $0x0  }
0x1c: {  	s24 =	simm.s32 $0x0;
	[sflag:s13] =	ssyncadd.s32 $0xFFFFE000  }
0x1d: {  	v2 =	vld [tilespmem:s24+$0x1070]  }
0x1e: {  	v3 =	vld [tilespmem:s24+$0x1000]  }
0x1f: {  	v5 =	vld [tilespmem:s24+$0x1010]  }
0x20: {  	v14 =	vld [tilespmem:s24+$0x1020]  }
0x21: {  	v13 =	vld [tilespmem:s24+$0x1030]  }
0x22: {  	v4 =	vimm.f32 $0.0e+00;
	v9 =	vimm.f32 $0.0e+00;
	v10 =	vld [tilespmem:s24+$0x1040]  }
0x23: {  	v12 =	vimm.f32 $0.0e+00;
	v7 =	vld [tilespmem:s24+$0x1050];
	v2 =	vadd.f32 v2, v4;
	v8 =	vadd.f32 v3, v4  }
0x24: {  	s23 =	simm.s32 $0x400;
	s22 =	simm.s32 $0x80;
	v11 =	vld [tilespmem:s24+$0x1060];
	v6 =	vadd.f32 v5, v4;
	v5 =	vimm.f32 $0.0e+00;
	v3 =	vimm.f32 $0.0e+00  }
.LBB2_3:
0x25: {  	p0 =	sne.s32 s23, $0x7E00;
	v15 =	vld [tilespmem:s22+$0x1070];
	v4 =	vadd.f32 v14, v4  }
0x26: {  	v16 =	vld [tilespmem:s22+$0x1000];
	v9 =	vadd.f32 v13, v9  }
0x27: {  	v17 =	vld [tilespmem:s22+$0x1010];
	v12 =	vadd.f32 v10, v12  }
.Ltmp0:
0x28: {  	v14 =	vld [tilespmem:s22+$0x1020];
	v5 =	vadd.f32 v7, v5;
	(pc) =	sbr.rel @p0 .LBB2_3-.Ltmp0, $4  }
0x29: {  	v13 =	vld [tilespmem:s22+$0x1030];
	v3 =	vadd.f32 v11, v3  }
0x2a: {  	v10 =	vld [tilespmem:s22+$0x1040];
	v2 =	vadd.f32 v15, v2  }
0x2b: {  	v8 =	vadd.f32 v16, v8;
	v7 =	vld [tilespmem:s22+$0x1050]  }
0x2c: {  	v6 =	vadd.f32 v17, v6;
	v11 =	vld [tilespmem:s22+$0x1060];
	s22 =	sshra.s32 s23, $0x2;
	s23 =	sadd.s32 $0x200, s23  }
0x2d: {  	v15 =	vld [tilespmem:s22+$0x1000]  }
0x2e: {  	v16 =	vld [tilespmem:s22+$0x1010]  }
0x2f: {  	v17 =	vld [tilespmem:s22+$0x1020]  }
0x30: {  	v4 =	vadd.f32 v14, v4;
	v14 =	vld [tilespmem:s22+$0x1050]  }
0x31: {  	v9 =	vadd.f32 v13, v9;
	v13 =	vld [tilespmem:s22+$0x1060]  }
0x32: {  	v18 =	vld [tilespmem:s22+$0x1030];
	v10 =	vadd.f32 v10, v12;
	v8 =	vadd.f32 v15, v8  }
0x33: {  	v19 =	vld [tilespmem:s22+$0x1040];
	v5 =	vadd.f32 v7, v5;
	v6 =	vadd.f32 v16, v6  }
0x34: {  	s30 =	sshll.u32 s20, $0x8;
	v12 =	vld [tilespmem:s22+$0x1070];
	v3 =	vadd.f32 v11, v3;
	v4 =	vadd.f32 v17, v4;
	v8 =	vmul.f32 $1.562500000e-02, v8  }
0x35: {  	s22 =	sand.u32 $0x3FFFFF00, s30;
	v5 =	vadd.f32 v14, v5;
	v6 =	vmul.f32 $1.562500000e-02, v6  }
0x36: {  	v3 =	vadd.f32 v13, v3;
	v4 =	vmul.f32 $1.562500000e-02, v4;
	[tilespmem:s22+$0x5000] =	vst v8  }
0x37: {  	v7 =	vadd.f32 v18, v9;
	v5 =	vmul.f32 $1.562500000e-02, v5;
	[tilespmem:s22+$0x5010] =	vst v6  }
0x38: {  	v9 =	vadd.f32 v19, v10;
	v3 =	vmul.f32 $1.562500000e-02, v3;
	[tilespmem:s22+$0x5020] =	vst v4  }
0x39: {  	v2 =	vadd.f32 v12, v2;
	v6 =	vmul.f32 $1.562500000e-02, v7;
	[tilespmem:s22+$0x5050] =	vst v5  }
0x3a: {  	p0 =	seq.s32 s20, $0x1F;
	v4 =	vmul.f32 $1.562500000e-02, v9;
	[tilespmem:s22+$0x5060] =	vst v3  }
0x3b: {  	s23 =	sshll.u32 @!p0 s20, $0x7;
	v2 =	vmul.f32 $1.562500000e-02, v2;
	[tilespmem:s22+$0x5030] =	vst v6  }
0x3c: {  	s23 =	sand.u32 @!p0 $0x3FFFFF80, s23;
	[tilespmem:s22+$0x5040] =	vst v4  }
0x3d: {  	s24 =	simm.s32 @!p0 $0x1000;
	[tilespmem:s22+$0x5070] =	vst v2;
	s22 =	sadd.s32 @!p0 $0x80, s23;
	s23 =	simm.s32 @!p0 $0x40  }
0x3e: {  	[tilespmem:s24], [sflag:$0x1] =	stream.indirect.gather @!p0 [hbm4b:s2+s23], $0x80, s22, s23, $0xb8;
	[tilespmem:$0x13400] =	vst v63  }
0x3f: {  	_ =	swait.ge [sflag:s14], $0x2000  }
0x40: {  	[sflag:s14] =	ssyncset.done $0x0  }
0x41: {  	s31 =	simm.s32 $0x0;
	[sflag:s14] =	ssyncadd.s32 $0xFFFFE000  }
0x42: {  	v2 =	vld [tilespmem:s31+$0x3070]  }
0x43: {  	v3 =	vld [tilespmem:s31+$0x3000]  }
0x44: {  	v5 =	vld [tilespmem:s31+$0x3010]  }
0x45: {  	v14 =	vld [tilespmem:s31+$0x3020]  }
0x46: {  	v13 =	vld [tilespmem:s31+$0x3030]  }
0x47: {  	v12 =	vimm.f32 $0.0e+00;
	v4 =	vimm.f32 $0.0e+00;
	v10 =	vld [tilespmem:s31+$0x3040]  }
0x48: {  	v9 =	vimm.f32 $0.0e+00;
	v7 =	vld [tilespmem:s31+$0x3050];
	v2 =	vadd.f32 v2, v4;
	v8 =	vadd.f32 v3, v4  }
0x49: {  	s22 =	simm.s32 $0x80;
	s23 =	simm.s32 $0x400;
	v11 =	vld [tilespmem:s31+$0x3060];
	v6 =	vadd.f32 v5, v4;
	v5 =	vimm.f32 $0.0e+00;
	v3 =	vimm.f32 $0.0e+00  }
.LBB2_5:
0x4a: {  	p0 =	sne.s32 s23, $0x7E00;
	v15 =	vld [tilespmem:s22+$0x3070];
	v4 =	vadd.f32 v14, v4  }
0x4b: {  	v16 =	vld [tilespmem:s22+$0x3000];
	v9 =	vadd.f32 v13, v9  }
0x4c: {  	v17 =	vld [tilespmem:s22+$0x3010];
	v12 =	vadd.f32 v10, v12  }
.Ltmp1:
0x4d: {  	v14 =	vld [tilespmem:s22+$0x3020];
	v5 =	vadd.f32 v7, v5;
	(pc) =	sbr.rel @p0 .LBB2_5-.Ltmp1, $4  }
0x4e: {  	v13 =	vld [tilespmem:s22+$0x3030];
	v3 =	vadd.f32 v11, v3  }
0x4f: {  	v10 =	vld [tilespmem:s22+$0x3040];
	v2 =	vadd.f32 v15, v2  }
0x50: {  	v8 =	vadd.f32 v16, v8;
	v7 =	vld [tilespmem:s22+$0x3050]  }
0x51: {  	v6 =	vadd.f32 v17, v6;
	v11 =	vld [tilespmem:s22+$0x3060];
	s22 =	sshra.s32 s23, $0x2;
	s23 =	sadd.s32 $0x200, s23  }
0x52: {  	v15 =	vld [tilespmem:s22+$0x3000]  }
0x53: {  	v16 =	vld [tilespmem:s22+$0x3010]  }
0x54: {  	v17 =	vld [tilespmem:s22+$0x3020]  }
0x55: {  	v18 =	vld [tilespmem:s22+$0x3030]  }
0x56: {  	v19 =	vld [tilespmem:s22+$0x3040]  }
0x57: {  	v4 =	vadd.f32 v14, v4;
	v57 =	vld [tilespmem:s22+$0x3050];
	v8 =	vadd.f32 v15, v8  }
0x58: {  	v59 =	vld [tilespmem:s22+$0x3070];
	v9 =	vadd.f32 v13, v9;
	v6 =	vadd.f32 v16, v6  }
0x59: {  	v58 =	vld [tilespmem:s22+$0x3060];
	s21 =	sshll.u32 s21, $0x7;
	v10 =	vadd.f32 v10, v12;
	v4 =	vadd.f32 v17, v4;
	v8 =	vmul.f32 $1.562500000e-02, v8  }
0x5a: {  	s21 =	sand.u32 $0x3FFFFF80, s21;
	v5 =	vadd.f32 v7, v5;
	v60 =	vadd.f32 v18, v9;
	v6 =	vmul.f32 $1.562500000e-02, v6  }
0x5b: {  	v61 =	vadd.f32 v19, v10;
	v4 =	vmul.f32 $1.562500000e-02, v4;
	[tilespmem:s21+$0x5000] =	vst v8  }
0x5c: {  	s20 =	sadd.s32 $0x1, s20;
	v3 =	vadd.f32 v11, v3;
	v5 =	vadd.f32 v57, v5;
	v62 =	vmul.f32 $1.562500000e-02, v60;
	[tilespmem:s21+$0x5010] =	vst v6  }
0x5d: {  	p0 =	sne.s32 s20, $0x20;
	v2 =	vadd.f32 v59, v2;
	v63 =	vmul.f32 $1.562500000e-02, v61;
	[tilespmem:s21+$0x5020] =	vst v4  }
.Ltmp2:
0x5e: {  	v3 =	vadd.f32 v58, v3;
	v5 =	vmul.f32 $1.562500000e-02, v5;
	[tilespmem:s21+$0x5030] =	vst v62;
	(pc) =	sbr.rel @p0 .LBB2_2-.Ltmp2, $4  }
0x5f: {  	v2 =	vmul.f32 $1.562500000e-02, v2;
	[tilespmem:s21+$0x5040] =	vst v63  }
0x60: {  	v3 =	vmul.f32 $1.562500000e-02, v3;
	[tilespmem:s21+$0x5050] =	vst v5  }
0x61: {  	[tilespmem:s21+$0x5070] =	vst v2  }
0x62: {  	[tilespmem:s21+$0x5060] =	vst v3  }
0x63: {  	s20 =	simm.s32 $0x0  }
0x64: {  	[hbm4b:s5+s20] =	stream.linear.scatter [tilespmem:s15], [sflag:$0x3], $0x2000, $0x38;
	[tilespmem:$0x13400] =	vst v63  }
0x65: {  	_ =	swait.ge [sflag:s9], $0x2000  }
0x66: {  	[sflag:s9] =	ssyncset.done $0x0  }
0x67: {  	s21 =	simm.s32 $0x0;
	s20 =	simm.s32 $0x40;
	[sflag:s9] =	ssyncadd.s32 $0xFFFFE000  }
.LBB2_8:
0x68: {  	p0 =	sne.s32 s20, $0x30FC0;
	[tilespmem:s21+$0x7000] =	vst v0;
	s21 =	smov.u32 s20;
	s20 =	sadd.s32 $0x40, s20  }
.Ltmp3:
0x69: {  	(pc) =	sbr.rel @p0 .LBB2_8-.Ltmp3, $2  }
0x6a: {  	_ =	sdelay $0x2  }
0x6b: {  	s21 =	sshra.s32 s21, $0x2  }
0x6c: {  	[tilespmem:s21+$0x7000] =	vst v0;
	s20 =	simm.s32 $0x0  }
0x6d: {  	[tilespmem:s20], [sflag:$0x3] =	stream.linear.gather [hbm4b:s6+s20], $0x1000, $0x38;
	[tilespmem:$0x13400] =	vst v63  }
0x6e: {  	_ =	swait.ge [sflag:s9], $0x1000  }
0x6f: {  	[sflag:s9] =	ssyncset.done $0x0  }
0x70: {  	s21 =	simm.s32 $0x0;
	s20 =	simm.s32 $0x40;
	[sflag:s9] =	ssyncadd.s32 $0xFFFFF000  }
.LBB2_10:
0x71: {  	p0 =	sne.s32 s20, $0x3FC0;
	v2 =	vld [tilespmem:s21+$0x0];
	_ =	sdelay $0x3  }
.Ltmp4:
0x72: {  	(pc) =	sbr.rel @p0 .LBB2_10-.Ltmp4, $2  }
0x73: {  	_ =	sdelay $0x2  }
0x74: {  	s21 =	sshra.s32 s20, $0x2;
	s20 =	sadd.s32 $0x40, s20;
	[tilespmem:v2+s16+$0x0] =	vst.idx.add.f32.msk $0xffff, v1  }
0x75: {  	v2 =	vld [tilespmem:s21+$0x0];
	_ =	sdelay $0x5  }
0x76: {  	s19 =	sadd.s32 $0x1, s19  }
0x77: {  	p0 =	sne.s32 s19, s8  }
.Ltmp5:
0x78: {  	[tilespmem:v2+s16+$0x0] =	vst.idx.add.f32.msk $0xffff, v1;
	(pc) =	sbr.rel @p0 .LBB2_1-.Ltmp5, $4  }
0x79: {  	[hbm4b:s7+s17] =	stream.strided.scatter [tilespmem:s16], [sflag:$0x3], $0xC400, s18, s17, $0x38;
	[tilespmem:$0x13400] =	vst v63  }
0x7a: {  	_ =	swait.ge [sflag:s9], $0xC400  }
0x7b: {  	[sflag:s9] =	ssyncset.done $0x0  }
0x7c: {  	[sflag:s9] =	ssyncadd.s32 $0xFFFF3C00  }
0x7d: {  	_ =	sfence.sel $0x180000  }
0x7e: {  	[bflag:$0x0] =	sbarrier.arrive $0xFFFF  }
0x7f: {  	p0 =	sne.s32 s1, $0x0;
	_ =	strace $0x90000047  }
0x80: {  	s0 =	sadd.s32 @!p0 $0x100000, s0;
	[bflag:$0x2] =	sbarrier.arrive $0xFFFF  }
0x81: {  	[sflag:s0] =	ssyncadd.tile.s32 @!p0 $0x1;
	_ =	shalt  }
.Lfunc_end2:
_tile_overlayer_lowered:
.L_overlay_start_2:
0x82: {  	(tag) =	ssettag $0x2  }
0x83: {  	s0 =	rddreg [dreg:$0x0];
	s2 =	stileid.u32  }
0x84: {  	s1 =	rddreg [dreg:$0x1];
	p0 =	sne.s32 s2, $0x0  }
0x85: {  	s3 =	rddreg [dreg:$0x2];
	[bflag:$0x3] =	sbarrier.arrive $0xFFFF;
	s2 =	simm.s32 @!p0 $0x1C03  }
0x86: {  	[timem:s3], [sflag:s2] =	dma.local @!p0 [hbm:s0], s1  }
0x87: {  	s0 =	simm.s32 @!p0 $0x3  }
0x88: {  	_ =	swait.ge @!p0 [sflag:s0], s1  }
0x89: {  	s1 =	ssub.s32 @!p0 $0x0, s1;
	[sflag:s0] =	ssyncset.done @!p0 $0x0  }
0x8a: {  	[sflag:s0] =	ssyncadd.s32 @!p0 s1  }
0x8b: {  	[bflag:$0x3] =	sbarrier.arrive $0xFFFF  }
0x8c: {  	_ =	shalt  }

// kernel: kernel.9.cloned.1.call-start
scs
__scs_entry_jumppad:
0x0: {  	(pc) =	sbr.rel $0x88, $3  }
0x1: {  	(tag) =	ssettag $0x0;
	lr =	simm.s32 $0x1  }
0x2: {  	[smem:$0x3F9D] =	sst lr;
	_ =	strace $0xD0000000  }
0x3: {  	_ = 	snop  }
0x4: {  	_ = 	snop  }
0x5: {  	_ = 	snop  }
0x6: {  	_ = 	snop  }
0x7: {  	_ = 	snop  }
__scs_overlays_trampoline_lowered:
0x8: {  	[smem:$0x3FAC] =	sst s0  }
0x9: {  	[smem:$0x3FAD] =	sst s1  }
0xa: {  	[smem:$0x3FAE] =	sst s2  }
0xb: {  	[smem:$0x3FAF] =	sst s3  }
0xc: {  	[smem:$0x3FB0] =	sst s4  }
0xd: {  	[smem:$0x3FB1] =	sst s5  }
0xe: {  	[smem:$0x3FB2] =	sst s6  }
0xf: {  	[smem:$0x3FB3] =	sst s7  }
0x10: {  	[smem:$0x3FB4] =	sst s8  }
0x11: {  	[smem:$0x3FB5] =	sst s9;
	s0 =	simm.s32 @!p0 $0x0  }
0x12: {  	s1 =	sld [smem:$0x3F9B];
	s0 =	simm.s32 @p0 $0x1  }
0x13: {  	[smem:$0x3FB6] =	sst s0;
	s0 =	simm.s32 @!p1 $0x0  }
0x14: {  	s2 =	sld [smem:$0x3F9A];
	s0 =	simm.s32 @p1 $0x1  }
0x15: {  	[smem:$0x3FB7] =	sst s0;
	s0 =	simm.s32 @!p2 $0x0  }
0x16: {  	s3 =	sld [smem:$0x3FDB];
	s0 =	simm.s32 @p2 $0x1  }
0x17: {  	s4 =	simm.s32 $0x1BF5;
	[smem:$0x3FB9] =	sst s0  }
0x18: {  	s0 =	sld [smem:$0x3F9C];
	_ =	swait.ge [sflag:s4], $0x0  }
0x19: {  	s7 =	sld [smem:$0x3F9D]  }
0x1a: {  	s8 =	sadd.s32 $0xFFFFE003, lr  }
0x1b: {  	s9 =	sadd.s32 $0xFFFFFEF7, lr;
	s5 =	simm.s32 $0xFFFFFFFF;
	p2 =	slt.u32 s8, $0xFFFFF086  }
0x1c: {  	p1 =	slt.u32 s9, $0xF7A;
	s5 =	simm.s32 @!p2 $0x0  }
0x1d: {  	s5 =	simm.s32 @p1 $0x1;
	p0 =	seq.s32 s7, s2  }
0x1e: {  	s7 =	smul.u32 @!p0 $0xF7A, s2;
	p2 =	seq.s32 @!p0 s5, $0x0  }
0x1f: {  	s9 =	smul.u32 $0xF7A, s1;
	s8 =	simm.s32 @!p0 $0x1BF5;
	p2 =	por !p2, p0  }
0x20: {  	[sflag:s8] =	ssyncset.s32 @!p0 $0xFFFFF086;
	s6 =	sadd.s32 @!p0 s3, s7;
	s7 =	simm.s32 @!p0 $0x108  }
0x21: {  	s3 =	sadd.s32 s3, s9;
	s6 =	sadd.s32 @!p0 $0x88, s6;
	s7 =	simm.s32 @p2 $0x1082  }
0x22: {  	[simem:s7], [sflag:s8] =	dma.local @!p0 [hbm:s6], $0xF7A  }
0x23: {  	s9 =	sor.u32 $0xD0000000, s2;
	s6 =	simm.s32 $0x108;
	_ =	swait.ge @!p0 [sflag:s8], $0x0  }
0x24: {  	s3 =	sadd.s32 $0x88, s3;
	s6 =	simm.s32 @!p1 $0x1082;
	[sflag:s4] =	ssyncset.s32 $0xFFFFF086  }
0x25: {  	[simem:s6], [sflag:s4] =	dma.local [hbm:s3], $0xF7A  }
0x26: {  	[smem:$0x3F9D] =	sst s1;
	(tag) =	ssettag s2;
	_ =	strace s9  }
0x27: {  	s1 =	sld [smem:$0x3FAD]  }
0x28: {  	s2 =	sld [smem:$0x3FAE]  }
0x29: {  	s4 =	sld [smem:$0x3FB0]  }
0x2a: {  	p0 =	seq.s32 s5, $0x0;
	s5 =	sld [smem:$0x3FB1]  }
0x2b: {  	s6 =	sld [smem:$0x3FB2]  }
0x2c: {  	s7 =	sld [smem:$0x3FB3]  }
0x2d: {  	s3 =	simm.s32 $0x108;
	s8 =	sld [smem:$0x3FB4]  }
0x2e: {  	s3 =	simm.s32 @!p0 $0x1082;
	s9 =	sld [smem:$0x3FB5]  }
0x2f: {  	lr =	sadd.s32 s0, s3;
	s0 =	sld [smem:$0x3FAC]  }
0x30: {  	s3 =	sld [smem:$0x3FAF]  }
0x31: {  	[smem:$0x3FB8] =	sst s10  }
0x32: {  	s10 =	sld [smem:$0x3FB6];
	_ =	sdelay $0x3  }
0x33: {  	p0 =	seq.s32 s10, $0x1;
	s10 =	sld [smem:$0x3FB8];
	_ =	sdelay $0x3  }
0x34: {  	[smem:$0x3FB8] =	sst s10  }
0x35: {  	s10 =	sld [smem:$0x3FB7];
	_ =	sdelay $0x3  }
0x36: {  	p1 =	seq.s32 s10, $0x1;
	s10 =	sld [smem:$0x3FB8];
	_ =	sdelay $0x3  }
0x37: {  	[smem:$0x3FB8] =	sst s10  }
0x38: {  	s10 =	sld [smem:$0x3FB9]  }
0x39: {  	_ = 	snop;
	(pc) =	sbr.ind lr, $3  }
0x3a: {  	_ = 	snop  }
0x3b: {  	_ = 	snop  }
0x3c: {  	p2 =	seq.s32 s10, $0x1;
	s10 =	sld [smem:$0x3FB8]  }
0x3d: {  	_ =	shalt  }
0x3e: {  	_ =	shalt  }
0x3f: {  	_ =	shalt  }
0x40: {  	_ =	shalt  }
0x41: {  	_ =	shalt  }
0x42: {  	_ =	shalt  }
0x43: {  	_ =	shalt  }
0x44: {  	_ =	shalt  }
0x45: {  	_ =	shalt  }
0x46: {  	_ =	shalt  }
0x47: {  	_ =	shalt  }
0x48: {  	_ =	shalt  }
0x49: {  	_ =	shalt  }
0x4a: {  	_ =	shalt  }
0x4b: {  	_ =	shalt  }
0x4c: {  	_ =	shalt  }
0x4d: {  	_ =	shalt  }
0x4e: {  	_ =	shalt  }
0x4f: {  	_ =	shalt  }
0x50: {  	_ =	shalt  }
0x51: {  	_ =	shalt  }
0x52: {  	_ =	shalt  }
0x53: {  	_ =	shalt  }
0x54: {  	_ =	shalt  }
0x55: {  	_ =	shalt  }
0x56: {  	_ =	shalt  }
0x57: {  	_ =	shalt  }
0x58: {  	_ =	shalt  }
0x59: {  	_ =	shalt  }
0x5a: {  	_ =	shalt  }
0x5b: {  	_ =	shalt  }
0x5c: {  	_ =	shalt  }
0x5d: {  	_ =	shalt  }
0x5e: {  	_ =	shalt  }
0x5f: {  	_ =	shalt  }
0x60: {  	_ =	shalt  }
0x61: {  	_ =	shalt  }
0x62: {  	_ =	shalt  }
0x63: {  	_ =	shalt  }
0x64: {  	_ =	shalt  }
0x65: {  	_ =	shalt  }
0x66: {  	_ =	shalt  }
0x67: {  	_ =	shalt  }
0x68: {  	_ =	shalt  }
0x69: {  	_ =	shalt  }
0x6a: {  	_ =	shalt  }
0x6b: {  	_ =	shalt  }
0x6c: {  	_ =	shalt  }
0x6d: {  	_ =	shalt  }
0x6e: {  	_ =	shalt  }
0x6f: {  	_ =	shalt  }
0x70: {  	_ =	shalt  }
0x71: {  	_ =	shalt  }
0x72: {  	_ =	shalt  }
0x73: {  	_ =	shalt  }
0x74: {  	_ =	shalt  }
0x75: {  	_ =	shalt  }
0x76: {  	_ =	shalt  }
0x77: {  	_ =	shalt  }
0x78: {  	_ =	shalt  }
0x79: {  	_ =	shalt  }
0x7a: {  	_ =	shalt  }
0x7b: {  	_ =	shalt  }
0x7c: {  	_ =	shalt  }
0x7d: {  	_ =	shalt  }
0x7e: {  	_ =	shalt  }
0x7f: {  	_ =	shalt  }
0x80: {  	_ =	shalt  }
0x81: {  	_ =	shalt  }
0x82: {  	_ =	shalt  }
0x83: {  	_ =	shalt  }
0x84: {  	_ =	shalt  }
0x85: {  	_ =	shalt  }
0x86: {  	_ =	shalt  }
0x87: {  	_ =	shalt  }
.Lfunc_end0:
.L_simem_size_0:
called_computation.1_lowered:
.L_overlay_start_0:
0x88: {  	s2 =	sld [smem:$0x3FD9]  }
0x89: {  	s3 =	sld [smem:$0x3FFE];
	_ =	sdelay $0x1  }
0x8a: {  	s1 =	srdreg.scid  }
0x8b: {  	s0 =	sand.u32 $0x1, s1  }
0x8c: {  	s16 =	sshll.u32 s0, $0xA;
	s2 =	sadd.s32 s3, s2  }
0x8d: {  	s2 =	sadd.s32 s2, s16  }
0x8e: {  	[smem:$0x3FC4] =	sst s2  }
0x8f: {  	_ = 	snop  }
0x90: {  	(tm) =	ssettm $0x1  }
0x91: {  	s17 =	sld [smem:$0x3FFB];
	_ =	sdelay $0x3  }
0x92: {  	_ =	strace s17  }
0x93: {  	s2 =	sld [smem:$0x3FFC];
	_ =	sdelay $0x3  }
0x94: {  	_ =	strace s2  }
0x95: {  	s2 =	sld [smem:$0x3FFD];
	_ =	sdelay $0x3  }
0x96: {  	_ =	strace s2  }
0x97: {  	_ =	strace $0x8FFFFFFF  }
0x98: {  	s18 =	sld [smem:$0x3FDB];
	_ =	sdelay $0x1  }
0x99: {  	s19 =	simm.s32 $_scs_section_size  }
0x9a: {  	s4 =	simm.s32 $_size__tile_overlayer_lowered;
	s5 =	simm.s32 $_tile_overlayer_lowered  }
0x9b: {  	s22 =	simm.s32 $0x1BFF;
	s21 =	sshll.u32 s5, $0x1;
	s2 =	sadd.s32 s19, s18  }
0x9c: {  	s6 =	simm.s32 $0x0;
	s20 =	sshll.u32 s4, $0x1;
	s4 =	sadd.s32 s21, s2  }
0x9d: {  	[timem:s6], [sflag:s22] =	dma.local [hbm:s4], s20  }
0x9e: {  	_ =	swait.ge [sflag:s22], s20  }
0x9f: {  	s3 =	ssub.s32 $0x0, s20;
	[sflag:s22] =	ssyncset.done $0x0  }
0xa0: {  	[sflag:s22] =	ssyncadd.s32 s3;
	_ =	sdelay $0x1  }
0xa1: {  	s23 =	simm.s32 $0x1B8B  }
0xa2: {  	_ =	swait.ge [sflag:s23], $0x1  }
0xa3: {  	[sflag:s23] =	ssyncset.done $0x0  }
0xa4: {  	s25 =	simm.s32 $0x1B8E;
	s24 =	sld [smem:$0x3FFE];
	[sflag:s23] =	ssyncadd.s32 $0xFFFFFFFF  }
0xa5: {  	s26 =	simm.s32 $execute0_lowered;
	[smem:$0x3FD2] =	sst s25  }
0xa6: {  	s4 =	sshll.u32 s26, $0x1;
	_ =	strace $0x80000049;
	[dreg:$0x1] =	wrdreg $0xFFFFFFFF  }
0xa7: {  	s28 =	simm.s32 $_size_execute0_lowered;
	s2 =	sadd.s32 s2, s4;
	[dreg:$0x0] =	wrdreg $0x0  }
0xa8: {  	s4 =	sshll.u32 s28, $0x1;
	[dreg:$0x2] =	wrdreg s2  }
0xa9: {  	[dreg:$0x3] =	wrdreg s4  }
0xaa: {  	[dreg:$0x4] =	wrdreg $0xC0  }
0xab: {  	_ =	task [dreg:s6], $0x5FFFF  }
0xac: {  	[dreg:$0x1] =	wrdreg $0xFFFFFFFF  }
0xad: {  	[dreg:$0x0] =	wrdreg $0x60  }
0xae: {  	[dreg:$0x2] =	wrdreg s24  }
0xaf: {  	[dreg:$0x3] =	wrdreg $0x6A800  }
0xb0: {  	[dreg:$0x4] =	wrdreg $0x9  }
0xb1: {  	_ =	task.clear_ibuf [dreg:s6], $0x5FFFF;
	_ =	strace $0x90000049  }
0xb2: {  	s29 =	simm.s32 $0x9;
	_ =	strace $0x8000004B  }
0xb3: {  	_ =	swait.ge [sflag:s29], $0x1  }
0xb4: {  	[sflag:s29] =	ssyncadd.s32 $0xFFFFFFFF  }
0xb5: {  	_ =	strace $0x9000004B  }
0xb6: {  	_ =	sfence  }
0xb7: {  	s30 =	sld [smem:$0x0];
	_ =	sdelay $0x2  }
0xb8: {  	s31 =	sshll.u32 s1, $0xD;
	s1 =	sshrl.u32 s1, $0x2  }
0xb9: {  	s3 =	sand.u32 $0x4000, s31;
	s1 =	sadd.s32 s1, s30  }
0xba: {  	s0 =	sor.u32 s3, s0;
	s1 =	sshll.u32 s1, $0x11  }
0xbb: {  	s0 =	sor.u32 s1, s0  }
0xbc: {  	s0 =	sadd.s32 $0x8F2B, s0  }
0xbd: {  	[sflag:s0] =	ssyncadd.remote.s32 $0x1  }
0xbe: {  	_ =	sfence.sel $0xFFFF  }
0xbf: {  	[dreg:$0x0] =	wrdreg $0xFFFFFFFF;
	(pc) =	sbr.abs _section_cstart, $3  }
0xc0: {  	[dreg:$0x1] =	wrdreg $0xFFFFFFFF  }
0xc1: {  	_ =	task.clear_ibuf [dreg:s6], $0x2FFFF;
	_ =	strace $0x9FFFFFFF  }
0xc2: {  	(tm) =	ssettm $0x7FFFFFFF  }
0xc3: {  	_ =	shalt  }
tec
execute0_lowered:
.L_overlay_start_1:
0x0: {  	(tag) =	ssettag $0x1  }
0x1: {  	s0 =	rddreg [dreg:$0x0]  }
0x2: {  	s1 =	rddreg [dreg:$0x1];
	s2 =	simm.s32 $0x0  }
0x3: {  	s6 =	srdreg.scid;
	s3 =	stileid.u32;
	s13 =	simm.s32 $0x5  }
0x4: {  	s14 =	simm.s32 $0x1;
	s15 =	simm.s32 $0x40;
	s16 =	simm.s32 $0x2980  }
0x5: {  	s17 =	simm.s32 $0x2A80;
	s18 =	simm.s32 $0x2A00;
	s21 =	simm.s32 $0x2  }
0x6: {  	s22 =	simm.s32 $0x2900;
	s23 =	simm.s32 $0x3;
	s24 =	simm.s32 $0x4  }
0x7: {  	[smem:$0x7FF] =	sst s2;
	s4 =	sadd.s32 $0x5200, s0;
	s5 =	sadd.s32 $0x9200, s0  }
0x8: {  	s7 =	sand.u32 $0x1, s6;
	s8 =	smul.u32 $0x62000, s3;
	s6 =	sadd.s32 $0x1200, s0  }
0x9: {  	s10 =	smul.u32 $0x310, s3;
	s0 =	sadd.s32 $0x11200, s0;
	s29 =	sshll.u32 s3, $0x6  }
0xa: {  	_ =	strace $0x8000004A;
	s9 =	ssub.s32 $0x2, s7;
	s19 =	smul.u32 $0x6200, s7  }
0xb: {  	s7 =	sor.u32 $0x1C05, s29;
	s28 =	sshrl.u32 s9, $0x1;
	s8 =	sshrl.u32 s8, $0x2  }
.Ltmp0:
0xc: {  	s11 =	ssub.s32 s9, s28;
	s12 =	sadd.s32 s8, s1;
	(pc) =	sbr.rel .LBB2_1-.Ltmp0, $4  }
0xd: {  	s30 =	sadd.s32 s10, s19;
	s20 =	sadd.s32 $0x3100, s19;
	s8 =	sshll.u32 s3, $0xD  }
0xe: {  	v0 =	vmov s19;
	s19 =	simm.s32 $0x4A80;
	s31 =	sshll.u32 s30, $0x4;
	s10 =	sadd.s32 s10, s20  }
0xf: {  	v2 =	vimm.s32 $0x3100;
	s11 =	smax.u32 s11, $0x1;
	s12 =	sshrl.u32 s12, $0x3;
	s10 =	sshll.u32 s10, $0x4  }
0x10: {  	v3 =	vlaneseq.u32;
	v4 =	vimm.s32 $0x0;
	v1 =	vmov s20;
	s20 =	simm.s32 $0x2880;
	s9 =	sadd.s32 s0, s31;
	s10 =	sadd.s32 s0, s10  }
.LBB2_23:
0x11: {  	[tilespmem:s19], [sflag:$0x2] =	stream.indirect.gather [hbm4b:s5+s15], $0x80, s18, s15, $0xb8;
	[tilespmem:$0x1F288] =	vst v63  }
0x12: {  	_ =	swait.ge [sflag:s14], $0x2000  }
0x13: {  	[sflag:s14] =	ssyncset.done $0x0  }
0x14: {  	[sflag:s14] =	ssyncadd.s32 $0xFFFFE000  }
0x15: {  	[spmem:s1] =	stream.indirect.scatter.add.f32 [tilespmem:s17], [sflag:$0x3], $0x80, s20, s15, $0xb8;
	[tilespmem:$0x1F288] =	vst v63  }
0x16: {  	_ =	swait.ge [sflag:s21], $0x2000  }
0x17: {  	[sflag:s21] =	ssyncset.done $0x0  }
0x18: {  	[sflag:s21] =	ssyncadd.s32 $0xFFFFE000  }
0x19: {  	[spmem:s1] =	stream.indirect.scatter.add.f32 [tilespmem:s19], [sflag:$0x4], $0x80, s22, s15, $0xb8;
	[tilespmem:$0x1F288] =	vst v63  }
.LBB2_24:
0x1a: {  	_ =	swait.ge [sflag:s23], $0x2000  }
0x1b: {  	[sflag:s23] =	ssyncset.done $0x0  }
0x1c: {  	[sflag:s23] =	ssyncadd.s32 $0xFFFFE000  }
0x1d: {  	_ =	swait.ge [sflag:s24], $0x2000  }
0x1e: {  	[sflag:s24] =	ssyncset.done $0x0  }
0x1f: {  	[sflag:s24] =	ssyncadd.s32 $0xFFFFE000  }
.LBB2_25:
0x20: {  	[bflag:$0x0] =	sbarrier.arrive $0xFFFF;
	s2 =	sadd.s32 $0x1, s2  }
0x21: {  	[hbm:s10], [sflag:s7] =	dma.local [spmem:s12], $0x3100  }
0x22: {  	p0 =	sne.s32 s2, s11  }
.Ltmp1:
0x23: {  	_ =	swait.ge [sflag:s13], $0x3100;
	(pc) =	sbr.rel @!p0 .LBB2_26-.Ltmp1, $3  }
0x24: {  	[sflag:s13] =	ssyncset.done $0x0  }
0x25: {  	[sflag:s13] =	ssyncadd.s32 $0xFFFFCF00  }
0x26: {  	[bflag:$0x0] =	sbarrier.arrive $0xFFFF;
	_ =	sdelay $0x1  }
.LBB2_1:
0x27: {  	[spmem:s12], [sflag:s7] =	dma.local [hbm:s6], $0x3100  }
0x28: {  	_ =	swait.ge [sflag:s13], $0x3100  }
0x29: {  	[sflag:s13] =	ssyncset.done $0x0  }
0x2a: {  	s0 =	simm.s32 $0x40;
	s25 =	simm.s32 $0x0;
	[sflag:s13] =	ssyncadd.s32 $0xFFFFCF00  }
.LBB2_2:
0x2b: {  	p0 =	sne.s32 s0, $0x81C0;
	[tilespmem:s25+$0x800] =	vst v2;
	s25 =	smov.u32 s0;
	s0 =	sadd.s32 $0x40, s0  }
.Ltmp2:
0x2c: {  	(pc) =	sbr.rel @p0 .LBB2_2-.Ltmp2, $2  }
0x2d: {  	_ =	sdelay $0x2  }
0x2e: {  	s25 =	sshra.s32 s25, $0x2  }
0x2f: {  	[tilespmem:s25+$0x800] =	vst v2;
	s25 =	simm.s32 $0x0;
	s26 =	smov.u32 s8  }
0x30: {  	s29 =	simm.s32 $0x0;
	s28 =	simm.s32 $0x0;
	[bflag:$0x0] =	sbarrier.arrive $0xFFFF  }
.LBB2_4:
0x31: {  	s0 =	sshll.u32 s28, $0xB  }
0x32: {  	s0 =	sadd.s32 s8, s0  }
0x33: {  	s0 =	sshrl.u32 s0, $0x3  }
0x34: {  	s0 =	sadd.s32 s4, s0  }
0x35: {  	[tilespmem:s25], [sflag:$0x5] =	stream.linear.gather [hbm4b:s0+s25], $0x800, $0x38;
	[tilespmem:$0x1F288] =	vst v63  }
0x36: {  	_ =	swait.ge [sflag:s13], $0x800  }
0x37: {  	[sflag:s13] =	ssyncset.done $0x0  }
0x38: {  	s0 =	simm.s32 $0x0;
	[sflag:s13] =	ssyncadd.s32 $0xFFFFF800  }
0x39: {  	v5 =	vld [tilespmem:s0+$0x0];
	_ =	sdelay $0x4  }
0x3a: {  	v5 =	vsub.s32 v5, v0  }
0x3b: {  	vm0 =	vlt.u32 v5, $0x3100  }
0x3c: {  	v6 =	vmpcnt.ones.xlane vm0;
	_ =	sdelay $0x1  }
0x3d: {  	v7 =	vor.u32 s26, v3;
	v6 =	vxor.u32 $0x80000000, v6  }
0x3e: {  	v7 =	vand.u32 $0x3F, v7;
	(xrf0) =	vmax.scan.msk.u32 $0xffff, v6;
	v6 =	vmov s26  }
0x3f: {  	vm2 =	vne.s32 v7, $0x0;
	vm1 =	veq.s32 v6, v3  }
0x40: {  	vm1 =	vmand vm1, vm2  }
0x41: {  	v6 =	vshrl.u32 v6, $0x6;
	v7 =	vsel vm1, $0xFFFFFFFF, v4  }
0x42: {  	v6 =	vadd.s32 v7, v6  }
0x43: {  	v6 =	vshll.u32 v6, $0xE  }
0x44: {  	s30 =	sadd.s32 $0x10, s26;
	v6 =	vor.u32 v6, v5;
	v7, _, _ =	vpop (xrf0)  }
0x45: {  	s31 =	simm.s32 $0x80;
	s0 =	simm.s32 $0x10;
	v5 =	vor.u32 s30, v3;
	[tilespmem:s29+$0x800] =	vst.msk vm0, v6;
	(v2sf) =	vpush v7, $0xF  }
.LBB2_5:
0x46: {  	p0 =	sne.s32 s31, $0x1FC0;
	v6 =	vld [tilespmem:s0+$0x0];
	v7 =	vmov s30;
	v5 =	vand.u32 $0x3F, v5  }
0x47: {  	vm0 =	veq.s32 v7, v3;
	vm1 =	vne.s32 v5, $0x0  }
0x48: {  	vm0 =	vmand vm0, vm1  }
0x49: {  	v5 =	vshrl.u32 v7, $0x6;
	v7 =	vsel vm0, $0xFFFFFFFF, v4  }
0x4a: {  	v5 =	vadd.s32 v7, v5  }
0x4b: {  	v6 =	vsub.s32 v6, v0;
	v5 =	vshll.u32 v5, $0xE  }
0x4c: {  	vm0 =	vlt.u32 v6, $0x3100;
	v6 =	vor.u32 v5, v6  }
0x4d: {  	v5 =	vmpcnt.ones.xlane vm0;
	_ =	sdelay $0x1  }
0x4e: {  	v5 =	vxor.u32 $0x80000000, v5  }
0x4f: {  	(xrf0) =	vmax.scan.msk.u32 $0xffff, v5;
	_ =	sdelay $0x2  }
.Ltmp3:
0x50: {  	(pc) =	sbr.rel @p0 .LBB2_5-.Ltmp3, $4  }
0x51: {  	s0 =	spop (v2sf)  }
0x52: {  	s0 =	sadd.s32 s0, s29  }
0x53: {  	s30 =	sadd.s32 $0x10, s30;
	v7, _, _ =	vpop (xrf0);
	s29 =	sadd.s32 $0x80000000, s0  }
0x54: {  	v5 =	vor.u32 s30, v3;
	s0 =	sshra.s32 s31, $0x2;
	s31 =	sadd.s32 $0x40, s31;
	[tilespmem:s29+$0x800] =	vst.msk vm0, v6;
	(v2sf) =	vpush v7, $0xF  }
0x55: {  	v6 =	vld [tilespmem:s0+$0x0];
	_ =	sdelay $0x4  }
0x56: {  	v6 =	vsub.s32 v6, v0  }
0x57: {  	vm0 =	vlt.u32 v6, $0x3100  }
0x58: {  	v7 =	vmpcnt.ones.xlane vm0;
	_ =	sdelay $0x1  }
0x59: {  	v7 =	vxor.u32 $0x80000000, v7  }
0x5a: {  	(xrf0) =	vmax.scan.msk.u32 $0xffff, v7;
	_ =	sdelay $0x5  }
0x5b: {  	v7, _, _ =	vpop (xrf0)  }
0x5c: {  	(v2sf) =	vpush v7, $0xF;
	_ =	sdelay $0x9  }
0x5d: {  	v5 =	vand.u32 $0x3F, v5;
	v7 =	vmov s30  }
0x5e: {  	s28 =	sadd.s32 $0x1, s28;
	vm2 =	vne.s32 v5, $0x0;
	vm1 =	veq.s32 v7, v3  }
0x5f: {  	p0 =	sne.s32 s28, $0x4;
	vm1 =	vmand vm1, vm2  }
.Ltmp4:
0x60: {  	s31 =	spop (v2sf);
	v5 =	vshrl.u32 v7, $0x6;
	v7 =	vsel vm1, $0xFFFFFFFF, v4;
	(pc) =	sbr.rel @p0 .LBB2_4-.Ltmp4, $4  }
0x61: {  	s0 =	sadd.s32 s31, s29;
	v5 =	vadd.s32 v7, v5  }
0x62: {  	s0 =	sadd.s32 $0x80000000, s0;
	v5 =	vshll.u32 v5, $0xE;
	s29 =	spop (v2sf)  }
0x63: {  	v5 =	vor.u32 v5, v6;
	s29 =	sadd.s32 s29, s0  }
0x64: {  	s26 =	sadd.s32 $0x800, s26;
	[tilespmem:s0+$0x800] =	vst.msk vm0, v5;
	s29 =	sadd.s32 $0x80000000, s29  }
0x65: {  	s0 =	sadd.s32 $0x3F, s29  }
0x66: {  	s25 =	sand.u32 $0x3F, s0  }
0x67: {  	s26 =	sshra.s32 s0, $0x1F;
	p0 =	slt.s32 s0, $0x1;
	p1 =	sne.s32 s25, $0x0  }
0x68: {  	s29 =	sshrl.u32 s26, $0x1A;
	p0 =	por !p0, !p1  }
0x69: {  	s25 =	simm.s32 $0x1;
	s0 =	sadd.s32 s29, s0;
	p0 =	por !p0, !p0  }
0x6a: {  	s0 =	sshra.s32 s0, $0x6;
	s25 =	simm.s32 @!p0 $0x0  }
0x6b: {  	s0 =	ssub.s32 s0, s25  }
0x6c: {  	s25 =	sadd.s32 $0x1, s0  }
0x6d: {  	s30 =	sand.u32 $0x1, s25  }
0x6e: {  	p5 =	slt.s32 s0, $0x0;
	p6 =	seq.s32 s30, $0x1  }
0x6f: {  	s31 =	sshrl.u32 s25, $0x1F;
	p0 =	por !p5, !p6  }
0x70: {  	s26 =	simm.s32 $0x1;
	s0 =	sadd.s32 s31, s25;
	p0 =	por !p0, !p0  }
0x71: {  	s25 =	sshra.s32 s0, $0x1;
	s26 =	simm.s32 @!p0 $0x0  }
0x72: {  	s26 =	ssub.s32 s25, s26  }
0x73: {  	p1 =	slt.s32 s26, $0x1  }
.Ltmp5:
0x74: {  	_ = 	snop;
	(pc) =	sbr.rel @p1 .LBB2_13-.Ltmp5, $1  }
0x75: {  	_ =	sdelay $0x3  }
0x76: {  	v5 =	vld [tilespmem:$0x800];
	_ =	sdelay $0x1  }
0x77: {  	v6 =	vld [tilespmem:$0x810];
	_ =	sdelay $0x1  }
0x78: {  	v7 =	vld [tilespmem:$0x820]  }
0x79: {  	v8 =	vand.u32 $0x3FFF, v5  }
0x7a: {  	v61 =	vld [tilespmem:$0x830];
	v5 =	vshrl.u32 v5, $0xE;
	[tilespmem:$0x2880] =	vst v8  }
0x7b: {  	[tilespmem:$0x2980] =	vst v5;
	v5 =	vand.u32 $0x3FFF, v6  }
0x7c: {  	[tilespmem:$0x2890] =	vst v5;
	v5 =	vshrl.u32 v6, $0xE  }
0x7d: {  	[tilespmem:$0x2990] =	vst v5;
	v5 =	vand.u32 $0x3FFF, v7  }
0x7e: {  	[tilespmem:$0x28A0] =	vst v5;
	v5 =	vshrl.u32 v7, $0xE  }
0x7f: {  	[tilespmem:$0x29A0] =	vst v5;
	v5 =	vand.u32 $0x3FFF, v61  }
0x80: {  	[tilespmem:$0x28B0] =	vst v5;
	v5 =	vshrl.u32 v61, $0xE  }
0x81: {  	[tilespmem:$0x29B0] =	vst v5  }
0x82: {  	[tilespmem:s17], [sflag:$0x1] =	stream.indirect.gather [hbm4b:s5+s15], $0x80, s16, s15, $0xb8;
	[tilespmem:$0x1F288] =	vst v63  }
0x83: {  	v5 =	vld [tilespmem:$0x840];
	_ =	sdelay $0x1  }
0x84: {  	v6 =	vld [tilespmem:$0x850];
	_ =	sdelay $0x1  }
0x85: {  	v7 =	vld [tilespmem:$0x860]  }
0x86: {  	v62 =	vand.u32 $0x3FFF, v5  }
0x87: {  	v63 =	vld [tilespmem:$0x870];
	v5 =	vshrl.u32 v5, $0xE;
	[tilespmem:$0x2900] =	vst v62  }
0x88: {  	[tilespmem:$0x2A00] =	vst v5;
	v5 =	vand.u32 $0x3FFF, v6  }
0x89: {  	[tilespmem:$0x2910] =	vst v5;
	v5 =	vshrl.u32 v6, $0xE  }
0x8a: {  	[tilespmem:$0x2A10] =	vst v5;
	v5 =	vand.u32 $0x3FFF, v7  }
0x8b: {  	[tilespmem:$0x2920] =	vst v5;
	v5 =	vshrl.u32 v7, $0xE  }
0x8c: {  	[tilespmem:$0x2A20] =	vst v5;
	v5 =	vand.u32 $0x3FFF, v63  }
0x8d: {  	[tilespmem:$0x2930] =	vst v5;
	v5 =	vshrl.u32 v63, $0xE  }
0x8e: {  	[tilespmem:$0x2A30] =	vst v5  }
0x8f: {  	[tilespmem:s19], [sflag:$0x2] =	stream.indirect.gather [hbm4b:s5+s15], $0x80, s18, s15, $0xb8;
	[tilespmem:$0x1F288] =	vst v63  }
0x90: {  	_ =	swait.ge [sflag:s14], $0x2000  }
0x91: {  	[sflag:s14] =	ssyncset.done $0x0  }
0x92: {  	p1 =	seq.s32 s26, $0x1;
	[sflag:s14] =	ssyncadd.s32 $0xFFFFE000  }
0x93: {  	[spmem:s1] =	stream.indirect.scatter.add.f32 [tilespmem:s17], [sflag:$0x3], $0x80, s20, s15, $0xb8;
	[tilespmem:$0x1F288] =	vst v63  }
.Ltmp6:
0x94: {  	_ = 	snop;
	(pc) =	sbr.rel @p1 .LBB2_12-.Ltmp6, $4  }
0x95: {  	_ =	swait.ge [sflag:s21], $0x2000  }
0x96: {  	[sflag:s21] =	ssyncset.done $0x0  }
0x97: {  	[sflag:s21] =	ssyncadd.s32 $0xFFFFE000  }
0x98: {  	[spmem:s1] =	stream.indirect.scatter.add.f32 [tilespmem:s19], [sflag:$0x4], $0x80, s22, s15, $0xb8;
	[tilespmem:$0x1F288] =	vst v63  }
0x99: {  	_ =	swait.ge [sflag:s23], $0x2000  }
0x9a: {  	[sflag:s23] =	ssyncset.done $0x0  }
0x9b: {  	s0 =	simm.s32 $0x8F0;
	[sflag:s23] =	ssyncadd.s32 $0xFFFFE000  }
0x9c: {  	v5 =	vld [tilespmem:s0+$0xFFFFFF90];
	_ =	sdelay $0x4  }
0x9d: {  	v6 =	vand.u32 $0x3FFF, v5  }
0x9e: {  	v5 =	vshrl.u32 v5, $0xE;
	[tilespmem:$0x2880] =	vst v6  }
0x9f: {  	[tilespmem:$0x2980] =	vst v5  }
0xa0: {  	v5 =	vld [tilespmem:s0+$0xFFFFFFA0];
	_ =	sdelay $0x4  }
0xa1: {  	v6 =	vand.u32 $0x3FFF, v5  }
0xa2: {  	v5 =	vshrl.u32 v5, $0xE;
	[tilespmem:$0x2890] =	vst v6  }
0xa3: {  	[tilespmem:$0x2990] =	vst v5  }
0xa4: {  	v5 =	vld [tilespmem:s0+$0xFFFFFFB0];
	_ =	sdelay $0x4  }
0xa5: {  	v6 =	vand.u32 $0x3FFF, v5  }
0xa6: {  	v5 =	vshrl.u32 v5, $0xE;
	[tilespmem:$0x28A0] =	vst v6  }
0xa7: {  	[tilespmem:$0x29A0] =	vst v5  }
0xa8: {  	v5 =	vld [tilespmem:s0+$0xFFFFFFC0];
	_ =	sdelay $0x4  }
0xa9: {  	v6 =	vand.u32 $0x3FFF, v5  }
0xaa: {  	v5 =	vshrl.u32 v5, $0xE;
	[tilespmem:$0x28B0] =	vst v6  }
0xab: {  	[tilespmem:$0x29B0] =	vst v5  }
0xac: {  	[tilespmem:s17], [sflag:$0x1] =	stream.indirect.gather [hbm4b:s5+s15], $0x80, s16, s15, $0xb8;
	[tilespmem:$0x1F288] =	vst v63  }
0xad: {  	_ =	swait.ge [sflag:s24], $0x2000  }
0xae: {  	[sflag:s24] =	ssyncset.done $0x0  }
0xaf: {  	[sflag:s24] =	ssyncadd.s32 $0xFFFFE000  }
0xb0: {  	v5 =	vld [tilespmem:s0+$0xFFFFFFD0];
	_ =	sdelay $0x4  }
0xb1: {  	v6 =	vand.u32 $0x3FFF, v5  }
0xb2: {  	v5 =	vshrl.u32 v5, $0xE;
	[tilespmem:$0x2900] =	vst v6  }
0xb3: {  	[tilespmem:$0x2A00] =	vst v5  }
0xb4: {  	v5 =	vld [tilespmem:s0+$0xFFFFFFE0];
	_ =	sdelay $0x4  }
0xb5: {  	v6 =	vand.u32 $0x3FFF, v5  }
0xb6: {  	v5 =	vshrl.u32 v5, $0xE;
	[tilespmem:$0x2910] =	vst v6  }
0xb7: {  	[tilespmem:$0x2A10] =	vst v5  }
0xb8: {  	v5 =	vld [tilespmem:s0+$0xFFFFFFF0];
	_ =	sdelay $0x4  }
0xb9: {  	v6 =	vand.u32 $0x3FFF, v5  }
0xba: {  	v5 =	vshrl.u32 v5, $0xE;
	[tilespmem:$0x2920] =	vst v6  }
0xbb: {  	[tilespmem:$0x2A20] =	vst v5  }
0xbc: {  	v5 =	vld [tilespmem:s0+$0x0];
	s0 =	simm.s32 $0xFFFFFFFF  }
0xbd: {  	s0 =	simm.s32 @!p0 $0x0  }
0xbe: {  	s0 =	sadd.s32 s0, s25  }
0xbf: {  	s0 =	sadd.s32 $0xFFFFFFFF, s0  }
0xc0: {  	p0 =	sne.s32 s0, $0x1  }
.Ltmp7:
0xc1: {  	_ = 	snop;
	(pc) =	sbr.rel @!p0 .LBB2_11-.Ltmp7, $4  }
0xc2: {  	_ = 	snop  }
0xc3: {  	v6 =	vand.u32 $0x3FFF, v5  }
0xc4: {  	v5 =	vshrl.u32 v5, $0xE;
	[tilespmem:$0x2930] =	vst v6  }
0xc5: {  	s26 =	simm.s32 $0x970;
	s25 =	sadd.s32 $0xFFFFFFFF, s0;
	[tilespmem:$0x2A30] =	vst v5  }
.LBB2_10:
0xc6: {  	[tilespmem:s19], [sflag:$0x2] =	stream.indirect.gather [hbm4b:s5+s15], $0x80, s18, s15, $0xb8;
	[tilespmem:$0x1F288] =	vst v63  }
0xc7: {  	p0 =	sne.s32 s25, $0x1;
	s25 =	sadd.s32 $0xFFFFFFFF, s25;
	_ =	swait.ge [sflag:s14], $0x2000  }
0xc8: {  	[sflag:s14] =	ssyncset.done $0x0  }
0xc9: {  	[sflag:s14] =	ssyncadd.s32 $0xFFFFE000  }
0xca: {  	[spmem:s1] =	stream.indirect.scatter.add.f32 [tilespmem:s17], [sflag:$0x3], $0x80, s20, s15, $0xb8;
	[tilespmem:$0x1F288] =	vst v63  }
0xcb: {  	_ =	swait.ge [sflag:s21], $0x2000  }
0xcc: {  	[sflag:s21] =	ssyncset.done $0x0  }
0xcd: {  	[sflag:s21] =	ssyncadd.s32 $0xFFFFE000  }
0xce: {  	[spmem:s1] =	stream.indirect.scatter.add.f32 [tilespmem:s19], [sflag:$0x4], $0x80, s22, s15, $0xb8;
	[tilespmem:$0x1F288] =	vst v63  }
0xcf: {  	_ =	swait.ge [sflag:s23], $0x2000  }
0xd0: {  	[sflag:s23] =	ssyncset.done $0x0  }
0xd1: {  	[sflag:s23] =	ssyncadd.s32 $0xFFFFE000  }
0xd2: {  	v5 =	vld [tilespmem:s26+$0xFFFFFF90];
	_ =	sdelay $0x4  }
0xd3: {  	v6 =	vand.u32 $0x3FFF, v5;
	v5 =	vshrl.u32 v5, $0xE  }
0xd4: {  	[tilespmem:$0x2880] =	vst v6  }
0xd5: {  	[tilespmem:$0x2980] =	vst v5  }
0xd6: {  	v5 =	vld [tilespmem:s26+$0xFFFFFFA0];
	_ =	sdelay $0x4  }
0xd7: {  	v6 =	vand.u32 $0x3FFF, v5;
	v5 =	vshrl.u32 v5, $0xE  }
0xd8: {  	[tilespmem:$0x2890] =	vst v6  }
0xd9: {  	[tilespmem:$0x2990] =	vst v5  }
0xda: {  	v5 =	vld [tilespmem:s26+$0xFFFFFFB0];
	_ =	sdelay $0x4  }
0xdb: {  	v6 =	vand.u32 $0x3FFF, v5;
	v5 =	vshrl.u32 v5, $0xE  }
0xdc: {  	[tilespmem:$0x28A0] =	vst v6  }
0xdd: {  	[tilespmem:$0x29A0] =	vst v5  }
0xde: {  	v5 =	vld [tilespmem:s26+$0xFFFFFFC0];
	_ =	sdelay $0x4  }
0xdf: {  	v6 =	vand.u32 $0x3FFF, v5;
	v5 =	vshrl.u32 v5, $0xE  }
0xe0: {  	[tilespmem:$0x28B0] =	vst v6  }
0xe1: {  	[tilespmem:$0x29B0] =	vst v5  }
0xe2: {  	[tilespmem:s17], [sflag:$0x1] =	stream.indirect.gather [hbm4b:s5+s15], $0x80, s16, s15, $0xb8;
	[tilespmem:$0x1F288] =	vst v63  }
0xe3: {  	_ =	swait.ge [sflag:s24], $0x2000  }
0xe4: {  	[sflag:s24] =	ssyncset.done $0x0  }
0xe5: {  	[sflag:s24] =	ssyncadd.s32 $0xFFFFE000  }
0xe6: {  	v5 =	vld [tilespmem:s26+$0xFFFFFFD0];
	_ =	sdelay $0x4  }
0xe7: {  	v6 =	vand.u32 $0x3FFF, v5;
	v5 =	vshrl.u32 v5, $0xE  }
0xe8: {  	[tilespmem:$0x2900] =	vst v6  }
0xe9: {  	[tilespmem:$0x2A00] =	vst v5  }
0xea: {  	v5 =	vld [tilespmem:s26+$0xFFFFFFE0];
	_ =	sdelay $0x4  }
0xeb: {  	v6 =	vand.u32 $0x3FFF, v5;
	v5 =	vshrl.u32 v5, $0xE  }
0xec: {  	[tilespmem:$0x2910] =	vst v6  }
0xed: {  	[tilespmem:$0x2A10] =	vst v5  }
0xee: {  	v5 =	vld [tilespmem:s26+$0xFFFFFFF0];
	_ =	sdelay $0x4  }
0xef: {  	v6 =	vand.u32 $0x3FFF, v5;
	v5 =	vshrl.u32 v5, $0xE  }
0xf0: {  	[tilespmem:$0x2920] =	vst v6  }
0xf1: {  	[tilespmem:$0x2A20] =	vst v5  }
0xf2: {  	v5 =	vld [tilespmem:s26+$0x0];
	_ =	sdelay $0x2  }
.Ltmp8:
0xf3: {  	(pc) =	sbr.rel @p0 .LBB2_10-.Ltmp8, $4  }
0xf4: {  	_ = 	snop  }
0xf5: {  	v6 =	vand.u32 $0x3FFF, v5;
	v5 =	vshrl.u32 v5, $0xE  }
0xf6: {  	[tilespmem:$0x2930] =	vst v6  }
0xf7: {  	s26 =	sadd.s32 $0x80, s26;
	[tilespmem:$0x2A30] =	vst v5  }
.LBB2_11:
0xf8: {  	[tilespmem:s19], [sflag:$0x2] =	stream.indirect.gather [hbm4b:s5+s15], $0x80, s18, s15, $0xb8;
	[tilespmem:$0x1F288] =	vst v63  }
0xf9: {  	_ =	swait.ge [sflag:s14], $0x2000  }
0xfa: {  	[sflag:s14] =	ssyncset.done $0x0  }
0xfb: {  	[sflag:s14] =	ssyncadd.s32 $0xFFFFE000  }
0xfc: {  	[spmem:s1] =	stream.indirect.scatter.add.f32 [tilespmem:s17], [sflag:$0x3], $0x80, s20, s15, $0xb8;
	[tilespmem:$0x1F288] =	vst v63  }
0xfd: {  	_ =	swait.ge [sflag:s21], $0x2000  }
0xfe: {  	[sflag:s21] =	ssyncset.done $0x0  }
0xff: {  	[sflag:s21] =	ssyncadd.s32 $0xFFFFE000  }
0x100: {  	[spmem:s1] =	stream.indirect.scatter.add.f32 [tilespmem:s19], [sflag:$0x4], $0x80, s22, s15, $0xb8;
	[tilespmem:$0x1F288] =	vst v63  }
.LBB2_12:
0x101: {  	_ =	swait.ge [sflag:s23], $0x2000  }
0x102: {  	[sflag:s23] =	ssyncset.done $0x0  }
0x103: {  	[sflag:s23] =	ssyncadd.s32 $0xFFFFE000  }
0x104: {  	_ =	swait.ge [sflag:s24], $0x2000  }
0x105: {  	[sflag:s24] =	ssyncset.done $0x0  }
0x106: {  	[sflag:s24] =	ssyncadd.s32 $0xFFFFE000  }
.LBB2_13:
0x107: {  	[bflag:$0x0] =	sbarrier.arrive $0xFFFF  }
0x108: {  	[hbm:s9], [sflag:s7] =	dma.local [spmem:s12], $0x3100  }
0x109: {  	_ =	swait.ge [sflag:s13], $0x3100  }
0x10a: {  	[sflag:s13] =	ssyncset.done $0x0  }
0x10b: {  	[sflag:s13] =	ssyncadd.s32 $0xFFFFCF00  }
0x10c: {  	[bflag:$0x0] =	sbarrier.arrive $0xFFFF  }
0x10d: {  	[spmem:s12], [sflag:s7] =	dma.local [hbm:s6], $0x3100  }
0x10e: {  	_ =	swait.ge [sflag:s13], $0x3100  }
0x10f: {  	[sflag:s13] =	ssyncset.done $0x0  }
0x110: {  	s0 =	simm.s32 $0x40;
	s25 =	simm.s32 $0x0;
	[sflag:s13] =	ssyncadd.s32 $0xFFFFCF00  }
.LBB2_14:
0x111: {  	p0 =	sne.s32 s0, $0x81C0;
	[tilespmem:s25+$0x800] =	vst v2;
	s25 =	smov.u32 s0;
	s0 =	sadd.s32 $0x40, s0  }
.Ltmp9:
0x112: {  	(pc) =	sbr.rel @p0 .LBB2_14-.Ltmp9, $2  }
0x113: {  	_ =	sdelay $0x2  }
0x114: {  	s25 =	sshra.s32 s25, $0x2  }
0x115: {  	[tilespmem:s25+$0x800] =	vst v2;
	s25 =	simm.s32 $0x0;
	s26 =	smov.u32 s8  }
0x116: {  	s29 =	simm.s32 $0x0;
	s28 =	simm.s32 $0x0;
	[bflag:$0x0] =	sbarrier.arrive $0xFFFF  }
.LBB2_16:
0x117: {  	s0 =	sshll.u32 s28, $0xB  }
0x118: {  	s0 =	sadd.s32 s8, s0  }
0x119: {  	s0 =	sshrl.u32 s0, $0x3  }
0x11a: {  	s0 =	sadd.s32 s4, s0  }
0x11b: {  	[tilespmem:s25], [sflag:$0x5] =	stream.linear.gather [hbm4b:s0+s25], $0x800, $0x38;
	[tilespmem:$0x1F288] =	vst v63  }
0x11c: {  	_ =	swait.ge [sflag:s13], $0x800  }
0x11d: {  	[sflag:s13] =	ssyncset.done $0x0  }
0x11e: {  	s0 =	simm.s32 $0x0;
	[sflag:s13] =	ssyncadd.s32 $0xFFFFF800  }
0x11f: {  	v5 =	vld [tilespmem:s0+$0x0];
	_ =	sdelay $0x4  }
0x120: {  	v5 =	vsub.s32 v5, v1  }
0x121: {  	vm0 =	vlt.u32 v5, $0x3100  }
0x122: {  	v6 =	vmpcnt.ones.xlane vm0;
	_ =	sdelay $0x1  }
0x123: {  	v7 =	vor.u32 s26, v3;
	v6 =	vxor.u32 $0x80000000, v6  }
0x124: {  	v7 =	vand.u32 $0x3F, v7;
	(xrf0) =	vmax.scan.msk.u32 $0xffff, v6;
	v6 =	vmov s26  }
0x125: {  	vm2 =	vne.s32 v7, $0x0;
	vm1 =	veq.s32 v6, v3  }
0x126: {  	vm1 =	vmand vm1, vm2  }
0x127: {  	v6 =	vshrl.u32 v6, $0x6;
	v7 =	vsel vm1, $0xFFFFFFFF, v4  }
0x128: {  	v6 =	vadd.s32 v7, v6  }
0x129: {  	v6 =	vshll.u32 v6, $0xE  }
0x12a: {  	s30 =	sadd.s32 $0x10, s26;
	v6 =	vor.u32 v6, v5;
	v7, _, _ =	vpop (xrf0)  }
0x12b: {  	s31 =	simm.s32 $0x80;
	s0 =	simm.s32 $0x10;
	v5 =	vor.u32 s30, v3;
	[tilespmem:s29+$0x800] =	vst.msk vm0, v6;
	(v2sf) =	vpush v7, $0xF  }
.LBB2_17:
0x12c: {  	p0 =	sne.s32 s31, $0x1FC0;
	v6 =	vld [tilespmem:s0+$0x0];
	v7 =	vmov s30;
	v5 =	vand.u32 $0x3F, v5  }
0x12d: {  	vm0 =	veq.s32 v7, v3;
	vm1 =	vne.s32 v5, $0x0  }
0x12e: {  	vm0 =	vmand vm0, vm1  }
0x12f: {  	v5 =	vshrl.u32 v7, $0x6;
	v7 =	vsel vm0, $0xFFFFFFFF, v4  }
0x130: {  	v5 =	vadd.s32 v7, v5  }
0x131: {  	v6 =	vsub.s32 v6, v1;
	v5 =	vshll.u32 v5, $0xE  }
0x132: {  	vm0 =	vlt.u32 v6, $0x3100;
	v6 =	vor.u32 v5, v6  }
0x133: {  	v5 =	vmpcnt.ones.xlane vm0;
	_ =	sdelay $0x1  }
0x134: {  	v5 =	vxor.u32 $0x80000000, v5  }
0x135: {  	(xrf0) =	vmax.scan.msk.u32 $0xffff, v5;
	_ =	sdelay $0x2  }
.Ltmp10:
0x136: {  	(pc) =	sbr.rel @p0 .LBB2_17-.Ltmp10, $4  }
0x137: {  	s0 =	spop (v2sf)  }
0x138: {  	s0 =	sadd.s32 s0, s29  }
0x139: {  	s30 =	sadd.s32 $0x10, s30;
	v7, _, _ =	vpop (xrf0);
	s29 =	sadd.s32 $0x80000000, s0  }
0x13a: {  	v5 =	vor.u32 s30, v3;
	s0 =	sshra.s32 s31, $0x2;
	s31 =	sadd.s32 $0x40, s31;
	[tilespmem:s29+$0x800] =	vst.msk vm0, v6;
	(v2sf) =	vpush v7, $0xF  }
0x13b: {  	v6 =	vld [tilespmem:s0+$0x0];
	_ =	sdelay $0x4  }
0x13c: {  	v6 =	vsub.s32 v6, v1  }
0x13d: {  	vm0 =	vlt.u32 v6, $0x3100  }
0x13e: {  	v7 =	vmpcnt.ones.xlane vm0;
	_ =	sdelay $0x1  }
0x13f: {  	v7 =	vxor.u32 $0x80000000, v7  }
0x140: {  	(xrf0) =	vmax.scan.msk.u32 $0xffff, v7;
	_ =	sdelay $0x5  }
0x141: {  	v7, _, _ =	vpop (xrf0)  }
0x142: {  	(v2sf) =	vpush v7, $0xF;
	_ =	sdelay $0x9  }
0x143: {  	v5 =	vand.u32 $0x3F, v5;
	v7 =	vmov s30  }
0x144: {  	s28 =	sadd.s32 $0x1, s28;
	vm2 =	vne.s32 v5, $0x0;
	vm1 =	veq.s32 v7, v3  }
0x145: {  	p0 =	sne.s32 s28, $0x4;
	vm1 =	vmand vm1, vm2  }
.Ltmp11:
0x146: {  	s31 =	spop (v2sf);
	v5 =	vshrl.u32 v7, $0x6;
	v7 =	vsel vm1, $0xFFFFFFFF, v4;
	(pc) =	sbr.rel @p0 .LBB2_16-.Ltmp11, $4  }
0x147: {  	s0 =	sadd.s32 s31, s29;
	v5 =	vadd.s32 v7, v5  }
0x148: {  	s0 =	sadd.s32 $0x80000000, s0;
	v5 =	vshll.u32 v5, $0xE;
	s29 =	spop (v2sf)  }
0x149: {  	v5 =	vor.u32 v5, v6;
	s29 =	sadd.s32 s29, s0  }
0x14a: {  	s26 =	sadd.s32 $0x800, s26;
	[tilespmem:s0+$0x800] =	vst.msk vm0, v5;
	s29 =	sadd.s32 $0x80000000, s29  }
0x14b: {  	s0 =	sadd.s32 $0x3F, s29  }
0x14c: {  	s25 =	sand.u32 $0x3F, s0  }
0x14d: {  	s26 =	sshra.s32 s0, $0x1F;
	p0 =	slt.s32 s0, $0x1;
	p1 =	sne.s32 s25, $0x0  }
0x14e: {  	s29 =	sshrl.u32 s26, $0x1A;
	p0 =	por !p0, !p1  }
0x14f: {  	s25 =	simm.s32 $0x1;
	s0 =	sadd.s32 s29, s0;
	p0 =	por !p0, !p0  }
0x150: {  	s0 =	sshra.s32 s0, $0x6;
	s25 =	simm.s32 @!p0 $0x0  }
0x151: {  	s0 =	ssub.s32 s0, s25  }
0x152: {  	s25 =	sadd.s32 $0x1, s0  }
0x153: {  	s30 =	sand.u32 $0x1, s25  }
0x154: {  	p5 =	slt.s32 s0, $0x0;
	p6 =	seq.s32 s30, $0x1  }
0x155: {  	s31 =	sshrl.u32 s25, $0x1F;
	p0 =	por !p5, !p6  }
0x156: {  	s26 =	simm.s32 $0x1;
	s0 =	sadd.s32 s31, s25;
	p0 =	por !p0, !p0  }
0x157: {  	s25 =	sshra.s32 s0, $0x1;
	s26 =	simm.s32 @!p0 $0x0  }
0x158: {  	s26 =	ssub.s32 s25, s26  }
0x159: {  	p1 =	slt.s32 s26, $0x1  }
.Ltmp12:
0x15a: {  	_ = 	snop;
	(pc) =	sbr.rel @p1 .LBB2_25-.Ltmp12, $1  }
0x15b: {  	_ =	sdelay $0x3  }
0x15c: {  	v5 =	vld [tilespmem:$0x800];
	_ =	sdelay $0x1  }
0x15d: {  	v6 =	vld [tilespmem:$0x810];
	_ =	sdelay $0x1  }
0x15e: {  	v7 =	vld [tilespmem:$0x820]  }
0x15f: {  	v8 =	vand.u32 $0x3FFF, v5  }
0x160: {  	v61 =	vld [tilespmem:$0x830];
	v5 =	vshrl.u32 v5, $0xE;
	[tilespmem:$0x2880] =	vst v8  }
0x161: {  	[tilespmem:$0x2980] =	vst v5;
	v5 =	vand.u32 $0x3FFF, v6  }
0x162: {  	[tilespmem:$0x2890] =	vst v5;
	v5 =	vshrl.u32 v6, $0xE  }
0x163: {  	[tilespmem:$0x2990] =	vst v5;
	v5 =	vand.u32 $0x3FFF, v7  }
0x164: {  	[tilespmem:$0x28A0] =	vst v5;
	v5 =	vshrl.u32 v7, $0xE  }
0x165: {  	[tilespmem:$0x29A0] =	vst v5;
	v5 =	vand.u32 $0x3FFF, v61  }
0x166: {  	[tilespmem:$0x28B0] =	vst v5;
	v5 =	vshrl.u32 v61, $0xE  }
0x167: {  	[tilespmem:$0x29B0] =	vst v5  }
0x168: {  	[tilespmem:s17], [sflag:$0x1] =	stream.indirect.gather [hbm4b:s5+s15], $0x80, s16, s15, $0xb8;
	[tilespmem:$0x1F288] =	vst v63  }
0x169: {  	v5 =	vld [tilespmem:$0x840];
	_ =	sdelay $0x1  }
0x16a: {  	v6 =	vld [tilespmem:$0x850];
	_ =	sdelay $0x1  }
0x16b: {  	v7 =	vld [tilespmem:$0x860]  }
0x16c: {  	v62 =	vand.u32 $0x3FFF, v5  }
0x16d: {  	v63 =	vld [tilespmem:$0x870];
	v5 =	vshrl.u32 v5, $0xE;
	[tilespmem:$0x2900] =	vst v62  }
0x16e: {  	[tilespmem:$0x2A00] =	vst v5;
	v5 =	vand.u32 $0x3FFF, v6  }
0x16f: {  	[tilespmem:$0x2910] =	vst v5;
	v5 =	vshrl.u32 v6, $0xE  }
0x170: {  	[tilespmem:$0x2A10] =	vst v5;
	v5 =	vand.u32 $0x3FFF, v7  }
0x171: {  	[tilespmem:$0x2920] =	vst v5;
	v5 =	vshrl.u32 v7, $0xE  }
0x172: {  	[tilespmem:$0x2A20] =	vst v5;
	v5 =	vand.u32 $0x3FFF, v63  }
0x173: {  	[tilespmem:$0x2930] =	vst v5;
	v5 =	vshrl.u32 v63, $0xE  }
0x174: {  	[tilespmem:$0x2A30] =	vst v5  }
0x175: {  	[tilespmem:s19], [sflag:$0x2] =	stream.indirect.gather [hbm4b:s5+s15], $0x80, s18, s15, $0xb8;
	[tilespmem:$0x1F288] =	vst v63  }
0x176: {  	_ =	swait.ge [sflag:s14], $0x2000  }
0x177: {  	[sflag:s14] =	ssyncset.done $0x0  }
0x178: {  	p1 =	seq.s32 s26, $0x1;
	[sflag:s14] =	ssyncadd.s32 $0xFFFFE000  }
0x179: {  	[spmem:s1] =	stream.indirect.scatter.add.f32 [tilespmem:s17], [sflag:$0x3], $0x80, s20, s15, $0xb8;
	[tilespmem:$0x1F288] =	vst v63  }
.Ltmp13:
0x17a: {  	_ = 	snop;
	(pc) =	sbr.rel @p1 .LBB2_24-.Ltmp13, $4  }
0x17b: {  	_ =	swait.ge [sflag:s21], $0x2000  }
0x17c: {  	[sflag:s21] =	ssyncset.done $0x0  }
0x17d: {  	[sflag:s21] =	ssyncadd.s32 $0xFFFFE000  }
0x17e: {  	[spmem:s1] =	stream.indirect.scatter.add.f32 [tilespmem:s19], [sflag:$0x4], $0x80, s22, s15, $0xb8;
	[tilespmem:$0x1F288] =	vst v63  }
0x17f: {  	_ =	swait.ge [sflag:s23], $0x2000  }
0x180: {  	[sflag:s23] =	ssyncset.done $0x0  }
0x181: {  	s0 =	simm.s32 $0x8F0;
	[sflag:s23] =	ssyncadd.s32 $0xFFFFE000  }
0x182: {  	v5 =	vld [tilespmem:s0+$0xFFFFFF90];
	_ =	sdelay $0x4  }
0x183: {  	v6 =	vand.u32 $0x3FFF, v5  }
0x184: {  	v5 =	vshrl.u32 v5, $0xE;
	[tilespmem:$0x2880] =	vst v6  }
0x185: {  	[tilespmem:$0x2980] =	vst v5  }
0x186: {  	v5 =	vld [tilespmem:s0+$0xFFFFFFA0];
	_ =	sdelay $0x4  }
0x187: {  	v6 =	vand.u32 $0x3FFF, v5  }
0x188: {  	v5 =	vshrl.u32 v5, $0xE;
	[tilespmem:$0x2890] =	vst v6  }
0x189: {  	[tilespmem:$0x2990] =	vst v5  }
0x18a: {  	v5 =	vld [tilespmem:s0+$0xFFFFFFB0];
	_ =	sdelay $0x4  }
0x18b: {  	v6 =	vand.u32 $0x3FFF, v5  }
0x18c: {  	v5 =	vshrl.u32 v5, $0xE;
	[tilespmem:$0x28A0] =	vst v6  }
0x18d: {  	[tilespmem:$0x29A0] =	vst v5  }
0x18e: {  	v5 =	vld [tilespmem:s0+$0xFFFFFFC0];
	_ =	sdelay $0x4  }
0x18f: {  	v6 =	vand.u32 $0x3FFF, v5  }
0x190: {  	v5 =	vshrl.u32 v5, $0xE;
	[tilespmem:$0x28B0] =	vst v6  }
0x191: {  	[tilespmem:$0x29B0] =	vst v5  }
0x192: {  	[tilespmem:s17], [sflag:$0x1] =	stream.indirect.gather [hbm4b:s5+s15], $0x80, s16, s15, $0xb8;
	[tilespmem:$0x1F288] =	vst v63  }
0x193: {  	_ =	swait.ge [sflag:s24], $0x2000  }
0x194: {  	[sflag:s24] =	ssyncset.done $0x0  }
0x195: {  	[sflag:s24] =	ssyncadd.s32 $0xFFFFE000  }
0x196: {  	v5 =	vld [tilespmem:s0+$0xFFFFFFD0];
	_ =	sdelay $0x4  }
0x197: {  	v6 =	vand.u32 $0x3FFF, v5  }
0x198: {  	v5 =	vshrl.u32 v5, $0xE;
	[tilespmem:$0x2900] =	vst v6  }
0x199: {  	[tilespmem:$0x2A00] =	vst v5  }
0x19a: {  	v5 =	vld [tilespmem:s0+$0xFFFFFFE0];
	_ =	sdelay $0x4  }
0x19b: {  	v6 =	vand.u32 $0x3FFF, v5  }
0x19c: {  	v5 =	vshrl.u32 v5, $0xE;
	[tilespmem:$0x2910] =	vst v6  }
0x19d: {  	[tilespmem:$0x2A10] =	vst v5  }
0x19e: {  	v5 =	vld [tilespmem:s0+$0xFFFFFFF0];
	_ =	sdelay $0x4  }
0x19f: {  	v6 =	vand.u32 $0x3FFF, v5  }
0x1a0: {  	v5 =	vshrl.u32 v5, $0xE;
	[tilespmem:$0x2920] =	vst v6  }
0x1a1: {  	[tilespmem:$0x2A20] =	vst v5  }
0x1a2: {  	v5 =	vld [tilespmem:s0+$0x0];
	s0 =	simm.s32 $0xFFFFFFFF  }
0x1a3: {  	s0 =	simm.s32 @!p0 $0x0  }
0x1a4: {  	s0 =	sadd.s32 s0, s25  }
0x1a5: {  	s0 =	sadd.s32 $0xFFFFFFFF, s0  }
0x1a6: {  	p0 =	sne.s32 s0, $0x1  }
.Ltmp14:
0x1a7: {  	_ = 	snop;
	(pc) =	sbr.rel @!p0 .LBB2_23-.Ltmp14, $4  }
0x1a8: {  	_ = 	snop  }
0x1a9: {  	v6 =	vand.u32 $0x3FFF, v5  }
0x1aa: {  	v5 =	vshrl.u32 v5, $0xE;
	[tilespmem:$0x2930] =	vst v6  }
0x1ab: {  	s26 =	simm.s32 $0x970;
	s25 =	sadd.s32 $0xFFFFFFFF, s0;
	[tilespmem:$0x2A30] =	vst v5  }
.LBB2_22:
0x1ac: {  	[tilespmem:s19], [sflag:$0x2] =	stream.indirect.gather [hbm4b:s5+s15], $0x80, s18, s15, $0xb8;
	[tilespmem:$0x1F288] =	vst v63  }
0x1ad: {  	p0 =	sne.s32 s25, $0x1;
	s25 =	sadd.s32 $0xFFFFFFFF, s25;
	_ =	swait.ge [sflag:s14], $0x2000  }
0x1ae: {  	[sflag:s14] =	ssyncset.done $0x0  }
0x1af: {  	[sflag:s14] =	ssyncadd.s32 $0xFFFFE000  }
0x1b0: {  	[spmem:s1] =	stream.indirect.scatter.add.f32 [tilespmem:s17], [sflag:$0x3], $0x80, s20, s15, $0xb8;
	[tilespmem:$0x1F288] =	vst v63  }
0x1b1: {  	_ =	swait.ge [sflag:s21], $0x2000  }
0x1b2: {  	[sflag:s21] =	ssyncset.done $0x0  }
0x1b3: {  	[sflag:s21] =	ssyncadd.s32 $0xFFFFE000  }
0x1b4: {  	[spmem:s1] =	stream.indirect.scatter.add.f32 [tilespmem:s19], [sflag:$0x4], $0x80, s22, s15, $0xb8;
	[tilespmem:$0x1F288] =	vst v63  }
0x1b5: {  	_ =	swait.ge [sflag:s23], $0x2000  }
0x1b6: {  	[sflag:s23] =	ssyncset.done $0x0  }
0x1b7: {  	[sflag:s23] =	ssyncadd.s32 $0xFFFFE000  }
0x1b8: {  	v5 =	vld [tilespmem:s26+$0xFFFFFF90];
	_ =	sdelay $0x4  }
0x1b9: {  	v6 =	vand.u32 $0x3FFF, v5;
	v5 =	vshrl.u32 v5, $0xE  }
0x1ba: {  	[tilespmem:$0x2880] =	vst v6  }
0x1bb: {  	[tilespmem:$0x2980] =	vst v5  }
0x1bc: {  	v5 =	vld [tilespmem:s26+$0xFFFFFFA0];
	_ =	sdelay $0x4  }
0x1bd: {  	v6 =	vand.u32 $0x3FFF, v5;
	v5 =	vshrl.u32 v5, $0xE  }
0x1be: {  	[tilespmem:$0x2890] =	vst v6  }
0x1bf: {  	[tilespmem:$0x2990] =	vst v5  }
0x1c0: {  	v5 =	vld [tilespmem:s26+$0xFFFFFFB0];
	_ =	sdelay $0x4  }
0x1c1: {  	v6 =	vand.u32 $0x3FFF, v5;
	v5 =	vshrl.u32 v5, $0xE  }
0x1c2: {  	[tilespmem:$0x28A0] =	vst v6  }
0x1c3: {  	[tilespmem:$0x29A0] =	vst v5  }
0x1c4: {  	v5 =	vld [tilespmem:s26+$0xFFFFFFC0];
	_ =	sdelay $0x4  }
0x1c5: {  	v6 =	vand.u32 $0x3FFF, v5;
	v5 =	vshrl.u32 v5, $0xE  }
0x1c6: {  	[tilespmem:$0x28B0] =	vst v6  }
0x1c7: {  	[tilespmem:$0x29B0] =	vst v5  }
0x1c8: {  	[tilespmem:s17], [sflag:$0x1] =	stream.indirect.gather [hbm4b:s5+s15], $0x80, s16, s15, $0xb8;
	[tilespmem:$0x1F288] =	vst v63  }
0x1c9: {  	_ =	swait.ge [sflag:s24], $0x2000  }
0x1ca: {  	[sflag:s24] =	ssyncset.done $0x0  }
0x1cb: {  	[sflag:s24] =	ssyncadd.s32 $0xFFFFE000  }
0x1cc: {  	v5 =	vld [tilespmem:s26+$0xFFFFFFD0];
	_ =	sdelay $0x4  }
0x1cd: {  	v6 =	vand.u32 $0x3FFF, v5;
	v5 =	vshrl.u32 v5, $0xE  }
0x1ce: {  	[tilespmem:$0x2900] =	vst v6  }
0x1cf: {  	[tilespmem:$0x2A00] =	vst v5  }
0x1d0: {  	v5 =	vld [tilespmem:s26+$0xFFFFFFE0];
	_ =	sdelay $0x4  }
0x1d1: {  	v6 =	vand.u32 $0x3FFF, v5;
	v5 =	vshrl.u32 v5, $0xE  }
0x1d2: {  	[tilespmem:$0x2910] =	vst v6  }
0x1d3: {  	[tilespmem:$0x2A10] =	vst v5  }
0x1d4: {  	v5 =	vld [tilespmem:s26+$0xFFFFFFF0];
	_ =	sdelay $0x4  }
0x1d5: {  	v6 =	vand.u32 $0x3FFF, v5;
	v5 =	vshrl.u32 v5, $0xE  }
0x1d6: {  	[tilespmem:$0x2920] =	vst v6  }
0x1d7: {  	[tilespmem:$0x2A20] =	vst v5  }
0x1d8: {  	v5 =	vld [tilespmem:s26+$0x0];
	_ =	sdelay $0x2  }
.Ltmp15:
0x1d9: {  	(pc) =	sbr.rel @p0 .LBB2_22-.Ltmp15, $4  }
0x1da: {  	_ = 	snop  }
0x1db: {  	v6 =	vand.u32 $0x3FFF, v5;
	v5 =	vshrl.u32 v5, $0xE  }
0x1dc: {  	[tilespmem:$0x2930] =	vst v6  }
0x1dd: {  	s26 =	sadd.s32 $0x80, s26;
	[tilespmem:$0x2A30] =	vst v5  }
.Ltmp16:
0x1de: {  	_ = 	snop;
	(pc) =	sbr.rel .LBB2_23-.Ltmp16, $1  }
0x1df: {  	_ =	sdelay $0x3  }
.LBB2_26:
0x1e0: {  	_ =	sfence.sel $0x180000  }
0x1e1: {  	[bflag:$0x0] =	sbarrier.arrive $0xFFFF  }
0x1e2: {  	_ =	strace $0x9000004A  }
0x1e3: {  	[bflag:$0x2] =	sbarrier.arrive $0xFFFF  }
0x1e4: {  	p0 =	sne.s32 s3, $0x0;
	s0 =	rddreg [dreg:$0x2]  }
0x1e5: {  	s0 =	sadd.s32 @!p0 $0x100000, s0  }
0x1e6: {  	[sflag:s0] =	ssyncadd.tile.s32 @!p0 $0x1;
	_ =	shalt  }
.Lfunc_end2:
_tile_overlayer_lowered:
.L_overlay_start_2:
0x1e7: {  	(tag) =	ssettag $0x2  }
0x1e8: {  	s0 =	rddreg [dreg:$0x0];
	s2 =	stileid.u32  }
0x1e9: {  	s1 =	rddreg [dreg:$0x1];
	p0 =	sne.s32 s2, $0x0  }
0x1ea: {  	s3 =	rddreg [dreg:$0x2];
	[bflag:$0x3] =	sbarrier.arrive $0xFFFF;
	s2 =	simm.s32 @!p0 $0x1C05  }
0x1eb: {  	[timem:s3], [sflag:s2] =	dma.local @!p0 [hbm:s0], s1  }
0x1ec: {  	s0 =	simm.s32 @!p0 $0x5  }
0x1ed: {  	_ =	swait.ge @!p0 [sflag:s0], s1  }
0x1ee: {  	s1 =	ssub.s32 @!p0 $0x0, s1;
	[sflag:s0] =	ssyncset.done @!p0 $0x0  }
0x1ef: {  	[sflag:s0] =	ssyncadd.s32 @!p0 s1  }
0x1f0: {  	[bflag:$0x3] =	sbarrier.arrive $0xFFFF  }
0x1f1: {  	_ =	shalt  }

</sc_bundles>
